<compile_context>
chip_gen: v7x
topology: tpu7x:2x2x1
jax: 0.10.2.dev20260603
libtpu: 0.0.44.dev20260713+nightly
codegen_flags: <defaults>
</compile_context>

<pallas_src>
import functools

import jax
import jax.numpy as jnp
from jax import lax
from jax.experimental import pallas as pl
from jax.experimental.pallas import tpu as pltpu
from jax.experimental.pallas import tpu_sc as plsc

_N_NODES = 10000
_D = 128
_N_EDGES = 320000
_BN_EPS = 1e-5

_NC = 2
_NS = 16
_NW = _NC * _NS
_EPW = _N_EDGES // _NW
_K = 80
_NCHUNK = _EPW // _K
_NPAD = 10240
_RPT = _NPAD // _NS


@functools.partial(
    pl.kernel,
    out_type=jax.ShapeDtypeStruct((_NC, _NPAD, _D), jnp.float32),
    mesh=plsc.VectorSubcoreMesh(core_axis_name="c", subcore_axis_name="s"),
    scratch_types=[
        pltpu.VMEM((_K, _D), jnp.float32),
        pltpu.VMEM((_K, _D), jnp.float32),
        pltpu.VMEM((_K, _D), jnp.float32),
        pltpu.VMEM((_K, _D), jnp.float32),
        pltpu.VMEM((8, _K), jnp.int32),
        pltpu.VMEM((8, _K), jnp.int32),
        pltpu.VMEM_SHARED((_NPAD, _D), jnp.float32),
        pltpu.SemaphoreType.DMA,
        pltpu.SemaphoreType.DMA,
        pltpu.SemaphoreType.DMA,
        pltpu.SemaphoreType.DMA,
        pltpu.SemaphoreType.DMA,
        pltpu.SemaphoreType.DMA,
        pltpu.SemaphoreType.DMA,
        pltpu.SemaphoreType.DMA,
    ],
)
def _sc_segment_sum(x_hbm, src_hbm, dst_hbm, out_hbm,
                    rows0, rows1, rows2, rows3, sidx, didx, agg_sh,
                    sem0, sem1, sem2, sem3, sems0, sems1, semi0, semi1):
    cid = lax.axis_index("c")
    sid = lax.axis_index("s")
    wid = cid * _NS + sid

    rows = (rows0, rows1, rows2, rows3)
    gsem = (sem0, sem1, sem2, sem3)
    ssem = (sems0, sems1)
    isem = (semi0, semi1)

    def _load_idx(c, s, sem=None):
        sslc = src_hbm.at[wid].at[pl.ds(c, 1)]
        dslc = dst_hbm.at[wid].at[pl.ds(c, 1)]
        if sem is None:
            pltpu.sync_copy(sslc, sidx.at[pl.ds(s, 1)])
            pltpu.sync_copy(dslc, didx.at[pl.ds(s, 1)])
        else:
            pltpu.async_copy(sslc, sidx.at[pl.ds(s, 1)], sem)
            pltpu.async_copy(dslc, didx.at[pl.ds(s, 1)], sem)

    def _wait_idx(c, s, sem):
        pltpu.make_async_copy(src_hbm.at[wid].at[pl.ds(c, 1)],
                              sidx.at[pl.ds(s, 1)], sem).wait()
        pltpu.make_async_copy(dst_hbm.at[wid].at[pl.ds(c, 1)],
                              didx.at[pl.ds(s, 1)], sem).wait()

    zeros16 = jnp.zeros((16,), jnp.float32)

    @pl.loop(0, _K)
    def _(i):
        @pl.loop(0, _D // 16)
        def _(j):
            rows0.at[i, pl.ds(j * 16, 16)][...] = zeros16

    @pl.loop(0, _RPT // _K)
    def _(r):
        pltpu.sync_copy(rows0, agg_sh.at[pl.ds(sid * _RPT + r * _K, _K)])

    plsc.subcore_barrier()

    _load_idx(0, 0)
    _load_idx(1, 1)
    _load_idx(2, 2)
    pltpu.async_copy(x_hbm.at[sidx.at[0]], rows[0], gsem[0])
    pltpu.async_copy(x_hbm.at[sidx.at[1]], rows[1], gsem[1])
    pltpu.async_copy(x_hbm.at[sidx.at[2]], rows[2], gsem[2])
    _load_idx(3, 3, isem[1])

    def _step(i, j, first=False, g3=True, i4=True):
        k = j % 4
        p = j % 2
        q = 1 - p
        pltpu.make_async_copy(x_hbm.at[sidx.at[j]], rows[k], gsem[k]).wait()
        if not first:
            pltpu.make_async_copy(
                rows[(k + 3) % 4], agg_sh.at[didx.at[(j + 7) % 8]],
                ssem[q]).wait()
        pltpu.async_copy(rows[k], agg_sh.at[didx.at[j]], ssem[p], add=True)
        if g3:
            j3 = (j + 3) % 8
            _wait_idx(i + 3, j3, isem[j3 % 2])
            pltpu.async_copy(x_hbm.at[sidx.at[j3]], rows[(k + 3) % 4],
                             gsem[(k + 3) % 4])
        if i4:
            j4 = (j + 4) % 8
            _load_idx(i + 4, j4, isem[j4 % 2])

    _step(0, 0, first=True)
    for _j in range(1, 8):
        _step(_j, _j)

    @pl.loop(1, (_NCHUNK - 5) // 8)
    def _(g):
        for _j in range(8):
            _step(8 * g + _j, _j)

    _step(_NCHUNK - 5, 0)
    _step(_NCHUNK - 4, 1, i4=False)
    _step(_NCHUNK - 3, 2, g3=False, i4=False)
    _step(_NCHUNK - 2, 3, g3=False, i4=False)
    _step(_NCHUNK - 1, 4, g3=False, i4=False)

    pltpu.make_async_copy(rows[0], agg_sh.at[didx.at[4]], ssem[0]).wait()

    plsc.subcore_barrier()
    pltpu.sync_copy(agg_sh.at[pl.ds(sid * _RPT, _RPT)],
                    out_hbm.at[cid].at[pl.ds(sid * _RPT, _RPT)])


def _mlp_body(x_ref, agg_ref, w1_ref, g1_ref, b1_ref, w2_ref, g2_ref, b2_ref,
              eps_ref, o_ref):
    dn = (((1,), (1,)), ((), ()))
    ones = jnp.ones((1, _N_NODES), jnp.float32)

    def _bn_relu(h, g_ref, b_ref):
        dnc = (((1,), (0,)), ((), ()))
        s = lax.dot_general(ones, h, dnc, preferred_element_type=jnp.float32)
        q = lax.dot_general(ones, h * h, dnc,
                            preferred_element_type=jnp.float32)
        mu = s * (1.0 / _N_NODES)
        var = q * (1.0 / _N_NODES) - mu * mu
        scale = g_ref[...] * lax.rsqrt(var + _BN_EPS)
        return jnp.maximum(scale * (h - mu) + b_ref[...], 0.0)

    h = ((1.0 + eps_ref[0, 0]) * x_ref[...]
         + agg_ref[0, :_N_NODES, :] + agg_ref[1, :_N_NODES, :])
    h = lax.dot_general(h, w1_ref[...], dn,
                        preferred_element_type=jnp.float32)
    h = _bn_relu(h, g1_ref, b1_ref)
    h = lax.dot_general(h, w2_ref[...], dn,
                        preferred_element_type=jnp.float32)
    o_ref[...] = _bn_relu(h, g2_ref, b2_ref)


@jax.jit
def kernel(x, edge_index, batch, W1, gamma1, beta1, W2, gamma2, beta2, eps):
    del batch
    ei = edge_index.astype(jnp.int32)
    src = ei[0].reshape(_NW, _NCHUNK, _K)
    dst = ei[1].reshape(_NW, _NCHUNK, _K)
    agg = _sc_segment_sum(x, src, dst)
    return pl.pallas_call(
        _mlp_body,
        out_shape=jax.ShapeDtypeStruct((_N_NODES, _D), jnp.float32),
    )(x, agg, W1, gamma1.reshape(1, _D), beta1.reshape(1, _D),
      W2, gamma2.reshape(1, _D), beta2.reshape(1, _D),
      eps.reshape(1, 1).astype(jnp.float32))

# --- scband reference (transcript-rebuilt; emitter-appended) ---
"""Pipeline reference for scband-gin-layer-75531294867868 (READ-ONLY COPY).

The authoritative reference and input builder live on the scoring server;
editing this copy changes nothing except your own understanding.
"""

import jax, jax.numpy as jnp
import numpy as np

N_NODES = 10000
D_IN = 128
D_HID = 128
N_EDGES = 320000
BN_EPS = 1e-5


def _batchnorm(h, gamma, beta):
    mu = jnp.mean(h, axis=0)
    var = jnp.mean((h - mu) ** 2, axis=0)
    return gamma * (h - mu) / jnp.sqrt(var + BN_EPS) + beta


def setup_inputs(seed: int = 0) -> dict:
    key = jax.random.key(seed)
    k = jax.random.split(key, 8)
    x = jax.random.normal(k[0], (N_NODES, D_IN), dtype=jnp.float32)
    edge_index = jax.random.randint(k[1], (2, N_EDGES), 0, N_NODES, dtype=jnp.int64)
    batch = jnp.sort(jax.random.randint(k[2], (N_NODES,), 0, 64, dtype=jnp.int64))
    # GINConv MLP params: Linear(128->128, no bias), BN, ReLU, Linear(128->128, no bias), BN
    s1 = 1.0 / np.sqrt(D_IN)
    s2 = 1.0 / np.sqrt(D_HID)
    W1 = jax.random.uniform(k[3], (D_HID, D_IN), dtype=jnp.float32, minval=-s1, maxval=s1)
    gamma1 = jnp.ones((D_HID,), dtype=jnp.float32)
    beta1 = jnp.zeros((D_HID,), dtype=jnp.float32)
    W2 = jax.random.uniform(k[4], (D_HID, D_HID), dtype=jnp.float32, minval=-s2, maxval=s2)
    gamma2 = jnp.ones((D_HID,), dtype=jnp.float32)
    beta2 = jnp.zeros((D_HID,), dtype=jnp.float32)
    eps = jnp.zeros((), dtype=jnp.float32)  # GIN train_eps=True, init 0
    return {"x": x, "edge_index": edge_index, "batch": batch,
            "W1": W1, "gamma1": gamma1, "beta1": beta1,
            "W2": W2, "gamma2": gamma2, "beta2": beta2, "eps": eps}


def reference(x, edge_index, batch, W1, gamma1, beta1, W2, gamma2, beta2, eps):
    # GINConv: out = MLP((1 + eps) * x_i + sum_{j in N(i)} x_j)
    src = edge_index[0]
    dst = edge_index[1]
    msgs = jnp.take(x, src, axis=0)                       # gather [E, d]
    agg = jax.ops.segment_sum(msgs, dst, num_segments=N_NODES)  # scatter-add
    h = (1.0 + eps) * x + agg
    # MLP: Linear -> BN -> ReLU -> Linear -> BN (training-mode batch stats)
    h = h @ W1.T
    h = _batchnorm(h, gamma1, beta1)
    h = jax.nn.relu(h)
    h = h @ W2.T
    h = _batchnorm(h, gamma2, beta2)
    # outer gnn_non_linear
    h = jax.nn.relu(h)
    return h

if __name__ == "__main__":
    import jax
    _d = setup_inputs()
    print(jax.jit(kernel)(*tuple(_d.values())))

</pallas_src>

<mosaic_0001>
#map = affine_map<(d0, d1) -> (0, 0)>
#map1 = affine_map<(d0, d1) -> (0, 0, 0)>
module attributes {stable_mosaic.version = 14 : i64} {
  func.func @_sc_segment_sum(%arg0: i32, %arg1: i32, %arg2: memref<10000x128xf32, #tpu.memory_space<hbm>>, %arg3: memref<32x125x80xi32, #tpu.memory_space<hbm>>, %arg4: memref<32x125x80xi32, #tpu.memory_space<hbm>>, %arg5: memref<2x10240x128xf32, #tpu.memory_space<hbm>>, %arg6: memref<80x128xf32, #tpu.memory_space<vmem>>, %arg7: memref<80x128xf32, #tpu.memory_space<vmem>>, %arg8: memref<80x128xf32, #tpu.memory_space<vmem>>, %arg9: memref<80x128xf32, #tpu.memory_space<vmem>>, %arg10: memref<8x80xi32, #tpu.memory_space<vmem>>, %arg11: memref<8x80xi32, #tpu.memory_space<vmem>>, %arg12: memref<10240x128xf32, #tpu.memory_space<vmem_shared>>, %arg13: memref<!tpu.dma_semaphore, #tpu.memory_space<semaphore_mem>>, %arg14: memref<!tpu.dma_semaphore, #tpu.memory_space<semaphore_mem>>, %arg15: memref<!tpu.dma_semaphore, #tpu.memory_space<semaphore_mem>>, %arg16: memref<!tpu.dma_semaphore, #tpu.memory_space<semaphore_mem>>, %arg17: memref<!tpu.dma_semaphore, #tpu.memory_space<semaphore_mem>>, %arg18: memref<!tpu.dma_semaphore, #tpu.memory_space<semaphore_mem>>, %arg19: memref<!tpu.dma_semaphore, #tpu.memory_space<semaphore_mem>>, %arg20: memref<!tpu.dma_semaphore, #tpu.memory_space<semaphore_mem>>) attributes {dimension_semantics = [#tpu.dimension_semantics<core_parallel>, #tpu.dimension_semantics<subcore_parallel>], iteration_bounds = array<i64: 2, 16>, scalar_prefetch = 0 : i64, scratch_operands = 15 : i64, tpu.core_type = #tpu.core_type<sc_vector_subcore>, window_params = [{transform_indices = #map}, {transform_indices = #map1}, {transform_indices = #map1}, {transform_indices = #map1}]} {
    %mul3A = arith.constant 16 : i32
    %mul3A_0 = arith.muli %arg0, %mul3A : i32
    %add3A = arith.addi %mul3A_0, %arg1 : i32
    %broadcast_in_dim3A = arith.constant 0.000000e+00 : f32
    %broadcast_in_dim3A_1 = vector.broadcast %broadcast_in_dim3A : f32 to vector<16xf32>
    %scan3A = arith.constant 0 : i32
    %scan3A_2 = arith.constant 80 : i32
    %scan3A_3 = arith.addi %scan3A, %scan3A_2 : i32
    %scan3A_4 = arith.constant 1 : i32
    scf.for %scan3A_1183 = %scan3A to %scan3A_3 step %scan3A_4  : i32 {
      %mul3A_1184 = arith.constant 1 : i32
      %mul3A_1185 = arith.muli %scan3A_1183, %mul3A_1184 : i32
      %add3A_1186 = arith.constant 0 : i32
      %add3A_1187 = arith.addi %add3A_1186, %mul3A_1185 : i32
      %scan3A_1188 = arith.constant 0 : i32
      %scan3A_1189 = arith.constant 8 : i32
      %scan3A_1190 = arith.addi %scan3A_1188, %scan3A_1189 : i32
      %scan3A_1191 = arith.constant 1 : i32
      scf.for %scan3A_1193 = %scan3A_1188 to %scan3A_1190 step %scan3A_1191  : i32 {
        %mul3A_1194 = arith.constant 1 : i32
        %mul3A_1195 = arith.muli %scan3A_1193, %mul3A_1194 : i32
        %add3A_1196 = arith.constant 0 : i32
        %add3A_1197 = arith.addi %add3A_1196, %mul3A_1195 : i32
        %mul3A_1198 = arith.constant 16 : i32
        %mul3A_1199 = arith.muli %add3A_1197, %mul3A_1198 : i32
        %swap3A = arith.index_cast %add3A_1187 : i32 to index
        %swap3A_1200 = arith.index_cast %mul3A_1199 : i32 to index
        %swap3A_1201 = tpu.vector_load %arg6[%swap3A, %swap3A_1200] {strides = array<i32>} : memref<80x128xf32, #tpu.memory_space<vmem>>, vector<1x16xf32>,
        %swap3A_1202 = vector.shape_cast %swap3A_1201 : vector<1x16xf32> to vector<16xf32>
        %swap3A_1203 = vector.shape_cast %broadcast_in_dim3A_1 : vector<16xf32> to vector<1x16xf32>
        tpu.vector_store %arg6[%swap3A, %swap3A_1200], %swap3A_1203 {strides = array<i32>} : memref<80x128xf32, #tpu.memory_space<vmem>>, vector<1x16xf32>,
      }
      %scan3A_1192 = arith.constant 8 : i32
    }
    %scan3A_5 = arith.constant 80 : i32
    %scan3A_6 = arith.constant 0 : i32
    %scan3A_7 = arith.constant 8 : i32
    %scan3A_8 = arith.addi %scan3A_6, %scan3A_7 : i32
    %scan3A_9 = arith.constant 1 : i32
    scf.for %scan3A_1183 = %scan3A_6 to %scan3A_8 step %scan3A_9  : i32 {
      %mul3A_1184 = arith.constant 1 : i32
      %mul3A_1185 = arith.muli %scan3A_1183, %mul3A_1184 : i32
      %add3A_1186 = arith.constant 0 : i32
      %add3A_1187 = arith.addi %add3A_1186, %mul3A_1185 : i32
      %mul3A_1188 = arith.constant 640 : i32
      %mul3A_1189 = arith.muli %arg1, %mul3A_1188 : i32
      %mul3A_1190 = arith.constant 80 : i32
      %mul3A_1191 = arith.muli %add3A_1187, %mul3A_1190 : i32
      %add3A_1192 = arith.addi %mul3A_1189, %mul3A_1191 : i32
      "tpu.region"() ({
        %run_scoped3A = tpu.sem_alloc : memref<!tpu.dma_semaphore, #tpu.memory_space<semaphore_mem>>
        %dma_start3A_1193 = arith.constant 0 : i32
        %dma_start3A_1194 = tpu.memref_slice %arg12[%add3A_1192, %dma_start3A_1193] : memref<10240x128xf32, #tpu.memory_space<vmem_shared>> -> memref<80x128xf32, #tpu.memory_space<vmem_shared>>
        %dma_start3A_1195 = arith.constant 0 : i32
        %dma_start3A_1196 = tpu.memref_slice %arg12[%add3A_1192, %dma_start3A_1195] : memref<10240x128xf32, #tpu.memory_space<vmem_shared>> -> memref<80x128xf32, #tpu.memory_space<vmem_shared>>
        tpu.enqueue_dma source(%arg6 : memref<80x128xf32, #tpu.memory_space<vmem>>) target(%dma_start3A_1196 : memref<80x128xf32, #tpu.memory_space<vmem_shared>>) target_semaphore(%run_scoped3A : memref<!tpu.dma_semaphore, #tpu.memory_space<semaphore_mem>>)
        %dma_wait3A_1197 = arith.constant 0 : i32
        %dma_wait3A_1198 = tpu.memref_slice %arg12[%add3A_1192, %dma_wait3A_1197] : memref<10240x128xf32, #tpu.memory_space<vmem_shared>> -> memref<80x128xf32, #tpu.memory_space<vmem_shared>>
        %dma_wait3A_1199 = arith.constant 0 : i32
        %dma_wait3A_1200 = tpu.memref_slice %arg12[%add3A_1192, %dma_wait3A_1199] : memref<10240x128xf32, #tpu.memory_space<vmem_shared>> -> memref<80x128xf32, #tpu.memory_space<vmem_shared>>
        tpu.wait_dma2 semaphore(%run_scoped3A : memref<!tpu.dma_semaphore, #tpu.memory_space<semaphore_mem>>) src(%arg6 : memref<80x128xf32, #tpu.memory_space<vmem>>) dst(%dma_wait3A_1200 : memref<80x128xf32, #tpu.memory_space<vmem_shared>>)
        tpu.yield
      }) : () -> ()
    }
    %scan3A_10 = arith.constant 8 : i32
    %barrier3A = arith.constant 0 : index
    tpu.barrier barrier_id(%barrier3A)
    "tpu.region"() ({
      %run_scoped3A = tpu.sem_alloc : memref<!tpu.dma_semaphore, #tpu.memory_space<semaphore_mem>>
      %dma_start3A_1183 = arith.constant 0 : i32
      %dma_start3A_1184 = arith.constant 0 : i32
      %dma_start3A_1185 = tpu.memref_slice %arg10[%dma_start3A_1183, %dma_start3A_1184] : memref<8x80xi32, #tpu.memory_space<vmem>> -> memref<1x80xi32, #tpu.memory_space<vmem>>
      %dma_start3A_1186 = arith.constant 0 : i32
      %dma_start3A_1187 = arith.constant 0 : i32
      %dma_start3A_1188 = tpu.memref_slice %arg3[%add3A, %dma_start3A_1186, %dma_start3A_1187] : memref<32x125x80xi32, #tpu.memory_space<hbm>> -> memref<1x125x80xi32, #tpu.memory_space<hbm>>
      %dma_start3A_1189 = tpu.memref_squeeze %dma_start3A_1188 : memref<1x125x80xi32, #tpu.memory_space<hbm>> -> memref<125x80xi32, #tpu.memory_space<hbm>>
      %dma_start3A_1190 = arith.constant 0 : i32
      %dma_start3A_1191 = arith.constant 0 : i32
      %dma_start3A_1192 = tpu.memref_slice %dma_start3A_1189[%dma_start3A_1190, %dma_start3A_1191] : memref<125x80xi32, #tpu.memory_space<hbm>> -> memref<1x80xi32, #tpu.memory_space<hbm>>
      %dma_start3A_1193 = arith.constant 0 : i32
      %dma_start3A_1194 = arith.constant 0 : i32
      %dma_start3A_1195 = tpu.memref_slice %arg10[%dma_start3A_1193, %dma_start3A_1194] : memref<8x80xi32, #tpu.memory_space<vmem>> -> memref<1x80xi32, #tpu.memory_space<vmem>>
      %dma_start3A_1196 = arith.constant 0 : i32
      %dma_start3A_1197 = arith.constant 0 : i32
      %dma_start3A_1198 = tpu.memref_slice %arg3[%add3A, %dma_start3A_1196, %dma_start3A_1197] : memref<32x125x80xi32, #tpu.memory_space<hbm>> -> memref<1x125x80xi32, #tpu.memory_space<hbm>>
      %dma_start3A_1199 = tpu.memref_squeeze %dma_start3A_1198 : memref<1x125x80xi32, #tpu.memory_space<hbm>> -> memref<125x80xi32, #tpu.memory_space<hbm>>
      %dma_start3A_1200 = arith.constant 0 : i32
      %dma_start3A_1201 = arith.constant 0 : i32
      %dma_start3A_1202 = tpu.memref_slice %dma_start3A_1199[%dma_start3A_1200, %dma_start3A_1201] : memref<125x80xi32, #tpu.memory_space<hbm>> -> memref<1x80xi32, #tpu.memory_space<hbm>>
      tpu.enqueue_dma source(%dma_start3A_1202 : memref<1x80xi32, #tpu.memory_space<hbm>>) target(%dma_start3A_1195 : memref<1x80xi32, #tpu.memory_space<vmem>>) target_semaphore(%run_scoped3A : memref<!tpu.dma_semaphore, #tpu.memory_space<semaphore_mem>>)
      %dma_wait3A_1203 = arith.constant 0 : i32
      %dma_wait3A_1204 = arith.constant 0 : i32
      %dma_wait3A_1205 = tpu.memref_slice %arg10[%dma_wait3A_1203, %dma_wait3A_1204] : memref<8x80xi32, #tpu.memory_space<vmem>> -> memref<1x80xi32, #tpu.memory_space<vmem>>
      %dma_wait3A_1206 = arith.constant 0 : i32
      %dma_wait3A_1207 = arith.constant 0 : i32
      %dma_wait3A_1208 = tpu.memref_slice %arg3[%add3A, %dma_wait3A_1206, %dma_wait3A_1207] : memref<32x125x80xi32, #tpu.memory_space<hbm>> -> memref<1x125x80xi32, #tpu.memory_space<hbm>>
      %dma_wait3A_1209 = tpu.memref_squeeze %dma_wait3A_1208 : memref<1x125x80xi32, #tpu.memory_space<hbm>> -> memref<125x80xi32, #tpu.memory_space<hbm>>
      %dma_wait3A_1210 = arith.constant 0 : i32
      %dma_wait3A_1211 = arith.constant 0 : i32
      %dma_wait3A_1212 = tpu.memref_slice %dma_wait3A_1209[%dma_wait3A_1210, %dma_wait3A_1211] : memref<125x80xi32, #tpu.memory_space<hbm>> -> memref<1x80xi32, #tpu.memory_space<hbm>>
      %dma_wait3A_1213 = arith.constant 0 : i32
      %dma_wait3A_1214 = arith.constant 0 : i32
      %dma_wait3A_1215 = tpu.memref_slice %arg10[%dma_wait3A_1213, %dma_wait3A_1214] : memref<8x80xi32, #tpu.memory_space<vmem>> -> memref<1x80xi32, #tpu.memory_space<vmem>>
      %dma_wait3A_1216 = arith.constant 0 : i32
      %dma_wait3A_1217 = arith.constant 0 : i32
      %dma_wait3A_1218 = tpu.memref_slice %arg3[%add3A, %dma_wait3A_1216, %dma_wait3A_1217] : memref<32x125x80xi32, #tpu.memory_space<hbm>> -> memref<1x125x80xi32, #tpu.memory_space<hbm>>
      %dma_wait3A_1219 = tpu.memref_squeeze %dma_wait3A_1218 : memref<1x125x80xi32, #tpu.memory_space<hbm>> -> memref<125x80xi32, #tpu.memory_space<hbm>>
      %dma_wait3A_1220 = arith.constant 0 : i32
      %dma_wait3A_1221 = arith.constant 0 : i32
      %dma_wait3A_1222 = tpu.memref_slice %dma_wait3A_1219[%dma_wait3A_1220, %dma_wait3A_1221] : memref<125x80xi32, #tpu.memory_space<hbm>> -> memref<1x80xi32, #tpu.memory_space<hbm>>
      tpu.wait_dma2 semaphore(%run_scoped3A : memref<!tpu.dma_semaphore, #tpu.memory_space<semaphore_mem>>) src(%dma_wait3A_1222 : memref<1x80xi32, #tpu.memory_space<hbm>>) dst(%dma_wait3A_1215 : memref<1x80xi32, #tpu.memory_space<vmem>>)
      tpu.yield
    }) : () -> ()
    "tpu.region"() ({
      %run_scoped3A = tpu.sem_alloc : memref<!tpu.dma_semaphore, #tpu.memory_space<semaphore_mem>>
      %dma_start3A_1183 = arith.constant 0 : i32
      %dma_start3A_1184 = arith.constant 0 : i32
      %dma_start3A_1185 = tpu.memref_slice %arg11[%dma_start3A_1183, %dma_start3A_1184] : memref<8x80xi32, #tpu.memory_space<vmem>> -> memref<1x80xi32, #tpu.memory_space<vmem>>
      %dma_start3A_1186 = arith.constant 0 : i32
      %dma_start3A_1187 = arith.constant 0 : i32
      %dma_start3A_1188 = tpu.memref_slice %arg4[%add3A, %dma_start3A_1186, %dma_start3A_1187] : memref<32x125x80xi32, #tpu.memory_space<hbm>> -> memref<1x125x80xi32, #tpu.memory_space<hbm>>
      %dma_start3A_1189 = tpu.memref_squeeze %dma_start3A_1188 : memref<1x125x80xi32, #tpu.memory_space<hbm>> -> memref<125x80xi32, #tpu.memory_space<hbm>>
      %dma_start3A_1190 = arith.constant 0 : i32
      %dma_start3A_1191 = arith.constant 0 : i32
      %dma_start3A_1192 = tpu.memref_slice %dma_start3A_1189[%dma_start3A_1190, %dma_start3A_1191] : memref<125x80xi32, #tpu.memory_space<hbm>> -> memref<1x80xi32, #tpu.memory_space<hbm>>
      %dma_start3A_1193 = arith.constant 0 : i32
      %dma_start3A_1194 = arith.constant 0 : i32
      %dma_start3A_1195 = tpu.memref_slice %arg11[%dma_start3A_1193, %dma_start3A_1194] : memref<8x80xi32, #tpu.memory_space<vmem>> -> memref<1x80xi32, #tpu.memory_space<vmem>>
      %dma_start3A_1196 = arith.constant 0 : i32
      %dma_start3A_1197 = arith.constant 0 : i32
      %dma_start3A_1198 = tpu.memref_slice %arg4[%add3A, %dma_start3A_1196, %dma_start3A_1197] : memref<32x125x80xi32, #tpu.memory_space<hbm>> -> memref<1x125x80xi32, #tpu.memory_space<hbm>>
      %dma_start3A_1199 = tpu.memref_squeeze %dma_start3A_1198 : memref<1x125x80xi32, #tpu.memory_space<hbm>> -> memref<125x80xi32, #tpu.memory_space<hbm>>
      %dma_start3A_1200 = arith.constant 0 : i32
      %dma_start3A_1201 = arith.constant 0 : i32
      %dma_start3A_1202 = tpu.memref_slice %dma_start3A_1199[%dma_start3A_1200, %dma_start3A_1201] : memref<125x80xi32, #tpu.memory_space<hbm>> -> memref<1x80xi32, #tpu.memory_space<hbm>>
      tpu.enqueue_dma source(%dma_start3A_1202 : memref<1x80xi32, #tpu.memory_space<hbm>>) target(%dma_start3A_1195 : memref<1x80xi32, #tpu.memory_space<vmem>>) target_semaphore(%run_scoped3A : memref<!tpu.dma_semaphore, #tpu.memory_space<semaphore_mem>>)
      %dma_wait3A_1203 = arith.constant 0 : i32
      %dma_wait3A_1204 = arith.constant 0 : i32
      %dma_wait3A_1205 = tpu.memref_slice %arg11[%dma_wait3A_1203, %dma_wait3A_1204] : memref<8x80xi32, #tpu.memory_space<vmem>> -> memref<1x80xi32, #tpu.memory_space<vmem>>
      %dma_wait3A_1206 = arith.constant 0 : i32
      %dma_wait3A_1207 = arith.constant 0 : i32
      %dma_wait3A_1208 = tpu.memref_slice %arg4[%add3A, %dma_wait3A_1206, %dma_wait3A_1207] : memref<32x125x80xi32, #tpu.memory_space<hbm>> -> memref<1x125x80xi32, #tpu.memory_space<hbm>>
      %dma_wait3A_1209 = tpu.memref_squeeze %dma_wait3A_1208 : memref<1x125x80xi32, #tpu.memory_space<hbm>> -> memref<125x80xi32, #tpu.memory_space<hbm>>
      %dma_wait3A_1210 = arith.constant 0 : i32
      %dma_wait3A_1211 = arith.constant 0 : i32
      %dma_wait3A_1212 = tpu.memref_slice %dma_wait3A_1209[%dma_wait3A_1210, %dma_wait3A_1211] : memref<125x80xi32, #tpu.memory_space<hbm>> -> memref<1x80xi32, #tpu.memory_space<hbm>>
      %dma_wait3A_1213 = arith.constant 0 : i32
      %dma_wait3A_1214 = arith.constant 0 : i32
      %dma_wait3A_1215 = tpu.memref_slice %arg11[%dma_wait3A_1213, %dma_wait3A_1214] : memref<8x80xi32, #tpu.memory_space<vmem>> -> memref<1x80xi32, #tpu.memory_space<vmem>>
      %dma_wait3A_1216 = arith.constant 0 : i32
      %dma_wait3A_1217 = arith.constant 0 : i32
      %dma_wait3A_1218 = tpu.memref_slice %arg4[%add3A, %dma_wait3A_1216, %dma_wait3A_1217] : memref<32x125x80xi32, #tpu.memory_space<hbm>> -> memref<1x125x80xi32, #tpu.memory_space<hbm>>
      %dma_wait3A_1219 = tpu.memref_squeeze %dma_wait3A_1218 : memref<1x125x80xi32, #tpu.memory_space<hbm>> -> memref<125x80xi32, #tpu.memory_space<hbm>>
      %dma_wait3A_1220 = arith.constant 0 : i32
      %dma_wait3A_1221 = arith.constant 0 : i32
      %dma_wait3A_1222 = tpu.memref_slice %dma_wait3A_1219[%dma_wait3A_1220, %dma_wait3A_1221] : memref<125x80xi32, #tpu.memory_space<hbm>> -> memref<1x80xi32, #tpu.memory_space<hbm>>
      tpu.wait_dma2 semaphore(%run_scoped3A : memref<!tpu.dma_semaphore, #tpu.memory_space<semaphore_mem>>) src(%dma_wait3A_1222 : memref<1x80xi32, #tpu.memory_space<hbm>>) dst(%dma_wait3A_1215 : memref<1x80xi32, #tpu.memory_space<vmem>>)
      tpu.yield
    }) : () -> ()
    "tpu.region"() ({
      %run_scoped3A = tpu.sem_alloc : memref<!tpu.dma_semaphore, #tpu.memory_space<semaphore_mem>>
      %dma_start3A_1183 = arith.constant 1 : i32
      %dma_start3A_1184 = arith.constant 0 : i32
      %dma_start3A_1185 = tpu.memref_slice %arg10[%dma_start3A_1183, %dma_start3A_1184] : memref<8x80xi32, #tpu.memory_space<vmem>> -> memref<1x80xi32, #tpu.memory_space<vmem>>
      %dma_start3A_1186 = arith.constant 0 : i32
      %dma_start3A_1187 = arith.constant 0 : i32
      %dma_start3A_1188 = tpu.memref_slice %arg3[%add3A, %dma_start3A_1186, %dma_start3A_1187] : memref<32x125x80xi32, #tpu.memory_space<hbm>> -> memref<1x125x80xi32, #tpu.memory_space<hbm>>
      %dma_start3A_1189 = tpu.memref_squeeze %dma_start3A_1188 : memref<1x125x80xi32, #tpu.memory_space<hbm>> -> memref<125x80xi32, #tpu.memory_space<hbm>>
      %dma_start3A_1190 = arith.constant 1 : i32
      %dma_start3A_1191 = arith.constant 0 : i32
      %dma_start3A_1192 = tpu.memref_slice %dma_start3A_1189[%dma_start3A_1190, %dma_start3A_1191] : memref<125x80xi32, #tpu.memory_space<hbm>> -> memref<1x80xi32, #tpu.memory_space<hbm>>
      %dma_start3A_1193 = arith.constant 1 : i32
      %dma_start3A_1194 = arith.constant 0 : i32
      %dma_start3A_1195 = tpu.memref_slice %arg10[%dma_start3A_1193, %dma_start3A_1194] : memref<8x80xi32, #tpu.memory_space<vmem>> -> memref<1x80xi32, #tpu.memory_space<vmem>>
      %dma_start3A_1196 = arith.constant 0 : i32
      %dma_start3A_1197 = arith.constant 0 : i32
      %dma_start3A_1198 = tpu.memref_slice %arg3[%add3A, %dma_start3A_1196, %dma_start3A_1197] : memref<32x125x80xi32, #tpu.memory_space<hbm>> -> memref<1x125x80xi32, #tpu.memory_space<hbm>>
      %dma_start3A_1199 = tpu.memref_squeeze %dma_start3A_1198 : memref<1x125x80xi32, #tpu.memory_space<hbm>> -> memref<125x80xi32, #tpu.memory_space<hbm>>
      %dma_start3A_1200 = arith.constant 1 : i32
      %dma_start3A_1201 = arith.constant 0 : i32
      %dma_start3A_1202 = tpu.memref_slice %dma_start3A_1199[%dma_start3A_1200, %dma_start3A_1201] : memref<125x80xi32, #tpu.memory_space<hbm>> -> memref<1x80xi32, #tpu.memory_space<hbm>>
      tpu.enqueue_dma source(%dma_start3A_1202 : memref<1x80xi32, #tpu.memory_space<hbm>>) target(%dma_start3A_1195 : memref<1x80xi32, #tpu.memory_space<vmem>>) target_semaphore(%run_scoped3A : memref<!tpu.dma_semaphore, #tpu.memory_space<semaphore_mem>>)
      %dma_wait3A_1203 = arith.constant 1 : i32
      %dma_wait3A_1204 = arith.constant 0 : i32
      %dma_wait3A_1205 = tpu.memref_slice %arg10[%dma_wait3A_1203, %dma_wait3A_1204] : memref<8x80xi32, #tpu.memory_space<vmem>> -> memref<1x80xi32, #tpu.memory_space<vmem>>
      %dma_wait3A_1206 = arith.constant 0 : i32
      %dma_wait3A_1207 = arith.constant 0 : i32
      %dma_wait3A_1208 = tpu.memref_slice %arg3[%add3A, %dma_wait3A_1206, %dma_wait3A_1207] : memref<32x125x80xi32, #tpu.memory_space<hbm>> -> memref<1x125x80xi32, #tpu.memory_space<hbm>>
      %dma_wait3A_1209 = tpu.memref_squeeze %dma_wait3A_1208 : memref<1x125x80xi32, #tpu.memory_space<hbm>> -> memref<125x80xi32, #tpu.memory_space<hbm>>
      %dma_wait3A_1210 = arith.constant 1 : i32
      %dma_wait3A_1211 = arith.constant 0 : i32
      %dma_wait3A_1212 = tpu.memref_slice %dma_wait3A_1209[%dma_wait3A_1210, %dma_wait3A_1211] : memref<125x80xi32, #tpu.memory_space<hbm>> -> memref<1x80xi32, #tpu.memory_space<hbm>>
      %dma_wait3A_1213 = arith.constant 1 : i32
      %dma_wait3A_1214 = arith.constant 0 : i32
      %dma_wait3A_1215 = tpu.memref_slice %arg10[%dma_wait3A_1213, %dma_wait3A_1214] : memref<8x80xi32, #tpu.memory_space<vmem>> -> memref<1x80xi32, #tpu.memory_space<vmem>>
      %dma_wait3A_1216 = arith.constant 0 : i32
      %dma_wait3A_1217 = arith.constant 0 : i32
      %dma_wait3A_1218 = tpu.memref_slice %arg3[%add3A, %dma_wait3A_1216, %dma_wait3A_1217] : memref<32x125x80xi32, #tpu.memory_space<hbm>> -> memref<1x125x80xi32, #tpu.memory_space<hbm>>
      %dma_wait3A_1219 = tpu.memref_squeeze %dma_wait3A_1218 : memref<1x125x80xi32, #tpu.memory_space<hbm>> -> memref<125x80xi32, #tpu.memory_space<hbm>>
      %dma_wait3A_1220 = arith.constant 1 : i32
      %dma_wait3A_1221 = arith.constant 0 : i32
      %dma_wait3A_1222 = tpu.memref_slice %dma_wait3A_1219[%dma_wait3A_1220, %dma_wait3A_1221] : memref<125x80xi32, #tpu.memory_space<hbm>> -> memref<1x80xi32, #tpu.memory_space<hbm>>
      tpu.wait_dma2 semaphore(%run_scoped3A : memref<!tpu.dma_semaphore, #tpu.memory_space<semaphore_mem>>) src(%dma_wait3A_1222 : memref<1x80xi32, #tpu.memory_space<hbm>>) dst(%dma_wait3A_1215 : memref<1x80xi32, #tpu.memory_space<vmem>>)
      tpu.yield
    }) : () -> ()
    "tpu.region"() ({
      %run_scoped3A = tpu.sem_alloc : memref<!tpu.dma_semaphore, #tpu.memory_space<semaphore_mem>>
      %dma_start3A_1183 = arith.constant 1 : i32
      %dma_start3A_1184 = arith.constant 0 : i32
      %dma_start3A_1185 = tpu.memref_slice %arg11[%dma_start3A_1183, %dma_start3A_1184] : memref<8x80xi32, #tpu.memory_space<vmem>> -> memref<1x80xi32, #tpu.memory_space<vmem>>
      %dma_start3A_1186 = arith.constant 0 : i32
      %dma_start3A_1187 = arith.constant 0 : i32
      %dma_start3A_1188 = tpu.memref_slice %arg4[%add3A, %dma_start3A_1186, %dma_start3A_1187] : memref<32x125x80xi32, #tpu.memory_space<hbm>> -> memref<1x125x80xi32, #tpu.memory_space<hbm>>
      %dma_start3A_1189 = tpu.memref_squeeze %dma_start3A_1188 : memref<1x125x80xi32, #tpu.memory_space<hbm>> -> memref<125x80xi32, #tpu.memory_space<hbm>>
      %dma_start3A_1190 = arith.constant 1 : i32
      %dma_start3A_1191 = arith.constant 0 : i32
      %dma_start3A_1192 = tpu.memref_slice %dma_start3A_1189[%dma_start3A_1190, %dma_start3A_1191] : memref<125x80xi32, #tpu.memory_space<hbm>> -> memref<1x80xi32, #tpu.memory_space<hbm>>
      %dma_start3A_1193 = arith.constant 1 : i32
      %dma_start3A_1194 = arith.constant 0 : i32
      %dma_start3A_1195 = tpu.memref_slice %arg11[%dma_start3A_1193, %dma_start3A_1194] : memref<8x80xi32, #tpu.memory_space<vmem>> -> memref<1x80xi32, #tpu.memory_space<vmem>>
      %dma_start3A_1196 = arith.constant 0 : i32
      %dma_start3A_1197 = arith.constant 0 : i32
      %dma_start3A_1198 = tpu.memref_slice %arg4[%add3A, %dma_start3A_1196, %dma_start3A_1197] : memref<32x125x80xi32, #tpu.memory_space<hbm>> -> memref<1x125x80xi32, #tpu.memory_space<hbm>>
      %dma_start3A_1199 = tpu.memref_squeeze %dma_start3A_1198 : memref<1x125x80xi32, #tpu.memory_space<hbm>> -> memref<125x80xi32, #tpu.memory_space<hbm>>
      %dma_start3A_1200 = arith.constant 1 : i32
      %dma_start3A_1201 = arith.constant 0 : i32
      %dma_start3A_1202 = tpu.memref_slice %dma_start3A_1199[%dma_start3A_1200, %dma_start3A_1201] : memref<125x80xi32, #tpu.memory_space<hbm>> -> memref<1x80xi32, #tpu.memory_space<hbm>>
      tpu.enqueue_dma source(%dma_start3A_1202 : memref<1x80xi32, #tpu.memory_space<hbm>>) target(%dma_start3A_1195 : memref<1x80xi32, #tpu.memory_space<vmem>>) target_semaphore(%run_scoped3A : memref<!tpu.dma_semaphore, #tpu.memory_space<semaphore_mem>>)
      %dma_wait3A_1203 = arith.constant 1 : i32
      %dma_wait3A_1204 = arith.constant 0 : i32
      %dma_wait3A_1205 = tpu.memref_slice %arg11[%dma_wait3A_1203, %dma_wait3A_1204] : memref<8x80xi32, #tpu.memory_space<vmem>> -> memref<1x80xi32, #tpu.memory_space<vmem>>
      %dma_wait3A_1206 = arith.constant 0 : i32
      %dma_wait3A_1207 = arith.constant 0 : i32
      %dma_wait3A_1208 = tpu.memref_slice %arg4[%add3A, %dma_wait3A_1206, %dma_wait3A_1207] : memref<32x125x80xi32, #tpu.memory_space<hbm>> -> memref<1x125x80xi32, #tpu.memory_space<hbm>>
      %dma_wait3A_1209 = tpu.memref_squeeze %dma_wait3A_1208 : memref<1x125x80xi32, #tpu.memory_space<hbm>> -> memref<125x80xi32, #tpu.memory_space<hbm>>
      %dma_wait3A_1210 = arith.constant 1 : i32
      %dma_wait3A_1211 = arith.constant 0 : i32
      %dma_wait3A_1212 = tpu.memref_slice %dma_wait3A_1209[%dma_wait3A_1210, %dma_wait3A_1211] : memref<125x80xi32, #tpu.memory_space<hbm>> -> memref<1x80xi32, #tpu.memory_space<hbm>>
      %dma_wait3A_1213 = arith.constant 1 : i32
      %dma_wait3A_1214 = arith.constant 0 : i32
      %dma_wait3A_1215 = tpu.memref_slice %arg11[%dma_wait3A_1213, %dma_wait3A_1214] : memref<8x80xi32, #tpu.memory_space<vmem>> -> memref<1x80xi32, #tpu.memory_space<vmem>>
      %dma_wait3A_1216 = arith.constant 0 : i32
      %dma_wait3A_1217 = arith.constant 0 : i32
      %dma_wait3A_1218 = tpu.memref_slice %arg4[%add3A, %dma_wait3A_1216, %dma_wait3A_1217] : memref<32x125x80xi32, #tpu.memory_space<hbm>> -> memref<1x125x80xi32, #tpu.memory_space<hbm>>
      %dma_wait3A_1219 = tpu.memref_squeeze %dma_wait3A_1218 : memref<1x125x80xi32, #tpu.memory_space<hbm>> -> memref<125x80xi32, #tpu.memory_space<hbm>>
      %dma_wait3A_1220 = arith.constant 1 : i32
      %dma_wait3A_1221 = arith.constant 0 : i32
      %dma_wait3A_1222 = tpu.memref_slice %dma_wait3A_1219[%dma_wait3A_1220, %dma_wait3A_1221] : memref<125x80xi32, #tpu.memory_space<hbm>> -> memref<1x80xi32, #tpu.memory_space<hbm>>
      tpu.wait_dma2 semaphore(%run_scoped3A : memref<!tpu.dma_semaphore, #tpu.memory_space<semaphore_mem>>) src(%dma_wait3A_1222 : memref<1x80xi32, #tpu.memory_space<hbm>>) dst(%dma_wait3A_1215 : memref<1x80xi32, #tpu.memory_space<vmem>>)
      tpu.yield
    }) : () -> ()
    "tpu.region"() ({
      %run_scoped3A = tpu.sem_alloc : memref<!tpu.dma_semaphore, #tpu.memory_space<semaphore_mem>>
      %dma_start3A_1183 = arith.constant 2 : i32
      %dma_start3A_1184 = arith.constant 0 : i32
      %dma_start3A_1185 = tpu.memref_slice %arg10[%dma_start3A_1183, %dma_start3A_1184] : memref<8x80xi32, #tpu.memory_space<vmem>> -> memref<1x80xi32, #tpu.memory_space<vmem>>
      %dma_start3A_1186 = arith.constant 0 : i32
      %dma_start3A_1187 = arith.constant 0 : i32
      %dma_start3A_1188 = tpu.memref_slice %arg3[%add3A, %dma_start3A_1186, %dma_start3A_1187] : memref<32x125x80xi32, #tpu.memory_space<hbm>> -> memref<1x125x80xi32, #tpu.memory_space<hbm>>
      %dma_start3A_1189 = tpu.memref_squeeze %dma_start3A_1188 : memref<1x125x80xi32, #tpu.memory_space<hbm>> -> memref<125x80xi32, #tpu.memory_space<hbm>>
      %dma_start3A_1190 = arith.constant 2 : i32
      %dma_start3A_1191 = arith.constant 0 : i32
      %dma_start3A_1192 = tpu.memref_slice %dma_start3A_1189[%dma_start3A_1190, %dma_start3A_1191] : memref<125x80xi32, #tpu.memory_space<hbm>> -> memref<1x80xi32, #tpu.memory_space<hbm>>
      %dma_start3A_1193 = arith.constant 2 : i32
      %dma_start3A_1194 = arith.constant 0 : i32
      %dma_start3A_1195 = tpu.memref_slice %arg10[%dma_start3A_1193, %dma_start3A_1194] : memref<8x80xi32, #tpu.memory_space<vmem>> -> memref<1x80xi32, #tpu.memory_space<vmem>>
      %dma_start3A_1196 = arith.constant 0 : i32
      %dma_start3A_1197 = arith.constant 0 : i32
      %dma_start3A_1198 = tpu.memref_slice %arg3[%add3A, %dma_start3A_1196, %dma_start3A_1197] : memref<32x125x80xi32, #tpu.memory_space<hbm>> -> memref<1x125x80xi32, #tpu.memory_space<hbm>>
      %dma_start3A_1199 = tpu.memref_squeeze %dma_start3A_1198 : memref<1x125x80xi32, #tpu.memory_space<hbm>> -> memref<125x80xi32, #tpu.memory_space<hbm>>
      %dma_start3A_1200 = arith.constant 2 : i32
      %dma_start3A_1201 = arith.constant 0 : i32
      %dma_start3A_1202 = tpu.memref_slice %dma_start3A_1199[%dma_start3A_1200, %dma_start3A_1201] : memref<125x80xi32, #tpu.memory_space<hbm>> -> memref<1x80xi32, #tpu.memory_space<hbm>>
      tpu.enqueue_dma source(%dma_start3A_1202 : memref<1x80xi32, #tpu.memory_space<hbm>>) target(%dma_start3A_1195 : memref<1x80xi32, #tpu.memory_space<vmem>>) target_semaphore(%run_scoped3A : memref<!tpu.dma_semaphore, #tpu.memory_space<semaphore_mem>>)
      %dma_wait3A_1203 = arith.constant 2 : i32
      %dma_wait3A_1204 = arith.constant 0 : i32
      %dma_wait3A_1205 = tpu.memref_slice %arg10[%dma_wait3A_1203, %dma_wait3A_1204] : memref<8x80xi32, #tpu.memory_space<vmem>> -> memref<1x80xi32, #tpu.memory_space<vmem>>
      %dma_wait3A_1206 = arith.constant 0 : i32
      %dma_wait3A_1207 = arith.constant 0 : i32
      %dma_wait3A_1208 = tpu.memref_slice %arg3[%add3A, %dma_wait3A_1206, %dma_wait3A_1207] : memref<32x125x80xi32, #tpu.memory_space<hbm>> -> memref<1x125x80xi32, #tpu.memory_space<hbm>>
      %dma_wait3A_1209 = tpu.memref_squeeze %dma_wait3A_1208 : memref<1x125x80xi32, #tpu.memory_space<hbm>> -> memref<125x80xi32, #tpu.memory_space<hbm>>
      %dma_wait3A_1210 = arith.constant 2 : i32
      %dma_wait3A_1211 = arith.constant 0 : i32
      %dma_wait3A_1212 = tpu.memref_slice %dma_wait3A_1209[%dma_wait3A_1210, %dma_wait3A_1211] : memref<125x80xi32, #tpu.memory_space<hbm>> -> memref<1x80xi32, #tpu.memory_space<hbm>>
      %dma_wait3A_1213 = arith.constant 2 : i32
      %dma_wait3A_1214 = arith.constant 0 : i32
      %dma_wait3A_1215 = tpu.memref_slice %arg10[%dma_wait3A_1213, %dma_wait3A_1214] : memref<8x80xi32, #tpu.memory_space<vmem>> -> memref<1x80xi32, #tpu.memory_space<vmem>>
      %dma_wait3A_1216 = arith.constant 0 : i32
      %dma_wait3A_1217 = arith.constant 0 : i32
      %dma_wait3A_1218 = tpu.memref_slice %arg3[%add3A, %dma_wait3A_1216, %dma_wait3A_1217] : memref<32x125x80xi32, #tpu.memory_space<hbm>> -> memref<1x125x80xi32, #tpu.memory_space<hbm>>
      %dma_wait3A_1219 = tpu.memref_squeeze %dma_wait3A_1218 : memref<1x125x80xi32, #tpu.memory_space<hbm>> -> memref<125x80xi32, #tpu.memory_space<hbm>>
      %dma_wait3A_1220 = arith.constant 2 : i32
      %dma_wait3A_1221 = arith.constant 0 : i32
      %dma_wait3A_1222 = tpu.memref_slice %dma_wait3A_1219[%dma_wait3A_1220, %dma_wait3A_1221] : memref<125x80xi32, #tpu.memory_space<hbm>> -> memref<1x80xi32, #tpu.memory_space<hbm>>
      tpu.wait_dma2 semaphore(%run_scoped3A : memref<!tpu.dma_semaphore, #tpu.memory_space<semaphore_mem>>) src(%dma_wait3A_1222 : memref<1x80xi32, #tpu.memory_space<hbm>>) dst(%dma_wait3A_1215 : memref<1x80xi32, #tpu.memory_space<vmem>>)
      tpu.yield
    }) : () -> ()
    "tpu.region"() ({
      %run_scoped3A = tpu.sem_alloc : memref<!tpu.dma_semaphore, #tpu.memory_space<semaphore_mem>>
      %dma_start3A_1183 = arith.constant 2 : i32
      %dma_start3A_1184 = arith.constant 0 : i32
      %dma_start3A_1185 = tpu.memref_slice %arg11[%dma_start3A_1183, %dma_start3A_1184] : memref<8x80xi32, #tpu.memory_space<vmem>> -> memref<1x80xi32, #tpu.memory_space<vmem>>
      %dma_start3A_1186 = arith.constant 0 : i32
      %dma_start3A_1187 = arith.constant 0 : i32
      %dma_start3A_1188 = tpu.memref_slice %arg4[%add3A, %dma_start3A_1186, %dma_start3A_1187] : memref<32x125x80xi32, #tpu.memory_space<hbm>> -> memref<1x125x80xi32, #tpu.memory_space<hbm>>
      %dma_start3A_1189 = tpu.memref_squeeze %dma_start3A_1188 : memref<1x125x80xi32, #tpu.memory_space<hbm>> -> memref<125x80xi32, #tpu.memory_space<hbm>>
      %dma_start3A_1190 = arith.constant 2 : i32
      %dma_start3A_1191 = arith.constant 0 : i32
      %dma_start3A_1192 = tpu.memref_slice %dma_start3A_1189[%dma_start3A_1190, %dma_start3A_1191] : memref<125x80xi32, #tpu.memory_space<hbm>> -> memref<1x80xi32, #tpu.memory_space<hbm>>
      %dma_start3A_1193 = arith.constant 2 : i32
      %dma_start3A_1194 = arith.constant 0 : i32
      %dma_start3A_1195 = tpu.memref_slice %arg11[%dma_start3A_1193, %dma_start3A_1194] : memref<8x80xi32, #tpu.memory_space<vmem>> -> memref<1x80xi32, #tpu.memory_space<vmem>>
      %dma_start3A_1196 = arith.constant 0 : i32
      %dma_start3A_1197 = arith.constant 0 : i32
      %dma_start3A_1198 = tpu.memref_slice %arg4[%add3A, %dma_start3A_1196, %dma_start3A_1197] : memref<32x125x80xi32, #tpu.memory_space<hbm>> -> memref<1x125x80xi32, #tpu.memory_space<hbm>>
      %dma_start3A_1199 = tpu.memref_squeeze %dma_start3A_1198 : memref<1x125x80xi32, #tpu.memory_space<hbm>> -> memref<125x80xi32, #tpu.memory_space<hbm>>
      %dma_start3A_1200 = arith.constant 2 : i32
      %dma_start3A_1201 = arith.constant 0 : i32
      %dma_start3A_1202 = tpu.memref_slice %dma_start3A_1199[%dma_start3A_1200, %dma_start3A_1201] : memref<125x80xi32, #tpu.memory_space<hbm>> -> memref<1x80xi32, #tpu.memory_space<hbm>>
      tpu.enqueue_dma source(%dma_start3A_1202 : memref<1x80xi32, #tpu.memory_space<hbm>>) target(%dma_start3A_1195 : memref<1x80xi32, #tpu.memory_space<vmem>>) target_semaphore(%run_scoped3A : memref<!tpu.dma_semaphore, #tpu.memory_space<semaphore_mem>>)
      %dma_wait3A_1203 = arith.constant 2 : i32
      %dma_wait3A_1204 = arith.constant 0 : i32
      %dma_wait3A_1205 = tpu.memref_slice %arg11[%dma_wait3A_1203, %dma_wait3A_1204] : memref<8x80xi32, #tpu.memory_space<vmem>> -> memref<1x80xi32, #tpu.memory_space<vmem>>
      %dma_wait3A_1206 = arith.constant 0 : i32
      %dma_wait3A_1207 = arith.constant 0 : i32
      %dma_wait3A_1208 = tpu.memref_slice %arg4[%add3A, %dma_wait3A_1206, %dma_wait3A_1207] : memref<32x125x80xi32, #tpu.memory_space<hbm>> -> memref<1x125x80xi32, #tpu.memory_space<hbm>>
      %dma_wait3A_1209 = tpu.memref_squeeze %dma_wait3A_1208 : memref<1x125x80xi32, #tpu.memory_space<hbm>> -> memref<125x80xi32, #tpu.memory_space<hbm>>
      %dma_wait3A_1210 = arith.constant 2 : i32
      %dma_wait3A_1211 = arith.constant 0 : i32
      %dma_wait3A_1212 = tpu.memref_slice %dma_wait3A_1209[%dma_wait3A_1210, %dma_wait3A_1211] : memref<125x80xi32, #tpu.memory_space<hbm>> -> memref<1x80xi32, #tpu.memory_space<hbm>>
      %dma_wait3A_1213 = arith.constant 2 : i32
      %dma_wait3A_1214 = arith.constant 0 : i32
      %dma_wait3A_1215 = tpu.memref_slice %arg11[%dma_wait3A_1213, %dma_wait3A_1214] : memref<8x80xi32, #tpu.memory_space<vmem>> -> memref<1x80xi32, #tpu.memory_space<vmem>>
      %dma_wait3A_1216 = arith.constant 0 : i32
      %dma_wait3A_1217 = arith.constant 0 : i32
      %dma_wait3A_1218 = tpu.memref_slice %arg4[%add3A, %dma_wait3A_1216, %dma_wait3A_1217] : memref<32x125x80xi32, #tpu.memory_space<hbm>> -> memref<1x125x80xi32, #tpu.memory_space<hbm>>
      %dma_wait3A_1219 = tpu.memref_squeeze %dma_wait3A_1218 : memref<1x125x80xi32, #tpu.memory_space<hbm>> -> memref<125x80xi32, #tpu.memory_space<hbm>>
      %dma_wait3A_1220 = arith.constant 2 : i32
      %dma_wait3A_1221 = arith.constant 0 : i32
      %dma_wait3A_1222 = tpu.memref_slice %dma_wait3A_1219[%dma_wait3A_1220, %dma_wait3A_1221] : memref<125x80xi32, #tpu.memory_space<hbm>> -> memref<1x80xi32, #tpu.memory_space<hbm>>
      tpu.wait_dma2 semaphore(%run_scoped3A : memref<!tpu.dma_semaphore, #tpu.memory_space<semaphore_mem>>) src(%dma_wait3A_1222 : memref<1x80xi32, #tpu.memory_space<hbm>>) dst(%dma_wait3A_1215 : memref<1x80xi32, #tpu.memory_space<vmem>>)
      tpu.yield
    }) : () -> ()
    %dma_start3A = arith.constant 0 : i32
    %dma_start3A_11 = arith.constant 0 : i32
    %dma_start3A_12 = tpu.memref_slice %arg10[%dma_start3A, %dma_start3A_11] : memref<8x80xi32, #tpu.memory_space<vmem>> -> memref<1x80xi32, #tpu.memory_space<vmem>>
    %dma_start3A_13 = tpu.memref_squeeze %dma_start3A_12 : memref<1x80xi32, #tpu.memory_space<vmem>> -> memref<80xi32, #tpu.memory_space<vmem>>
    %dma_start3A_14 = arith.constant 0 : i32
    %dma_start3A_15 = arith.constant 0 : i32
    %dma_start3A_16 = tpu.memref_slice %arg2[%dma_start3A_14, %dma_start3A_15] : memref<10000x128xf32, #tpu.memory_space<hbm>> -> memref<10000x128xf32, #tpu.memory_space<hbm>>
    tpu.enqueue_indirect_dma source(%dma_start3A_16 : memref<10000x128xf32, #tpu.memory_space<hbm>>) target(%arg6 : memref<80x128xf32, #tpu.memory_space<vmem>>) offsets(%dma_start3A_13 : memref<80xi32, #tpu.memory_space<vmem>>) semaphore(%arg13 : memref<!tpu.dma_semaphore, #tpu.memory_space<semaphore_mem>>)
    %dma_start3A_17 = arith.constant 1 : i32
    %dma_start3A_18 = arith.constant 0 : i32
    %dma_start3A_19 = tpu.memref_slice %arg10[%dma_start3A_17, %dma_start3A_18] : memref<8x80xi32, #tpu.memory_space<vmem>> -> memref<1x80xi32, #tpu.memory_space<vmem>>
    %dma_start3A_20 = tpu.memref_squeeze %dma_start3A_19 : memref<1x80xi32, #tpu.memory_space<vmem>> -> memref<80xi32, #tpu.memory_space<vmem>>
    %dma_start3A_21 = arith.constant 0 : i32
    %dma_start3A_22 = arith.constant 0 : i32
    %dma_start3A_23 = tpu.memref_slice %arg2[%dma_start3A_21, %dma_start3A_22] : memref<10000x128xf32, #tpu.memory_space<hbm>> -> memref<10000x128xf32, #tpu.memory_space<hbm>>
    tpu.enqueue_indirect_dma source(%dma_start3A_23 : memref<10000x128xf32, #tpu.memory_space<hbm>>) target(%arg7 : memref<80x128xf32, #tpu.memory_space<vmem>>) offsets(%dma_start3A_20 : memref<80xi32, #tpu.memory_space<vmem>>) semaphore(%arg14 : memref<!tpu.dma_semaphore, #tpu.memory_space<semaphore_mem>>)
    %dma_start3A_24 = arith.constant 2 : i32
    %dma_start3A_25 = arith.constant 0 : i32
    %dma_start3A_26 = tpu.memref_slice %arg10[%dma_start3A_24, %dma_start3A_25] : memref<8x80xi32, #tpu.memory_space<vmem>> -> memref<1x80xi32, #tpu.memory_space<vmem>>
    %dma_start3A_27 = tpu.memref_squeeze %dma_start3A_26 : memref<1x80xi32, #tpu.memory_space<vmem>> -> memref<80xi32, #tpu.memory_space<vmem>>
    %dma_start3A_28 = arith.constant 0 : i32
    %dma_start3A_29 = arith.constant 0 : i32
    %dma_start3A_30 = tpu.memref_slice %arg2[%dma_start3A_28, %dma_start3A_29] : memref<10000x128xf32, #tpu.memory_space<hbm>> -> memref<10000x128xf32, #tpu.memory_space<hbm>>
    tpu.enqueue_indirect_dma source(%dma_start3A_30 : memref<10000x128xf32, #tpu.memory_space<hbm>>) target(%arg8 : memref<80x128xf32, #tpu.memory_space<vmem>>) offsets(%dma_start3A_27 : memref<80xi32, #tpu.memory_space<vmem>>) semaphore(%arg15 : memref<!tpu.dma_semaphore, #tpu.memory_space<semaphore_mem>>)
    %dma_start3A_31 = arith.constant 3 : i32
    %dma_start3A_32 = arith.constant 0 : i32
    %dma_start3A_33 = tpu.memref_slice %arg10[%dma_start3A_31, %dma_start3A_32] : memref<8x80xi32, #tpu.memory_space<vmem>> -> memref<1x80xi32, #tpu.memory_space<vmem>>
    %dma_start3A_34 = arith.constant 0 : i32
    %dma_start3A_35 = arith.constant 0 : i32
    %dma_start3A_36 = tpu.memref_slice %arg3[%add3A, %dma_start3A_34, %dma_start3A_35] : memref<32x125x80xi32, #tpu.memory_space<hbm>> -> memref<1x125x80xi32, #tpu.memory_space<hbm>>
    %dma_start3A_37 = tpu.memref_squeeze %dma_start3A_36 : memref<1x125x80xi32, #tpu.memory_space<hbm>> -> memref<125x80xi32, #tpu.memory_space<hbm>>
    %dma_start3A_38 = arith.constant 3 : i32
    %dma_start3A_39 = arith.constant 0 : i32
    %dma_start3A_40 = tpu.memref_slice %dma_start3A_37[%dma_start3A_38, %dma_start3A_39] : memref<125x80xi32, #tpu.memory_space<hbm>> -> memref<1x80xi32, #tpu.memory_space<hbm>>
    %dma_start3A_41 = arith.constant 3 : i32
    %dma_start3A_42 = arith.constant 0 : i32
    %dma_start3A_43 = tpu.memref_slice %arg10[%dma_start3A_41, %dma_start3A_42] : memref<8x80xi32, #tpu.memory_space<vmem>> -> memref<1x80xi32, #tpu.memory_space<vmem>>
    %dma_start3A_44 = arith.constant 0 : i32
    %dma_start3A_45 = arith.constant 0 : i32
    %dma_start3A_46 = tpu.memref_slice %arg3[%add3A, %dma_start3A_44, %dma_start3A_45] : memref<32x125x80xi32, #tpu.memory_space<hbm>> -> memref<1x125x80xi32, #tpu.memory_space<hbm>>
    %dma_start3A_47 = tpu.memref_squeeze %dma_start3A_46 : memref<1x125x80xi32, #tpu.memory_space<hbm>> -> memref<125x80xi32, #tpu.memory_space<hbm>>
    %dma_start3A_48 = arith.constant 3 : i32
    %dma_start3A_49 = arith.constant 0 : i32
    %dma_start3A_50 = tpu.memref_slice %dma_start3A_47[%dma_start3A_48, %dma_start3A_49] : memref<125x80xi32, #tpu.memory_space<hbm>> -> memref<1x80xi32, #tpu.memory_space<hbm>>
    tpu.enqueue_dma source(%dma_start3A_50 : memref<1x80xi32, #tpu.memory_space<hbm>>) target(%dma_start3A_43 : memref<1x80xi32, #tpu.memory_space<vmem>>) target_semaphore(%arg20 : memref<!tpu.dma_semaphore, #tpu.memory_space<semaphore_mem>>)
    %dma_start3A_51 = arith.constant 3 : i32
    %dma_start3A_52 = arith.constant 0 : i32
    %dma_start3A_53 = tpu.memref_slice %arg11[%dma_start3A_51, %dma_start3A_52] : memref<8x80xi32, #tpu.memory_space<vmem>> -> memref<1x80xi32, #tpu.memory_space<vmem>>
    %dma_start3A_54 = arith.constant 0 : i32
    %dma_start3A_55 = arith.constant 0 : i32
    %dma_start3A_56 = tpu.memref_slice %arg4[%add3A, %dma_start3A_54, %dma_start3A_55] : memref<32x125x80xi32, #tpu.memory_space<hbm>> -> memref<1x125x80xi32, #tpu.memory_space<hbm>>
    %dma_start3A_57 = tpu.memref_squeeze %dma_start3A_56 : memref<1x125x80xi32, #tpu.memory_space<hbm>> -> memref<125x80xi32, #tpu.memory_space<hbm>>
    %dma_start3A_58 = arith.constant 3 : i32
    %dma_start3A_59 = arith.constant 0 : i32
    %dma_start3A_60 = tpu.memref_slice %dma_start3A_57[%dma_start3A_58, %dma_start3A_59] : memref<125x80xi32, #tpu.memory_space<hbm>> -> memref<1x80xi32, #tpu.memory_space<hbm>>
    %dma_start3A_61 = arith.constant 3 : i32
    %dma_start3A_62 = arith.constant 0 : i32
    %dma_start3A_63 = tpu.memref_slice %arg11[%dma_start3A_61, %dma_start3A_62] : memref<8x80xi32, #tpu.memory_space<vmem>> -> memref<1x80xi32, #tpu.memory_space<vmem>>
    %dma_start3A_64 = arith.constant 0 : i32
    %dma_start3A_65 = arith.constant 0 : i32
    %dma_start3A_66 = tpu.memref_slice %arg4[%add3A, %dma_start3A_64, %dma_start3A_65] : memref<32x125x80xi32, #tpu.memory_space<hbm>> -> memref<1x125x80xi32, #tpu.memory_space<hbm>>
    %dma_start3A_67 = tpu.memref_squeeze %dma_start3A_66 : memref<1x125x80xi32, #tpu.memory_space<hbm>> -> memref<125x80xi32, #tpu.memory_space<hbm>>
    %dma_start3A_68 = arith.constant 3 : i32
    %dma_start3A_69 = arith.constant 0 : i32
    %dma_start3A_70 = tpu.memref_slice %dma_start3A_67[%dma_start3A_68, %dma_start3A_69] : memref<125x80xi32, #tpu.memory_space<hbm>> -> memref<1x80xi32, #tpu.memory_space<hbm>>
    tpu.enqueue_dma source(%dma_start3A_70 : memref<1x80xi32, #tpu.memory_space<hbm>>) target(%dma_start3A_63 : memref<1x80xi32, #tpu.memory_space<vmem>>) target_semaphore(%arg20 : memref<!tpu.dma_semaphore, #tpu.memory_space<semaphore_mem>>)
    %dma_wait3A = arith.constant 0 : i32
    %dma_wait3A_71 = arith.constant 0 : i32
    %dma_wait3A_72 = tpu.memref_slice %arg10[%dma_wait3A, %dma_wait3A_71] : memref<8x80xi32, #tpu.memory_space<vmem>> -> memref<1x80xi32, #tpu.memory_space<vmem>>
    %dma_wait3A_73 = tpu.memref_squeeze %dma_wait3A_72 : memref<1x80xi32, #tpu.memory_space<vmem>> -> memref<80xi32, #tpu.memory_space<vmem>>
    %dma_wait3A_74 = arith.constant 0 : i32
    %dma_wait3A_75 = arith.constant 0 : i32
    %dma_wait3A_76 = tpu.memref_slice %arg2[%dma_wait3A_74, %dma_wait3A_75] : memref<10000x128xf32, #tpu.memory_space<hbm>> -> memref<10000x128xf32, #tpu.memory_space<hbm>>
    tpu.wait_indirect_dma semaphore(%arg13 : memref<!tpu.dma_semaphore, #tpu.memory_space<semaphore_mem>>) src(%dma_wait3A_76 : memref<10000x128xf32, #tpu.memory_space<hbm>>) dst(%arg6 : memref<80x128xf32, #tpu.memory_space<vmem>>)
    %dma_start3A_77 = arith.constant 0 : i32
    %dma_start3A_78 = arith.constant 0 : i32
    %dma_start3A_79 = tpu.memref_slice %arg11[%dma_start3A_77, %dma_start3A_78] : memref<8x80xi32, #tpu.memory_space<vmem>> -> memref<1x80xi32, #tpu.memory_space<vmem>>
    %dma_start3A_80 = tpu.memref_squeeze %dma_start3A_79 : memref<1x80xi32, #tpu.memory_space<vmem>> -> memref<80xi32, #tpu.memory_space<vmem>>
    %dma_start3A_81 = arith.constant 0 : i32
    %dma_start3A_82 = arith.constant 0 : i32
    %dma_start3A_83 = tpu.memref_slice %arg12[%dma_start3A_81, %dma_start3A_82] : memref<10240x128xf32, #tpu.memory_space<vmem_shared>> -> memref<10240x128xf32, #tpu.memory_space<vmem_shared>>
    tpu.enqueue_indirect_dma source(%arg6 : memref<80x128xf32, #tpu.memory_space<vmem>>) target(%dma_start3A_83 : memref<10240x128xf32, #tpu.memory_space<vmem_shared>>) offsets(%dma_start3A_80 : memref<80xi32, #tpu.memory_space<vmem>>) semaphore(%arg17 : memref<!tpu.dma_semaphore, #tpu.memory_space<semaphore_mem>>) {add = true}
    %dma_wait3A_84 = arith.constant 3 : i32
    %dma_wait3A_85 = arith.constant 0 : i32
    %dma_wait3A_86 = tpu.memref_slice %arg10[%dma_wait3A_84, %dma_wait3A_85] : memref<8x80xi32, #tpu.memory_space<vmem>> -> memref<1x80xi32, #tpu.memory_space<vmem>>
    %dma_wait3A_87 = arith.constant 0 : i32
    %dma_wait3A_88 = arith.constant 0 : i32
    %dma_wait3A_89 = tpu.memref_slice %arg3[%add3A, %dma_wait3A_87, %dma_wait3A_88] : memref<32x125x80xi32, #tpu.memory_space<hbm>> -> memref<1x125x80xi32, #tpu.memory_space<hbm>>
    %dma_wait3A_90 = tpu.memref_squeeze %dma_wait3A_89 : memref<1x125x80xi32, #tpu.memory_space<hbm>> -> memref<125x80xi32, #tpu.memory_space<hbm>>
    %dma_wait3A_91 = arith.constant 3 : i32
    %dma_wait3A_92 = arith.constant 0 : i32
    %dma_wait3A_93 = tpu.memref_slice %dma_wait3A_90[%dma_wait3A_91, %dma_wait3A_92] : memref<125x80xi32, #tpu.memory_space<hbm>> -> memref<1x80xi32, #tpu.memory_space<hbm>>
    %dma_wait3A_94 = arith.constant 3 : i32
    %dma_wait3A_95 = arith.constant 0 : i32
    %dma_wait3A_96 = tpu.memref_slice %arg10[%dma_wait3A_94, %dma_wait3A_95] : memref<8x80xi32, #tpu.memory_space<vmem>> -> memref<1x80xi32, #tpu.memory_space<vmem>>
    %dma_wait3A_97 = arith.constant 0 : i32
    %dma_wait3A_98 = arith.constant 0 : i32
    %dma_wait3A_99 = tpu.memref_slice %arg3[%add3A, %dma_wait3A_97, %dma_wait3A_98] : memref<32x125x80xi32, #tpu.memory_space<hbm>> -> memref<1x125x80xi32, #tpu.memory_space<hbm>>
    %dma_wait3A_100 = tpu.memref_squeeze %dma_wait3A_99 : memref<1x125x80xi32, #tpu.memory_space<hbm>> -> memref<125x80xi32, #tpu.memory_space<hbm>>
    %dma_wait3A_101 = arith.constant 3 : i32
    %dma_wait3A_102 = arith.constant 0 : i32
    %dma_wait3A_103 = tpu.memref_slice %dma_wait3A_100[%dma_wait3A_101, %dma_wait3A_102] : memref<125x80xi32, #tpu.memory_space<hbm>> -> memref<1x80xi32, #tpu.memory_space<hbm>>
    tpu.wait_dma2 semaphore(%arg20 : memref<!tpu.dma_semaphore, #tpu.memory_space<semaphore_mem>>) src(%dma_wait3A_103 : memref<1x80xi32, #tpu.memory_space<hbm>>) dst(%dma_wait3A_96 : memref<1x80xi32, #tpu.memory_space<vmem>>)
    %dma_wait3A_104 = arith.constant 3 : i32
    %dma_wait3A_105 = arith.constant 0 : i32
    %dma_wait3A_106 = tpu.memref_slice %arg11[%dma_wait3A_104, %dma_wait3A_105] : memref<8x80xi32, #tpu.memory_space<vmem>> -> memref<1x80xi32, #tpu.memory_space<vmem>>
    %dma_wait3A_107 = arith.constant 0 : i32
    %dma_wait3A_108 = arith.constant 0 : i32
    %dma_wait3A_109 = tpu.memref_slice %arg4[%add3A, %dma_wait3A_107, %dma_wait3A_108] : memref<32x125x80xi32, #tpu.memory_space<hbm>> -> memref<1x125x80xi32, #tpu.memory_space<hbm>>
    %dma_wait3A_110 = tpu.memref_squeeze %dma_wait3A_109 : memref<1x125x80xi32, #tpu.memory_space<hbm>> -> memref<125x80xi32, #tpu.memory_space<hbm>>
    %dma_wait3A_111 = arith.constant 3 : i32
    %dma_wait3A_112 = arith.constant 0 : i32
    %dma_wait3A_113 = tpu.memref_slice %dma_wait3A_110[%dma_wait3A_111, %dma_wait3A_112] : memref<125x80xi32, #tpu.memory_space<hbm>> -> memref<1x80xi32, #tpu.memory_space<hbm>>
    %dma_wait3A_114 = arith.constant 3 : i32
    %dma_wait3A_115 = arith.constant 0 : i32
    %dma_wait3A_116 = tpu.memref_slice %arg11[%dma_wait3A_114, %dma_wait3A_115] : memref<8x80xi32, #tpu.memory_space<vmem>> -> memref<1x80xi32, #tpu.memory_space<vmem>>
    %dma_wait3A_117 = arith.constant 0 : i32
    %dma_wait3A_118 = arith.constant 0 : i32
    %dma_wait3A_119 = tpu.memref_slice %arg4[%add3A, %dma_wait3A_117, %dma_wait3A_118] : memref<32x125x80xi32, #tpu.memory_space<hbm>> -> memref<1x125x80xi32, #tpu.memory_space<hbm>>
    %dma_wait3A_120 = tpu.memref_squeeze %dma_wait3A_119 : memref<1x125x80xi32, #tpu.memory_space<hbm>> -> memref<125x80xi32, #tpu.memory_space<hbm>>
    %dma_wait3A_121 = arith.constant 3 : i32
    %dma_wait3A_122 = arith.constant 0 : i32
    %dma_wait3A_123 = tpu.memref_slice %dma_wait3A_120[%dma_wait3A_121, %dma_wait3A_122] : memref<125x80xi32, #tpu.memory_space<hbm>> -> memref<1x80xi32, #tpu.memory_space<hbm>>
    tpu.wait_dma2 semaphore(%arg20 : memref<!tpu.dma_semaphore, #tpu.memory_space<semaphore_mem>>) src(%dma_wait3A_123 : memref<1x80xi32, #tpu.memory_space<hbm>>) dst(%dma_wait3A_116 : memref<1x80xi32, #tpu.memory_space<vmem>>)
    %dma_start3A_124 = arith.constant 3 : i32
    %dma_start3A_125 = arith.constant 0 : i32
    %dma_start3A_126 = tpu.memref_slice %arg10[%dma_start3A_124, %dma_start3A_125] : memref<8x80xi32, #tpu.memory_space<vmem>> -> memref<1x80xi32, #tpu.memory_space<vmem>>
    %dma_start3A_127 = tpu.memref_squeeze %dma_start3A_126 : memref<1x80xi32, #tpu.memory_space<vmem>> -> memref<80xi32, #tpu.memory_space<vmem>>
    %dma_start3A_128 = arith.constant 0 : i32
    %dma_start3A_129 = arith.constant 0 : i32
    %dma_start3A_130 = tpu.memref_slice %arg2[%dma_start3A_128, %dma_start3A_129] : memref<10000x128xf32, #tpu.memory_space<hbm>> -> memref<10000x128xf32, #tpu.memory_space<hbm>>
    tpu.enqueue_indirect_dma source(%dma_start3A_130 : memref<10000x128xf32, #tpu.memory_space<hbm>>) target(%arg9 : memref<80x128xf32, #tpu.memory_space<vmem>>) offsets(%dma_start3A_127 : memref<80xi32, #tpu.memory_space<vmem>>) semaphore(%arg16 : memref<!tpu.dma_semaphore, #tpu.memory_space<semaphore_mem>>)
    %dma_start3A_131 = arith.constant 4 : i32
    %dma_start3A_132 = arith.constant 0 : i32
    %dma_start3A_133 = tpu.memref_slice %arg10[%dma_start3A_131, %dma_start3A_132] : memref<8x80xi32, #tpu.memory_space<vmem>> -> memref<1x80xi32, #tpu.memory_space<vmem>>
    %dma_start3A_134 = arith.constant 0 : i32
    %dma_start3A_135 = arith.constant 0 : i32
    %dma_start3A_136 = tpu.memref_slice %arg3[%add3A, %dma_start3A_134, %dma_start3A_135] : memref<32x125x80xi32, #tpu.memory_space<hbm>> -> memref<1x125x80xi32, #tpu.memory_space<hbm>>
    %dma_start3A_137 = tpu.memref_squeeze %dma_start3A_136 : memref<1x125x80xi32, #tpu.memory_space<hbm>> -> memref<125x80xi32, #tpu.memory_space<hbm>>
    %dma_start3A_138 = arith.constant 4 : i32
    %dma_start3A_139 = arith.constant 0 : i32
    %dma_start3A_140 = tpu.memref_slice %dma_start3A_137[%dma_start3A_138, %dma_start3A_139] : memref<125x80xi32, #tpu.memory_space<hbm>> -> memref<1x80xi32, #tpu.memory_space<hbm>>
    %dma_start3A_141 = arith.constant 4 : i32
    %dma_start3A_142 = arith.constant 0 : i32
    %dma_start3A_143 = tpu.memref_slice %arg10[%dma_start3A_141, %dma_start3A_142] : memref<8x80xi32, #tpu.memory_space<vmem>> -> memref<1x80xi32, #tpu.memory_space<vmem>>
    %dma_start3A_144 = arith.constant 0 : i32
    %dma_start3A_145 = arith.constant 0 : i32
    %dma_start3A_146 = tpu.memref_slice %arg3[%add3A, %dma_start3A_144, %dma_start3A_145] : memref<32x125x80xi32, #tpu.memory_space<hbm>> -> memref<1x125x80xi32, #tpu.memory_space<hbm>>
    %dma_start3A_147 = tpu.memref_squeeze %dma_start3A_146 : memref<1x125x80xi32, #tpu.memory_space<hbm>> -> memref<125x80xi32, #tpu.memory_space<hbm>>
    %dma_start3A_148 = arith.constant 4 : i32
    %dma_start3A_149 = arith.constant 0 : i32
    %dma_start3A_150 = tpu.memref_slice %dma_start3A_147[%dma_start3A_148, %dma_start3A_149] : memref<125x80xi32, #tpu.memory_space<hbm>> -> memref<1x80xi32, #tpu.memory_space<hbm>>
    tpu.enqueue_dma source(%dma_start3A_150 : memref<1x80xi32, #tpu.memory_space<hbm>>) target(%dma_start3A_143 : memref<1x80xi32, #tpu.memory_space<vmem>>) target_semaphore(%arg19 : memref<!tpu.dma_semaphore, #tpu.memory_space<semaphore_mem>>)
    %dma_start3A_151 = arith.constant 4 : i32
    %dma_start3A_152 = arith.constant 0 : i32
    %dma_start3A_153 = tpu.memref_slice %arg11[%dma_start3A_151, %dma_start3A_152] : memref<8x80xi32, #tpu.memory_space<vmem>> -> memref<1x80xi32, #tpu.memory_space<vmem>>
    %dma_start3A_154 = arith.constant 0 : i32
    %dma_start3A_155 = arith.constant 0 : i32
    %dma_start3A_156 = tpu.memref_slice %arg4[%add3A, %dma_start3A_154, %dma_start3A_155] : memref<32x125x80xi32, #tpu.memory_space<hbm>> -> memref<1x125x80xi32, #tpu.memory_space<hbm>>
    %dma_start3A_157 = tpu.memref_squeeze %dma_start3A_156 : memref<1x125x80xi32, #tpu.memory_space<hbm>> -> memref<125x80xi32, #tpu.memory_space<hbm>>
    %dma_start3A_158 = arith.constant 4 : i32
    %dma_start3A_159 = arith.constant 0 : i32
    %dma_start3A_160 = tpu.memref_slice %dma_start3A_157[%dma_start3A_158, %dma_start3A_159] : memref<125x80xi32, #tpu.memory_space<hbm>> -> memref<1x80xi32, #tpu.memory_space<hbm>>
    %dma_start3A_161 = arith.constant 4 : i32
    %dma_start3A_162 = arith.constant 0 : i32
    %dma_start3A_163 = tpu.memref_slice %arg11[%dma_start3A_161, %dma_start3A_162] : memref<8x80xi32, #tpu.memory_space<vmem>> -> memref<1x80xi32, #tpu.memory_space<vmem>>
    %dma_start3A_164 = arith.constant 0 : i32
    %dma_start3A_165 = arith.constant 0 : i32
    %dma_start3A_166 = tpu.memref_slice %arg4[%add3A, %dma_start3A_164, %dma_start3A_165] : memref<32x125x80xi32, #tpu.memory_space<hbm>> -> memref<1x125x80xi32, #tpu.memory_space<hbm>>
    %dma_start3A_167 = tpu.memref_squeeze %dma_start3A_166 : memref<1x125x80xi32, #tpu.memory_space<hbm>> -> memref<125x80xi32, #tpu.memory_space<hbm>>
    %dma_start3A_168 = arith.constant 4 : i32
    %dma_start3A_169 = arith.constant 0 : i32
    %dma_start3A_170 = tpu.memref_slice %dma_start3A_167[%dma_start3A_168, %dma_start3A_169] : memref<125x80xi32, #tpu.memory_space<hbm>> -> memref<1x80xi32, #tpu.memory_space<hbm>>
    tpu.enqueue_dma source(%dma_start3A_170 : memref<1x80xi32, #tpu.memory_space<hbm>>) target(%dma_start3A_163 : memref<1x80xi32, #tpu.memory_space<vmem>>) target_semaphore(%arg19 : memref<!tpu.dma_semaphore, #tpu.memory_space<semaphore_mem>>)
    %dma_wait3A_171 = arith.constant 1 : i32
    %dma_wait3A_172 = arith.constant 0 : i32
    %dma_wait3A_173 = tpu.memref_slice %arg10[%dma_wait3A_171, %dma_wait3A_172] : memref<8x80xi32, #tpu.memory_space<vmem>> -> memref<1x80xi32, #tpu.memory_space<vmem>>
    %dma_wait3A_174 = tpu.memref_squeeze %dma_wait3A_173 : memref<1x80xi32, #tpu.memory_space<vmem>> -> memref<80xi32, #tpu.memory_space<vmem>>
    %dma_wait3A_175 = arith.constant 0 : i32
    %dma_wait3A_176 = arith.constant 0 : i32
    %dma_wait3A_177 = tpu.memref_slice %arg2[%dma_wait3A_175, %dma_wait3A_176] : memref<10000x128xf32, #tpu.memory_space<hbm>> -> memref<10000x128xf32, #tpu.memory_space<hbm>>
    tpu.wait_indirect_dma semaphore(%arg14 : memref<!tpu.dma_semaphore, #tpu.memory_space<semaphore_mem>>) src(%dma_wait3A_177 : memref<10000x128xf32, #tpu.memory_space<hbm>>) dst(%arg7 : memref<80x128xf32, #tpu.memory_space<vmem>>)
    %dma_wait3A_178 = arith.constant 0 : i32
    %dma_wait3A_179 = arith.constant 0 : i32
    %dma_wait3A_180 = tpu.memref_slice %arg11[%dma_wait3A_178, %dma_wait3A_179] : memref<8x80xi32, #tpu.memory_space<vmem>> -> memref<1x80xi32, #tpu.memory_space<vmem>>
    %dma_wait3A_181 = tpu.memref_squeeze %dma_wait3A_180 : memref<1x80xi32, #tpu.memory_space<vmem>> -> memref<80xi32, #tpu.memory_space<vmem>>
    %dma_wait3A_182 = arith.constant 0 : i32
    %dma_wait3A_183 = arith.constant 0 : i32
    %dma_wait3A_184 = tpu.memref_slice %arg12[%dma_wait3A_182, %dma_wait3A_183] : memref<10240x128xf32, #tpu.memory_space<vmem_shared>> -> memref<10240x128xf32, #tpu.memory_space<vmem_shared>>
    tpu.wait_indirect_dma semaphore(%arg17 : memref<!tpu.dma_semaphore, #tpu.memory_space<semaphore_mem>>) src(%arg6 : memref<80x128xf32, #tpu.memory_space<vmem>>) dst(%dma_wait3A_184 : memref<10240x128xf32, #tpu.memory_space<vmem_shared>>)
    %dma_start3A_185 = arith.constant 1 : i32
    %dma_start3A_186 = arith.constant 0 : i32
    %dma_start3A_187 = tpu.memref_slice %arg11[%dma_start3A_185, %dma_start3A_186] : memref<8x80xi32, #tpu.memory_space<vmem>> -> memref<1x80xi32, #tpu.memory_space<vmem>>
    %dma_start3A_188 = tpu.memref_squeeze %dma_start3A_187 : memref<1x80xi32, #tpu.memory_space<vmem>> -> memref<80xi32, #tpu.memory_space<vmem>>
    %dma_start3A_189 = arith.constant 0 : i32
    %dma_start3A_190 = arith.constant 0 : i32
    %dma_start3A_191 = tpu.memref_slice %arg12[%dma_start3A_189, %dma_start3A_190] : memref<10240x128xf32, #tpu.memory_space<vmem_shared>> -> memref<10240x128xf32, #tpu.memory_space<vmem_shared>>
    tpu.enqueue_indirect_dma source(%arg7 : memref<80x128xf32, #tpu.memory_space<vmem>>) target(%dma_start3A_191 : memref<10240x128xf32, #tpu.memory_space<vmem_shared>>) offsets(%dma_start3A_188 : memref<80xi32, #tpu.memory_space<vmem>>) semaphore(%arg18 : memref<!tpu.dma_semaphore, #tpu.memory_space<semaphore_mem>>) {add = true}
    %dma_wait3A_192 = arith.constant 4 : i32
    %dma_wait3A_193 = arith.constant 0 : i32
    %dma_wait3A_194 = tpu.memref_slice %arg10[%dma_wait3A_192, %dma_wait3A_193] : memref<8x80xi32, #tpu.memory_space<vmem>> -> memref<1x80xi32, #tpu.memory_space<vmem>>
    %dma_wait3A_195 = arith.constant 0 : i32
    %dma_wait3A_196 = arith.constant 0 : i32
    %dma_wait3A_197 = tpu.memref_slice %arg3[%add3A, %dma_wait3A_195, %dma_wait3A_196] : memref<32x125x80xi32, #tpu.memory_space<hbm>> -> memref<1x125x80xi32, #tpu.memory_space<hbm>>
    %dma_wait3A_198 = tpu.memref_squeeze %dma_wait3A_197 : memref<1x125x80xi32, #tpu.memory_space<hbm>> -> memref<125x80xi32, #tpu.memory_space<hbm>>
    %dma_wait3A_199 = arith.constant 4 : i32
    %dma_wait3A_200 = arith.constant 0 : i32
    %dma_wait3A_201 = tpu.memref_slice %dma_wait3A_198[%dma_wait3A_199, %dma_wait3A_200] : memref<125x80xi32, #tpu.memory_space<hbm>> -> memref<1x80xi32, #tpu.memory_space<hbm>>
    %dma_wait3A_202 = arith.constant 4 : i32
    %dma_wait3A_203 = arith.constant 0 : i32
    %dma_wait3A_204 = tpu.memref_slice %arg10[%dma_wait3A_202, %dma_wait3A_203] : memref<8x80xi32, #tpu.memory_space<vmem>> -> memref<1x80xi32, #tpu.memory_space<vmem>>
    %dma_wait3A_205 = arith.constant 0 : i32
    %dma_wait3A_206 = arith.constant 0 : i32
    %dma_wait3A_207 = tpu.memref_slice %arg3[%add3A, %dma_wait3A_205, %dma_wait3A_206] : memref<32x125x80xi32, #tpu.memory_space<hbm>> -> memref<1x125x80xi32, #tpu.memory_space<hbm>>
    %dma_wait3A_208 = tpu.memref_squeeze %dma_wait3A_207 : memref<1x125x80xi32, #tpu.memory_space<hbm>> -> memref<125x80xi32, #tpu.memory_space<hbm>>
    %dma_wait3A_209 = arith.constant 4 : i32
    %dma_wait3A_210 = arith.constant 0 : i32
    %dma_wait3A_211 = tpu.memref_slice %dma_wait3A_208[%dma_wait3A_209, %dma_wait3A_210] : memref<125x80xi32, #tpu.memory_space<hbm>> -> memref<1x80xi32, #tpu.memory_space<hbm>>
    tpu.wait_dma2 semaphore(%arg19 : memref<!tpu.dma_semaphore, #tpu.memory_space<semaphore_mem>>) src(%dma_wait3A_211 : memref<1x80xi32, #tpu.memory_space<hbm>>) dst(%dma_wait3A_204 : memref<1x80xi32, #tpu.memory_space<vmem>>)
    %dma_wait3A_212 = arith.constant 4 : i32
    %dma_wait3A_213 = arith.constant 0 : i32
    %dma_wait3A_214 = tpu.memref_slice %arg11[%dma_wait3A_212, %dma_wait3A_213] : memref<8x80xi32, #tpu.memory_space<vmem>> -> memref<1x80xi32, #tpu.memory_space<vmem>>
    %dma_wait3A_215 = arith.constant 0 : i32
    %dma_wait3A_216 = arith.constant 0 : i32
    %dma_wait3A_217 = tpu.memref_slice %arg4[%add3A, %dma_wait3A_215, %dma_wait3A_216] : memref<32x125x80xi32, #tpu.memory_space<hbm>> -> memref<1x125x80xi32, #tpu.memory_space<hbm>>
    %dma_wait3A_218 = tpu.memref_squeeze %dma_wait3A_217 : memref<1x125x80xi32, #tpu.memory_space<hbm>> -> memref<125x80xi32, #tpu.memory_space<hbm>>
    %dma_wait3A_219 = arith.constant 4 : i32
    %dma_wait3A_220 = arith.constant 0 : i32
    %dma_wait3A_221 = tpu.memref_slice %dma_wait3A_218[%dma_wait3A_219, %dma_wait3A_220] : memref<125x80xi32, #tpu.memory_space<hbm>> -> memref<1x80xi32, #tpu.memory_space<hbm>>
    %dma_wait3A_222 = arith.constant 4 : i32
    %dma_wait3A_223 = arith.constant 0 : i32
    %dma_wait3A_224 = tpu.memref_slice %arg11[%dma_wait3A_222, %dma_wait3A_223] : memref<8x80xi32, #tpu.memory_space<vmem>> -> memref<1x80xi32, #tpu.memory_space<vmem>>
    %dma_wait3A_225 = arith.constant 0 : i32
    %dma_wait3A_226 = arith.constant 0 : i32
    %dma_wait3A_227 = tpu.memref_slice %arg4[%add3A, %dma_wait3A_225, %dma_wait3A_226] : memref<32x125x80xi32, #tpu.memory_space<hbm>> -> memref<1x125x80xi32, #tpu.memory_space<hbm>>
    %dma_wait3A_228 = tpu.memref_squeeze %dma_wait3A_227 : memref<1x125x80xi32, #tpu.memory_space<hbm>> -> memref<125x80xi32, #tpu.memory_space<hbm>>
    %dma_wait3A_229 = arith.constant 4 : i32
    %dma_wait3A_230 = arith.constant 0 : i32
    %dma_wait3A_231 = tpu.memref_slice %dma_wait3A_228[%dma_wait3A_229, %dma_wait3A_230] : memref<125x80xi32, #tpu.memory_space<hbm>> -> memref<1x80xi32, #tpu.memory_space<hbm>>
    tpu.wait_dma2 semaphore(%arg19 : memref<!tpu.dma_semaphore, #tpu.memory_space<semaphore_mem>>) src(%dma_wait3A_231 : memref<1x80xi32, #tpu.memory_space<hbm>>) dst(%dma_wait3A_224 : memref<1x80xi32, #tpu.memory_space<vmem>>)
    %dma_start3A_232 = arith.constant 4 : i32
    %dma_start3A_233 = arith.constant 0 : i32
    %dma_start3A_234 = tpu.memref_slice %arg10[%dma_start3A_232, %dma_start3A_233] : memref<8x80xi32, #tpu.memory_space<vmem>> -> memref<1x80xi32, #tpu.memory_space<vmem>>
    %dma_start3A_235 = tpu.memref_squeeze %dma_start3A_234 : memref<1x80xi32, #tpu.memory_space<vmem>> -> memref<80xi32, #tpu.memory_space<vmem>>
    %dma_start3A_236 = arith.constant 0 : i32
    %dma_start3A_237 = arith.constant 0 : i32
    %dma_start3A_238 = tpu.memref_slice %arg2[%dma_start3A_236, %dma_start3A_237] : memref<10000x128xf32, #tpu.memory_space<hbm>> -> memref<10000x128xf32, #tpu.memory_space<hbm>>
    tpu.enqueue_indirect_dma source(%dma_start3A_238 : memref<10000x128xf32, #tpu.memory_space<hbm>>) target(%arg6 : memref<80x128xf32, #tpu.memory_space<vmem>>) offsets(%dma_start3A_235 : memref<80xi32, #tpu.memory_space<vmem>>) semaphore(%arg13 : memref<!tpu.dma_semaphore, #tpu.memory_space<semaphore_mem>>)
    %dma_start3A_239 = arith.constant 5 : i32
    %dma_start3A_240 = arith.constant 0 : i32
    %dma_start3A_241 = tpu.memref_slice %arg10[%dma_start3A_239, %dma_start3A_240] : memref<8x80xi32, #tpu.memory_space<vmem>> -> memref<1x80xi32, #tpu.memory_space<vmem>>
    %dma_start3A_242 = arith.constant 0 : i32
    %dma_start3A_243 = arith.constant 0 : i32
    %dma_start3A_244 = tpu.memref_slice %arg3[%add3A, %dma_start3A_242, %dma_start3A_243] : memref<32x125x80xi32, #tpu.memory_space<hbm>> -> memref<1x125x80xi32, #tpu.memory_space<hbm>>
    %dma_start3A_245 = tpu.memref_squeeze %dma_start3A_244 : memref<1x125x80xi32, #tpu.memory_space<hbm>> -> memref<125x80xi32, #tpu.memory_space<hbm>>
    %dma_start3A_246 = arith.constant 5 : i32
    %dma_start3A_247 = arith.constant 0 : i32
    %dma_start3A_248 = tpu.memref_slice %dma_start3A_245[%dma_start3A_246, %dma_start3A_247] : memref<125x80xi32, #tpu.memory_space<hbm>> -> memref<1x80xi32, #tpu.memory_space<hbm>>
    %dma_start3A_249 = arith.constant 5 : i32
    %dma_start3A_250 = arith.constant 0 : i32
    %dma_start3A_251 = tpu.memref_slice %arg10[%dma_start3A_249, %dma_start3A_250] : memref<8x80xi32, #tpu.memory_space<vmem>> -> memref<1x80xi32, #tpu.memory_space<vmem>>
    %dma_start3A_252 = arith.constant 0 : i32
    %dma_start3A_253 = arith.constant 0 : i32
    %dma_start3A_254 = tpu.memref_slice %arg3[%add3A, %dma_start3A_252, %dma_start3A_253] : memref<32x125x80xi32, #tpu.memory_space<hbm>> -> memref<1x125x80xi32, #tpu.memory_space<hbm>>
    %dma_start3A_255 = tpu.memref_squeeze %dma_start3A_254 : memref<1x125x80xi32, #tpu.memory_space<hbm>> -> memref<125x80xi32, #tpu.memory_space<hbm>>
    %dma_start3A_256 = arith.constant 5 : i32
    %dma_start3A_257 = arith.constant 0 : i32
    %dma_start3A_258 = tpu.memref_slice %dma_start3A_255[%dma_start3A_256, %dma_start3A_257] : memref<125x80xi32, #tpu.memory_space<hbm>> -> memref<1x80xi32, #tpu.memory_space<hbm>>
    tpu.enqueue_dma source(%dma_start3A_258 : memref<1x80xi32, #tpu.memory_space<hbm>>) target(%dma_start3A_251 : memref<1x80xi32, #tpu.memory_space<vmem>>) target_semaphore(%arg20 : memref<!tpu.dma_semaphore, #tpu.memory_space<semaphore_mem>>)
    %dma_start3A_259 = arith.constant 5 : i32
    %dma_start3A_260 = arith.constant 0 : i32
    %dma_start3A_261 = tpu.memref_slice %arg11[%dma_start3A_259, %dma_start3A_260] : memref<8x80xi32, #tpu.memory_space<vmem>> -> memref<1x80xi32, #tpu.memory_space<vmem>>
    %dma_start3A_262 = arith.constant 0 : i32
    %dma_start3A_263 = arith.constant 0 : i32
    %dma_start3A_264 = tpu.memref_slice %arg4[%add3A, %dma_start3A_262, %dma_start3A_263] : memref<32x125x80xi32, #tpu.memory_space<hbm>> -> memref<1x125x80xi32, #tpu.memory_space<hbm>>
    %dma_start3A_265 = tpu.memref_squeeze %dma_start3A_264 : memref<1x125x80xi32, #tpu.memory_space<hbm>> -> memref<125x80xi32, #tpu.memory_space<hbm>>
    %dma_start3A_266 = arith.constant 5 : i32
    %dma_start3A_267 = arith.constant 0 : i32
    %dma_start3A_268 = tpu.memref_slice %dma_start3A_265[%dma_start3A_266, %dma_start3A_267] : memref<125x80xi32, #tpu.memory_space<hbm>> -> memref<1x80xi32, #tpu.memory_space<hbm>>
    %dma_start3A_269 = arith.constant 5 : i32
    %dma_start3A_270 = arith.constant 0 : i32
    %dma_start3A_271 = tpu.memref_slice %arg11[%dma_start3A_269, %dma_start3A_270] : memref<8x80xi32, #tpu.memory_space<vmem>> -> memref<1x80xi32, #tpu.memory_space<vmem>>
    %dma_start3A_272 = arith.constant 0 : i32
    %dma_start3A_273 = arith.constant 0 : i32
    %dma_start3A_274 = tpu.memref_slice %arg4[%add3A, %dma_start3A_272, %dma_start3A_273] : memref<32x125x80xi32, #tpu.memory_space<hbm>> -> memref<1x125x80xi32, #tpu.memory_space<hbm>>
    %dma_start3A_275 = tpu.memref_squeeze %dma_start3A_274 : memref<1x125x80xi32, #tpu.memory_space<hbm>> -> memref<125x80xi32, #tpu.memory_space<hbm>>
    %dma_start3A_276 = arith.constant 5 : i32
    %dma_start3A_277 = arith.constant 0 : i32
    %dma_start3A_278 = tpu.memref_slice %dma_start3A_275[%dma_start3A_276, %dma_start3A_277] : memref<125x80xi32, #tpu.memory_space<hbm>> -> memref<1x80xi32, #tpu.memory_space<hbm>>
    tpu.enqueue_dma source(%dma_start3A_278 : memref<1x80xi32, #tpu.memory_space<hbm>>) target(%dma_start3A_271 : memref<1x80xi32, #tpu.memory_space<vmem>>) target_semaphore(%arg20 : memref<!tpu.dma_semaphore, #tpu.memory_space<semaphore_mem>>)
    %dma_wait3A_279 = arith.constant 2 : i32
    %dma_wait3A_280 = arith.constant 0 : i32
    %dma_wait3A_281 = tpu.memref_slice %arg10[%dma_wait3A_279, %dma_wait3A_280] : memref<8x80xi32, #tpu.memory_space<vmem>> -> memref<1x80xi32, #tpu.memory_space<vmem>>
    %dma_wait3A_282 = tpu.memref_squeeze %dma_wait3A_281 : memref<1x80xi32, #tpu.memory_space<vmem>> -> memref<80xi32, #tpu.memory_space<vmem>>
    %dma_wait3A_283 = arith.constant 0 : i32
    %dma_wait3A_284 = arith.constant 0 : i32
    %dma_wait3A_285 = tpu.memref_slice %arg2[%dma_wait3A_283, %dma_wait3A_284] : memref<10000x128xf32, #tpu.memory_space<hbm>> -> memref<10000x128xf32, #tpu.memory_space<hbm>>
    tpu.wait_indirect_dma semaphore(%arg15 : memref<!tpu.dma_semaphore, #tpu.memory_space<semaphore_mem>>) src(%dma_wait3A_285 : memref<10000x128xf32, #tpu.memory_space<hbm>>) dst(%arg8 : memref<80x128xf32, #tpu.memory_space<vmem>>)
    %dma_wait3A_286 = arith.constant 1 : i32
    %dma_wait3A_287 = arith.constant 0 : i32
    %dma_wait3A_288 = tpu.memref_slice %arg11[%dma_wait3A_286, %dma_wait3A_287] : memref<8x80xi32, #tpu.memory_space<vmem>> -> memref<1x80xi32, #tpu.memory_space<vmem>>
    %dma_wait3A_289 = tpu.memref_squeeze %dma_wait3A_288 : memref<1x80xi32, #tpu.memory_space<vmem>> -> memref<80xi32, #tpu.memory_space<vmem>>
    %dma_wait3A_290 = arith.constant 0 : i32
    %dma_wait3A_291 = arith.constant 0 : i32
    %dma_wait3A_292 = tpu.memref_slice %arg12[%dma_wait3A_290, %dma_wait3A_291] : memref<10240x128xf32, #tpu.memory_space<vmem_shared>> -> memref<10240x128xf32, #tpu.memory_space<vmem_shared>>
    tpu.wait_indirect_dma semaphore(%arg18 : memref<!tpu.dma_semaphore, #tpu.memory_space<semaphore_mem>>) src(%arg7 : memref<80x128xf32, #tpu.memory_space<vmem>>) dst(%dma_wait3A_292 : memref<10240x128xf32, #tpu.memory_space<vmem_shared>>)
    %dma_start3A_293 = arith.constant 2 : i32
    %dma_start3A_294 = arith.constant 0 : i32
    %dma_start3A_295 = tpu.memref_slice %arg11[%dma_start3A_293, %dma_start3A_294] : memref<8x80xi32, #tpu.memory_space<vmem>> -> memref<1x80xi32, #tpu.memory_space<vmem>>
    %dma_start3A_296 = tpu.memref_squeeze %dma_start3A_295 : memref<1x80xi32, #tpu.memory_space<vmem>> -> memref<80xi32, #tpu.memory_space<vmem>>
    %dma_start3A_297 = arith.constant 0 : i32
    %dma_start3A_298 = arith.constant 0 : i32
    %dma_start3A_299 = tpu.memref_slice %arg12[%dma_start3A_297, %dma_start3A_298] : memref<10240x128xf32, #tpu.memory_space<vmem_shared>> -> memref<10240x128xf32, #tpu.memory_space<vmem_shared>>
    tpu.enqueue_indirect_dma source(%arg8 : memref<80x128xf32, #tpu.memory_space<vmem>>) target(%dma_start3A_299 : memref<10240x128xf32, #tpu.memory_space<vmem_shared>>) offsets(%dma_start3A_296 : memref<80xi32, #tpu.memory_space<vmem>>) semaphore(%arg17 : memref<!tpu.dma_semaphore, #tpu.memory_space<semaphore_mem>>) {add = true}
    %dma_wait3A_300 = arith.constant 5 : i32
    %dma_wait3A_301 = arith.constant 0 : i32
    %dma_wait3A_302 = tpu.memref_slice %arg10[%dma_wait3A_300, %dma_wait3A_301] : memref<8x80xi32, #tpu.memory_space<vmem>> -> memref<1x80xi32, #tpu.memory_space<vmem>>
    %dma_wait3A_303 = arith.constant 0 : i32
    %dma_wait3A_304 = arith.constant 0 : i32
    %dma_wait3A_305 = tpu.memref_slice %arg3[%add3A, %dma_wait3A_303, %dma_wait3A_304] : memref<32x125x80xi32, #tpu.memory_space<hbm>> -> memref<1x125x80xi32, #tpu.memory_space<hbm>>
    %dma_wait3A_306 = tpu.memref_squeeze %dma_wait3A_305 : memref<1x125x80xi32, #tpu.memory_space<hbm>> -> memref<125x80xi32, #tpu.memory_space<hbm>>
    %dma_wait3A_307 = arith.constant 5 : i32
    %dma_wait3A_308 = arith.constant 0 : i32
    %dma_wait3A_309 = tpu.memref_slice %dma_wait3A_306[%dma_wait3A_307, %dma_wait3A_308] : memref<125x80xi32, #tpu.memory_space<hbm>> -> memref<1x80xi32, #tpu.memory_space<hbm>>
    %dma_wait3A_310 = arith.constant 5 : i32
    %dma_wait3A_311 = arith.constant 0 : i32
    %dma_wait3A_312 = tpu.memref_slice %arg10[%dma_wait3A_310, %dma_wait3A_311] : memref<8x80xi32, #tpu.memory_space<vmem>> -> memref<1x80xi32, #tpu.memory_space<vmem>>
    %dma_wait3A_313 = arith.constant 0 : i32
    %dma_wait3A_314 = arith.constant 0 : i32
    %dma_wait3A_315 = tpu.memref_slice %arg3[%add3A, %dma_wait3A_313, %dma_wait3A_314] : memref<32x125x80xi32, #tpu.memory_space<hbm>> -> memref<1x125x80xi32, #tpu.memory_space<hbm>>
    %dma_wait3A_316 = tpu.memref_squeeze %dma_wait3A_315 : memref<1x125x80xi32, #tpu.memory_space<hbm>> -> memref<125x80xi32, #tpu.memory_space<hbm>>
    %dma_wait3A_317 = arith.constant 5 : i32
    %dma_wait3A_318 = arith.constant 0 : i32
    %dma_wait3A_319 = tpu.memref_slice %dma_wait3A_316[%dma_wait3A_317, %dma_wait3A_318] : memref<125x80xi32, #tpu.memory_space<hbm>> -> memref<1x80xi32, #tpu.memory_space<hbm>>
    tpu.wait_dma2 semaphore(%arg20 : memref<!tpu.dma_semaphore, #tpu.memory_space<semaphore_mem>>) src(%dma_wait3A_319 : memref<1x80xi32, #tpu.memory_space<hbm>>) dst(%dma_wait3A_312 : memref<1x80xi32, #tpu.memory_space<vmem>>)
    %dma_wait3A_320 = arith.constant 5 : i32
    %dma_wait3A_321 = arith.constant 0 : i32
    %dma_wait3A_322 = tpu.memref_slice %arg11[%dma_wait3A_320, %dma_wait3A_321] : memref<8x80xi32, #tpu.memory_space<vmem>> -> memref<1x80xi32, #tpu.memory_space<vmem>>
    %dma_wait3A_323 = arith.constant 0 : i32
    %dma_wait3A_324 = arith.constant 0 : i32
    %dma_wait3A_325 = tpu.memref_slice %arg4[%add3A, %dma_wait3A_323, %dma_wait3A_324] : memref<32x125x80xi32, #tpu.memory_space<hbm>> -> memref<1x125x80xi32, #tpu.memory_space<hbm>>
    %dma_wait3A_326 = tpu.memref_squeeze %dma_wait3A_325 : memref<1x125x80xi32, #tpu.memory_space<hbm>> -> memref<125x80xi32, #tpu.memory_space<hbm>>
    %dma_wait3A_327 = arith.constant 5 : i32
    %dma_wait3A_328 = arith.constant 0 : i32
    %dma_wait3A_329 = tpu.memref_slice %dma_wait3A_326[%dma_wait3A_327, %dma_wait3A_328] : memref<125x80xi32, #tpu.memory_space<hbm>> -> memref<1x80xi32, #tpu.memory_space<hbm>>
    %dma_wait3A_330 = arith.constant 5 : i32
    %dma_wait3A_331 = arith.constant 0 : i32
    %dma_wait3A_332 = tpu.memref_slice %arg11[%dma_wait3A_330, %dma_wait3A_331] : memref<8x80xi32, #tpu.memory_space<vmem>> -> memref<1x80xi32, #tpu.memory_space<vmem>>
    %dma_wait3A_333 = arith.constant 0 : i32
    %dma_wait3A_334 = arith.constant 0 : i32
    %dma_wait3A_335 = tpu.memref_slice %arg4[%add3A, %dma_wait3A_333, %dma_wait3A_334] : memref<32x125x80xi32, #tpu.memory_space<hbm>> -> memref<1x125x80xi32, #tpu.memory_space<hbm>>
    %dma_wait3A_336 = tpu.memref_squeeze %dma_wait3A_335 : memref<1x125x80xi32, #tpu.memory_space<hbm>> -> memref<125x80xi32, #tpu.memory_space<hbm>>
    %dma_wait3A_337 = arith.constant 5 : i32
    %dma_wait3A_338 = arith.constant 0 : i32
    %dma_wait3A_339 = tpu.memref_slice %dma_wait3A_336[%dma_wait3A_337, %dma_wait3A_338] : memref<125x80xi32, #tpu.memory_space<hbm>> -> memref<1x80xi32, #tpu.memory_space<hbm>>
    tpu.wait_dma2 semaphore(%arg20 : memref<!tpu.dma_semaphore, #tpu.memory_space<semaphore_mem>>) src(%dma_wait3A_339 : memref<1x80xi32, #tpu.memory_space<hbm>>) dst(%dma_wait3A_332 : memref<1x80xi32, #tpu.memory_space<vmem>>)
    %dma_start3A_340 = arith.constant 5 : i32
    %dma_start3A_341 = arith.constant 0 : i32
    %dma_start3A_342 = tpu.memref_slice %arg10[%dma_start3A_340, %dma_start3A_341] : memref<8x80xi32, #tpu.memory_space<vmem>> -> memref<1x80xi32, #tpu.memory_space<vmem>>
    %dma_start3A_343 = tpu.memref_squeeze %dma_start3A_342 : memref<1x80xi32, #tpu.memory_space<vmem>> -> memref<80xi32, #tpu.memory_space<vmem>>
    %dma_start3A_344 = arith.constant 0 : i32
    %dma_start3A_345 = arith.constant 0 : i32
    %dma_start3A_346 = tpu.memref_slice %arg2[%dma_start3A_344, %dma_start3A_345] : memref<10000x128xf32, #tpu.memory_space<hbm>> -> memref<10000x128xf32, #tpu.memory_space<hbm>>
    tpu.enqueue_indirect_dma source(%dma_start3A_346 : memref<10000x128xf32, #tpu.memory_space<hbm>>) target(%arg7 : memref<80x128xf32, #tpu.memory_space<vmem>>) offsets(%dma_start3A_343 : memref<80xi32, #tpu.memory_space<vmem>>) semaphore(%arg14 : memref<!tpu.dma_semaphore, #tpu.memory_space<semaphore_mem>>)
    %dma_start3A_347 = arith.constant 6 : i32
    %dma_start3A_348 = arith.constant 0 : i32
    %dma_start3A_349 = tpu.memref_slice %arg10[%dma_start3A_347, %dma_start3A_348] : memref<8x80xi32, #tpu.memory_space<vmem>> -> memref<1x80xi32, #tpu.memory_space<vmem>>
    %dma_start3A_350 = arith.constant 0 : i32
    %dma_start3A_351 = arith.constant 0 : i32
    %dma_start3A_352 = tpu.memref_slice %arg3[%add3A, %dma_start3A_350, %dma_start3A_351] : memref<32x125x80xi32, #tpu.memory_space<hbm>> -> memref<1x125x80xi32, #tpu.memory_space<hbm>>
    %dma_start3A_353 = tpu.memref_squeeze %dma_start3A_352 : memref<1x125x80xi32, #tpu.memory_space<hbm>> -> memref<125x80xi32, #tpu.memory_space<hbm>>
    %dma_start3A_354 = arith.constant 6 : i32
    %dma_start3A_355 = arith.constant 0 : i32
    %dma_start3A_356 = tpu.memref_slice %dma_start3A_353[%dma_start3A_354, %dma_start3A_355] : memref<125x80xi32, #tpu.memory_space<hbm>> -> memref<1x80xi32, #tpu.memory_space<hbm>>
    %dma_start3A_357 = arith.constant 6 : i32
    %dma_start3A_358 = arith.constant 0 : i32
    %dma_start3A_359 = tpu.memref_slice %arg10[%dma_start3A_357, %dma_start3A_358] : memref<8x80xi32, #tpu.memory_space<vmem>> -> memref<1x80xi32, #tpu.memory_space<vmem>>
    %dma_start3A_360 = arith.constant 0 : i32
    %dma_start3A_361 = arith.constant 0 : i32
    %dma_start3A_362 = tpu.memref_slice %arg3[%add3A, %dma_start3A_360, %dma_start3A_361] : memref<32x125x80xi32, #tpu.memory_space<hbm>> -> memref<1x125x80xi32, #tpu.memory_space<hbm>>
    %dma_start3A_363 = tpu.memref_squeeze %dma_start3A_362 : memref<1x125x80xi32, #tpu.memory_space<hbm>> -> memref<125x80xi32, #tpu.memory_space<hbm>>
    %dma_start3A_364 = arith.constant 6 : i32
    %dma_start3A_365 = arith.constant 0 : i32
    %dma_start3A_366 = tpu.memref_slice %dma_start3A_363[%dma_start3A_364, %dma_start3A_365] : memref<125x80xi32, #tpu.memory_space<hbm>> -> memref<1x80xi32, #tpu.memory_space<hbm>>
    tpu.enqueue_dma source(%dma_start3A_366 : memref<1x80xi32, #tpu.memory_space<hbm>>) target(%dma_start3A_359 : memref<1x80xi32, #tpu.memory_space<vmem>>) target_semaphore(%arg19 : memref<!tpu.dma_semaphore, #tpu.memory_space<semaphore_mem>>)
    %dma_start3A_367 = arith.constant 6 : i32
    %dma_start3A_368 = arith.constant 0 : i32
    %dma_start3A_369 = tpu.memref_slice %arg11[%dma_start3A_367, %dma_start3A_368] : memref<8x80xi32, #tpu.memory_space<vmem>> -> memref<1x80xi32, #tpu.memory_space<vmem>>
    %dma_start3A_370 = arith.constant 0 : i32
    %dma_start3A_371 = arith.constant 0 : i32
    %dma_start3A_372 = tpu.memref_slice %arg4[%add3A, %dma_start3A_370, %dma_start3A_371] : memref<32x125x80xi32, #tpu.memory_space<hbm>> -> memref<1x125x80xi32, #tpu.memory_space<hbm>>
    %dma_start3A_373 = tpu.memref_squeeze %dma_start3A_372 : memref<1x125x80xi32, #tpu.memory_space<hbm>> -> memref<125x80xi32, #tpu.memory_space<hbm>>
    %dma_start3A_374 = arith.constant 6 : i32
    %dma_start3A_375 = arith.constant 0 : i32
    %dma_start3A_376 = tpu.memref_slice %dma_start3A_373[%dma_start3A_374, %dma_start3A_375] : memref<125x80xi32, #tpu.memory_space<hbm>> -> memref<1x80xi32, #tpu.memory_space<hbm>>
    %dma_start3A_377 = arith.constant 6 : i32
    %dma_start3A_378 = arith.constant 0 : i32
    %dma_start3A_379 = tpu.memref_slice %arg11[%dma_start3A_377, %dma_start3A_378] : memref<8x80xi32, #tpu.memory_space<vmem>> -> memref<1x80xi32, #tpu.memory_space<vmem>>
    %dma_start3A_380 = arith.constant 0 : i32
    %dma_start3A_381 = arith.constant 0 : i32
    %dma_start3A_382 = tpu.memref_slice %arg4[%add3A, %dma_start3A_380, %dma_start3A_381] : memref<32x125x80xi32, #tpu.memory_space<hbm>> -> memref<1x125x80xi32, #tpu.memory_space<hbm>>
    %dma_start3A_383 = tpu.memref_squeeze %dma_start3A_382 : memref<1x125x80xi32, #tpu.memory_space<hbm>> -> memref<125x80xi32, #tpu.memory_space<hbm>>
    %dma_start3A_384 = arith.constant 6 : i32
    %dma_start3A_385 = arith.constant 0 : i32
    %dma_start3A_386 = tpu.memref_slice %dma_start3A_383[%dma_start3A_384, %dma_start3A_385] : memref<125x80xi32, #tpu.memory_space<hbm>> -> memref<1x80xi32, #tpu.memory_space<hbm>>
    tpu.enqueue_dma source(%dma_start3A_386 : memref<1x80xi32, #tpu.memory_space<hbm>>) target(%dma_start3A_379 : memref<1x80xi32, #tpu.memory_space<vmem>>) target_semaphore(%arg19 : memref<!tpu.dma_semaphore, #tpu.memory_space<semaphore_mem>>)
    %dma_wait3A_387 = arith.constant 3 : i32
    %dma_wait3A_388 = arith.constant 0 : i32
    %dma_wait3A_389 = tpu.memref_slice %arg10[%dma_wait3A_387, %dma_wait3A_388] : memref<8x80xi32, #tpu.memory_space<vmem>> -> memref<1x80xi32, #tpu.memory_space<vmem>>
    %dma_wait3A_390 = tpu.memref_squeeze %dma_wait3A_389 : memref<1x80xi32, #tpu.memory_space<vmem>> -> memref<80xi32, #tpu.memory_space<vmem>>
    %dma_wait3A_391 = arith.constant 0 : i32
    %dma_wait3A_392 = arith.constant 0 : i32
    %dma_wait3A_393 = tpu.memref_slice %arg2[%dma_wait3A_391, %dma_wait3A_392] : memref<10000x128xf32, #tpu.memory_space<hbm>> -> memref<10000x128xf32, #tpu.memory_space<hbm>>
    tpu.wait_indirect_dma semaphore(%arg16 : memref<!tpu.dma_semaphore, #tpu.memory_space<semaphore_mem>>) src(%dma_wait3A_393 : memref<10000x128xf32, #tpu.memory_space<hbm>>) dst(%arg9 : memref<80x128xf32, #tpu.memory_space<vmem>>)
    %dma_wait3A_394 = arith.constant 2 : i32
    %dma_wait3A_395 = arith.constant 0 : i32
    %dma_wait3A_396 = tpu.memref_slice %arg11[%dma_wait3A_394, %dma_wait3A_395] : memref<8x80xi32, #tpu.memory_space<vmem>> -> memref<1x80xi32, #tpu.memory_space<vmem>>
    %dma_wait3A_397 = tpu.memref_squeeze %dma_wait3A_396 : memref<1x80xi32, #tpu.memory_space<vmem>> -> memref<80xi32, #tpu.memory_space<vmem>>
    %dma_wait3A_398 = arith.constant 0 : i32
    %dma_wait3A_399 = arith.constant 0 : i32
    %dma_wait3A_400 = tpu.memref_slice %arg12[%dma_wait3A_398, %dma_wait3A_399] : memref<10240x128xf32, #tpu.memory_space<vmem_shared>> -> memref<10240x128xf32, #tpu.memory_space<vmem_shared>>
    tpu.wait_indirect_dma semaphore(%arg17 : memref<!tpu.dma_semaphore, #tpu.memory_space<semaphore_mem>>) src(%arg8 : memref<80x128xf32, #tpu.memory_space<vmem>>) dst(%dma_wait3A_400 : memref<10240x128xf32, #tpu.memory_space<vmem_shared>>)
    %dma_start3A_401 = arith.constant 3 : i32
    %dma_start3A_402 = arith.constant 0 : i32
    %dma_start3A_403 = tpu.memref_slice %arg11[%dma_start3A_401, %dma_start3A_402] : memref<8x80xi32, #tpu.memory_space<vmem>> -> memref<1x80xi32, #tpu.memory_space<vmem>>
    %dma_start3A_404 = tpu.memref_squeeze %dma_start3A_403 : memref<1x80xi32, #tpu.memory_space<vmem>> -> memref<80xi32, #tpu.memory_space<vmem>>
    %dma_start3A_405 = arith.constant 0 : i32
    %dma_start3A_406 = arith.constant 0 : i32
    %dma_start3A_407 = tpu.memref_slice %arg12[%dma_start3A_405, %dma_start3A_406] : memref<10240x128xf32, #tpu.memory_space<vmem_shared>> -> memref<10240x128xf32, #tpu.memory_space<vmem_shared>>
    tpu.enqueue_indirect_dma source(%arg9 : memref<80x128xf32, #tpu.memory_space<vmem>>) target(%dma_start3A_407 : memref<10240x128xf32, #tpu.memory_space<vmem_shared>>) offsets(%dma_start3A_404 : memref<80xi32, #tpu.memory_space<vmem>>) semaphore(%arg18 : memref<!tpu.dma_semaphore, #tpu.memory_space<semaphore_mem>>) {add = true}
    %dma_wait3A_408 = arith.constant 6 : i32
    %dma_wait3A_409 = arith.constant 0 : i32
    %dma_wait3A_410 = tpu.memref_slice %arg10[%dma_wait3A_408, %dma_wait3A_409] : memref<8x80xi32, #tpu.memory_space<vmem>> -> memref<1x80xi32, #tpu.memory_space<vmem>>
    %dma_wait3A_411 = arith.constant 0 : i32
    %dma_wait3A_412 = arith.constant 0 : i32
    %dma_wait3A_413 = tpu.memref_slice %arg3[%add3A, %dma_wait3A_411, %dma_wait3A_412] : memref<32x125x80xi32, #tpu.memory_space<hbm>> -> memref<1x125x80xi32, #tpu.memory_space<hbm>>
    %dma_wait3A_414 = tpu.memref_squeeze %dma_wait3A_413 : memref<1x125x80xi32, #tpu.memory_space<hbm>> -> memref<125x80xi32, #tpu.memory_space<hbm>>
    %dma_wait3A_415 = arith.constant 6 : i32
    %dma_wait3A_416 = arith.constant 0 : i32
    %dma_wait3A_417 = tpu.memref_slice %dma_wait3A_414[%dma_wait3A_415, %dma_wait3A_416] : memref<125x80xi32, #tpu.memory_space<hbm>> -> memref<1x80xi32, #tpu.memory_space<hbm>>
    %dma_wait3A_418 = arith.constant 6 : i32
    %dma_wait3A_419 = arith.constant 0 : i32
    %dma_wait3A_420 = tpu.memref_slice %arg10[%dma_wait3A_418, %dma_wait3A_419] : memref<8x80xi32, #tpu.memory_space<vmem>> -> memref<1x80xi32, #tpu.memory_space<vmem>>
    %dma_wait3A_421 = arith.constant 0 : i32
    %dma_wait3A_422 = arith.constant 0 : i32
    %dma_wait3A_423 = tpu.memref_slice %arg3[%add3A, %dma_wait3A_421, %dma_wait3A_422] : memref<32x125x80xi32, #tpu.memory_space<hbm>> -> memref<1x125x80xi32, #tpu.memory_space<hbm>>
    %dma_wait3A_424 = tpu.memref_squeeze %dma_wait3A_423 : memref<1x125x80xi32, #tpu.memory_space<hbm>> -> memref<125x80xi32, #tpu.memory_space<hbm>>
    %dma_wait3A_425 = arith.constant 6 : i32
    %dma_wait3A_426 = arith.constant 0 : i32
    %dma_wait3A_427 = tpu.memref_slice %dma_wait3A_424[%dma_wait3A_425, %dma_wait3A_426] : memref<125x80xi32, #tpu.memory_space<hbm>> -> memref<1x80xi32, #tpu.memory_space<hbm>>
    tpu.wait_dma2 semaphore(%arg19 : memref<!tpu.dma_semaphore, #tpu.memory_space<semaphore_mem>>) src(%dma_wait3A_427 : memref<1x80xi32, #tpu.memory_space<hbm>>) dst(%dma_wait3A_420 : memref<1x80xi32, #tpu.memory_space<vmem>>)
    %dma_wait3A_428 = arith.constant 6 : i32
    %dma_wait3A_429 = arith.constant 0 : i32
    %dma_wait3A_430 = tpu.memref_slice %arg11[%dma_wait3A_428, %dma_wait3A_429] : memref<8x80xi32, #tpu.memory_space<vmem>> -> memref<1x80xi32, #tpu.memory_space<vmem>>
    %dma_wait3A_431 = arith.constant 0 : i32
    %dma_wait3A_432 = arith.constant 0 : i32
    %dma_wait3A_433 = tpu.memref_slice %arg4[%add3A, %dma_wait3A_431, %dma_wait3A_432] : memref<32x125x80xi32, #tpu.memory_space<hbm>> -> memref<1x125x80xi32, #tpu.memory_space<hbm>>
    %dma_wait3A_434 = tpu.memref_squeeze %dma_wait3A_433 : memref<1x125x80xi32, #tpu.memory_space<hbm>> -> memref<125x80xi32, #tpu.memory_space<hbm>>
    %dma_wait3A_435 = arith.constant 6 : i32
    %dma_wait3A_436 = arith.constant 0 : i32
    %dma_wait3A_437 = tpu.memref_slice %dma_wait3A_434[%dma_wait3A_435, %dma_wait3A_436] : memref<125x80xi32, #tpu.memory_space<hbm>> -> memref<1x80xi32, #tpu.memory_space<hbm>>
    %dma_wait3A_438 = arith.constant 6 : i32
    %dma_wait3A_439 = arith.constant 0 : i32
    %dma_wait3A_440 = tpu.memref_slice %arg11[%dma_wait3A_438, %dma_wait3A_439] : memref<8x80xi32, #tpu.memory_space<vmem>> -> memref<1x80xi32, #tpu.memory_space<vmem>>
    %dma_wait3A_441 = arith.constant 0 : i32
    %dma_wait3A_442 = arith.constant 0 : i32
    %dma_wait3A_443 = tpu.memref_slice %arg4[%add3A, %dma_wait3A_441, %dma_wait3A_442] : memref<32x125x80xi32, #tpu.memory_space<hbm>> -> memref<1x125x80xi32, #tpu.memory_space<hbm>>
    %dma_wait3A_444 = tpu.memref_squeeze %dma_wait3A_443 : memref<1x125x80xi32, #tpu.memory_space<hbm>> -> memref<125x80xi32, #tpu.memory_space<hbm>>
    %dma_wait3A_445 = arith.constant 6 : i32
    %dma_wait3A_446 = arith.constant 0 : i32
    %dma_wait3A_447 = tpu.memref_slice %dma_wait3A_444[%dma_wait3A_445, %dma_wait3A_446] : memref<125x80xi32, #tpu.memory_space<hbm>> -> memref<1x80xi32, #tpu.memory_space<hbm>>
    tpu.wait_dma2 semaphore(%arg19 : memref<!tpu.dma_semaphore, #tpu.memory_space<semaphore_mem>>) src(%dma_wait3A_447 : memref<1x80xi32, #tpu.memory_space<hbm>>) dst(%dma_wait3A_440 : memref<1x80xi32, #tpu.memory_space<vmem>>)
    %dma_start3A_448 = arith.constant 6 : i32
    %dma_start3A_449 = arith.constant 0 : i32
    %dma_start3A_450 = tpu.memref_slice %arg10[%dma_start3A_448, %dma_start3A_449] : memref<8x80xi32, #tpu.memory_space<vmem>> -> memref<1x80xi32, #tpu.memory_space<vmem>>
    %dma_start3A_451 = tpu.memref_squeeze %dma_start3A_450 : memref<1x80xi32, #tpu.memory_space<vmem>> -> memref<80xi32, #tpu.memory_space<vmem>>
    %dma_start3A_452 = arith.constant 0 : i32
    %dma_start3A_453 = arith.constant 0 : i32
    %dma_start3A_454 = tpu.memref_slice %arg2[%dma_start3A_452, %dma_start3A_453] : memref<10000x128xf32, #tpu.memory_space<hbm>> -> memref<10000x128xf32, #tpu.memory_space<hbm>>
    tpu.enqueue_indirect_dma source(%dma_start3A_454 : memref<10000x128xf32, #tpu.memory_space<hbm>>) target(%arg8 : memref<80x128xf32, #tpu.memory_space<vmem>>) offsets(%dma_start3A_451 : memref<80xi32, #tpu.memory_space<vmem>>) semaphore(%arg15 : memref<!tpu.dma_semaphore, #tpu.memory_space<semaphore_mem>>)
    %dma_start3A_455 = arith.constant 7 : i32
    %dma_start3A_456 = arith.constant 0 : i32
    %dma_start3A_457 = tpu.memref_slice %arg10[%dma_start3A_455, %dma_start3A_456] : memref<8x80xi32, #tpu.memory_space<vmem>> -> memref<1x80xi32, #tpu.memory_space<vmem>>
    %dma_start3A_458 = arith.constant 0 : i32
    %dma_start3A_459 = arith.constant 0 : i32
    %dma_start3A_460 = tpu.memref_slice %arg3[%add3A, %dma_start3A_458, %dma_start3A_459] : memref<32x125x80xi32, #tpu.memory_space<hbm>> -> memref<1x125x80xi32, #tpu.memory_space<hbm>>
    %dma_start3A_461 = tpu.memref_squeeze %dma_start3A_460 : memref<1x125x80xi32, #tpu.memory_space<hbm>> -> memref<125x80xi32, #tpu.memory_space<hbm>>
    %dma_start3A_462 = arith.constant 7 : i32
    %dma_start3A_463 = arith.constant 0 : i32
    %dma_start3A_464 = tpu.memref_slice %dma_start3A_461[%dma_start3A_462, %dma_start3A_463] : memref<125x80xi32, #tpu.memory_space<hbm>> -> memref<1x80xi32, #tpu.memory_space<hbm>>
    %dma_start3A_465 = arith.constant 7 : i32
    %dma_start3A_466 = arith.constant 0 : i32
    %dma_start3A_467 = tpu.memref_slice %arg10[%dma_start3A_465, %dma_start3A_466] : memref<8x80xi32, #tpu.memory_space<vmem>> -> memref<1x80xi32, #tpu.memory_space<vmem>>
    %dma_start3A_468 = arith.constant 0 : i32
    %dma_start3A_469 = arith.constant 0 : i32
    %dma_start3A_470 = tpu.memref_slice %arg3[%add3A, %dma_start3A_468, %dma_start3A_469] : memref<32x125x80xi32, #tpu.memory_space<hbm>> -> memref<1x125x80xi32, #tpu.memory_space<hbm>>
    %dma_start3A_471 = tpu.memref_squeeze %dma_start3A_470 : memref<1x125x80xi32, #tpu.memory_space<hbm>> -> memref<125x80xi32, #tpu.memory_space<hbm>>
    %dma_start3A_472 = arith.constant 7 : i32
    %dma_start3A_473 = arith.constant 0 : i32
    %dma_start3A_474 = tpu.memref_slice %dma_start3A_471[%dma_start3A_472, %dma_start3A_473] : memref<125x80xi32, #tpu.memory_space<hbm>> -> memref<1x80xi32, #tpu.memory_space<hbm>>
    tpu.enqueue_dma source(%dma_start3A_474 : memref<1x80xi32, #tpu.memory_space<hbm>>) target(%dma_start3A_467 : memref<1x80xi32, #tpu.memory_space<vmem>>) target_semaphore(%arg20 : memref<!tpu.dma_semaphore, #tpu.memory_space<semaphore_mem>>)
    %dma_start3A_475 = arith.constant 7 : i32
    %dma_start3A_476 = arith.constant 0 : i32
    %dma_start3A_477 = tpu.memref_slice %arg11[%dma_start3A_475, %dma_start3A_476] : memref<8x80xi32, #tpu.memory_space<vmem>> -> memref<1x80xi32, #tpu.memory_space<vmem>>
    %dma_start3A_478 = arith.constant 0 : i32
    %dma_start3A_479 = arith.constant 0 : i32
    %dma_start3A_480 = tpu.memref_slice %arg4[%add3A, %dma_start3A_478, %dma_start3A_479] : memref<32x125x80xi32, #tpu.memory_space<hbm>> -> memref<1x125x80xi32, #tpu.memory_space<hbm>>
    %dma_start3A_481 = tpu.memref_squeeze %dma_start3A_480 : memref<1x125x80xi32, #tpu.memory_space<hbm>> -> memref<125x80xi32, #tpu.memory_space<hbm>>
    %dma_start3A_482 = arith.constant 7 : i32
    %dma_start3A_483 = arith.constant 0 : i32
    %dma_start3A_484 = tpu.memref_slice %dma_start3A_481[%dma_start3A_482, %dma_start3A_483] : memref<125x80xi32, #tpu.memory_space<hbm>> -> memref<1x80xi32, #tpu.memory_space<hbm>>
    %dma_start3A_485 = arith.constant 7 : i32
    %dma_start3A_486 = arith.constant 0 : i32
    %dma_start3A_487 = tpu.memref_slice %arg11[%dma_start3A_485, %dma_start3A_486] : memref<8x80xi32, #tpu.memory_space<vmem>> -> memref<1x80xi32, #tpu.memory_space<vmem>>
    %dma_start3A_488 = arith.constant 0 : i32
    %dma_start3A_489 = arith.constant 0 : i32
    %dma_start3A_490 = tpu.memref_slice %arg4[%add3A, %dma_start3A_488, %dma_start3A_489] : memref<32x125x80xi32, #tpu.memory_space<hbm>> -> memref<1x125x80xi32, #tpu.memory_space<hbm>>
    %dma_start3A_491 = tpu.memref_squeeze %dma_start3A_490 : memref<1x125x80xi32, #tpu.memory_space<hbm>> -> memref<125x80xi32, #tpu.memory_space<hbm>>
    %dma_start3A_492 = arith.constant 7 : i32
    %dma_start3A_493 = arith.constant 0 : i32
    %dma_start3A_494 = tpu.memref_slice %dma_start3A_491[%dma_start3A_492, %dma_start3A_493] : memref<125x80xi32, #tpu.memory_space<hbm>> -> memref<1x80xi32, #tpu.memory_space<hbm>>
    tpu.enqueue_dma source(%dma_start3A_494 : memref<1x80xi32, #tpu.memory_space<hbm>>) target(%dma_start3A_487 : memref<1x80xi32, #tpu.memory_space<vmem>>) target_semaphore(%arg20 : memref<!tpu.dma_semaphore, #tpu.memory_space<semaphore_mem>>)
    %dma_wait3A_495 = arith.constant 4 : i32
    %dma_wait3A_496 = arith.constant 0 : i32
    %dma_wait3A_497 = tpu.memref_slice %arg10[%dma_wait3A_495, %dma_wait3A_496] : memref<8x80xi32, #tpu.memory_space<vmem>> -> memref<1x80xi32, #tpu.memory_space<vmem>>
    %dma_wait3A_498 = tpu.memref_squeeze %dma_wait3A_497 : memref<1x80xi32, #tpu.memory_space<vmem>> -> memref<80xi32, #tpu.memory_space<vmem>>
    %dma_wait3A_499 = arith.constant 0 : i32
    %dma_wait3A_500 = arith.constant 0 : i32
    %dma_wait3A_501 = tpu.memref_slice %arg2[%dma_wait3A_499, %dma_wait3A_500] : memref<10000x128xf32, #tpu.memory_space<hbm>> -> memref<10000x128xf32, #tpu.memory_space<hbm>>
    tpu.wait_indirect_dma semaphore(%arg13 : memref<!tpu.dma_semaphore, #tpu.memory_space<semaphore_mem>>) src(%dma_wait3A_501 : memref<10000x128xf32, #tpu.memory_space<hbm>>) dst(%arg6 : memref<80x128xf32, #tpu.memory_space<vmem>>)
    %dma_wait3A_502 = arith.constant 3 : i32
    %dma_wait3A_503 = arith.constant 0 : i32
    %dma_wait3A_504 = tpu.memref_slice %arg11[%dma_wait3A_502, %dma_wait3A_503] : memref<8x80xi32, #tpu.memory_space<vmem>> -> memref<1x80xi32, #tpu.memory_space<vmem>>
    %dma_wait3A_505 = tpu.memref_squeeze %dma_wait3A_504 : memref<1x80xi32, #tpu.memory_space<vmem>> -> memref<80xi32, #tpu.memory_space<vmem>>
    %dma_wait3A_506 = arith.constant 0 : i32
    %dma_wait3A_507 = arith.constant 0 : i32
    %dma_wait3A_508 = tpu.memref_slice %arg12[%dma_wait3A_506, %dma_wait3A_507] : memref<10240x128xf32, #tpu.memory_space<vmem_shared>> -> memref<10240x128xf32, #tpu.memory_space<vmem_shared>>
    tpu.wait_indirect_dma semaphore(%arg18 : memref<!tpu.dma_semaphore, #tpu.memory_space<semaphore_mem>>) src(%arg9 : memref<80x128xf32, #tpu.memory_space<vmem>>) dst(%dma_wait3A_508 : memref<10240x128xf32, #tpu.memory_space<vmem_shared>>)
    %dma_start3A_509 = arith.constant 4 : i32
    %dma_start3A_510 = arith.constant 0 : i32
    %dma_start3A_511 = tpu.memref_slice %arg11[%dma_start3A_509, %dma_start3A_510] : memref<8x80xi32, #tpu.memory_space<vmem>> -> memref<1x80xi32, #tpu.memory_space<vmem>>
    %dma_start3A_512 = tpu.memref_squeeze %dma_start3A_511 : memref<1x80xi32, #tpu.memory_space<vmem>> -> memref<80xi32, #tpu.memory_space<vmem>>
    %dma_start3A_513 = arith.constant 0 : i32
    %dma_start3A_514 = arith.constant 0 : i32
    %dma_start3A_515 = tpu.memref_slice %arg12[%dma_start3A_513, %dma_start3A_514] : memref<10240x128xf32, #tpu.memory_space<vmem_shared>> -> memref<10240x128xf32, #tpu.memory_space<vmem_shared>>
    tpu.enqueue_indirect_dma source(%arg6 : memref<80x128xf32, #tpu.memory_space<vmem>>) target(%dma_start3A_515 : memref<10240x128xf32, #tpu.memory_space<vmem_shared>>) offsets(%dma_start3A_512 : memref<80xi32, #tpu.memory_space<vmem>>) semaphore(%arg17 : memref<!tpu.dma_semaphore, #tpu.memory_space<semaphore_mem>>) {add = true}
    %dma_wait3A_516 = arith.constant 7 : i32
    %dma_wait3A_517 = arith.constant 0 : i32
    %dma_wait3A_518 = tpu.memref_slice %arg10[%dma_wait3A_516, %dma_wait3A_517] : memref<8x80xi32, #tpu.memory_space<vmem>> -> memref<1x80xi32, #tpu.memory_space<vmem>>
    %dma_wait3A_519 = arith.constant 0 : i32
    %dma_wait3A_520 = arith.constant 0 : i32
    %dma_wait3A_521 = tpu.memref_slice %arg3[%add3A, %dma_wait3A_519, %dma_wait3A_520] : memref<32x125x80xi32, #tpu.memory_space<hbm>> -> memref<1x125x80xi32, #tpu.memory_space<hbm>>
    %dma_wait3A_522 = tpu.memref_squeeze %dma_wait3A_521 : memref<1x125x80xi32, #tpu.memory_space<hbm>> -> memref<125x80xi32, #tpu.memory_space<hbm>>
    %dma_wait3A_523 = arith.constant 7 : i32
    %dma_wait3A_524 = arith.constant 0 : i32
    %dma_wait3A_525 = tpu.memref_slice %dma_wait3A_522[%dma_wait3A_523, %dma_wait3A_524] : memref<125x80xi32, #tpu.memory_space<hbm>> -> memref<1x80xi32, #tpu.memory_space<hbm>>
    %dma_wait3A_526 = arith.constant 7 : i32
    %dma_wait3A_527 = arith.constant 0 : i32
    %dma_wait3A_528 = tpu.memref_slice %arg10[%dma_wait3A_526, %dma_wait3A_527] : memref<8x80xi32, #tpu.memory_space<vmem>> -> memref<1x80xi32, #tpu.memory_space<vmem>>
    %dma_wait3A_529 = arith.constant 0 : i32
    %dma_wait3A_530 = arith.constant 0 : i32
    %dma_wait3A_531 = tpu.memref_slice %arg3[%add3A, %dma_wait3A_529, %dma_wait3A_530] : memref<32x125x80xi32, #tpu.memory_space<hbm>> -> memref<1x125x80xi32, #tpu.memory_space<hbm>>
    %dma_wait3A_532 = tpu.memref_squeeze %dma_wait3A_531 : memref<1x125x80xi32, #tpu.memory_space<hbm>> -> memref<125x80xi32, #tpu.memory_space<hbm>>
    %dma_wait3A_533 = arith.constant 7 : i32
    %dma_wait3A_534 = arith.constant 0 : i32
    %dma_wait3A_535 = tpu.memref_slice %dma_wait3A_532[%dma_wait3A_533, %dma_wait3A_534] : memref<125x80xi32, #tpu.memory_space<hbm>> -> memref<1x80xi32, #tpu.memory_space<hbm>>
    tpu.wait_dma2 semaphore(%arg20 : memref<!tpu.dma_semaphore, #tpu.memory_space<semaphore_mem>>) src(%dma_wait3A_535 : memref<1x80xi32, #tpu.memory_space<hbm>>) dst(%dma_wait3A_528 : memref<1x80xi32, #tpu.memory_space<vmem>>)
    %dma_wait3A_536 = arith.constant 7 : i32
    %dma_wait3A_537 = arith.constant 0 : i32
    %dma_wait3A_538 = tpu.memref_slice %arg11[%dma_wait3A_536, %dma_wait3A_537] : memref<8x80xi32, #tpu.memory_space<vmem>> -> memref<1x80xi32, #tpu.memory_space<vmem>>
    %dma_wait3A_539 = arith.constant 0 : i32
    %dma_wait3A_540 = arith.constant 0 : i32
    %dma_wait3A_541 = tpu.memref_slice %arg4[%add3A, %dma_wait3A_539, %dma_wait3A_540] : memref<32x125x80xi32, #tpu.memory_space<hbm>> -> memref<1x125x80xi32, #tpu.memory_space<hbm>>
    %dma_wait3A_542 = tpu.memref_squeeze %dma_wait3A_541 : memref<1x125x80xi32, #tpu.memory_space<hbm>> -> memref<125x80xi32, #tpu.memory_space<hbm>>
    %dma_wait3A_543 = arith.constant 7 : i32
    %dma_wait3A_544 = arith.constant 0 : i32
    %dma_wait3A_545 = tpu.memref_slice %dma_wait3A_542[%dma_wait3A_543, %dma_wait3A_544] : memref<125x80xi32, #tpu.memory_space<hbm>> -> memref<1x80xi32, #tpu.memory_space<hbm>>
    %dma_wait3A_546 = arith.constant 7 : i32
    %dma_wait3A_547 = arith.constant 0 : i32
    %dma_wait3A_548 = tpu.memref_slice %arg11[%dma_wait3A_546, %dma_wait3A_547] : memref<8x80xi32, #tpu.memory_space<vmem>> -> memref<1x80xi32, #tpu.memory_space<vmem>>
    %dma_wait3A_549 = arith.constant 0 : i32
    %dma_wait3A_550 = arith.constant 0 : i32
    %dma_wait3A_551 = tpu.memref_slice %arg4[%add3A, %dma_wait3A_549, %dma_wait3A_550] : memref<32x125x80xi32, #tpu.memory_space<hbm>> -> memref<1x125x80xi32, #tpu.memory_space<hbm>>
    %dma_wait3A_552 = tpu.memref_squeeze %dma_wait3A_551 : memref<1x125x80xi32, #tpu.memory_space<hbm>> -> memref<125x80xi32, #tpu.memory_space<hbm>>
    %dma_wait3A_553 = arith.constant 7 : i32
    %dma_wait3A_554 = arith.constant 0 : i32
    %dma_wait3A_555 = tpu.memref_slice %dma_wait3A_552[%dma_wait3A_553, %dma_wait3A_554] : memref<125x80xi32, #tpu.memory_space<hbm>> -> memref<1x80xi32, #tpu.memory_space<hbm>>
    tpu.wait_dma2 semaphore(%arg20 : memref<!tpu.dma_semaphore, #tpu.memory_space<semaphore_mem>>) src(%dma_wait3A_555 : memref<1x80xi32, #tpu.memory_space<hbm>>) dst(%dma_wait3A_548 : memref<1x80xi32, #tpu.memory_space<vmem>>)
    %dma_start3A_556 = arith.constant 7 : i32
    %dma_start3A_557 = arith.constant 0 : i32
    %dma_start3A_558 = tpu.memref_slice %arg10[%dma_start3A_556, %dma_start3A_557] : memref<8x80xi32, #tpu.memory_space<vmem>> -> memref<1x80xi32, #tpu.memory_space<vmem>>
    %dma_start3A_559 = tpu.memref_squeeze %dma_start3A_558 : memref<1x80xi32, #tpu.memory_space<vmem>> -> memref<80xi32, #tpu.memory_space<vmem>>
    %dma_start3A_560 = arith.constant 0 : i32
    %dma_start3A_561 = arith.constant 0 : i32
    %dma_start3A_562 = tpu.memref_slice %arg2[%dma_start3A_560, %dma_start3A_561] : memref<10000x128xf32, #tpu.memory_space<hbm>> -> memref<10000x128xf32, #tpu.memory_space<hbm>>
    tpu.enqueue_indirect_dma source(%dma_start3A_562 : memref<10000x128xf32, #tpu.memory_space<hbm>>) target(%arg9 : memref<80x128xf32, #tpu.memory_space<vmem>>) offsets(%dma_start3A_559 : memref<80xi32, #tpu.memory_space<vmem>>) semaphore(%arg16 : memref<!tpu.dma_semaphore, #tpu.memory_space<semaphore_mem>>)
    %dma_start3A_563 = arith.constant 0 : i32
    %dma_start3A_564 = arith.constant 0 : i32
    %dma_start3A_565 = tpu.memref_slice %arg10[%dma_start3A_563, %dma_start3A_564] : memref<8x80xi32, #tpu.memory_space<vmem>> -> memref<1x80xi32, #tpu.memory_space<vmem>>
    %dma_start3A_566 = arith.constant 0 : i32
    %dma_start3A_567 = arith.constant 0 : i32
    %dma_start3A_568 = tpu.memref_slice %arg3[%add3A, %dma_start3A_566, %dma_start3A_567] : memref<32x125x80xi32, #tpu.memory_space<hbm>> -> memref<1x125x80xi32, #tpu.memory_space<hbm>>
    %dma_start3A_569 = tpu.memref_squeeze %dma_start3A_568 : memref<1x125x80xi32, #tpu.memory_space<hbm>> -> memref<125x80xi32, #tpu.memory_space<hbm>>
    %dma_start3A_570 = arith.constant 8 : i32
    %dma_start3A_571 = arith.constant 0 : i32
    %dma_start3A_572 = tpu.memref_slice %dma_start3A_569[%dma_start3A_570, %dma_start3A_571] : memref<125x80xi32, #tpu.memory_space<hbm>> -> memref<1x80xi32, #tpu.memory_space<hbm>>
    %dma_start3A_573 = arith.constant 0 : i32
    %dma_start3A_574 = arith.constant 0 : i32
    %dma_start3A_575 = tpu.memref_slice %arg10[%dma_start3A_573, %dma_start3A_574] : memref<8x80xi32, #tpu.memory_space<vmem>> -> memref<1x80xi32, #tpu.memory_space<vmem>>
    %dma_start3A_576 = arith.constant 0 : i32
    %dma_start3A_577 = arith.constant 0 : i32
    %dma_start3A_578 = tpu.memref_slice %arg3[%add3A, %dma_start3A_576, %dma_start3A_577] : memref<32x125x80xi32, #tpu.memory_space<hbm>> -> memref<1x125x80xi32, #tpu.memory_space<hbm>>
    %dma_start3A_579 = tpu.memref_squeeze %dma_start3A_578 : memref<1x125x80xi32, #tpu.memory_space<hbm>> -> memref<125x80xi32, #tpu.memory_space<hbm>>
    %dma_start3A_580 = arith.constant 8 : i32
    %dma_start3A_581 = arith.constant 0 : i32
    %dma_start3A_582 = tpu.memref_slice %dma_start3A_579[%dma_start3A_580, %dma_start3A_581] : memref<125x80xi32, #tpu.memory_space<hbm>> -> memref<1x80xi32, #tpu.memory_space<hbm>>
    tpu.enqueue_dma source(%dma_start3A_582 : memref<1x80xi32, #tpu.memory_space<hbm>>) target(%dma_start3A_575 : memref<1x80xi32, #tpu.memory_space<vmem>>) target_semaphore(%arg19 : memref<!tpu.dma_semaphore, #tpu.memory_space<semaphore_mem>>)
    %dma_start3A_583 = arith.constant 0 : i32
    %dma_start3A_584 = arith.constant 0 : i32
    %dma_start3A_585 = tpu.memref_slice %arg11[%dma_start3A_583, %dma_start3A_584] : memref<8x80xi32, #tpu.memory_space<vmem>> -> memref<1x80xi32, #tpu.memory_space<vmem>>
    %dma_start3A_586 = arith.constant 0 : i32
    %dma_start3A_587 = arith.constant 0 : i32
    %dma_start3A_588 = tpu.memref_slice %arg4[%add3A, %dma_start3A_586, %dma_start3A_587] : memref<32x125x80xi32, #tpu.memory_space<hbm>> -> memref<1x125x80xi32, #tpu.memory_space<hbm>>
    %dma_start3A_589 = tpu.memref_squeeze %dma_start3A_588 : memref<1x125x80xi32, #tpu.memory_space<hbm>> -> memref<125x80xi32, #tpu.memory_space<hbm>>
    %dma_start3A_590 = arith.constant 8 : i32
    %dma_start3A_591 = arith.constant 0 : i32
    %dma_start3A_592 = tpu.memref_slice %dma_start3A_589[%dma_start3A_590, %dma_start3A_591] : memref<125x80xi32, #tpu.memory_space<hbm>> -> memref<1x80xi32, #tpu.memory_space<hbm>>
    %dma_start3A_593 = arith.constant 0 : i32
    %dma_start3A_594 = arith.constant 0 : i32
    %dma_start3A_595 = tpu.memref_slice %arg11[%dma_start3A_593, %dma_start3A_594] : memref<8x80xi32, #tpu.memory_space<vmem>> -> memref<1x80xi32, #tpu.memory_space<vmem>>
    %dma_start3A_596 = arith.constant 0 : i32
    %dma_start3A_597 = arith.constant 0 : i32
    %dma_start3A_598 = tpu.memref_slice %arg4[%add3A, %dma_start3A_596, %dma_start3A_597] : memref<32x125x80xi32, #tpu.memory_space<hbm>> -> memref<1x125x80xi32, #tpu.memory_space<hbm>>
    %dma_start3A_599 = tpu.memref_squeeze %dma_start3A_598 : memref<1x125x80xi32, #tpu.memory_space<hbm>> -> memref<125x80xi32, #tpu.memory_space<hbm>>
    %dma_start3A_600 = arith.constant 8 : i32
    %dma_start3A_601 = arith.constant 0 : i32
    %dma_start3A_602 = tpu.memref_slice %dma_start3A_599[%dma_start3A_600, %dma_start3A_601] : memref<125x80xi32, #tpu.memory_space<hbm>> -> memref<1x80xi32, #tpu.memory_space<hbm>>
    tpu.enqueue_dma source(%dma_start3A_602 : memref<1x80xi32, #tpu.memory_space<hbm>>) target(%dma_start3A_595 : memref<1x80xi32, #tpu.memory_space<vmem>>) target_semaphore(%arg19 : memref<!tpu.dma_semaphore, #tpu.memory_space<semaphore_mem>>)
    %dma_wait3A_603 = arith.constant 5 : i32
    %dma_wait3A_604 = arith.constant 0 : i32
    %dma_wait3A_605 = tpu.memref_slice %arg10[%dma_wait3A_603, %dma_wait3A_604] : memref<8x80xi32, #tpu.memory_space<vmem>> -> memref<1x80xi32, #tpu.memory_space<vmem>>
    %dma_wait3A_606 = tpu.memref_squeeze %dma_wait3A_605 : memref<1x80xi32, #tpu.memory_space<vmem>> -> memref<80xi32, #tpu.memory_space<vmem>>
    %dma_wait3A_607 = arith.constant 0 : i32
    %dma_wait3A_608 = arith.constant 0 : i32
    %dma_wait3A_609 = tpu.memref_slice %arg2[%dma_wait3A_607, %dma_wait3A_608] : memref<10000x128xf32, #tpu.memory_space<hbm>> -> memref<10000x128xf32, #tpu.memory_space<hbm>>
    tpu.wait_indirect_dma semaphore(%arg14 : memref<!tpu.dma_semaphore, #tpu.memory_space<semaphore_mem>>) src(%dma_wait3A_609 : memref<10000x128xf32, #tpu.memory_space<hbm>>) dst(%arg7 : memref<80x128xf32, #tpu.memory_space<vmem>>)
    %dma_wait3A_610 = arith.constant 4 : i32
    %dma_wait3A_611 = arith.constant 0 : i32
    %dma_wait3A_612 = tpu.memref_slice %arg11[%dma_wait3A_610, %dma_wait3A_611] : memref<8x80xi32, #tpu.memory_space<vmem>> -> memref<1x80xi32, #tpu.memory_space<vmem>>
    %dma_wait3A_613 = tpu.memref_squeeze %dma_wait3A_612 : memref<1x80xi32, #tpu.memory_space<vmem>> -> memref<80xi32, #tpu.memory_space<vmem>>
    %dma_wait3A_614 = arith.constant 0 : i32
    %dma_wait3A_615 = arith.constant 0 : i32
    %dma_wait3A_616 = tpu.memref_slice %arg12[%dma_wait3A_614, %dma_wait3A_615] : memref<10240x128xf32, #tpu.memory_space<vmem_shared>> -> memref<10240x128xf32, #tpu.memory_space<vmem_shared>>
    tpu.wait_indirect_dma semaphore(%arg17 : memref<!tpu.dma_semaphore, #tpu.memory_space<semaphore_mem>>) src(%arg6 : memref<80x128xf32, #tpu.memory_space<vmem>>) dst(%dma_wait3A_616 : memref<10240x128xf32, #tpu.memory_space<vmem_shared>>)
    %dma_start3A_617 = arith.constant 5 : i32
    %dma_start3A_618 = arith.constant 0 : i32
    %dma_start3A_619 = tpu.memref_slice %arg11[%dma_start3A_617, %dma_start3A_618] : memref<8x80xi32, #tpu.memory_space<vmem>> -> memref<1x80xi32, #tpu.memory_space<vmem>>
    %dma_start3A_620 = tpu.memref_squeeze %dma_start3A_619 : memref<1x80xi32, #tpu.memory_space<vmem>> -> memref<80xi32, #tpu.memory_space<vmem>>
    %dma_start3A_621 = arith.constant 0 : i32
    %dma_start3A_622 = arith.constant 0 : i32
    %dma_start3A_623 = tpu.memref_slice %arg12[%dma_start3A_621, %dma_start3A_622] : memref<10240x128xf32, #tpu.memory_space<vmem_shared>> -> memref<10240x128xf32, #tpu.memory_space<vmem_shared>>
    tpu.enqueue_indirect_dma source(%arg7 : memref<80x128xf32, #tpu.memory_space<vmem>>) target(%dma_start3A_623 : memref<10240x128xf32, #tpu.memory_space<vmem_shared>>) offsets(%dma_start3A_620 : memref<80xi32, #tpu.memory_space<vmem>>) semaphore(%arg18 : memref<!tpu.dma_semaphore, #tpu.memory_space<semaphore_mem>>) {add = true}
    %dma_wait3A_624 = arith.constant 0 : i32
    %dma_wait3A_625 = arith.constant 0 : i32
    %dma_wait3A_626 = tpu.memref_slice %arg10[%dma_wait3A_624, %dma_wait3A_625] : memref<8x80xi32, #tpu.memory_space<vmem>> -> memref<1x80xi32, #tpu.memory_space<vmem>>
    %dma_wait3A_627 = arith.constant 0 : i32
    %dma_wait3A_628 = arith.constant 0 : i32
    %dma_wait3A_629 = tpu.memref_slice %arg3[%add3A, %dma_wait3A_627, %dma_wait3A_628] : memref<32x125x80xi32, #tpu.memory_space<hbm>> -> memref<1x125x80xi32, #tpu.memory_space<hbm>>
    %dma_wait3A_630 = tpu.memref_squeeze %dma_wait3A_629 : memref<1x125x80xi32, #tpu.memory_space<hbm>> -> memref<125x80xi32, #tpu.memory_space<hbm>>
    %dma_wait3A_631 = arith.constant 8 : i32
    %dma_wait3A_632 = arith.constant 0 : i32
    %dma_wait3A_633 = tpu.memref_slice %dma_wait3A_630[%dma_wait3A_631, %dma_wait3A_632] : memref<125x80xi32, #tpu.memory_space<hbm>> -> memref<1x80xi32, #tpu.memory_space<hbm>>
    %dma_wait3A_634 = arith.constant 0 : i32
    %dma_wait3A_635 = arith.constant 0 : i32
    %dma_wait3A_636 = tpu.memref_slice %arg10[%dma_wait3A_634, %dma_wait3A_635] : memref<8x80xi32, #tpu.memory_space<vmem>> -> memref<1x80xi32, #tpu.memory_space<vmem>>
    %dma_wait3A_637 = arith.constant 0 : i32
    %dma_wait3A_638 = arith.constant 0 : i32
    %dma_wait3A_639 = tpu.memref_slice %arg3[%add3A, %dma_wait3A_637, %dma_wait3A_638] : memref<32x125x80xi32, #tpu.memory_space<hbm>> -> memref<1x125x80xi32, #tpu.memory_space<hbm>>
    %dma_wait3A_640 = tpu.memref_squeeze %dma_wait3A_639 : memref<1x125x80xi32, #tpu.memory_space<hbm>> -> memref<125x80xi32, #tpu.memory_space<hbm>>
    %dma_wait3A_641 = arith.constant 8 : i32
    %dma_wait3A_642 = arith.constant 0 : i32
    %dma_wait3A_643 = tpu.memref_slice %dma_wait3A_640[%dma_wait3A_641, %dma_wait3A_642] : memref<125x80xi32, #tpu.memory_space<hbm>> -> memref<1x80xi32, #tpu.memory_space<hbm>>
    tpu.wait_dma2 semaphore(%arg19 : memref<!tpu.dma_semaphore, #tpu.memory_space<semaphore_mem>>) src(%dma_wait3A_643 : memref<1x80xi32, #tpu.memory_space<hbm>>) dst(%dma_wait3A_636 : memref<1x80xi32, #tpu.memory_space<vmem>>)
    %dma_wait3A_644 = arith.constant 0 : i32
    %dma_wait3A_645 = arith.constant 0 : i32
    %dma_wait3A_646 = tpu.memref_slice %arg11[%dma_wait3A_644, %dma_wait3A_645] : memref<8x80xi32, #tpu.memory_space<vmem>> -> memref<1x80xi32, #tpu.memory_space<vmem>>
    %dma_wait3A_647 = arith.constant 0 : i32
    %dma_wait3A_648 = arith.constant 0 : i32
    %dma_wait3A_649 = tpu.memref_slice %arg4[%add3A, %dma_wait3A_647, %dma_wait3A_648] : memref<32x125x80xi32, #tpu.memory_space<hbm>> -> memref<1x125x80xi32, #tpu.memory_space<hbm>>
    %dma_wait3A_650 = tpu.memref_squeeze %dma_wait3A_649 : memref<1x125x80xi32, #tpu.memory_space<hbm>> -> memref<125x80xi32, #tpu.memory_space<hbm>>
    %dma_wait3A_651 = arith.constant 8 : i32
    %dma_wait3A_652 = arith.constant 0 : i32
    %dma_wait3A_653 = tpu.memref_slice %dma_wait3A_650[%dma_wait3A_651, %dma_wait3A_652] : memref<125x80xi32, #tpu.memory_space<hbm>> -> memref<1x80xi32, #tpu.memory_space<hbm>>
    %dma_wait3A_654 = arith.constant 0 : i32
    %dma_wait3A_655 = arith.constant 0 : i32
    %dma_wait3A_656 = tpu.memref_slice %arg11[%dma_wait3A_654, %dma_wait3A_655] : memref<8x80xi32, #tpu.memory_space<vmem>> -> memref<1x80xi32, #tpu.memory_space<vmem>>
    %dma_wait3A_657 = arith.constant 0 : i32
    %dma_wait3A_658 = arith.constant 0 : i32
    %dma_wait3A_659 = tpu.memref_slice %arg4[%add3A, %dma_wait3A_657, %dma_wait3A_658] : memref<32x125x80xi32, #tpu.memory_space<hbm>> -> memref<1x125x80xi32, #tpu.memory_space<hbm>>
    %dma_wait3A_660 = tpu.memref_squeeze %dma_wait3A_659 : memref<1x125x80xi32, #tpu.memory_space<hbm>> -> memref<125x80xi32, #tpu.memory_space<hbm>>
    %dma_wait3A_661 = arith.constant 8 : i32
    %dma_wait3A_662 = arith.constant 0 : i32
    %dma_wait3A_663 = tpu.memref_slice %dma_wait3A_660[%dma_wait3A_661, %dma_wait3A_662] : memref<125x80xi32, #tpu.memory_space<hbm>> -> memref<1x80xi32, #tpu.memory_space<hbm>>
    tpu.wait_dma2 semaphore(%arg19 : memref<!tpu.dma_semaphore, #tpu.memory_space<semaphore_mem>>) src(%dma_wait3A_663 : memref<1x80xi32, #tpu.memory_space<hbm>>) dst(%dma_wait3A_656 : memref<1x80xi32, #tpu.memory_space<vmem>>)
    %dma_start3A_664 = arith.constant 0 : i32
    %dma_start3A_665 = arith.constant 0 : i32
    %dma_start3A_666 = tpu.memref_slice %arg10[%dma_start3A_664, %dma_start3A_665] : memref<8x80xi32, #tpu.memory_space<vmem>> -> memref<1x80xi32, #tpu.memory_space<vmem>>
    %dma_start3A_667 = tpu.memref_squeeze %dma_start3A_666 : memref<1x80xi32, #tpu.memory_space<vmem>> -> memref<80xi32, #tpu.memory_space<vmem>>
    %dma_start3A_668 = arith.constant 0 : i32
    %dma_start3A_669 = arith.constant 0 : i32
    %dma_start3A_670 = tpu.memref_slice %arg2[%dma_start3A_668, %dma_start3A_669] : memref<10000x128xf32, #tpu.memory_space<hbm>> -> memref<10000x128xf32, #tpu.memory_space<hbm>>
    tpu.enqueue_indirect_dma source(%dma_start3A_670 : memref<10000x128xf32, #tpu.memory_space<hbm>>) target(%arg6 : memref<80x128xf32, #tpu.memory_space<vmem>>) offsets(%dma_start3A_667 : memref<80xi32, #tpu.memory_space<vmem>>) semaphore(%arg13 : memref<!tpu.dma_semaphore, #tpu.memory_space<semaphore_mem>>)
    %dma_start3A_671 = arith.constant 1 : i32
    %dma_start3A_672 = arith.constant 0 : i32
    %dma_start3A_673 = tpu.memref_slice %arg10[%dma_start3A_671, %dma_start3A_672] : memref<8x80xi32, #tpu.memory_space<vmem>> -> memref<1x80xi32, #tpu.memory_space<vmem>>
    %dma_start3A_674 = arith.constant 0 : i32
    %dma_start3A_675 = arith.constant 0 : i32
    %dma_start3A_676 = tpu.memref_slice %arg3[%add3A, %dma_start3A_674, %dma_start3A_675] : memref<32x125x80xi32, #tpu.memory_space<hbm>> -> memref<1x125x80xi32, #tpu.memory_space<hbm>>
    %dma_start3A_677 = tpu.memref_squeeze %dma_start3A_676 : memref<1x125x80xi32, #tpu.memory_space<hbm>> -> memref<125x80xi32, #tpu.memory_space<hbm>>
    %dma_start3A_678 = arith.constant 9 : i32
    %dma_start3A_679 = arith.constant 0 : i32
    %dma_start3A_680 = tpu.memref_slice %dma_start3A_677[%dma_start3A_678, %dma_start3A_679] : memref<125x80xi32, #tpu.memory_space<hbm>> -> memref<1x80xi32, #tpu.memory_space<hbm>>
    %dma_start3A_681 = arith.constant 1 : i32
    %dma_start3A_682 = arith.constant 0 : i32
    %dma_start3A_683 = tpu.memref_slice %arg10[%dma_start3A_681, %dma_start3A_682] : memref<8x80xi32, #tpu.memory_space<vmem>> -> memref<1x80xi32, #tpu.memory_space<vmem>>
    %dma_start3A_684 = arith.constant 0 : i32
    %dma_start3A_685 = arith.constant 0 : i32
    %dma_start3A_686 = tpu.memref_slice %arg3[%add3A, %dma_start3A_684, %dma_start3A_685] : memref<32x125x80xi32, #tpu.memory_space<hbm>> -> memref<1x125x80xi32, #tpu.memory_space<hbm>>
    %dma_start3A_687 = tpu.memref_squeeze %dma_start3A_686 : memref<1x125x80xi32, #tpu.memory_space<hbm>> -> memref<125x80xi32, #tpu.memory_space<hbm>>
    %dma_start3A_688 = arith.constant 9 : i32
    %dma_start3A_689 = arith.constant 0 : i32
    %dma_start3A_690 = tpu.memref_slice %dma_start3A_687[%dma_start3A_688, %dma_start3A_689] : memref<125x80xi32, #tpu.memory_space<hbm>> -> memref<1x80xi32, #tpu.memory_space<hbm>>
    tpu.enqueue_dma source(%dma_start3A_690 : memref<1x80xi32, #tpu.memory_space<hbm>>) target(%dma_start3A_683 : memref<1x80xi32, #tpu.memory_space<vmem>>) target_semaphore(%arg20 : memref<!tpu.dma_semaphore, #tpu.memory_space<semaphore_mem>>)
    %dma_start3A_691 = arith.constant 1 : i32
    %dma_start3A_692 = arith.constant 0 : i32
    %dma_start3A_693 = tpu.memref_slice %arg11[%dma_start3A_691, %dma_start3A_692] : memref<8x80xi32, #tpu.memory_space<vmem>> -> memref<1x80xi32, #tpu.memory_space<vmem>>
    %dma_start3A_694 = arith.constant 0 : i32
    %dma_start3A_695 = arith.constant 0 : i32
    %dma_start3A_696 = tpu.memref_slice %arg4[%add3A, %dma_start3A_694, %dma_start3A_695] : memref<32x125x80xi32, #tpu.memory_space<hbm>> -> memref<1x125x80xi32, #tpu.memory_space<hbm>>
    %dma_start3A_697 = tpu.memref_squeeze %dma_start3A_696 : memref<1x125x80xi32, #tpu.memory_space<hbm>> -> memref<125x80xi32, #tpu.memory_space<hbm>>
    %dma_start3A_698 = arith.constant 9 : i32
    %dma_start3A_699 = arith.constant 0 : i32
    %dma_start3A_700 = tpu.memref_slice %dma_start3A_697[%dma_start3A_698, %dma_start3A_699] : memref<125x80xi32, #tpu.memory_space<hbm>> -> memref<1x80xi32, #tpu.memory_space<hbm>>
    %dma_start3A_701 = arith.constant 1 : i32
    %dma_start3A_702 = arith.constant 0 : i32
    %dma_start3A_703 = tpu.memref_slice %arg11[%dma_start3A_701, %dma_start3A_702] : memref<8x80xi32, #tpu.memory_space<vmem>> -> memref<1x80xi32, #tpu.memory_space<vmem>>
    %dma_start3A_704 = arith.constant 0 : i32
    %dma_start3A_705 = arith.constant 0 : i32
    %dma_start3A_706 = tpu.memref_slice %arg4[%add3A, %dma_start3A_704, %dma_start3A_705] : memref<32x125x80xi32, #tpu.memory_space<hbm>> -> memref<1x125x80xi32, #tpu.memory_space<hbm>>
    %dma_start3A_707 = tpu.memref_squeeze %dma_start3A_706 : memref<1x125x80xi32, #tpu.memory_space<hbm>> -> memref<125x80xi32, #tpu.memory_space<hbm>>
    %dma_start3A_708 = arith.constant 9 : i32
    %dma_start3A_709 = arith.constant 0 : i32
    %dma_start3A_710 = tpu.memref_slice %dma_start3A_707[%dma_start3A_708, %dma_start3A_709] : memref<125x80xi32, #tpu.memory_space<hbm>> -> memref<1x80xi32, #tpu.memory_space<hbm>>
    tpu.enqueue_dma source(%dma_start3A_710 : memref<1x80xi32, #tpu.memory_space<hbm>>) target(%dma_start3A_703 : memref<1x80xi32, #tpu.memory_space<vmem>>) target_semaphore(%arg20 : memref<!tpu.dma_semaphore, #tpu.memory_space<semaphore_mem>>)
    %dma_wait3A_711 = arith.constant 6 : i32
    %dma_wait3A_712 = arith.constant 0 : i32
    %dma_wait3A_713 = tpu.memref_slice %arg10[%dma_wait3A_711, %dma_wait3A_712] : memref<8x80xi32, #tpu.memory_space<vmem>> -> memref<1x80xi32, #tpu.memory_space<vmem>>
    %dma_wait3A_714 = tpu.memref_squeeze %dma_wait3A_713 : memref<1x80xi32, #tpu.memory_space<vmem>> -> memref<80xi32, #tpu.memory_space<vmem>>
    %dma_wait3A_715 = arith.constant 0 : i32
    %dma_wait3A_716 = arith.constant 0 : i32
    %dma_wait3A_717 = tpu.memref_slice %arg2[%dma_wait3A_715, %dma_wait3A_716] : memref<10000x128xf32, #tpu.memory_space<hbm>> -> memref<10000x128xf32, #tpu.memory_space<hbm>>
    tpu.wait_indirect_dma semaphore(%arg15 : memref<!tpu.dma_semaphore, #tpu.memory_space<semaphore_mem>>) src(%dma_wait3A_717 : memref<10000x128xf32, #tpu.memory_space<hbm>>) dst(%arg8 : memref<80x128xf32, #tpu.memory_space<vmem>>)
    %dma_wait3A_718 = arith.constant 5 : i32
    %dma_wait3A_719 = arith.constant 0 : i32
    %dma_wait3A_720 = tpu.memref_slice %arg11[%dma_wait3A_718, %dma_wait3A_719] : memref<8x80xi32, #tpu.memory_space<vmem>> -> memref<1x80xi32, #tpu.memory_space<vmem>>
    %dma_wait3A_721 = tpu.memref_squeeze %dma_wait3A_720 : memref<1x80xi32, #tpu.memory_space<vmem>> -> memref<80xi32, #tpu.memory_space<vmem>>
    %dma_wait3A_722 = arith.constant 0 : i32
    %dma_wait3A_723 = arith.constant 0 : i32
    %dma_wait3A_724 = tpu.memref_slice %arg12[%dma_wait3A_722, %dma_wait3A_723] : memref<10240x128xf32, #tpu.memory_space<vmem_shared>> -> memref<10240x128xf32, #tpu.memory_space<vmem_shared>>
    tpu.wait_indirect_dma semaphore(%arg18 : memref<!tpu.dma_semaphore, #tpu.memory_space<semaphore_mem>>) src(%arg7 : memref<80x128xf32, #tpu.memory_space<vmem>>) dst(%dma_wait3A_724 : memref<10240x128xf32, #tpu.memory_space<vmem_shared>>)
    %dma_start3A_725 = arith.constant 6 : i32
    %dma_start3A_726 = arith.constant 0 : i32
    %dma_start3A_727 = tpu.memref_slice %arg11[%dma_start3A_725, %dma_start3A_726] : memref<8x80xi32, #tpu.memory_space<vmem>> -> memref<1x80xi32, #tpu.memory_space<vmem>>
    %dma_start3A_728 = tpu.memref_squeeze %dma_start3A_727 : memref<1x80xi32, #tpu.memory_space<vmem>> -> memref<80xi32, #tpu.memory_space<vmem>>
    %dma_start3A_729 = arith.constant 0 : i32
    %dma_start3A_730 = arith.constant 0 : i32
    %dma_start3A_731 = tpu.memref_slice %arg12[%dma_start3A_729, %dma_start3A_730] : memref<10240x128xf32, #tpu.memory_space<vmem_shared>> -> memref<10240x128xf32, #tpu.memory_space<vmem_shared>>
    tpu.enqueue_indirect_dma source(%arg8 : memref<80x128xf32, #tpu.memory_space<vmem>>) target(%dma_start3A_731 : memref<10240x128xf32, #tpu.memory_space<vmem_shared>>) offsets(%dma_start3A_728 : memref<80xi32, #tpu.memory_space<vmem>>) semaphore(%arg17 : memref<!tpu.dma_semaphore, #tpu.memory_space<semaphore_mem>>) {add = true}
    %dma_wait3A_732 = arith.constant 1 : i32
    %dma_wait3A_733 = arith.constant 0 : i32
    %dma_wait3A_734 = tpu.memref_slice %arg10[%dma_wait3A_732, %dma_wait3A_733] : memref<8x80xi32, #tpu.memory_space<vmem>> -> memref<1x80xi32, #tpu.memory_space<vmem>>
    %dma_wait3A_735 = arith.constant 0 : i32
    %dma_wait3A_736 = arith.constant 0 : i32
    %dma_wait3A_737 = tpu.memref_slice %arg3[%add3A, %dma_wait3A_735, %dma_wait3A_736] : memref<32x125x80xi32, #tpu.memory_space<hbm>> -> memref<1x125x80xi32, #tpu.memory_space<hbm>>
    %dma_wait3A_738 = tpu.memref_squeeze %dma_wait3A_737 : memref<1x125x80xi32, #tpu.memory_space<hbm>> -> memref<125x80xi32, #tpu.memory_space<hbm>>
    %dma_wait3A_739 = arith.constant 9 : i32
    %dma_wait3A_740 = arith.constant 0 : i32
    %dma_wait3A_741 = tpu.memref_slice %dma_wait3A_738[%dma_wait3A_739, %dma_wait3A_740] : memref<125x80xi32, #tpu.memory_space<hbm>> -> memref<1x80xi32, #tpu.memory_space<hbm>>
    %dma_wait3A_742 = arith.constant 1 : i32
    %dma_wait3A_743 = arith.constant 0 : i32
    %dma_wait3A_744 = tpu.memref_slice %arg10[%dma_wait3A_742, %dma_wait3A_743] : memref<8x80xi32, #tpu.memory_space<vmem>> -> memref<1x80xi32, #tpu.memory_space<vmem>>
    %dma_wait3A_745 = arith.constant 0 : i32
    %dma_wait3A_746 = arith.constant 0 : i32
    %dma_wait3A_747 = tpu.memref_slice %arg3[%add3A, %dma_wait3A_745, %dma_wait3A_746] : memref<32x125x80xi32, #tpu.memory_space<hbm>> -> memref<1x125x80xi32, #tpu.memory_space<hbm>>
    %dma_wait3A_748 = tpu.memref_squeeze %dma_wait3A_747 : memref<1x125x80xi32, #tpu.memory_space<hbm>> -> memref<125x80xi32, #tpu.memory_space<hbm>>
    %dma_wait3A_749 = arith.constant 9 : i32
    %dma_wait3A_750 = arith.constant 0 : i32
    %dma_wait3A_751 = tpu.memref_slice %dma_wait3A_748[%dma_wait3A_749, %dma_wait3A_750] : memref<125x80xi32, #tpu.memory_space<hbm>> -> memref<1x80xi32, #tpu.memory_space<hbm>>
    tpu.wait_dma2 semaphore(%arg20 : memref<!tpu.dma_semaphore, #tpu.memory_space<semaphore_mem>>) src(%dma_wait3A_751 : memref<1x80xi32, #tpu.memory_space<hbm>>) dst(%dma_wait3A_744 : memref<1x80xi32, #tpu.memory_space<vmem>>)
    %dma_wait3A_752 = arith.constant 1 : i32
    %dma_wait3A_753 = arith.constant 0 : i32
    %dma_wait3A_754 = tpu.memref_slice %arg11[%dma_wait3A_752, %dma_wait3A_753] : memref<8x80xi32, #tpu.memory_space<vmem>> -> memref<1x80xi32, #tpu.memory_space<vmem>>
    %dma_wait3A_755 = arith.constant 0 : i32
    %dma_wait3A_756 = arith.constant 0 : i32
    %dma_wait3A_757 = tpu.memref_slice %arg4[%add3A, %dma_wait3A_755, %dma_wait3A_756] : memref<32x125x80xi32, #tpu.memory_space<hbm>> -> memref<1x125x80xi32, #tpu.memory_space<hbm>>
    %dma_wait3A_758 = tpu.memref_squeeze %dma_wait3A_757 : memref<1x125x80xi32, #tpu.memory_space<hbm>> -> memref<125x80xi32, #tpu.memory_space<hbm>>
    %dma_wait3A_759 = arith.constant 9 : i32
    %dma_wait3A_760 = arith.constant 0 : i32
    %dma_wait3A_761 = tpu.memref_slice %dma_wait3A_758[%dma_wait3A_759, %dma_wait3A_760] : memref<125x80xi32, #tpu.memory_space<hbm>> -> memref<1x80xi32, #tpu.memory_space<hbm>>
    %dma_wait3A_762 = arith.constant 1 : i32
    %dma_wait3A_763 = arith.constant 0 : i32
    %dma_wait3A_764 = tpu.memref_slice %arg11[%dma_wait3A_762, %dma_wait3A_763] : memref<8x80xi32, #tpu.memory_space<vmem>> -> memref<1x80xi32, #tpu.memory_space<vmem>>
    %dma_wait3A_765 = arith.constant 0 : i32
    %dma_wait3A_766 = arith.constant 0 : i32
    %dma_wait3A_767 = tpu.memref_slice %arg4[%add3A, %dma_wait3A_765, %dma_wait3A_766] : memref<32x125x80xi32, #tpu.memory_space<hbm>> -> memref<1x125x80xi32, #tpu.memory_space<hbm>>
    %dma_wait3A_768 = tpu.memref_squeeze %dma_wait3A_767 : memref<1x125x80xi32, #tpu.memory_space<hbm>> -> memref<125x80xi32, #tpu.memory_space<hbm>>
    %dma_wait3A_769 = arith.constant 9 : i32
    %dma_wait3A_770 = arith.constant 0 : i32
    %dma_wait3A_771 = tpu.memref_slice %dma_wait3A_768[%dma_wait3A_769, %dma_wait3A_770] : memref<125x80xi32, #tpu.memory_space<hbm>> -> memref<1x80xi32, #tpu.memory_space<hbm>>
    tpu.wait_dma2 semaphore(%arg20 : memref<!tpu.dma_semaphore, #tpu.memory_space<semaphore_mem>>) src(%dma_wait3A_771 : memref<1x80xi32, #tpu.memory_space<hbm>>) dst(%dma_wait3A_764 : memref<1x80xi32, #tpu.memory_space<vmem>>)
    %dma_start3A_772 = arith.constant 1 : i32
    %dma_start3A_773 = arith.constant 0 : i32
    %dma_start3A_774 = tpu.memref_slice %arg10[%dma_start3A_772, %dma_start3A_773] : memref<8x80xi32, #tpu.memory_space<vmem>> -> memref<1x80xi32, #tpu.memory_space<vmem>>
    %dma_start3A_775 = tpu.memref_squeeze %dma_start3A_774 : memref<1x80xi32, #tpu.memory_space<vmem>> -> memref<80xi32, #tpu.memory_space<vmem>>
    %dma_start3A_776 = arith.constant 0 : i32
    %dma_start3A_777 = arith.constant 0 : i32
    %dma_start3A_778 = tpu.memref_slice %arg2[%dma_start3A_776, %dma_start3A_777] : memref<10000x128xf32, #tpu.memory_space<hbm>> -> memref<10000x128xf32, #tpu.memory_space<hbm>>
    tpu.enqueue_indirect_dma source(%dma_start3A_778 : memref<10000x128xf32, #tpu.memory_space<hbm>>) target(%arg7 : memref<80x128xf32, #tpu.memory_space<vmem>>) offsets(%dma_start3A_775 : memref<80xi32, #tpu.memory_space<vmem>>) semaphore(%arg14 : memref<!tpu.dma_semaphore, #tpu.memory_space<semaphore_mem>>)
    %dma_start3A_779 = arith.constant 2 : i32
    %dma_start3A_780 = arith.constant 0 : i32
    %dma_start3A_781 = tpu.memref_slice %arg10[%dma_start3A_779, %dma_start3A_780] : memref<8x80xi32, #tpu.memory_space<vmem>> -> memref<1x80xi32, #tpu.memory_space<vmem>>
    %dma_start3A_782 = arith.constant 0 : i32
    %dma_start3A_783 = arith.constant 0 : i32
    %dma_start3A_784 = tpu.memref_slice %arg3[%add3A, %dma_start3A_782, %dma_start3A_783] : memref<32x125x80xi32, #tpu.memory_space<hbm>> -> memref<1x125x80xi32, #tpu.memory_space<hbm>>
    %dma_start3A_785 = tpu.memref_squeeze %dma_start3A_784 : memref<1x125x80xi32, #tpu.memory_space<hbm>> -> memref<125x80xi32, #tpu.memory_space<hbm>>
    %dma_start3A_786 = arith.constant 10 : i32
    %dma_start3A_787 = arith.constant 0 : i32
    %dma_start3A_788 = tpu.memref_slice %dma_start3A_785[%dma_start3A_786, %dma_start3A_787] : memref<125x80xi32, #tpu.memory_space<hbm>> -> memref<1x80xi32, #tpu.memory_space<hbm>>
    %dma_start3A_789 = arith.constant 2 : i32
    %dma_start3A_790 = arith.constant 0 : i32
    %dma_start3A_791 = tpu.memref_slice %arg10[%dma_start3A_789, %dma_start3A_790] : memref<8x80xi32, #tpu.memory_space<vmem>> -> memref<1x80xi32, #tpu.memory_space<vmem>>
    %dma_start3A_792 = arith.constant 0 : i32
    %dma_start3A_793 = arith.constant 0 : i32
    %dma_start3A_794 = tpu.memref_slice %arg3[%add3A, %dma_start3A_792, %dma_start3A_793] : memref<32x125x80xi32, #tpu.memory_space<hbm>> -> memref<1x125x80xi32, #tpu.memory_space<hbm>>
    %dma_start3A_795 = tpu.memref_squeeze %dma_start3A_794 : memref<1x125x80xi32, #tpu.memory_space<hbm>> -> memref<125x80xi32, #tpu.memory_space<hbm>>
    %dma_start3A_796 = arith.constant 10 : i32
    %dma_start3A_797 = arith.constant 0 : i32
    %dma_start3A_798 = tpu.memref_slice %dma_start3A_795[%dma_start3A_796, %dma_start3A_797] : memref<125x80xi32, #tpu.memory_space<hbm>> -> memref<1x80xi32, #tpu.memory_space<hbm>>
    tpu.enqueue_dma source(%dma_start3A_798 : memref<1x80xi32, #tpu.memory_space<hbm>>) target(%dma_start3A_791 : memref<1x80xi32, #tpu.memory_space<vmem>>) target_semaphore(%arg19 : memref<!tpu.dma_semaphore, #tpu.memory_space<semaphore_mem>>)
    %dma_start3A_799 = arith.constant 2 : i32
    %dma_start3A_800 = arith.constant 0 : i32
    %dma_start3A_801 = tpu.memref_slice %arg11[%dma_start3A_799, %dma_start3A_800] : memref<8x80xi32, #tpu.memory_space<vmem>> -> memref<1x80xi32, #tpu.memory_space<vmem>>
    %dma_start3A_802 = arith.constant 0 : i32
    %dma_start3A_803 = arith.constant 0 : i32
    %dma_start3A_804 = tpu.memref_slice %arg4[%add3A, %dma_start3A_802, %dma_start3A_803] : memref<32x125x80xi32, #tpu.memory_space<hbm>> -> memref<1x125x80xi32, #tpu.memory_space<hbm>>
    %dma_start3A_805 = tpu.memref_squeeze %dma_start3A_804 : memref<1x125x80xi32, #tpu.memory_space<hbm>> -> memref<125x80xi32, #tpu.memory_space<hbm>>
    %dma_start3A_806 = arith.constant 10 : i32
    %dma_start3A_807 = arith.constant 0 : i32
    %dma_start3A_808 = tpu.memref_slice %dma_start3A_805[%dma_start3A_806, %dma_start3A_807] : memref<125x80xi32, #tpu.memory_space<hbm>> -> memref<1x80xi32, #tpu.memory_space<hbm>>
    %dma_start3A_809 = arith.constant 2 : i32
    %dma_start3A_810 = arith.constant 0 : i32
    %dma_start3A_811 = tpu.memref_slice %arg11[%dma_start3A_809, %dma_start3A_810] : memref<8x80xi32, #tpu.memory_space<vmem>> -> memref<1x80xi32, #tpu.memory_space<vmem>>
    %dma_start3A_812 = arith.constant 0 : i32
    %dma_start3A_813 = arith.constant 0 : i32
    %dma_start3A_814 = tpu.memref_slice %arg4[%add3A, %dma_start3A_812, %dma_start3A_813] : memref<32x125x80xi32, #tpu.memory_space<hbm>> -> memref<1x125x80xi32, #tpu.memory_space<hbm>>
    %dma_start3A_815 = tpu.memref_squeeze %dma_start3A_814 : memref<1x125x80xi32, #tpu.memory_space<hbm>> -> memref<125x80xi32, #tpu.memory_space<hbm>>
    %dma_start3A_816 = arith.constant 10 : i32
    %dma_start3A_817 = arith.constant 0 : i32
    %dma_start3A_818 = tpu.memref_slice %dma_start3A_815[%dma_start3A_816, %dma_start3A_817] : memref<125x80xi32, #tpu.memory_space<hbm>> -> memref<1x80xi32, #tpu.memory_space<hbm>>
    tpu.enqueue_dma source(%dma_start3A_818 : memref<1x80xi32, #tpu.memory_space<hbm>>) target(%dma_start3A_811 : memref<1x80xi32, #tpu.memory_space<vmem>>) target_semaphore(%arg19 : memref<!tpu.dma_semaphore, #tpu.memory_space<semaphore_mem>>)
    %dma_wait3A_819 = arith.constant 7 : i32
    %dma_wait3A_820 = arith.constant 0 : i32
    %dma_wait3A_821 = tpu.memref_slice %arg10[%dma_wait3A_819, %dma_wait3A_820] : memref<8x80xi32, #tpu.memory_space<vmem>> -> memref<1x80xi32, #tpu.memory_space<vmem>>
    %dma_wait3A_822 = tpu.memref_squeeze %dma_wait3A_821 : memref<1x80xi32, #tpu.memory_space<vmem>> -> memref<80xi32, #tpu.memory_space<vmem>>
    %dma_wait3A_823 = arith.constant 0 : i32
    %dma_wait3A_824 = arith.constant 0 : i32
    %dma_wait3A_825 = tpu.memref_slice %arg2[%dma_wait3A_823, %dma_wait3A_824] : memref<10000x128xf32, #tpu.memory_space<hbm>> -> memref<10000x128xf32, #tpu.memory_space<hbm>>
    tpu.wait_indirect_dma semaphore(%arg16 : memref<!tpu.dma_semaphore, #tpu.memory_space<semaphore_mem>>) src(%dma_wait3A_825 : memref<10000x128xf32, #tpu.memory_space<hbm>>) dst(%arg9 : memref<80x128xf32, #tpu.memory_space<vmem>>)
    %dma_wait3A_826 = arith.constant 6 : i32
    %dma_wait3A_827 = arith.constant 0 : i32
    %dma_wait3A_828 = tpu.memref_slice %arg11[%dma_wait3A_826, %dma_wait3A_827] : memref<8x80xi32, #tpu.memory_space<vmem>> -> memref<1x80xi32, #tpu.memory_space<vmem>>
    %dma_wait3A_829 = tpu.memref_squeeze %dma_wait3A_828 : memref<1x80xi32, #tpu.memory_space<vmem>> -> memref<80xi32, #tpu.memory_space<vmem>>
    %dma_wait3A_830 = arith.constant 0 : i32
    %dma_wait3A_831 = arith.constant 0 : i32
    %dma_wait3A_832 = tpu.memref_slice %arg12[%dma_wait3A_830, %dma_wait3A_831] : memref<10240x128xf32, #tpu.memory_space<vmem_shared>> -> memref<10240x128xf32, #tpu.memory_space<vmem_shared>>
    tpu.wait_indirect_dma semaphore(%arg17 : memref<!tpu.dma_semaphore, #tpu.memory_space<semaphore_mem>>) src(%arg8 : memref<80x128xf32, #tpu.memory_space<vmem>>) dst(%dma_wait3A_832 : memref<10240x128xf32, #tpu.memory_space<vmem_shared>>)
    %dma_start3A_833 = arith.constant 7 : i32
    %dma_start3A_834 = arith.constant 0 : i32
    %dma_start3A_835 = tpu.memref_slice %arg11[%dma_start3A_833, %dma_start3A_834] : memref<8x80xi32, #tpu.memory_space<vmem>> -> memref<1x80xi32, #tpu.memory_space<vmem>>
    %dma_start3A_836 = tpu.memref_squeeze %dma_start3A_835 : memref<1x80xi32, #tpu.memory_space<vmem>> -> memref<80xi32, #tpu.memory_space<vmem>>
    %dma_start3A_837 = arith.constant 0 : i32
    %dma_start3A_838 = arith.constant 0 : i32
    %dma_start3A_839 = tpu.memref_slice %arg12[%dma_start3A_837, %dma_start3A_838] : memref<10240x128xf32, #tpu.memory_space<vmem_shared>> -> memref<10240x128xf32, #tpu.memory_space<vmem_shared>>
    tpu.enqueue_indirect_dma source(%arg9 : memref<80x128xf32, #tpu.memory_space<vmem>>) target(%dma_start3A_839 : memref<10240x128xf32, #tpu.memory_space<vmem_shared>>) offsets(%dma_start3A_836 : memref<80xi32, #tpu.memory_space<vmem>>) semaphore(%arg18 : memref<!tpu.dma_semaphore, #tpu.memory_space<semaphore_mem>>) {add = true}
    %dma_wait3A_840 = arith.constant 2 : i32
    %dma_wait3A_841 = arith.constant 0 : i32
    %dma_wait3A_842 = tpu.memref_slice %arg10[%dma_wait3A_840, %dma_wait3A_841] : memref<8x80xi32, #tpu.memory_space<vmem>> -> memref<1x80xi32, #tpu.memory_space<vmem>>
    %dma_wait3A_843 = arith.constant 0 : i32
    %dma_wait3A_844 = arith.constant 0 : i32
    %dma_wait3A_845 = tpu.memref_slice %arg3[%add3A, %dma_wait3A_843, %dma_wait3A_844] : memref<32x125x80xi32, #tpu.memory_space<hbm>> -> memref<1x125x80xi32, #tpu.memory_space<hbm>>
    %dma_wait3A_846 = tpu.memref_squeeze %dma_wait3A_845 : memref<1x125x80xi32, #tpu.memory_space<hbm>> -> memref<125x80xi32, #tpu.memory_space<hbm>>
    %dma_wait3A_847 = arith.constant 10 : i32
    %dma_wait3A_848 = arith.constant 0 : i32
    %dma_wait3A_849 = tpu.memref_slice %dma_wait3A_846[%dma_wait3A_847, %dma_wait3A_848] : memref<125x80xi32, #tpu.memory_space<hbm>> -> memref<1x80xi32, #tpu.memory_space<hbm>>
    %dma_wait3A_850 = arith.constant 2 : i32
    %dma_wait3A_851 = arith.constant 0 : i32
    %dma_wait3A_852 = tpu.memref_slice %arg10[%dma_wait3A_850, %dma_wait3A_851] : memref<8x80xi32, #tpu.memory_space<vmem>> -> memref<1x80xi32, #tpu.memory_space<vmem>>
    %dma_wait3A_853 = arith.constant 0 : i32
    %dma_wait3A_854 = arith.constant 0 : i32
    %dma_wait3A_855 = tpu.memref_slice %arg3[%add3A, %dma_wait3A_853, %dma_wait3A_854] : memref<32x125x80xi32, #tpu.memory_space<hbm>> -> memref<1x125x80xi32, #tpu.memory_space<hbm>>
    %dma_wait3A_856 = tpu.memref_squeeze %dma_wait3A_855 : memref<1x125x80xi32, #tpu.memory_space<hbm>> -> memref<125x80xi32, #tpu.memory_space<hbm>>
    %dma_wait3A_857 = arith.constant 10 : i32
    %dma_wait3A_858 = arith.constant 0 : i32
    %dma_wait3A_859 = tpu.memref_slice %dma_wait3A_856[%dma_wait3A_857, %dma_wait3A_858] : memref<125x80xi32, #tpu.memory_space<hbm>> -> memref<1x80xi32, #tpu.memory_space<hbm>>
    tpu.wait_dma2 semaphore(%arg19 : memref<!tpu.dma_semaphore, #tpu.memory_space<semaphore_mem>>) src(%dma_wait3A_859 : memref<1x80xi32, #tpu.memory_space<hbm>>) dst(%dma_wait3A_852 : memref<1x80xi32, #tpu.memory_space<vmem>>)
    %dma_wait3A_860 = arith.constant 2 : i32
    %dma_wait3A_861 = arith.constant 0 : i32
    %dma_wait3A_862 = tpu.memref_slice %arg11[%dma_wait3A_860, %dma_wait3A_861] : memref<8x80xi32, #tpu.memory_space<vmem>> -> memref<1x80xi32, #tpu.memory_space<vmem>>
    %dma_wait3A_863 = arith.constant 0 : i32
    %dma_wait3A_864 = arith.constant 0 : i32
    %dma_wait3A_865 = tpu.memref_slice %arg4[%add3A, %dma_wait3A_863, %dma_wait3A_864] : memref<32x125x80xi32, #tpu.memory_space<hbm>> -> memref<1x125x80xi32, #tpu.memory_space<hbm>>
    %dma_wait3A_866 = tpu.memref_squeeze %dma_wait3A_865 : memref<1x125x80xi32, #tpu.memory_space<hbm>> -> memref<125x80xi32, #tpu.memory_space<hbm>>
    %dma_wait3A_867 = arith.constant 10 : i32
    %dma_wait3A_868 = arith.constant 0 : i32
    %dma_wait3A_869 = tpu.memref_slice %dma_wait3A_866[%dma_wait3A_867, %dma_wait3A_868] : memref<125x80xi32, #tpu.memory_space<hbm>> -> memref<1x80xi32, #tpu.memory_space<hbm>>
    %dma_wait3A_870 = arith.constant 2 : i32
    %dma_wait3A_871 = arith.constant 0 : i32
    %dma_wait3A_872 = tpu.memref_slice %arg11[%dma_wait3A_870, %dma_wait3A_871] : memref<8x80xi32, #tpu.memory_space<vmem>> -> memref<1x80xi32, #tpu.memory_space<vmem>>
    %dma_wait3A_873 = arith.constant 0 : i32
    %dma_wait3A_874 = arith.constant 0 : i32
    %dma_wait3A_875 = tpu.memref_slice %arg4[%add3A, %dma_wait3A_873, %dma_wait3A_874] : memref<32x125x80xi32, #tpu.memory_space<hbm>> -> memref<1x125x80xi32, #tpu.memory_space<hbm>>
    %dma_wait3A_876 = tpu.memref_squeeze %dma_wait3A_875 : memref<1x125x80xi32, #tpu.memory_space<hbm>> -> memref<125x80xi32, #tpu.memory_space<hbm>>
    %dma_wait3A_877 = arith.constant 10 : i32
    %dma_wait3A_878 = arith.constant 0 : i32
    %dma_wait3A_879 = tpu.memref_slice %dma_wait3A_876[%dma_wait3A_877, %dma_wait3A_878] : memref<125x80xi32, #tpu.memory_space<hbm>> -> memref<1x80xi32, #tpu.memory_space<hbm>>
    tpu.wait_dma2 semaphore(%arg19 : memref<!tpu.dma_semaphore, #tpu.memory_space<semaphore_mem>>) src(%dma_wait3A_879 : memref<1x80xi32, #tpu.memory_space<hbm>>) dst(%dma_wait3A_872 : memref<1x80xi32, #tpu.memory_space<vmem>>)
    %dma_start3A_880 = arith.constant 2 : i32
    %dma_start3A_881 = arith.constant 0 : i32
    %dma_start3A_882 = tpu.memref_slice %arg10[%dma_start3A_880, %dma_start3A_881] : memref<8x80xi32, #tpu.memory_space<vmem>> -> memref<1x80xi32, #tpu.memory_space<vmem>>
    %dma_start3A_883 = tpu.memref_squeeze %dma_start3A_882 : memref<1x80xi32, #tpu.memory_space<vmem>> -> memref<80xi32, #tpu.memory_space<vmem>>
    %dma_start3A_884 = arith.constant 0 : i32
    %dma_start3A_885 = arith.constant 0 : i32
    %dma_start3A_886 = tpu.memref_slice %arg2[%dma_start3A_884, %dma_start3A_885] : memref<10000x128xf32, #tpu.memory_space<hbm>> -> memref<10000x128xf32, #tpu.memory_space<hbm>>
    tpu.enqueue_indirect_dma source(%dma_start3A_886 : memref<10000x128xf32, #tpu.memory_space<hbm>>) target(%arg8 : memref<80x128xf32, #tpu.memory_space<vmem>>) offsets(%dma_start3A_883 : memref<80xi32, #tpu.memory_space<vmem>>) semaphore(%arg15 : memref<!tpu.dma_semaphore, #tpu.memory_space<semaphore_mem>>)
    %dma_start3A_887 = arith.constant 3 : i32
    %dma_start3A_888 = arith.constant 0 : i32
    %dma_start3A_889 = tpu.memref_slice %arg10[%dma_start3A_887, %dma_start3A_888] : memref<8x80xi32, #tpu.memory_space<vmem>> -> memref<1x80xi32, #tpu.memory_space<vmem>>
    %dma_start3A_890 = arith.constant 0 : i32
    %dma_start3A_891 = arith.constant 0 : i32
    %dma_start3A_892 = tpu.memref_slice %arg3[%add3A, %dma_start3A_890, %dma_start3A_891] : memref<32x125x80xi32, #tpu.memory_space<hbm>> -> memref<1x125x80xi32, #tpu.memory_space<hbm>>
    %dma_start3A_893 = tpu.memref_squeeze %dma_start3A_892 : memref<1x125x80xi32, #tpu.memory_space<hbm>> -> memref<125x80xi32, #tpu.memory_space<hbm>>
    %dma_start3A_894 = arith.constant 11 : i32
    %dma_start3A_895 = arith.constant 0 : i32
    %dma_start3A_896 = tpu.memref_slice %dma_start3A_893[%dma_start3A_894, %dma_start3A_895] : memref<125x80xi32, #tpu.memory_space<hbm>> -> memref<1x80xi32, #tpu.memory_space<hbm>>
    %dma_start3A_897 = arith.constant 3 : i32
    %dma_start3A_898 = arith.constant 0 : i32
    %dma_start3A_899 = tpu.memref_slice %arg10[%dma_start3A_897, %dma_start3A_898] : memref<8x80xi32, #tpu.memory_space<vmem>> -> memref<1x80xi32, #tpu.memory_space<vmem>>
    %dma_start3A_900 = arith.constant 0 : i32
    %dma_start3A_901 = arith.constant 0 : i32
    %dma_start3A_902 = tpu.memref_slice %arg3[%add3A, %dma_start3A_900, %dma_start3A_901] : memref<32x125x80xi32, #tpu.memory_space<hbm>> -> memref<1x125x80xi32, #tpu.memory_space<hbm>>
    %dma_start3A_903 = tpu.memref_squeeze %dma_start3A_902 : memref<1x125x80xi32, #tpu.memory_space<hbm>> -> memref<125x80xi32, #tpu.memory_space<hbm>>
    %dma_start3A_904 = arith.constant 11 : i32
    %dma_start3A_905 = arith.constant 0 : i32
    %dma_start3A_906 = tpu.memref_slice %dma_start3A_903[%dma_start3A_904, %dma_start3A_905] : memref<125x80xi32, #tpu.memory_space<hbm>> -> memref<1x80xi32, #tpu.memory_space<hbm>>
    tpu.enqueue_dma source(%dma_start3A_906 : memref<1x80xi32, #tpu.memory_space<hbm>>) target(%dma_start3A_899 : memref<1x80xi32, #tpu.memory_space<vmem>>) target_semaphore(%arg20 : memref<!tpu.dma_semaphore, #tpu.memory_space<semaphore_mem>>)
    %dma_start3A_907 = arith.constant 3 : i32
    %dma_start3A_908 = arith.constant 0 : i32
    %dma_start3A_909 = tpu.memref_slice %arg11[%dma_start3A_907, %dma_start3A_908] : memref<8x80xi32, #tpu.memory_space<vmem>> -> memref<1x80xi32, #tpu.memory_space<vmem>>
    %dma_start3A_910 = arith.constant 0 : i32
    %dma_start3A_911 = arith.constant 0 : i32
    %dma_start3A_912 = tpu.memref_slice %arg4[%add3A, %dma_start3A_910, %dma_start3A_911] : memref<32x125x80xi32, #tpu.memory_space<hbm>> -> memref<1x125x80xi32, #tpu.memory_space<hbm>>
    %dma_start3A_913 = tpu.memref_squeeze %dma_start3A_912 : memref<1x125x80xi32, #tpu.memory_space<hbm>> -> memref<125x80xi32, #tpu.memory_space<hbm>>
    %dma_start3A_914 = arith.constant 11 : i32
    %dma_start3A_915 = arith.constant 0 : i32
    %dma_start3A_916 = tpu.memref_slice %dma_start3A_913[%dma_start3A_914, %dma_start3A_915] : memref<125x80xi32, #tpu.memory_space<hbm>> -> memref<1x80xi32, #tpu.memory_space<hbm>>
    %dma_start3A_917 = arith.constant 3 : i32
    %dma_start3A_918 = arith.constant 0 : i32
    %dma_start3A_919 = tpu.memref_slice %arg11[%dma_start3A_917, %dma_start3A_918] : memref<8x80xi32, #tpu.memory_space<vmem>> -> memref<1x80xi32, #tpu.memory_space<vmem>>
    %dma_start3A_920 = arith.constant 0 : i32
    %dma_start3A_921 = arith.constant 0 : i32
    %dma_start3A_922 = tpu.memref_slice %arg4[%add3A, %dma_start3A_920, %dma_start3A_921] : memref<32x125x80xi32, #tpu.memory_space<hbm>> -> memref<1x125x80xi32, #tpu.memory_space<hbm>>
    %dma_start3A_923 = tpu.memref_squeeze %dma_start3A_922 : memref<1x125x80xi32, #tpu.memory_space<hbm>> -> memref<125x80xi32, #tpu.memory_space<hbm>>
    %dma_start3A_924 = arith.constant 11 : i32
    %dma_start3A_925 = arith.constant 0 : i32
    %dma_start3A_926 = tpu.memref_slice %dma_start3A_923[%dma_start3A_924, %dma_start3A_925] : memref<125x80xi32, #tpu.memory_space<hbm>> -> memref<1x80xi32, #tpu.memory_space<hbm>>
    tpu.enqueue_dma source(%dma_start3A_926 : memref<1x80xi32, #tpu.memory_space<hbm>>) target(%dma_start3A_919 : memref<1x80xi32, #tpu.memory_space<vmem>>) target_semaphore(%arg20 : memref<!tpu.dma_semaphore, #tpu.memory_space<semaphore_mem>>)
    %scan3A_927 = arith.constant 0 : i32
    %scan3A_928 = arith.constant 14 : i32
    %scan3A_929 = arith.addi %scan3A_927, %scan3A_928 : i32
    %scan3A_930 = arith.constant 1 : i32
    scf.for %scan3A_1183 = %scan3A_927 to %scan3A_929 step %scan3A_930  : i32 {
      %mul3A_1184 = arith.constant 1 : i32
      %mul3A_1185 = arith.muli %scan3A_1183, %mul3A_1184 : i32
      %add3A_1186 = arith.constant 1 : i32
      %add3A_1187 = arith.addi %add3A_1186, %mul3A_1185 : i32
      %mul3A_1188 = arith.constant 8 : i32
      %mul3A_1189 = arith.muli %mul3A_1188, %add3A_1187 : i32
      %add3A_1190 = arith.constant 0 : i32
      %add3A_1191 = arith.addi %mul3A_1189, %add3A_1190 : i32
      %dma_wait3A_1192 = arith.constant 0 : i32
      %dma_wait3A_1193 = arith.constant 0 : i32
      %dma_wait3A_1194 = tpu.memref_slice %arg10[%dma_wait3A_1192, %dma_wait3A_1193] : memref<8x80xi32, #tpu.memory_space<vmem>> -> memref<1x80xi32, #tpu.memory_space<vmem>>
      %dma_wait3A_1195 = tpu.memref_squeeze %dma_wait3A_1194 : memref<1x80xi32, #tpu.memory_space<vmem>> -> memref<80xi32, #tpu.memory_space<vmem>>
      %dma_wait3A_1196 = arith.constant 0 : i32
      %dma_wait3A_1197 = arith.constant 0 : i32
      %dma_wait3A_1198 = tpu.memref_slice %arg2[%dma_wait3A_1196, %dma_wait3A_1197] : memref<10000x128xf32, #tpu.memory_space<hbm>> -> memref<10000x128xf32, #tpu.memory_space<hbm>>
      tpu.wait_indirect_dma semaphore(%arg13 : memref<!tpu.dma_semaphore, #tpu.memory_space<semaphore_mem>>) src(%dma_wait3A_1198 : memref<10000x128xf32, #tpu.memory_space<hbm>>) dst(%arg6 : memref<80x128xf32, #tpu.memory_space<vmem>>)
      %dma_wait3A_1199 = arith.constant 7 : i32
      %dma_wait3A_1200 = arith.constant 0 : i32
      %dma_wait3A_1201 = tpu.memref_slice %arg11[%dma_wait3A_1199, %dma_wait3A_1200] : memref<8x80xi32, #tpu.memory_space<vmem>> -> memref<1x80xi32, #tpu.memory_space<vmem>>
      %dma_wait3A_1202 = tpu.memref_squeeze %dma_wait3A_1201 : memref<1x80xi32, #tpu.memory_space<vmem>> -> memref<80xi32, #tpu.memory_space<vmem>>
      %dma_wait3A_1203 = arith.constant 0 : i32
      %dma_wait3A_1204 = arith.constant 0 : i32
      %dma_wait3A_1205 = tpu.memref_slice %arg12[%dma_wait3A_1203, %dma_wait3A_1204] : memref<10240x128xf32, #tpu.memory_space<vmem_shared>> -> memref<10240x128xf32, #tpu.memory_space<vmem_shared>>
      tpu.wait_indirect_dma semaphore(%arg18 : memref<!tpu.dma_semaphore, #tpu.memory_space<semaphore_mem>>) src(%arg9 : memref<80x128xf32, #tpu.memory_space<vmem>>) dst(%dma_wait3A_1205 : memref<10240x128xf32, #tpu.memory_space<vmem_shared>>)
      %dma_start3A_1206 = arith.constant 0 : i32
      %dma_start3A_1207 = arith.constant 0 : i32
      %dma_start3A_1208 = tpu.memref_slice %arg11[%dma_start3A_1206, %dma_start3A_1207] : memref<8x80xi32, #tpu.memory_space<vmem>> -> memref<1x80xi32, #tpu.memory_space<vmem>>
      %dma_start3A_1209 = tpu.memref_squeeze %dma_start3A_1208 : memref<1x80xi32, #tpu.memory_space<vmem>> -> memref<80xi32, #tpu.memory_space<vmem>>
      %dma_start3A_1210 = arith.constant 0 : i32
      %dma_start3A_1211 = arith.constant 0 : i32
      %dma_start3A_1212 = tpu.memref_slice %arg12[%dma_start3A_1210, %dma_start3A_1211] : memref<10240x128xf32, #tpu.memory_space<vmem_shared>> -> memref<10240x128xf32, #tpu.memory_space<vmem_shared>>
      tpu.enqueue_indirect_dma source(%arg6 : memref<80x128xf32, #tpu.memory_space<vmem>>) target(%dma_start3A_1212 : memref<10240x128xf32, #tpu.memory_space<vmem_shared>>) offsets(%dma_start3A_1209 : memref<80xi32, #tpu.memory_space<vmem>>) semaphore(%arg17 : memref<!tpu.dma_semaphore, #tpu.memory_space<semaphore_mem>>) {add = true}
      %add3A_1213 = arith.constant 3 : i32
      %add3A_1214 = arith.addi %add3A_1191, %add3A_1213 : i32
      %dma_wait3A_1215 = arith.constant 3 : i32
      %dma_wait3A_1216 = arith.constant 0 : i32
      %dma_wait3A_1217 = tpu.memref_slice %arg10[%dma_wait3A_1215, %dma_wait3A_1216] : memref<8x80xi32, #tpu.memory_space<vmem>> -> memref<1x80xi32, #tpu.memory_space<vmem>>
      %dma_wait3A_1218 = arith.constant 0 : i32
      %dma_wait3A_1219 = arith.constant 0 : i32
      %dma_wait3A_1220 = tpu.memref_slice %arg3[%add3A, %dma_wait3A_1218, %dma_wait3A_1219] : memref<32x125x80xi32, #tpu.memory_space<hbm>> -> memref<1x125x80xi32, #tpu.memory_space<hbm>>
      %dma_wait3A_1221 = tpu.memref_squeeze %dma_wait3A_1220 : memref<1x125x80xi32, #tpu.memory_space<hbm>> -> memref<125x80xi32, #tpu.memory_space<hbm>>
      %dma_wait3A_1222 = arith.constant 0 : i32
      %dma_wait3A_1223 = tpu.memref_slice %dma_wait3A_1221[%add3A_1214, %dma_wait3A_1222] : memref<125x80xi32, #tpu.memory_space<hbm>> -> memref<1x80xi32, #tpu.memory_space<hbm>>
      %dma_wait3A_1224 = arith.constant 3 : i32
      %dma_wait3A_1225 = arith.constant 0 : i32
      %dma_wait3A_1226 = tpu.memref_slice %arg10[%dma_wait3A_1224, %dma_wait3A_1225] : memref<8x80xi32, #tpu.memory_space<vmem>> -> memref<1x80xi32, #tpu.memory_space<vmem>>
      %dma_wait3A_1227 = arith.constant 0 : i32
      %dma_wait3A_1228 = arith.constant 0 : i32
      %dma_wait3A_1229 = tpu.memref_slice %arg3[%add3A, %dma_wait3A_1227, %dma_wait3A_1228] : memref<32x125x80xi32, #tpu.memory_space<hbm>> -> memref<1x125x80xi32, #tpu.memory_space<hbm>>
      %dma_wait3A_1230 = tpu.memref_squeeze %dma_wait3A_1229 : memref<1x125x80xi32, #tpu.memory_space<hbm>> -> memref<125x80xi32, #tpu.memory_space<hbm>>
      %dma_wait3A_1231 = arith.constant 0 : i32
      %dma_wait3A_1232 = tpu.memref_slice %dma_wait3A_1230[%add3A_1214, %dma_wait3A_1231] : memref<125x80xi32, #tpu.memory_space<hbm>> -> memref<1x80xi32, #tpu.memory_space<hbm>>
      tpu.wait_dma2 semaphore(%arg20 : memref<!tpu.dma_semaphore, #tpu.memory_space<semaphore_mem>>) src(%dma_wait3A_1232 : memref<1x80xi32, #tpu.memory_space<hbm>>) dst(%dma_wait3A_1226 : memref<1x80xi32, #tpu.memory_space<vmem>>)
      %dma_wait3A_1233 = arith.constant 3 : i32
      %dma_wait3A_1234 = arith.constant 0 : i32
      %dma_wait3A_1235 = tpu.memref_slice %arg11[%dma_wait3A_1233, %dma_wait3A_1234] : memref<8x80xi32, #tpu.memory_space<vmem>> -> memref<1x80xi32, #tpu.memory_space<vmem>>
      %dma_wait3A_1236 = arith.constant 0 : i32
      %dma_wait3A_1237 = arith.constant 0 : i32
      %dma_wait3A_1238 = tpu.memref_slice %arg4[%add3A, %dma_wait3A_1236, %dma_wait3A_1237] : memref<32x125x80xi32, #tpu.memory_space<hbm>> -> memref<1x125x80xi32, #tpu.memory_space<hbm>>
      %dma_wait3A_1239 = tpu.memref_squeeze %dma_wait3A_1238 : memref<1x125x80xi32, #tpu.memory_space<hbm>> -> memref<125x80xi32, #tpu.memory_space<hbm>>
      %dma_wait3A_1240 = arith.constant 0 : i32
      %dma_wait3A_1241 = tpu.memref_slice %dma_wait3A_1239[%add3A_1214, %dma_wait3A_1240] : memref<125x80xi32, #tpu.memory_space<hbm>> -> memref<1x80xi32, #tpu.memory_space<hbm>>
      %dma_wait3A_1242 = arith.constant 3 : i32
      %dma_wait3A_1243 = arith.constant 0 : i32
      %dma_wait3A_1244 = tpu.memref_slice %arg11[%dma_wait3A_1242, %dma_wait3A_1243] : memref<8x80xi32, #tpu.memory_space<vmem>> -> memref<1x80xi32, #tpu.memory_space<vmem>>
      %dma_wait3A_1245 = arith.constant 0 : i32
      %dma_wait3A_1246 = arith.constant 0 : i32
      %dma_wait3A_1247 = tpu.memref_slice %arg4[%add3A, %dma_wait3A_1245, %dma_wait3A_1246] : memref<32x125x80xi32, #tpu.memory_space<hbm>> -> memref<1x125x80xi32, #tpu.memory_space<hbm>>
      %dma_wait3A_1248 = tpu.memref_squeeze %dma_wait3A_1247 : memref<1x125x80xi32, #tpu.memory_space<hbm>> -> memref<125x80xi32, #tpu.memory_space<hbm>>
      %dma_wait3A_1249 = arith.constant 0 : i32
      %dma_wait3A_1250 = tpu.memref_slice %dma_wait3A_1248[%add3A_1214, %dma_wait3A_1249] : memref<125x80xi32, #tpu.memory_space<hbm>> -> memref<1x80xi32, #tpu.memory_space<hbm>>
      tpu.wait_dma2 semaphore(%arg20 : memref<!tpu.dma_semaphore, #tpu.memory_space<semaphore_mem>>) src(%dma_wait3A_1250 : memref<1x80xi32, #tpu.memory_space<hbm>>) dst(%dma_wait3A_1244 : memref<1x80xi32, #tpu.memory_space<vmem>>)
      %dma_start3A_1251 = arith.constant 3 : i32
      %dma_start3A_1252 = arith.constant 0 : i32
      %dma_start3A_1253 = tpu.memref_slice %arg10[%dma_start3A_1251, %dma_start3A_1252] : memref<8x80xi32, #tpu.memory_space<vmem>> -> memref<1x80xi32, #tpu.memory_space<vmem>>
      %dma_start3A_1254 = tpu.memref_squeeze %dma_start3A_1253 : memref<1x80xi32, #tpu.memory_space<vmem>> -> memref<80xi32, #tpu.memory_space<vmem>>
      %dma_start3A_1255 = arith.constant 0 : i32
      %dma_start3A_1256 = arith.constant 0 : i32
      %dma_start3A_1257 = tpu.memref_slice %arg2[%dma_start3A_1255, %dma_start3A_1256] : memref<10000x128xf32, #tpu.memory_space<hbm>> -> memref<10000x128xf32, #tpu.memory_space<hbm>>
      tpu.enqueue_indirect_dma source(%dma_start3A_1257 : memref<10000x128xf32, #tpu.memory_space<hbm>>) target(%arg9 : memref<80x128xf32, #tpu.memory_space<vmem>>) offsets(%dma_start3A_1254 : memref<80xi32, #tpu.memory_space<vmem>>) semaphore(%arg16 : memref<!tpu.dma_semaphore, #tpu.memory_space<semaphore_mem>>)
      %add3A_1258 = arith.constant 4 : i32
      %add3A_1259 = arith.addi %add3A_1191, %add3A_1258 : i32
      %dma_start3A_1260 = arith.constant 4 : i32
      %dma_start3A_1261 = arith.constant 0 : i32
      %dma_start3A_1262 = tpu.memref_slice %arg10[%dma_start3A_1260, %dma_start3A_1261] : memref<8x80xi32, #tpu.memory_space<vmem>> -> memref<1x80xi32, #tpu.memory_space<vmem>>
      %dma_start3A_1263 = arith.constant 0 : i32
      %dma_start3A_1264 = arith.constant 0 : i32
      %dma_start3A_1265 = tpu.memref_slice %arg3[%add3A, %dma_start3A_1263, %dma_start3A_1264] : memref<32x125x80xi32, #tpu.memory_space<hbm>> -> memref<1x125x80xi32, #tpu.memory_space<hbm>>
      %dma_start3A_1266 = tpu.memref_squeeze %dma_start3A_1265 : memref<1x125x80xi32, #tpu.memory_space<hbm>> -> memref<125x80xi32, #tpu.memory_space<hbm>>
      %dma_start3A_1267 = arith.constant 0 : i32
      %dma_start3A_1268 = tpu.memref_slice %dma_start3A_1266[%add3A_1259, %dma_start3A_1267] : memref<125x80xi32, #tpu.memory_space<hbm>> -> memref<1x80xi32, #tpu.memory_space<hbm>>
      %dma_start3A_1269 = arith.constant 4 : i32
      %dma_start3A_1270 = arith.constant 0 : i32
      %dma_start3A_1271 = tpu.memref_slice %arg10[%dma_start3A_1269, %dma_start3A_1270] : memref<8x80xi32, #tpu.memory_space<vmem>> -> memref<1x80xi32, #tpu.memory_space<vmem>>
      %dma_start3A_1272 = arith.constant 0 : i32
      %dma_start3A_1273 = arith.constant 0 : i32
      %dma_start3A_1274 = tpu.memref_slice %arg3[%add3A, %dma_start3A_1272, %dma_start3A_1273] : memref<32x125x80xi32, #tpu.memory_space<hbm>> -> memref<1x125x80xi32, #tpu.memory_space<hbm>>
      %dma_start3A_1275 = tpu.memref_squeeze %dma_start3A_1274 : memref<1x125x80xi32, #tpu.memory_space<hbm>> -> memref<125x80xi32, #tpu.memory_space<hbm>>
      %dma_start3A_1276 = arith.constant 0 : i32
      %dma_start3A_1277 = tpu.memref_slice %dma_start3A_1275[%add3A_1259, %dma_start3A_1276] : memref<125x80xi32, #tpu.memory_space<hbm>> -> memref<1x80xi32, #tpu.memory_space<hbm>>
      tpu.enqueue_dma source(%dma_start3A_1277 : memref<1x80xi32, #tpu.memory_space<hbm>>) target(%dma_start3A_1271 : memref<1x80xi32, #tpu.memory_space<vmem>>) target_semaphore(%arg19 : memref<!tpu.dma_semaphore, #tpu.memory_space<semaphore_mem>>)
      %dma_start3A_1278 = arith.constant 4 : i32
      %dma_start3A_1279 = arith.constant 0 : i32
      %dma_start3A_1280 = tpu.memref_slice %arg11[%dma_start3A_1278, %dma_start3A_1279] : memref<8x80xi32, #tpu.memory_space<vmem>> -> memref<1x80xi32, #tpu.memory_space<vmem>>
      %dma_start3A_1281 = arith.constant 0 : i32
      %dma_start3A_1282 = arith.constant 0 : i32
      %dma_start3A_1283 = tpu.memref_slice %arg4[%add3A, %dma_start3A_1281, %dma_start3A_1282] : memref<32x125x80xi32, #tpu.memory_space<hbm>> -> memref<1x125x80xi32, #tpu.memory_space<hbm>>
      %dma_start3A_1284 = tpu.memref_squeeze %dma_start3A_1283 : memref<1x125x80xi32, #tpu.memory_space<hbm>> -> memref<125x80xi32, #tpu.memory_space<hbm>>
      %dma_start3A_1285 = arith.constant 0 : i32
      %dma_start3A_1286 = tpu.memref_slice %dma_start3A_1284[%add3A_1259, %dma_start3A_1285] : memref<125x80xi32, #tpu.memory_space<hbm>> -> memref<1x80xi32, #tpu.memory_space<hbm>>
      %dma_start3A_1287 = arith.constant 4 : i32
      %dma_start3A_1288 = arith.constant 0 : i32
      %dma_start3A_1289 = tpu.memref_slice %arg11[%dma_start3A_1287, %dma_start3A_1288] : memref<8x80xi32, #tpu.memory_space<vmem>> -> memref<1x80xi32, #tpu.memory_space<vmem>>
      %dma_start3A_1290 = arith.constant 0 : i32
      %dma_start3A_1291 = arith.constant 0 : i32
      %dma_start3A_1292 = tpu.memref_slice %arg4[%add3A, %dma_start3A_1290, %dma_start3A_1291] : memref<32x125x80xi32, #tpu.memory_space<hbm>> -> memref<1x125x80xi32, #tpu.memory_space<hbm>>
      %dma_start3A_1293 = tpu.memref_squeeze %dma_start3A_1292 : memref<1x125x80xi32, #tpu.memory_space<hbm>> -> memref<125x80xi32, #tpu.memory_space<hbm>>
      %dma_start3A_1294 = arith.constant 0 : i32
      %dma_start3A_1295 = tpu.memref_slice %dma_start3A_1293[%add3A_1259, %dma_start3A_1294] : memref<125x80xi32, #tpu.memory_space<hbm>> -> memref<1x80xi32, #tpu.memory_space<hbm>>
      tpu.enqueue_dma source(%dma_start3A_1295 : memref<1x80xi32, #tpu.memory_space<hbm>>) target(%dma_start3A_1289 : memref<1x80xi32, #tpu.memory_space<vmem>>) target_semaphore(%arg19 : memref<!tpu.dma_semaphore, #tpu.memory_space<semaphore_mem>>)
      %mul3A_1296 = arith.constant 8 : i32
      %mul3A_1297 = arith.muli %mul3A_1296, %add3A_1187 : i32
      %add3A_1298 = arith.constant 1 : i32
      %add3A_1299 = arith.addi %mul3A_1297, %add3A_1298 : i32
      %dma_wait3A_1300 = arith.constant 1 : i32
      %dma_wait3A_1301 = arith.constant 0 : i32
      %dma_wait3A_1302 = tpu.memref_slice %arg10[%dma_wait3A_1300, %dma_wait3A_1301] : memref<8x80xi32, #tpu.memory_space<vmem>> -> memref<1x80xi32, #tpu.memory_space<vmem>>
      %dma_wait3A_1303 = tpu.memref_squeeze %dma_wait3A_1302 : memref<1x80xi32, #tpu.memory_space<vmem>> -> memref<80xi32, #tpu.memory_space<vmem>>
      %dma_wait3A_1304 = arith.constant 0 : i32
      %dma_wait3A_1305 = arith.constant 0 : i32
      %dma_wait3A_1306 = tpu.memref_slice %arg2[%dma_wait3A_1304, %dma_wait3A_1305] : memref<10000x128xf32, #tpu.memory_space<hbm>> -> memref<10000x128xf32, #tpu.memory_space<hbm>>
      tpu.wait_indirect_dma semaphore(%arg14 : memref<!tpu.dma_semaphore, #tpu.memory_space<semaphore_mem>>) src(%dma_wait3A_1306 : memref<10000x128xf32, #tpu.memory_space<hbm>>) dst(%arg7 : memref<80x128xf32, #tpu.memory_space<vmem>>)
      %dma_wait3A_1307 = arith.constant 0 : i32
      %dma_wait3A_1308 = arith.constant 0 : i32
      %dma_wait3A_1309 = tpu.memref_slice %arg11[%dma_wait3A_1307, %dma_wait3A_1308] : memref<8x80xi32, #tpu.memory_space<vmem>> -> memref<1x80xi32, #tpu.memory_space<vmem>>
      %dma_wait3A_1310 = tpu.memref_squeeze %dma_wait3A_1309 : memref<1x80xi32, #tpu.memory_space<vmem>> -> memref<80xi32, #tpu.memory_space<vmem>>
      %dma_wait3A_1311 = arith.constant 0 : i32
      %dma_wait3A_1312 = arith.constant 0 : i32
      %dma_wait3A_1313 = tpu.memref_slice %arg12[%dma_wait3A_1311, %dma_wait3A_1312] : memref<10240x128xf32, #tpu.memory_space<vmem_shared>> -> memref<10240x128xf32, #tpu.memory_space<vmem_shared>>
      tpu.wait_indirect_dma semaphore(%arg17 : memref<!tpu.dma_semaphore, #tpu.memory_space<semaphore_mem>>) src(%arg6 : memref<80x128xf32, #tpu.memory_space<vmem>>) dst(%dma_wait3A_1313 : memref<10240x128xf32, #tpu.memory_space<vmem_shared>>)
      %dma_start3A_1314 = arith.constant 1 : i32
      %dma_start3A_1315 = arith.constant 0 : i32
      %dma_start3A_1316 = tpu.memref_slice %arg11[%dma_start3A_1314, %dma_start3A_1315] : memref<8x80xi32, #tpu.memory_space<vmem>> -> memref<1x80xi32, #tpu.memory_space<vmem>>
      %dma_start3A_1317 = tpu.memref_squeeze %dma_start3A_1316 : memref<1x80xi32, #tpu.memory_space<vmem>> -> memref<80xi32, #tpu.memory_space<vmem>>
      %dma_start3A_1318 = arith.constant 0 : i32
      %dma_start3A_1319 = arith.constant 0 : i32
      %dma_start3A_1320 = tpu.memref_slice %arg12[%dma_start3A_1318, %dma_start3A_1319] : memref<10240x128xf32, #tpu.memory_space<vmem_shared>> -> memref<10240x128xf32, #tpu.memory_space<vmem_shared>>
      tpu.enqueue_indirect_dma source(%arg7 : memref<80x128xf32, #tpu.memory_space<vmem>>) target(%dma_start3A_1320 : memref<10240x128xf32, #tpu.memory_space<vmem_shared>>) offsets(%dma_start3A_1317 : memref<80xi32, #tpu.memory_space<vmem>>) semaphore(%arg18 : memref<!tpu.dma_semaphore, #tpu.memory_space<semaphore_mem>>) {add = true}
      %add3A_1321 = arith.constant 3 : i32
      %add3A_1322 = arith.addi %add3A_1299, %add3A_1321 : i32
      %dma_wait3A_1323 = arith.constant 4 : i32
      %dma_wait3A_1324 = arith.constant 0 : i32
      %dma_wait3A_1325 = tpu.memref_slice %arg10[%dma_wait3A_1323, %dma_wait3A_1324] : memref<8x80xi32, #tpu.memory_space<vmem>> -> memref<1x80xi32, #tpu.memory_space<vmem>>
      %dma_wait3A_1326 = arith.constant 0 : i32
      %dma_wait3A_1327 = arith.constant 0 : i32
      %dma_wait3A_1328 = tpu.memref_slice %arg3[%add3A, %dma_wait3A_1326, %dma_wait3A_1327] : memref<32x125x80xi32, #tpu.memory_space<hbm>> -> memref<1x125x80xi32, #tpu.memory_space<hbm>>
      %dma_wait3A_1329 = tpu.memref_squeeze %dma_wait3A_1328 : memref<1x125x80xi32, #tpu.memory_space<hbm>> -> memref<125x80xi32, #tpu.memory_space<hbm>>
      %dma_wait3A_1330 = arith.constant 0 : i32
      %dma_wait3A_1331 = tpu.memref_slice %dma_wait3A_1329[%add3A_1322, %dma_wait3A_1330] : memref<125x80xi32, #tpu.memory_space<hbm>> -> memref<1x80xi32, #tpu.memory_space<hbm>>
      %dma_wait3A_1332 = arith.constant 4 : i32
      %dma_wait3A_1333 = arith.constant 0 : i32
      %dma_wait3A_1334 = tpu.memref_slice %arg10[%dma_wait3A_1332, %dma_wait3A_1333] : memref<8x80xi32, #tpu.memory_space<vmem>> -> memref<1x80xi32, #tpu.memory_space<vmem>>
      %dma_wait3A_1335 = arith.constant 0 : i32
      %dma_wait3A_1336 = arith.constant 0 : i32
      %dma_wait3A_1337 = tpu.memref_slice %arg3[%add3A, %dma_wait3A_1335, %dma_wait3A_1336] : memref<32x125x80xi32, #tpu.memory_space<hbm>> -> memref<1x125x80xi32, #tpu.memory_space<hbm>>
      %dma_wait3A_1338 = tpu.memref_squeeze %dma_wait3A_1337 : memref<1x125x80xi32, #tpu.memory_space<hbm>> -> memref<125x80xi32, #tpu.memory_space<hbm>>
      %dma_wait3A_1339 = arith.constant 0 : i32
      %dma_wait3A_1340 = tpu.memref_slice %dma_wait3A_1338[%add3A_1322, %dma_wait3A_1339] : memref<125x80xi32, #tpu.memory_space<hbm>> -> memref<1x80xi32, #tpu.memory_space<hbm>>
      tpu.wait_dma2 semaphore(%arg19 : memref<!tpu.dma_semaphore, #tpu.memory_space<semaphore_mem>>) src(%dma_wait3A_1340 : memref<1x80xi32, #tpu.memory_space<hbm>>) dst(%dma_wait3A_1334 : memref<1x80xi32, #tpu.memory_space<vmem>>)
      %dma_wait3A_1341 = arith.constant 4 : i32
      %dma_wait3A_1342 = arith.constant 0 : i32
      %dma_wait3A_1343 = tpu.memref_slice %arg11[%dma_wait3A_1341, %dma_wait3A_1342] : memref<8x80xi32, #tpu.memory_space<vmem>> -> memref<1x80xi32, #tpu.memory_space<vmem>>
      %dma_wait3A_1344 = arith.constant 0 : i32
      %dma_wait3A_1345 = arith.constant 0 : i32
      %dma_wait3A_1346 = tpu.memref_slice %arg4[%add3A, %dma_wait3A_1344, %dma_wait3A_1345] : memref<32x125x80xi32, #tpu.memory_space<hbm>> -> memref<1x125x80xi32, #tpu.memory_space<hbm>>
      %dma_wait3A_1347 = tpu.memref_squeeze %dma_wait3A_1346 : memref<1x125x80xi32, #tpu.memory_space<hbm>> -> memref<125x80xi32, #tpu.memory_space<hbm>>
      %dma_wait3A_1348 = arith.constant 0 : i32
      %dma_wait3A_1349 = tpu.memref_slice %dma_wait3A_1347[%add3A_1322, %dma_wait3A_1348] : memref<125x80xi32, #tpu.memory_space<hbm>> -> memref<1x80xi32, #tpu.memory_space<hbm>>
      %dma_wait3A_1350 = arith.constant 4 : i32
      %dma_wait3A_1351 = arith.constant 0 : i32
      %dma_wait3A_1352 = tpu.memref_slice %arg11[%dma_wait3A_1350, %dma_wait3A_1351] : memref<8x80xi32, #tpu.memory_space<vmem>> -> memref<1x80xi32, #tpu.memory_space<vmem>>
      %dma_wait3A_1353 = arith.constant 0 : i32
      %dma_wait3A_1354 = arith.constant 0 : i32
      %dma_wait3A_1355 = tpu.memref_slice %arg4[%add3A, %dma_wait3A_1353, %dma_wait3A_1354] : memref<32x125x80xi32, #tpu.memory_space<hbm>> -> memref<1x125x80xi32, #tpu.memory_space<hbm>>
      %dma_wait3A_1356 = tpu.memref_squeeze %dma_wait3A_1355 : memref<1x125x80xi32, #tpu.memory_space<hbm>> -> memref<125x80xi32, #tpu.memory_space<hbm>>
      %dma_wait3A_1357 = arith.constant 0 : i32
      %dma_wait3A_1358 = tpu.memref_slice %dma_wait3A_1356[%add3A_1322, %dma_wait3A_1357] : memref<125x80xi32, #tpu.memory_space<hbm>> -> memref<1x80xi32, #tpu.memory_space<hbm>>
      tpu.wait_dma2 semaphore(%arg19 : memref<!tpu.dma_semaphore, #tpu.memory_space<semaphore_mem>>) src(%dma_wait3A_1358 : memref<1x80xi32, #tpu.memory_space<hbm>>) dst(%dma_wait3A_1352 : memref<1x80xi32, #tpu.memory_space<vmem>>)
      %dma_start3A_1359 = arith.constant 4 : i32
      %dma_start3A_1360 = arith.constant 0 : i32
      %dma_start3A_1361 = tpu.memref_slice %arg10[%dma_start3A_1359, %dma_start3A_1360] : memref<8x80xi32, #tpu.memory_space<vmem>> -> memref<1x80xi32, #tpu.memory_space<vmem>>
      %dma_start3A_1362 = tpu.memref_squeeze %dma_start3A_1361 : memref<1x80xi32, #tpu.memory_space<vmem>> -> memref<80xi32, #tpu.memory_space<vmem>>
      %dma_start3A_1363 = arith.constant 0 : i32
      %dma_start3A_1364 = arith.constant 0 : i32
      %dma_start3A_1365 = tpu.memref_slice %arg2[%dma_start3A_1363, %dma_start3A_1364] : memref<10000x128xf32, #tpu.memory_space<hbm>> -> memref<10000x128xf32, #tpu.memory_space<hbm>>
      tpu.enqueue_indirect_dma source(%dma_start3A_1365 : memref<10000x128xf32, #tpu.memory_space<hbm>>) target(%arg6 : memref<80x128xf32, #tpu.memory_space<vmem>>) offsets(%dma_start3A_1362 : memref<80xi32, #tpu.memory_space<vmem>>) semaphore(%arg13 : memref<!tpu.dma_semaphore, #tpu.memory_space<semaphore_mem>>)
      %add3A_1366 = arith.constant 4 : i32
      %add3A_1367 = arith.addi %add3A_1299, %add3A_1366 : i32
      %dma_start3A_1368 = arith.constant 5 : i32
      %dma_start3A_1369 = arith.constant 0 : i32
      %dma_start3A_1370 = tpu.memref_slice %arg10[%dma_start3A_1368, %dma_start3A_1369] : memref<8x80xi32, #tpu.memory_space<vmem>> -> memref<1x80xi32, #tpu.memory_space<vmem>>
      %dma_start3A_1371 = arith.constant 0 : i32
      %dma_start3A_1372 = arith.constant 0 : i32
      %dma_start3A_1373 = tpu.memref_slice %arg3[%add3A, %dma_start3A_1371, %dma_start3A_1372] : memref<32x125x80xi32, #tpu.memory_space<hbm>> -> memref<1x125x80xi32, #tpu.memory_space<hbm>>
      %dma_start3A_1374 = tpu.memref_squeeze %dma_start3A_1373 : memref<1x125x80xi32, #tpu.memory_space<hbm>> -> memref<125x80xi32, #tpu.memory_space<hbm>>
      %dma_start3A_1375 = arith.constant 0 : i32
      %dma_start3A_1376 = tpu.memref_slice %dma_start3A_1374[%add3A_1367, %dma_start3A_1375] : memref<125x80xi32, #tpu.memory_space<hbm>> -> memref<1x80xi32, #tpu.memory_space<hbm>>
      %dma_start3A_1377 = arith.constant 5 : i32
      %dma_start3A_1378 = arith.constant 0 : i32
      %dma_start3A_1379 = tpu.memref_slice %arg10[%dma_start3A_1377, %dma_start3A_1378] : memref<8x80xi32, #tpu.memory_space<vmem>> -> memref<1x80xi32, #tpu.memory_space<vmem>>
      %dma_start3A_1380 = arith.constant 0 : i32
      %dma_start3A_1381 = arith.constant 0 : i32
      %dma_start3A_1382 = tpu.memref_slice %arg3[%add3A, %dma_start3A_1380, %dma_start3A_1381] : memref<32x125x80xi32, #tpu.memory_space<hbm>> -> memref<1x125x80xi32, #tpu.memory_space<hbm>>
      %dma_start3A_1383 = tpu.memref_squeeze %dma_start3A_1382 : memref<1x125x80xi32, #tpu.memory_space<hbm>> -> memref<125x80xi32, #tpu.memory_space<hbm>>
      %dma_start3A_1384 = arith.constant 0 : i32
      %dma_start3A_1385 = tpu.memref_slice %dma_start3A_1383[%add3A_1367, %dma_start3A_1384] : memref<125x80xi32, #tpu.memory_space<hbm>> -> memref<1x80xi32, #tpu.memory_space<hbm>>
      tpu.enqueue_dma source(%dma_start3A_1385 : memref<1x80xi32, #tpu.memory_space<hbm>>) target(%dma_start3A_1379 : memref<1x80xi32, #tpu.memory_space<vmem>>) target_semaphore(%arg20 : memref<!tpu.dma_semaphore, #tpu.memory_space<semaphore_mem>>)
      %dma_start3A_1386 = arith.constant 5 : i32
      %dma_start3A_1387 = arith.constant 0 : i32
      %dma_start3A_1388 = tpu.memref_slice %arg11[%dma_start3A_1386, %dma_start3A_1387] : memref<8x80xi32, #tpu.memory_space<vmem>> -> memref<1x80xi32, #tpu.memory_space<vmem>>
      %dma_start3A_1389 = arith.constant 0 : i32
      %dma_start3A_1390 = arith.constant 0 : i32
      %dma_start3A_1391 = tpu.memref_slice %arg4[%add3A, %dma_start3A_1389, %dma_start3A_1390] : memref<32x125x80xi32, #tpu.memory_space<hbm>> -> memref<1x125x80xi32, #tpu.memory_space<hbm>>
      %dma_start3A_1392 = tpu.memref_squeeze %dma_start3A_1391 : memref<1x125x80xi32, #tpu.memory_space<hbm>> -> memref<125x80xi32, #tpu.memory_space<hbm>>
      %dma_start3A_1393 = arith.constant 0 : i32
      %dma_start3A_1394 = tpu.memref_slice %dma_start3A_1392[%add3A_1367, %dma_start3A_1393] : memref<125x80xi32, #tpu.memory_space<hbm>> -> memref<1x80xi32, #tpu.memory_space<hbm>>
      %dma_start3A_1395 = arith.constant 5 : i32
      %dma_start3A_1396 = arith.constant 0 : i32
      %dma_start3A_1397 = tpu.memref_slice %arg11[%dma_start3A_1395, %dma_start3A_1396] : memref<8x80xi32, #tpu.memory_space<vmem>> -> memref<1x80xi32, #tpu.memory_space<vmem>>
      %dma_start3A_1398 = arith.constant 0 : i32
      %dma_start3A_1399 = arith.constant 0 : i32
      %dma_start3A_1400 = tpu.memref_slice %arg4[%add3A, %dma_start3A_1398, %dma_start3A_1399] : memref<32x125x80xi32, #tpu.memory_space<hbm>> -> memref<1x125x80xi32, #tpu.memory_space<hbm>>
      %dma_start3A_1401 = tpu.memref_squeeze %dma_start3A_1400 : memref<1x125x80xi32, #tpu.memory_space<hbm>> -> memref<125x80xi32, #tpu.memory_space<hbm>>
      %dma_start3A_1402 = arith.constant 0 : i32
      %dma_start3A_1403 = tpu.memref_slice %dma_start3A_1401[%add3A_1367, %dma_start3A_1402] : memref<125x80xi32, #tpu.memory_space<hbm>> -> memref<1x80xi32, #tpu.memory_space<hbm>>
      tpu.enqueue_dma source(%dma_start3A_1403 : memref<1x80xi32, #tpu.memory_space<hbm>>) target(%dma_start3A_1397 : memref<1x80xi32, #tpu.memory_space<vmem>>) target_semaphore(%arg20 : memref<!tpu.dma_semaphore, #tpu.memory_space<semaphore_mem>>)
      %mul3A_1404 = arith.constant 8 : i32
      %mul3A_1405 = arith.muli %mul3A_1404, %add3A_1187 : i32
      %add3A_1406 = arith.constant 2 : i32
      %add3A_1407 = arith.addi %mul3A_1405, %add3A_1406 : i32
      %dma_wait3A_1408 = arith.constant 2 : i32
      %dma_wait3A_1409 = arith.constant 0 : i32
      %dma_wait3A_1410 = tpu.memref_slice %arg10[%dma_wait3A_1408, %dma_wait3A_1409] : memref<8x80xi32, #tpu.memory_space<vmem>> -> memref<1x80xi32, #tpu.memory_space<vmem>>
      %dma_wait3A_1411 = tpu.memref_squeeze %dma_wait3A_1410 : memref<1x80xi32, #tpu.memory_space<vmem>> -> memref<80xi32, #tpu.memory_space<vmem>>
      %dma_wait3A_1412 = arith.constant 0 : i32
      %dma_wait3A_1413 = arith.constant 0 : i32
      %dma_wait3A_1414 = tpu.memref_slice %arg2[%dma_wait3A_1412, %dma_wait3A_1413] : memref<10000x128xf32, #tpu.memory_space<hbm>> -> memref<10000x128xf32, #tpu.memory_space<hbm>>
      tpu.wait_indirect_dma semaphore(%arg15 : memref<!tpu.dma_semaphore, #tpu.memory_space<semaphore_mem>>) src(%dma_wait3A_1414 : memref<10000x128xf32, #tpu.memory_space<hbm>>) dst(%arg8 : memref<80x128xf32, #tpu.memory_space<vmem>>)
      %dma_wait3A_1415 = arith.constant 1 : i32
      %dma_wait3A_1416 = arith.constant 0 : i32
      %dma_wait3A_1417 = tpu.memref_slice %arg11[%dma_wait3A_1415, %dma_wait3A_1416] : memref<8x80xi32, #tpu.memory_space<vmem>> -> memref<1x80xi32, #tpu.memory_space<vmem>>
      %dma_wait3A_1418 = tpu.memref_squeeze %dma_wait3A_1417 : memref<1x80xi32, #tpu.memory_space<vmem>> -> memref<80xi32, #tpu.memory_space<vmem>>
      %dma_wait3A_1419 = arith.constant 0 : i32
      %dma_wait3A_1420 = arith.constant 0 : i32
      %dma_wait3A_1421 = tpu.memref_slice %arg12[%dma_wait3A_1419, %dma_wait3A_1420] : memref<10240x128xf32, #tpu.memory_space<vmem_shared>> -> memref<10240x128xf32, #tpu.memory_space<vmem_shared>>
      tpu.wait_indirect_dma semaphore(%arg18 : memref<!tpu.dma_semaphore, #tpu.memory_space<semaphore_mem>>) src(%arg7 : memref<80x128xf32, #tpu.memory_space<vmem>>) dst(%dma_wait3A_1421 : memref<10240x128xf32, #tpu.memory_space<vmem_shared>>)
      %dma_start3A_1422 = arith.constant 2 : i32
      %dma_start3A_1423 = arith.constant 0 : i32
      %dma_start3A_1424 = tpu.memref_slice %arg11[%dma_start3A_1422, %dma_start3A_1423] : memref<8x80xi32, #tpu.memory_space<vmem>> -> memref<1x80xi32, #tpu.memory_space<vmem>>
      %dma_start3A_1425 = tpu.memref_squeeze %dma_start3A_1424 : memref<1x80xi32, #tpu.memory_space<vmem>> -> memref<80xi32, #tpu.memory_space<vmem>>
      %dma_start3A_1426 = arith.constant 0 : i32
      %dma_start3A_1427 = arith.constant 0 : i32
      %dma_start3A_1428 = tpu.memref_slice %arg12[%dma_start3A_1426, %dma_start3A_1427] : memref<10240x128xf32, #tpu.memory_space<vmem_shared>> -> memref<10240x128xf32, #tpu.memory_space<vmem_shared>>
      tpu.enqueue_indirect_dma source(%arg8 : memref<80x128xf32, #tpu.memory_space<vmem>>) target(%dma_start3A_1428 : memref<10240x128xf32, #tpu.memory_space<vmem_shared>>) offsets(%dma_start3A_1425 : memref<80xi32, #tpu.memory_space<vmem>>) semaphore(%arg17 : memref<!tpu.dma_semaphore, #tpu.memory_space<semaphore_mem>>) {add = true}
      %add3A_1429 = arith.constant 3 : i32
      %add3A_1430 = arith.addi %add3A_1407, %add3A_1429 : i32
      %dma_wait3A_1431 = arith.constant 5 : i32
      %dma_wait3A_1432 = arith.constant 0 : i32
      %dma_wait3A_1433 = tpu.memref_slice %arg10[%dma_wait3A_1431, %dma_wait3A_1432] : memref<8x80xi32, #tpu.memory_space<vmem>> -> memref<1x80xi32, #tpu.memory_space<vmem>>
      %dma_wait3A_1434 = arith.constant 0 : i32
      %dma_wait3A_1435 = arith.constant 0 : i32
      %dma_wait3A_1436 = tpu.memref_slice %arg3[%add3A, %dma_wait3A_1434, %dma_wait3A_1435] : memref<32x125x80xi32, #tpu.memory_space<hbm>> -> memref<1x125x80xi32, #tpu.memory_space<hbm>>
      %dma_wait3A_1437 = tpu.memref_squeeze %dma_wait3A_1436 : memref<1x125x80xi32, #tpu.memory_space<hbm>> -> memref<125x80xi32, #tpu.memory_space<hbm>>
      %dma_wait3A_1438 = arith.constant 0 : i32
      %dma_wait3A_1439 = tpu.memref_slice %dma_wait3A_1437[%add3A_1430, %dma_wait3A_1438] : memref<125x80xi32, #tpu.memory_space<hbm>> -> memref<1x80xi32, #tpu.memory_space<hbm>>
      %dma_wait3A_1440 = arith.constant 5 : i32
      %dma_wait3A_1441 = arith.constant 0 : i32
      %dma_wait3A_1442 = tpu.memref_slice %arg10[%dma_wait3A_1440, %dma_wait3A_1441] : memref<8x80xi32, #tpu.memory_space<vmem>> -> memref<1x80xi32, #tpu.memory_space<vmem>>
      %dma_wait3A_1443 = arith.constant 0 : i32
      %dma_wait3A_1444 = arith.constant 0 : i32
      %dma_wait3A_1445 = tpu.memref_slice %arg3[%add3A, %dma_wait3A_1443, %dma_wait3A_1444] : memref<32x125x80xi32, #tpu.memory_space<hbm>> -> memref<1x125x80xi32, #tpu.memory_space<hbm>>
      %dma_wait3A_1446 = tpu.memref_squeeze %dma_wait3A_1445 : memref<1x125x80xi32, #tpu.memory_space<hbm>> -> memref<125x80xi32, #tpu.memory_space<hbm>>
      %dma_wait3A_1447 = arith.constant 0 : i32
      %dma_wait3A_1448 = tpu.memref_slice %dma_wait3A_1446[%add3A_1430, %dma_wait3A_1447] : memref<125x80xi32, #tpu.memory_space<hbm>> -> memref<1x80xi32, #tpu.memory_space<hbm>>
      tpu.wait_dma2 semaphore(%arg20 : memref<!tpu.dma_semaphore, #tpu.memory_space<semaphore_mem>>) src(%dma_wait3A_1448 : memref<1x80xi32, #tpu.memory_space<hbm>>) dst(%dma_wait3A_1442 : memref<1x80xi32, #tpu.memory_space<vmem>>)
      %dma_wait3A_1449 = arith.constant 5 : i32
      %dma_wait3A_1450 = arith.constant 0 : i32
      %dma_wait3A_1451 = tpu.memref_slice %arg11[%dma_wait3A_1449, %dma_wait3A_1450] : memref<8x80xi32, #tpu.memory_space<vmem>> -> memref<1x80xi32, #tpu.memory_space<vmem>>
      %dma_wait3A_1452 = arith.constant 0 : i32
      %dma_wait3A_1453 = arith.constant 0 : i32
      %dma_wait3A_1454 = tpu.memref_slice %arg4[%add3A, %dma_wait3A_1452, %dma_wait3A_1453] : memref<32x125x80xi32, #tpu.memory_space<hbm>> -> memref<1x125x80xi32, #tpu.memory_space<hbm>>
      %dma_wait3A_1455 = tpu.memref_squeeze %dma_wait3A_1454 : memref<1x125x80xi32, #tpu.memory_space<hbm>> -> memref<125x80xi32, #tpu.memory_space<hbm>>
      %dma_wait3A_1456 = arith.constant 0 : i32
      %dma_wait3A_1457 = tpu.memref_slice %dma_wait3A_1455[%add3A_1430, %dma_wait3A_1456] : memref<125x80xi32, #tpu.memory_space<hbm>> -> memref<1x80xi32, #tpu.memory_space<hbm>>
      %dma_wait3A_1458 = arith.constant 5 : i32
      %dma_wait3A_1459 = arith.constant 0 : i32
      %dma_wait3A_1460 = tpu.memref_slice %arg11[%dma_wait3A_1458, %dma_wait3A_1459] : memref<8x80xi32, #tpu.memory_space<vmem>> -> memref<1x80xi32, #tpu.memory_space<vmem>>
      %dma_wait3A_1461 = arith.constant 0 : i32
      %dma_wait3A_1462 = arith.constant 0 : i32
      %dma_wait3A_1463 = tpu.memref_slice %arg4[%add3A, %dma_wait3A_1461, %dma_wait3A_1462] : memref<32x125x80xi32, #tpu.memory_space<hbm>> -> memref<1x125x80xi32, #tpu.memory_space<hbm>>
      %dma_wait3A_1464 = tpu.memref_squeeze %dma_wait3A_1463 : memref<1x125x80xi32, #tpu.memory_space<hbm>> -> memref<125x80xi32, #tpu.memory_space<hbm>>
      %dma_wait3A_1465 = arith.constant 0 : i32
      %dma_wait3A_1466 = tpu.memref_slice %dma_wait3A_1464[%add3A_1430, %dma_wait3A_1465] : memref<125x80xi32, #tpu.memory_space<hbm>> -> memref<1x80xi32, #tpu.memory_space<hbm>>
      tpu.wait_dma2 semaphore(%arg20 : memref<!tpu.dma_semaphore, #tpu.memory_space<semaphore_mem>>) src(%dma_wait3A_1466 : memref<1x80xi32, #tpu.memory_space<hbm>>) dst(%dma_wait3A_1460 : memref<1x80xi32, #tpu.memory_space<vmem>>)
      %dma_start3A_1467 = arith.constant 5 : i32
      %dma_start3A_1468 = arith.constant 0 : i32
      %dma_start3A_1469 = tpu.memref_slice %arg10[%dma_start3A_1467, %dma_start3A_1468] : memref<8x80xi32, #tpu.memory_space<vmem>> -> memref<1x80xi32, #tpu.memory_space<vmem>>
      %dma_start3A_1470 = tpu.memref_squeeze %dma_start3A_1469 : memref<1x80xi32, #tpu.memory_space<vmem>> -> memref<80xi32, #tpu.memory_space<vmem>>
      %dma_start3A_1471 = arith.constant 0 : i32
      %dma_start3A_1472 = arith.constant 0 : i32
      %dma_start3A_1473 = tpu.memref_slice %arg2[%dma_start3A_1471, %dma_start3A_1472] : memref<10000x128xf32, #tpu.memory_space<hbm>> -> memref<10000x128xf32, #tpu.memory_space<hbm>>
      tpu.enqueue_indirect_dma source(%dma_start3A_1473 : memref<10000x128xf32, #tpu.memory_space<hbm>>) target(%arg7 : memref<80x128xf32, #tpu.memory_space<vmem>>) offsets(%dma_start3A_1470 : memref<80xi32, #tpu.memory_space<vmem>>) semaphore(%arg14 : memref<!tpu.dma_semaphore, #tpu.memory_space<semaphore_mem>>)
      %add3A_1474 = arith.constant 4 : i32
      %add3A_1475 = arith.addi %add3A_1407, %add3A_1474 : i32
      %dma_start3A_1476 = arith.constant 6 : i32
      %dma_start3A_1477 = arith.constant 0 : i32
      %dma_start3A_1478 = tpu.memref_slice %arg10[%dma_start3A_1476, %dma_start3A_1477] : memref<8x80xi32, #tpu.memory_space<vmem>> -> memref<1x80xi32, #tpu.memory_space<vmem>>
      %dma_start3A_1479 = arith.constant 0 : i32
      %dma_start3A_1480 = arith.constant 0 : i32
      %dma_start3A_1481 = tpu.memref_slice %arg3[%add3A, %dma_start3A_1479, %dma_start3A_1480] : memref<32x125x80xi32, #tpu.memory_space<hbm>> -> memref<1x125x80xi32, #tpu.memory_space<hbm>>
      %dma_start3A_1482 = tpu.memref_squeeze %dma_start3A_1481 : memref<1x125x80xi32, #tpu.memory_space<hbm>> -> memref<125x80xi32, #tpu.memory_space<hbm>>
      %dma_start3A_1483 = arith.constant 0 : i32
      %dma_start3A_1484 = tpu.memref_slice %dma_start3A_1482[%add3A_1475, %dma_start3A_1483] : memref<125x80xi32, #tpu.memory_space<hbm>> -> memref<1x80xi32, #tpu.memory_space<hbm>>
      %dma_start3A_1485 = arith.constant 6 : i32
      %dma_start3A_1486 = arith.constant 0 : i32
      %dma_start3A_1487 = tpu.memref_slice %arg10[%dma_start3A_1485, %dma_start3A_1486] : memref<8x80xi32, #tpu.memory_space<vmem>> -> memref<1x80xi32, #tpu.memory_space<vmem>>
      %dma_start3A_1488 = arith.constant 0 : i32
      %dma_start3A_1489 = arith.constant 0 : i32
      %dma_start3A_1490 = tpu.memref_slice %arg3[%add3A, %dma_start3A_1488, %dma_start3A_1489] : memref<32x125x80xi32, #tpu.memory_space<hbm>> -> memref<1x125x80xi32, #tpu.memory_space<hbm>>
      %dma_start3A_1491 = tpu.memref_squeeze %dma_start3A_1490 : memref<1x125x80xi32, #tpu.memory_space<hbm>> -> memref<125x80xi32, #tpu.memory_space<hbm>>
      %dma_start3A_1492 = arith.constant 0 : i32
      %dma_start3A_1493 = tpu.memref_slice %dma_start3A_1491[%add3A_1475, %dma_start3A_1492] : memref<125x80xi32, #tpu.memory_space<hbm>> -> memref<1x80xi32, #tpu.memory_space<hbm>>
      tpu.enqueue_dma source(%dma_start3A_1493 : memref<1x80xi32, #tpu.memory_space<hbm>>) target(%dma_start3A_1487 : memref<1x80xi32, #tpu.memory_space<vmem>>) target_semaphore(%arg19 : memref<!tpu.dma_semaphore, #tpu.memory_space<semaphore_mem>>)
      %dma_start3A_1494 = arith.constant 6 : i32
      %dma_start3A_1495 = arith.constant 0 : i32
      %dma_start3A_1496 = tpu.memref_slice %arg11[%dma_start3A_1494, %dma_start3A_1495] : memref<8x80xi32, #tpu.memory_space<vmem>> -> memref<1x80xi32, #tpu.memory_space<vmem>>
      %dma_start3A_1497 = arith.constant 0 : i32
      %dma_start3A_1498 = arith.constant 0 : i32
      %dma_start3A_1499 = tpu.memref_slice %arg4[%add3A, %dma_start3A_1497, %dma_start3A_1498] : memref<32x125x80xi32, #tpu.memory_space<hbm>> -> memref<1x125x80xi32, #tpu.memory_space<hbm>>
      %dma_start3A_1500 = tpu.memref_squeeze %dma_start3A_1499 : memref<1x125x80xi32, #tpu.memory_space<hbm>> -> memref<125x80xi32, #tpu.memory_space<hbm>>
      %dma_start3A_1501 = arith.constant 0 : i32
      %dma_start3A_1502 = tpu.memref_slice %dma_start3A_1500[%add3A_1475, %dma_start3A_1501] : memref<125x80xi32, #tpu.memory_space<hbm>> -> memref<1x80xi32, #tpu.memory_space<hbm>>
      %dma_start3A_1503 = arith.constant 6 : i32
      %dma_start3A_1504 = arith.constant 0 : i32
      %dma_start3A_1505 = tpu.memref_slice %arg11[%dma_start3A_1503, %dma_start3A_1504] : memref<8x80xi32, #tpu.memory_space<vmem>> -> memref<1x80xi32, #tpu.memory_space<vmem>>
      %dma_start3A_1506 = arith.constant 0 : i32
      %dma_start3A_1507 = arith.constant 0 : i32
      %dma_start3A_1508 = tpu.memref_slice %arg4[%add3A, %dma_start3A_1506, %dma_start3A_1507] : memref<32x125x80xi32, #tpu.memory_space<hbm>> -> memref<1x125x80xi32, #tpu.memory_space<hbm>>
      %dma_start3A_1509 = tpu.memref_squeeze %dma_start3A_1508 : memref<1x125x80xi32, #tpu.memory_space<hbm>> -> memref<125x80xi32, #tpu.memory_space<hbm>>
      %dma_start3A_1510 = arith.constant 0 : i32
      %dma_start3A_1511 = tpu.memref_slice %dma_start3A_1509[%add3A_1475, %dma_start3A_1510] : memref<125x80xi32, #tpu.memory_space<hbm>> -> memref<1x80xi32, #tpu.memory_space<hbm>>
      tpu.enqueue_dma source(%dma_start3A_1511 : memref<1x80xi32, #tpu.memory_space<hbm>>) target(%dma_start3A_1505 : memref<1x80xi32, #tpu.memory_space<vmem>>) target_semaphore(%arg19 : memref<!tpu.dma_semaphore, #tpu.memory_space<semaphore_mem>>)
      %mul3A_1512 = arith.constant 8 : i32
      %mul3A_1513 = arith.muli %mul3A_1512, %add3A_1187 : i32
      %add3A_1514 = arith.constant 3 : i32
      %add3A_1515 = arith.addi %mul3A_1513, %add3A_1514 : i32
      %dma_wait3A_1516 = arith.constant 3 : i32
      %dma_wait3A_1517 = arith.constant 0 : i32
      %dma_wait3A_1518 = tpu.memref_slice %arg10[%dma_wait3A_1516, %dma_wait3A_1517] : memref<8x80xi32, #tpu.memory_space<vmem>> -> memref<1x80xi32, #tpu.memory_space<vmem>>
      %dma_wait3A_1519 = tpu.memref_squeeze %dma_wait3A_1518 : memref<1x80xi32, #tpu.memory_space<vmem>> -> memref<80xi32, #tpu.memory_space<vmem>>
      %dma_wait3A_1520 = arith.constant 0 : i32
      %dma_wait3A_1521 = arith.constant 0 : i32
      %dma_wait3A_1522 = tpu.memref_slice %arg2[%dma_wait3A_1520, %dma_wait3A_1521] : memref<10000x128xf32, #tpu.memory_space<hbm>> -> memref<10000x128xf32, #tpu.memory_space<hbm>>
      tpu.wait_indirect_dma semaphore(%arg16 : memref<!tpu.dma_semaphore, #tpu.memory_space<semaphore_mem>>) src(%dma_wait3A_1522 : memref<10000x128xf32, #tpu.memory_space<hbm>>) dst(%arg9 : memref<80x128xf32, #tpu.memory_space<vmem>>)
      %dma_wait3A_1523 = arith.constant 2 : i32
      %dma_wait3A_1524 = arith.constant 0 : i32
      %dma_wait3A_1525 = tpu.memref_slice %arg11[%dma_wait3A_1523, %dma_wait3A_1524] : memref<8x80xi32, #tpu.memory_space<vmem>> -> memref<1x80xi32, #tpu.memory_space<vmem>>
      %dma_wait3A_1526 = tpu.memref_squeeze %dma_wait3A_1525 : memref<1x80xi32, #tpu.memory_space<vmem>> -> memref<80xi32, #tpu.memory_space<vmem>>
      %dma_wait3A_1527 = arith.constant 0 : i32
      %dma_wait3A_1528 = arith.constant 0 : i32
      %dma_wait3A_1529 = tpu.memref_slice %arg12[%dma_wait3A_1527, %dma_wait3A_1528] : memref<10240x128xf32, #tpu.memory_space<vmem_shared>> -> memref<10240x128xf32, #tpu.memory_space<vmem_shared>>
      tpu.wait_indirect_dma semaphore(%arg17 : memref<!tpu.dma_semaphore, #tpu.memory_space<semaphore_mem>>) src(%arg8 : memref<80x128xf32, #tpu.memory_space<vmem>>) dst(%dma_wait3A_1529 : memref<10240x128xf32, #tpu.memory_space<vmem_shared>>)
      %dma_start3A_1530 = arith.constant 3 : i32
      %dma_start3A_1531 = arith.constant 0 : i32
      %dma_start3A_1532 = tpu.memref_slice %arg11[%dma_start3A_1530, %dma_start3A_1531] : memref<8x80xi32, #tpu.memory_space<vmem>> -> memref<1x80xi32, #tpu.memory_space<vmem>>
      %dma_start3A_1533 = tpu.memref_squeeze %dma_start3A_1532 : memref<1x80xi32, #tpu.memory_space<vmem>> -> memref<80xi32, #tpu.memory_space<vmem>>
      %dma_start3A_1534 = arith.constant 0 : i32
      %dma_start3A_1535 = arith.constant 0 : i32
      %dma_start3A_1536 = tpu.memref_slice %arg12[%dma_start3A_1534, %dma_start3A_1535] : memref<10240x128xf32, #tpu.memory_space<vmem_shared>> -> memref<10240x128xf32, #tpu.memory_space<vmem_shared>>
      tpu.enqueue_indirect_dma source(%arg9 : memref<80x128xf32, #tpu.memory_space<vmem>>) target(%dma_start3A_1536 : memref<10240x128xf32, #tpu.memory_space<vmem_shared>>) offsets(%dma_start3A_1533 : memref<80xi32, #tpu.memory_space<vmem>>) semaphore(%arg18 : memref<!tpu.dma_semaphore, #tpu.memory_space<semaphore_mem>>) {add = true}
      %add3A_1537 = arith.constant 3 : i32
      %add3A_1538 = arith.addi %add3A_1515, %add3A_1537 : i32
      %dma_wait3A_1539 = arith.constant 6 : i32
      %dma_wait3A_1540 = arith.constant 0 : i32
      %dma_wait3A_1541 = tpu.memref_slice %arg10[%dma_wait3A_1539, %dma_wait3A_1540] : memref<8x80xi32, #tpu.memory_space<vmem>> -> memref<1x80xi32, #tpu.memory_space<vmem>>
      %dma_wait3A_1542 = arith.constant 0 : i32
      %dma_wait3A_1543 = arith.constant 0 : i32
      %dma_wait3A_1544 = tpu.memref_slice %arg3[%add3A, %dma_wait3A_1542, %dma_wait3A_1543] : memref<32x125x80xi32, #tpu.memory_space<hbm>> -> memref<1x125x80xi32, #tpu.memory_space<hbm>>
      %dma_wait3A_1545 = tpu.memref_squeeze %dma_wait3A_1544 : memref<1x125x80xi32, #tpu.memory_space<hbm>> -> memref<125x80xi32, #tpu.memory_space<hbm>>
      %dma_wait3A_1546 = arith.constant 0 : i32
      %dma_wait3A_1547 = tpu.memref_slice %dma_wait3A_1545[%add3A_1538, %dma_wait3A_1546] : memref<125x80xi32, #tpu.memory_space<hbm>> -> memref<1x80xi32, #tpu.memory_space<hbm>>
      %dma_wait3A_1548 = arith.constant 6 : i32
      %dma_wait3A_1549 = arith.constant 0 : i32
      %dma_wait3A_1550 = tpu.memref_slice %arg10[%dma_wait3A_1548, %dma_wait3A_1549] : memref<8x80xi32, #tpu.memory_space<vmem>> -> memref<1x80xi32, #tpu.memory_space<vmem>>
      %dma_wait3A_1551 = arith.constant 0 : i32
      %dma_wait3A_1552 = arith.constant 0 : i32
      %dma_wait3A_1553 = tpu.memref_slice %arg3[%add3A, %dma_wait3A_1551, %dma_wait3A_1552] : memref<32x125x80xi32, #tpu.memory_space<hbm>> -> memref<1x125x80xi32, #tpu.memory_space<hbm>>
      %dma_wait3A_1554 = tpu.memref_squeeze %dma_wait3A_1553 : memref<1x125x80xi32, #tpu.memory_space<hbm>> -> memref<125x80xi32, #tpu.memory_space<hbm>>
      %dma_wait3A_1555 = arith.constant 0 : i32
      %dma_wait3A_1556 = tpu.memref_slice %dma_wait3A_1554[%add3A_1538, %dma_wait3A_1555] : memref<125x80xi32, #tpu.memory_space<hbm>> -> memref<1x80xi32, #tpu.memory_space<hbm>>
      tpu.wait_dma2 semaphore(%arg19 : memref<!tpu.dma_semaphore, #tpu.memory_space<semaphore_mem>>) src(%dma_wait3A_1556 : memref<1x80xi32, #tpu.memory_space<hbm>>) dst(%dma_wait3A_1550 : memref<1x80xi32, #tpu.memory_space<vmem>>)
      %dma_wait3A_1557 = arith.constant 6 : i32
      %dma_wait3A_1558 = arith.constant 0 : i32
      %dma_wait3A_1559 = tpu.memref_slice %arg11[%dma_wait3A_1557, %dma_wait3A_1558] : memref<8x80xi32, #tpu.memory_space<vmem>> -> memref<1x80xi32, #tpu.memory_space<vmem>>
      %dma_wait3A_1560 = arith.constant 0 : i32
      %dma_wait3A_1561 = arith.constant 0 : i32
      %dma_wait3A_1562 = tpu.memref_slice %arg4[%add3A, %dma_wait3A_1560, %dma_wait3A_1561] : memref<32x125x80xi32, #tpu.memory_space<hbm>> -> memref<1x125x80xi32, #tpu.memory_space<hbm>>
      %dma_wait3A_1563 = tpu.memref_squeeze %dma_wait3A_1562 : memref<1x125x80xi32, #tpu.memory_space<hbm>> -> memref<125x80xi32, #tpu.memory_space<hbm>>
      %dma_wait3A_1564 = arith.constant 0 : i32
      %dma_wait3A_1565 = tpu.memref_slice %dma_wait3A_1563[%add3A_1538, %dma_wait3A_1564] : memref<125x80xi32, #tpu.memory_space<hbm>> -> memref<1x80xi32, #tpu.memory_space<hbm>>
      %dma_wait3A_1566 = arith.constant 6 : i32
      %dma_wait3A_1567 = arith.constant 0 : i32
      %dma_wait3A_1568 = tpu.memref_slice %arg11[%dma_wait3A_1566, %dma_wait3A_1567] : memref<8x80xi32, #tpu.memory_space<vmem>> -> memref<1x80xi32, #tpu.memory_space<vmem>>
      %dma_wait3A_1569 = arith.constant 0 : i32
      %dma_wait3A_1570 = arith.constant 0 : i32
      %dma_wait3A_1571 = tpu.memref_slice %arg4[%add3A, %dma_wait3A_1569, %dma_wait3A_1570] : memref<32x125x80xi32, #tpu.memory_space<hbm>> -> memref<1x125x80xi32, #tpu.memory_space<hbm>>
      %dma_wait3A_1572 = tpu.memref_squeeze %dma_wait3A_1571 : memref<1x125x80xi32, #tpu.memory_space<hbm>> -> memref<125x80xi32, #tpu.memory_space<hbm>>
      %dma_wait3A_1573 = arith.constant 0 : i32
      %dma_wait3A_1574 = tpu.memref_slice %dma_wait3A_1572[%add3A_1538, %dma_wait3A_1573] : memref<125x80xi32, #tpu.memory_space<hbm>> -> memref<1x80xi32, #tpu.memory_space<hbm>>
      tpu.wait_dma2 semaphore(%arg19 : memref<!tpu.dma_semaphore, #tpu.memory_space<semaphore_mem>>) src(%dma_wait3A_1574 : memref<1x80xi32, #tpu.memory_space<hbm>>) dst(%dma_wait3A_1568 : memref<1x80xi32, #tpu.memory_space<vmem>>)
      %dma_start3A_1575 = arith.constant 6 : i32
      %dma_start3A_1576 = arith.constant 0 : i32
      %dma_start3A_1577 = tpu.memref_slice %arg10[%dma_start3A_1575, %dma_start3A_1576] : memref<8x80xi32, #tpu.memory_space<vmem>> -> memref<1x80xi32, #tpu.memory_space<vmem>>
      %dma_start3A_1578 = tpu.memref_squeeze %dma_start3A_1577 : memref<1x80xi32, #tpu.memory_space<vmem>> -> memref<80xi32, #tpu.memory_space<vmem>>
      %dma_start3A_1579 = arith.constant 0 : i32
      %dma_start3A_1580 = arith.constant 0 : i32
      %dma_start3A_1581 = tpu.memref_slice %arg2[%dma_start3A_1579, %dma_start3A_1580] : memref<10000x128xf32, #tpu.memory_space<hbm>> -> memref<10000x128xf32, #tpu.memory_space<hbm>>
      tpu.enqueue_indirect_dma source(%dma_start3A_1581 : memref<10000x128xf32, #tpu.memory_space<hbm>>) target(%arg8 : memref<80x128xf32, #tpu.memory_space<vmem>>) offsets(%dma_start3A_1578 : memref<80xi32, #tpu.memory_space<vmem>>) semaphore(%arg15 : memref<!tpu.dma_semaphore, #tpu.memory_space<semaphore_mem>>)
      %add3A_1582 = arith.constant 4 : i32
      %add3A_1583 = arith.addi %add3A_1515, %add3A_1582 : i32
      %dma_start3A_1584 = arith.constant 7 : i32
      %dma_start3A_1585 = arith.constant 0 : i32
      %dma_start3A_1586 = tpu.memref_slice %arg10[%dma_start3A_1584, %dma_start3A_1585] : memref<8x80xi32, #tpu.memory_space<vmem>> -> memref<1x80xi32, #tpu.memory_space<vmem>>
      %dma_start3A_1587 = arith.constant 0 : i32
      %dma_start3A_1588 = arith.constant 0 : i32
      %dma_start3A_1589 = tpu.memref_slice %arg3[%add3A, %dma_start3A_1587, %dma_start3A_1588] : memref<32x125x80xi32, #tpu.memory_space<hbm>> -> memref<1x125x80xi32, #tpu.memory_space<hbm>>
      %dma_start3A_1590 = tpu.memref_squeeze %dma_start3A_1589 : memref<1x125x80xi32, #tpu.memory_space<hbm>> -> memref<125x80xi32, #tpu.memory_space<hbm>>
      %dma_start3A_1591 = arith.constant 0 : i32
      %dma_start3A_1592 = tpu.memref_slice %dma_start3A_1590[%add3A_1583, %dma_start3A_1591] : memref<125x80xi32, #tpu.memory_space<hbm>> -> memref<1x80xi32, #tpu.memory_space<hbm>>
      %dma_start3A_1593 = arith.constant 7 : i32
      %dma_start3A_1594 = arith.constant 0 : i32
      %dma_start3A_1595 = tpu.memref_slice %arg10[%dma_start3A_1593, %dma_start3A_1594] : memref<8x80xi32, #tpu.memory_space<vmem>> -> memref<1x80xi32, #tpu.memory_space<vmem>>
      %dma_start3A_1596 = arith.constant 0 : i32
      %dma_start3A_1597 = arith.constant 0 : i32
      %dma_start3A_1598 = tpu.memref_slice %arg3[%add3A, %dma_start3A_1596, %dma_start3A_1597] : memref<32x125x80xi32, #tpu.memory_space<hbm>> -> memref<1x125x80xi32, #tpu.memory_space<hbm>>
      %dma_start3A_1599 = tpu.memref_squeeze %dma_start3A_1598 : memref<1x125x80xi32, #tpu.memory_space<hbm>> -> memref<125x80xi32, #tpu.memory_space<hbm>>
      %dma_start3A_1600 = arith.constant 0 : i32
      %dma_start3A_1601 = tpu.memref_slice %dma_start3A_1599[%add3A_1583, %dma_start3A_1600] : memref<125x80xi32, #tpu.memory_space<hbm>> -> memref<1x80xi32, #tpu.memory_space<hbm>>
      tpu.enqueue_dma source(%dma_start3A_1601 : memref<1x80xi32, #tpu.memory_space<hbm>>) target(%dma_start3A_1595 : memref<1x80xi32, #tpu.memory_space<vmem>>) target_semaphore(%arg20 : memref<!tpu.dma_semaphore, #tpu.memory_space<semaphore_mem>>)
      %dma_start3A_1602 = arith.constant 7 : i32
      %dma_start3A_1603 = arith.constant 0 : i32
      %dma_start3A_1604 = tpu.memref_slice %arg11[%dma_start3A_1602, %dma_start3A_1603] : memref<8x80xi32, #tpu.memory_space<vmem>> -> memref<1x80xi32, #tpu.memory_space<vmem>>
      %dma_start3A_1605 = arith.constant 0 : i32
      %dma_start3A_1606 = arith.constant 0 : i32
      %dma_start3A_1607 = tpu.memref_slice %arg4[%add3A, %dma_start3A_1605, %dma_start3A_1606] : memref<32x125x80xi32, #tpu.memory_space<hbm>> -> memref<1x125x80xi32, #tpu.memory_space<hbm>>
      %dma_start3A_1608 = tpu.memref_squeeze %dma_start3A_1607 : memref<1x125x80xi32, #tpu.memory_space<hbm>> -> memref<125x80xi32, #tpu.memory_space<hbm>>
      %dma_start3A_1609 = arith.constant 0 : i32
      %dma_start3A_1610 = tpu.memref_slice %dma_start3A_1608[%add3A_1583, %dma_start3A_1609] : memref<125x80xi32, #tpu.memory_space<hbm>> -> memref<1x80xi32, #tpu.memory_space<hbm>>
      %dma_start3A_1611 = arith.constant 7 : i32
      %dma_start3A_1612 = arith.constant 0 : i32
      %dma_start3A_1613 = tpu.memref_slice %arg11[%dma_start3A_1611, %dma_start3A_1612] : memref<8x80xi32, #tpu.memory_space<vmem>> -> memref<1x80xi32, #tpu.memory_space<vmem>>
      %dma_start3A_1614 = arith.constant 0 : i32
      %dma_start3A_1615 = arith.constant 0 : i32
      %dma_start3A_1616 = tpu.memref_slice %arg4[%add3A, %dma_start3A_1614, %dma_start3A_1615] : memref<32x125x80xi32, #tpu.memory_space<hbm>> -> memref<1x125x80xi32, #tpu.memory_space<hbm>>
      %dma_start3A_1617 = tpu.memref_squeeze %dma_start3A_1616 : memref<1x125x80xi32, #tpu.memory_space<hbm>> -> memref<125x80xi32, #tpu.memory_space<hbm>>
      %dma_start3A_1618 = arith.constant 0 : i32
      %dma_start3A_1619 = tpu.memref_slice %dma_start3A_1617[%add3A_1583, %dma_start3A_1618] : memref<125x80xi32, #tpu.memory_space<hbm>> -> memref<1x80xi32, #tpu.memory_space<hbm>>
      tpu.enqueue_dma source(%dma_start3A_1619 : memref<1x80xi32, #tpu.memory_space<hbm>>) target(%dma_start3A_1613 : memref<1x80xi32, #tpu.memory_space<vmem>>) target_semaphore(%arg20 : memref<!tpu.dma_semaphore, #tpu.memory_space<semaphore_mem>>)
      %mul3A_1620 = arith.constant 8 : i32
      %mul3A_1621 = arith.muli %mul3A_1620, %add3A_1187 : i32
      %add3A_1622 = arith.constant 4 : i32
      %add3A_1623 = arith.addi %mul3A_1621, %add3A_1622 : i32
      %dma_wait3A_1624 = arith.constant 4 : i32
      %dma_wait3A_1625 = arith.constant 0 : i32
      %dma_wait3A_1626 = tpu.memref_slice %arg10[%dma_wait3A_1624, %dma_wait3A_1625] : memref<8x80xi32, #tpu.memory_space<vmem>> -> memref<1x80xi32, #tpu.memory_space<vmem>>
      %dma_wait3A_1627 = tpu.memref_squeeze %dma_wait3A_1626 : memref<1x80xi32, #tpu.memory_space<vmem>> -> memref<80xi32, #tpu.memory_space<vmem>>
      %dma_wait3A_1628 = arith.constant 0 : i32
      %dma_wait3A_1629 = arith.constant 0 : i32
      %dma_wait3A_1630 = tpu.memref_slice %arg2[%dma_wait3A_1628, %dma_wait3A_1629] : memref<10000x128xf32, #tpu.memory_space<hbm>> -> memref<10000x128xf32, #tpu.memory_space<hbm>>
      tpu.wait_indirect_dma semaphore(%arg13 : memref<!tpu.dma_semaphore, #tpu.memory_space<semaphore_mem>>) src(%dma_wait3A_1630 : memref<10000x128xf32, #tpu.memory_space<hbm>>) dst(%arg6 : memref<80x128xf32, #tpu.memory_space<vmem>>)
      %dma_wait3A_1631 = arith.constant 3 : i32
      %dma_wait3A_1632 = arith.constant 0 : i32
      %dma_wait3A_1633 = tpu.memref_slice %arg11[%dma_wait3A_1631, %dma_wait3A_1632] : memref<8x80xi32, #tpu.memory_space<vmem>> -> memref<1x80xi32, #tpu.memory_space<vmem>>
      %dma_wait3A_1634 = tpu.memref_squeeze %dma_wait3A_1633 : memref<1x80xi32, #tpu.memory_space<vmem>> -> memref<80xi32, #tpu.memory_space<vmem>>
      %dma_wait3A_1635 = arith.constant 0 : i32
      %dma_wait3A_1636 = arith.constant 0 : i32
      %dma_wait3A_1637 = tpu.memref_slice %arg12[%dma_wait3A_1635, %dma_wait3A_1636] : memref<10240x128xf32, #tpu.memory_space<vmem_shared>> -> memref<10240x128xf32, #tpu.memory_space<vmem_shared>>
      tpu.wait_indirect_dma semaphore(%arg18 : memref<!tpu.dma_semaphore, #tpu.memory_space<semaphore_mem>>) src(%arg9 : memref<80x128xf32, #tpu.memory_space<vmem>>) dst(%dma_wait3A_1637 : memref<10240x128xf32, #tpu.memory_space<vmem_shared>>)
      %dma_start3A_1638 = arith.constant 4 : i32
      %dma_start3A_1639 = arith.constant 0 : i32
      %dma_start3A_1640 = tpu.memref_slice %arg11[%dma_start3A_1638, %dma_start3A_1639] : memref<8x80xi32, #tpu.memory_space<vmem>> -> memref<1x80xi32, #tpu.memory_space<vmem>>
      %dma_start3A_1641 = tpu.memref_squeeze %dma_start3A_1640 : memref<1x80xi32, #tpu.memory_space<vmem>> -> memref<80xi32, #tpu.memory_space<vmem>>
      %dma_start3A_1642 = arith.constant 0 : i32
      %dma_start3A_1643 = arith.constant 0 : i32
      %dma_start3A_1644 = tpu.memref_slice %arg12[%dma_start3A_1642, %dma_start3A_1643] : memref<10240x128xf32, #tpu.memory_space<vmem_shared>> -> memref<10240x128xf32, #tpu.memory_space<vmem_shared>>
      tpu.enqueue_indirect_dma source(%arg6 : memref<80x128xf32, #tpu.memory_space<vmem>>) target(%dma_start3A_1644 : memref<10240x128xf32, #tpu.memory_space<vmem_shared>>) offsets(%dma_start3A_1641 : memref<80xi32, #tpu.memory_space<vmem>>) semaphore(%arg17 : memref<!tpu.dma_semaphore, #tpu.memory_space<semaphore_mem>>) {add = true}
      %add3A_1645 = arith.constant 3 : i32
      %add3A_1646 = arith.addi %add3A_1623, %add3A_1645 : i32
      %dma_wait3A_1647 = arith.constant 7 : i32
      %dma_wait3A_1648 = arith.constant 0 : i32
      %dma_wait3A_1649 = tpu.memref_slice %arg10[%dma_wait3A_1647, %dma_wait3A_1648] : memref<8x80xi32, #tpu.memory_space<vmem>> -> memref<1x80xi32, #tpu.memory_space<vmem>>
      %dma_wait3A_1650 = arith.constant 0 : i32
      %dma_wait3A_1651 = arith.constant 0 : i32
      %dma_wait3A_1652 = tpu.memref_slice %arg3[%add3A, %dma_wait3A_1650, %dma_wait3A_1651] : memref<32x125x80xi32, #tpu.memory_space<hbm>> -> memref<1x125x80xi32, #tpu.memory_space<hbm>>
      %dma_wait3A_1653 = tpu.memref_squeeze %dma_wait3A_1652 : memref<1x125x80xi32, #tpu.memory_space<hbm>> -> memref<125x80xi32, #tpu.memory_space<hbm>>
      %dma_wait3A_1654 = arith.constant 0 : i32
      %dma_wait3A_1655 = tpu.memref_slice %dma_wait3A_1653[%add3A_1646, %dma_wait3A_1654] : memref<125x80xi32, #tpu.memory_space<hbm>> -> memref<1x80xi32, #tpu.memory_space<hbm>>
      %dma_wait3A_1656 = arith.constant 7 : i32
      %dma_wait3A_1657 = arith.constant 0 : i32
      %dma_wait3A_1658 = tpu.memref_slice %arg10[%dma_wait3A_1656, %dma_wait3A_1657] : memref<8x80xi32, #tpu.memory_space<vmem>> -> memref<1x80xi32, #tpu.memory_space<vmem>>
      %dma_wait3A_1659 = arith.constant 0 : i32
      %dma_wait3A_1660 = arith.constant 0 : i32
      %dma_wait3A_1661 = tpu.memref_slice %arg3[%add3A, %dma_wait3A_1659, %dma_wait3A_1660] : memref<32x125x80xi32, #tpu.memory_space<hbm>> -> memref<1x125x80xi32, #tpu.memory_space<hbm>>
      %dma_wait3A_1662 = tpu.memref_squeeze %dma_wait3A_1661 : memref<1x125x80xi32, #tpu.memory_space<hbm>> -> memref<125x80xi32, #tpu.memory_space<hbm>>
      %dma_wait3A_1663 = arith.constant 0 : i32
      %dma_wait3A_1664 = tpu.memref_slice %dma_wait3A_1662[%add3A_1646, %dma_wait3A_1663] : memref<125x80xi32, #tpu.memory_space<hbm>> -> memref<1x80xi32, #tpu.memory_space<hbm>>
      tpu.wait_dma2 semaphore(%arg20 : memref<!tpu.dma_semaphore, #tpu.memory_space<semaphore_mem>>) src(%dma_wait3A_1664 : memref<1x80xi32, #tpu.memory_space<hbm>>) dst(%dma_wait3A_1658 : memref<1x80xi32, #tpu.memory_space<vmem>>)
      %dma_wait3A_1665 = arith.constant 7 : i32
      %dma_wait3A_1666 = arith.constant 0 : i32
      %dma_wait3A_1667 = tpu.memref_slice %arg11[%dma_wait3A_1665, %dma_wait3A_1666] : memref<8x80xi32, #tpu.memory_space<vmem>> -> memref<1x80xi32, #tpu.memory_space<vmem>>
      %dma_wait3A_1668 = arith.constant 0 : i32
      %dma_wait3A_1669 = arith.constant 0 : i32
      %dma_wait3A_1670 = tpu.memref_slice %arg4[%add3A, %dma_wait3A_1668, %dma_wait3A_1669] : memref<32x125x80xi32, #tpu.memory_space<hbm>> -> memref<1x125x80xi32, #tpu.memory_space<hbm>>
      %dma_wait3A_1671 = tpu.memref_squeeze %dma_wait3A_1670 : memref<1x125x80xi32, #tpu.memory_space<hbm>> -> memref<125x80xi32, #tpu.memory_space<hbm>>
      %dma_wait3A_1672 = arith.constant 0 : i32
      %dma_wait3A_1673 = tpu.memref_slice %dma_wait3A_1671[%add3A_1646, %dma_wait3A_1672] : memref<125x80xi32, #tpu.memory_space<hbm>> -> memref<1x80xi32, #tpu.memory_space<hbm>>
      %dma_wait3A_1674 = arith.constant 7 : i32
      %dma_wait3A_1675 = arith.constant 0 : i32
      %dma_wait3A_1676 = tpu.memref_slice %arg11[%dma_wait3A_1674, %dma_wait3A_1675] : memref<8x80xi32, #tpu.memory_space<vmem>> -> memref<1x80xi32, #tpu.memory_space<vmem>>
      %dma_wait3A_1677 = arith.constant 0 : i32
      %dma_wait3A_1678 = arith.constant 0 : i32
      %dma_wait3A_1679 = tpu.memref_slice %arg4[%add3A, %dma_wait3A_1677, %dma_wait3A_1678] : memref<32x125x80xi32, #tpu.memory_space<hbm>> -> memref<1x125x80xi32, #tpu.memory_space<hbm>>
      %dma_wait3A_1680 = tpu.memref_squeeze %dma_wait3A_1679 : memref<1x125x80xi32, #tpu.memory_space<hbm>> -> memref<125x80xi32, #tpu.memory_space<hbm>>
      %dma_wait3A_1681 = arith.constant 0 : i32
      %dma_wait3A_1682 = tpu.memref_slice %dma_wait3A_1680[%add3A_1646, %dma_wait3A_1681] : memref<125x80xi32, #tpu.memory_space<hbm>> -> memref<1x80xi32, #tpu.memory_space<hbm>>
      tpu.wait_dma2 semaphore(%arg20 : memref<!tpu.dma_semaphore, #tpu.memory_space<semaphore_mem>>) src(%dma_wait3A_1682 : memref<1x80xi32, #tpu.memory_space<hbm>>) dst(%dma_wait3A_1676 : memref<1x80xi32, #tpu.memory_space<vmem>>)
      %dma_start3A_1683 = arith.constant 7 : i32
      %dma_start3A_1684 = arith.constant 0 : i32
      %dma_start3A_1685 = tpu.memref_slice %arg10[%dma_start3A_1683, %dma_start3A_1684] : memref<8x80xi32, #tpu.memory_space<vmem>> -> memref<1x80xi32, #tpu.memory_space<vmem>>
      %dma_start3A_1686 = tpu.memref_squeeze %dma_start3A_1685 : memref<1x80xi32, #tpu.memory_space<vmem>> -> memref<80xi32, #tpu.memory_space<vmem>>
      %dma_start3A_1687 = arith.constant 0 : i32
      %dma_start3A_1688 = arith.constant 0 : i32
      %dma_start3A_1689 = tpu.memref_slice %arg2[%dma_start3A_1687, %dma_start3A_1688] : memref<10000x128xf32, #tpu.memory_space<hbm>> -> memref<10000x128xf32, #tpu.memory_space<hbm>>
      tpu.enqueue_indirect_dma source(%dma_start3A_1689 : memref<10000x128xf32, #tpu.memory_space<hbm>>) target(%arg9 : memref<80x128xf32, #tpu.memory_space<vmem>>) offsets(%dma_start3A_1686 : memref<80xi32, #tpu.memory_space<vmem>>) semaphore(%arg16 : memref<!tpu.dma_semaphore, #tpu.memory_space<semaphore_mem>>)
      %add3A_1690 = arith.constant 4 : i32
      %add3A_1691 = arith.addi %add3A_1623, %add3A_1690 : i32
      %dma_start3A_1692 = arith.constant 0 : i32
      %dma_start3A_1693 = arith.constant 0 : i32
      %dma_start3A_1694 = tpu.memref_slice %arg10[%dma_start3A_1692, %dma_start3A_1693] : memref<8x80xi32, #tpu.memory_space<vmem>> -> memref<1x80xi32, #tpu.memory_space<vmem>>
      %dma_start3A_1695 = arith.constant 0 : i32
      %dma_start3A_1696 = arith.constant 0 : i32
      %dma_start3A_1697 = tpu.memref_slice %arg3[%add3A, %dma_start3A_1695, %dma_start3A_1696] : memref<32x125x80xi32, #tpu.memory_space<hbm>> -> memref<1x125x80xi32, #tpu.memory_space<hbm>>
      %dma_start3A_1698 = tpu.memref_squeeze %dma_start3A_1697 : memref<1x125x80xi32, #tpu.memory_space<hbm>> -> memref<125x80xi32, #tpu.memory_space<hbm>>
      %dma_start3A_1699 = arith.constant 0 : i32
      %dma_start3A_1700 = tpu.memref_slice %dma_start3A_1698[%add3A_1691, %dma_start3A_1699] : memref<125x80xi32, #tpu.memory_space<hbm>> -> memref<1x80xi32, #tpu.memory_space<hbm>>
      %dma_start3A_1701 = arith.constant 0 : i32
      %dma_start3A_1702 = arith.constant 0 : i32
      %dma_start3A_1703 = tpu.memref_slice %arg10[%dma_start3A_1701, %dma_start3A_1702] : memref<8x80xi32, #tpu.memory_space<vmem>> -> memref<1x80xi32, #tpu.memory_space<vmem>>
      %dma_start3A_1704 = arith.constant 0 : i32
      %dma_start3A_1705 = arith.constant 0 : i32
      %dma_start3A_1706 = tpu.memref_slice %arg3[%add3A, %dma_start3A_1704, %dma_start3A_1705] : memref<32x125x80xi32, #tpu.memory_space<hbm>> -> memref<1x125x80xi32, #tpu.memory_space<hbm>>
      %dma_start3A_1707 = tpu.memref_squeeze %dma_start3A_1706 : memref<1x125x80xi32, #tpu.memory_space<hbm>> -> memref<125x80xi32, #tpu.memory_space<hbm>>
      %dma_start3A_1708 = arith.constant 0 : i32
      %dma_start3A_1709 = tpu.memref_slice %dma_start3A_1707[%add3A_1691, %dma_start3A_1708] : memref<125x80xi32, #tpu.memory_space<hbm>> -> memref<1x80xi32, #tpu.memory_space<hbm>>
      tpu.enqueue_dma source(%dma_start3A_1709 : memref<1x80xi32, #tpu.memory_space<hbm>>) target(%dma_start3A_1703 : memref<1x80xi32, #tpu.memory_space<vmem>>) target_semaphore(%arg19 : memref<!tpu.dma_semaphore, #tpu.memory_space<semaphore_mem>>)
      %dma_start3A_1710 = arith.constant 0 : i32
      %dma_start3A_1711 = arith.constant 0 : i32
      %dma_start3A_1712 = tpu.memref_slice %arg11[%dma_start3A_1710, %dma_start3A_1711] : memref<8x80xi32, #tpu.memory_space<vmem>> -> memref<1x80xi32, #tpu.memory_space<vmem>>
      %dma_start3A_1713 = arith.constant 0 : i32
      %dma_start3A_1714 = arith.constant 0 : i32
      %dma_start3A_1715 = tpu.memref_slice %arg4[%add3A, %dma_start3A_1713, %dma_start3A_1714] : memref<32x125x80xi32, #tpu.memory_space<hbm>> -> memref<1x125x80xi32, #tpu.memory_space<hbm>>
      %dma_start3A_1716 = tpu.memref_squeeze %dma_start3A_1715 : memref<1x125x80xi32, #tpu.memory_space<hbm>> -> memref<125x80xi32, #tpu.memory_space<hbm>>
      %dma_start3A_1717 = arith.constant 0 : i32
      %dma_start3A_1718 = tpu.memref_slice %dma_start3A_1716[%add3A_1691, %dma_start3A_1717] : memref<125x80xi32, #tpu.memory_space<hbm>> -> memref<1x80xi32, #tpu.memory_space<hbm>>
      %dma_start3A_1719 = arith.constant 0 : i32
      %dma_start3A_1720 = arith.constant 0 : i32
      %dma_start3A_1721 = tpu.memref_slice %arg11[%dma_start3A_1719, %dma_start3A_1720] : memref<8x80xi32, #tpu.memory_space<vmem>> -> memref<1x80xi32, #tpu.memory_space<vmem>>
      %dma_start3A_1722 = arith.constant 0 : i32
      %dma_start3A_1723 = arith.constant 0 : i32
      %dma_start3A_1724 = tpu.memref_slice %arg4[%add3A, %dma_start3A_1722, %dma_start3A_1723] : memref<32x125x80xi32, #tpu.memory_space<hbm>> -> memref<1x125x80xi32, #tpu.memory_space<hbm>>
      %dma_start3A_1725 = tpu.memref_squeeze %dma_start3A_1724 : memref<1x125x80xi32, #tpu.memory_space<hbm>> -> memref<125x80xi32, #tpu.memory_space<hbm>>
      %dma_start3A_1726 = arith.constant 0 : i32
      %dma_start3A_1727 = tpu.memref_slice %dma_start3A_1725[%add3A_1691, %dma_start3A_1726] : memref<125x80xi32, #tpu.memory_space<hbm>> -> memref<1x80xi32, #tpu.memory_space<hbm>>
      tpu.enqueue_dma source(%dma_start3A_1727 : memref<1x80xi32, #tpu.memory_space<hbm>>) target(%dma_start3A_1721 : memref<1x80xi32, #tpu.memory_space<vmem>>) target_semaphore(%arg19 : memref<!tpu.dma_semaphore, #tpu.memory_space<semaphore_mem>>)
      %mul3A_1728 = arith.constant 8 : i32
      %mul3A_1729 = arith.muli %mul3A_1728, %add3A_1187 : i32
      %add3A_1730 = arith.constant 5 : i32
      %add3A_1731 = arith.addi %mul3A_1729, %add3A_1730 : i32
      %dma_wait3A_1732 = arith.constant 5 : i32
      %dma_wait3A_1733 = arith.constant 0 : i32
      %dma_wait3A_1734 = tpu.memref_slice %arg10[%dma_wait3A_1732, %dma_wait3A_1733] : memref<8x80xi32, #tpu.memory_space<vmem>> -> memref<1x80xi32, #tpu.memory_space<vmem>>
      %dma_wait3A_1735 = tpu.memref_squeeze %dma_wait3A_1734 : memref<1x80xi32, #tpu.memory_space<vmem>> -> memref<80xi32, #tpu.memory_space<vmem>>
      %dma_wait3A_1736 = arith.constant 0 : i32
      %dma_wait3A_1737 = arith.constant 0 : i32
      %dma_wait3A_1738 = tpu.memref_slice %arg2[%dma_wait3A_1736, %dma_wait3A_1737] : memref<10000x128xf32, #tpu.memory_space<hbm>> -> memref<10000x128xf32, #tpu.memory_space<hbm>>
      tpu.wait_indirect_dma semaphore(%arg14 : memref<!tpu.dma_semaphore, #tpu.memory_space<semaphore_mem>>) src(%dma_wait3A_1738 : memref<10000x128xf32, #tpu.memory_space<hbm>>) dst(%arg7 : memref<80x128xf32, #tpu.memory_space<vmem>>)
      %dma_wait3A_1739 = arith.constant 4 : i32
      %dma_wait3A_1740 = arith.constant 0 : i32
      %dma_wait3A_1741 = tpu.memref_slice %arg11[%dma_wait3A_1739, %dma_wait3A_1740] : memref<8x80xi32, #tpu.memory_space<vmem>> -> memref<1x80xi32, #tpu.memory_space<vmem>>
      %dma_wait3A_1742 = tpu.memref_squeeze %dma_wait3A_1741 : memref<1x80xi32, #tpu.memory_space<vmem>> -> memref<80xi32, #tpu.memory_space<vmem>>
      %dma_wait3A_1743 = arith.constant 0 : i32
      %dma_wait3A_1744 = arith.constant 0 : i32
      %dma_wait3A_1745 = tpu.memref_slice %arg12[%dma_wait3A_1743, %dma_wait3A_1744] : memref<10240x128xf32, #tpu.memory_space<vmem_shared>> -> memref<10240x128xf32, #tpu.memory_space<vmem_shared>>
      tpu.wait_indirect_dma semaphore(%arg17 : memref<!tpu.dma_semaphore, #tpu.memory_space<semaphore_mem>>) src(%arg6 : memref<80x128xf32, #tpu.memory_space<vmem>>) dst(%dma_wait3A_1745 : memref<10240x128xf32, #tpu.memory_space<vmem_shared>>)
      %dma_start3A_1746 = arith.constant 5 : i32
      %dma_start3A_1747 = arith.constant 0 : i32
      %dma_start3A_1748 = tpu.memref_slice %arg11[%dma_start3A_1746, %dma_start3A_1747] : memref<8x80xi32, #tpu.memory_space<vmem>> -> memref<1x80xi32, #tpu.memory_space<vmem>>
      %dma_start3A_1749 = tpu.memref_squeeze %dma_start3A_1748 : memref<1x80xi32, #tpu.memory_space<vmem>> -> memref<80xi32, #tpu.memory_space<vmem>>
      %dma_start3A_1750 = arith.constant 0 : i32
      %dma_start3A_1751 = arith.constant 0 : i32
      %dma_start3A_1752 = tpu.memref_slice %arg12[%dma_start3A_1750, %dma_start3A_1751] : memref<10240x128xf32, #tpu.memory_space<vmem_shared>> -> memref<10240x128xf32, #tpu.memory_space<vmem_shared>>
      tpu.enqueue_indirect_dma source(%arg7 : memref<80x128xf32, #tpu.memory_space<vmem>>) target(%dma_start3A_1752 : memref<10240x128xf32, #tpu.memory_space<vmem_shared>>) offsets(%dma_start3A_1749 : memref<80xi32, #tpu.memory_space<vmem>>) semaphore(%arg18 : memref<!tpu.dma_semaphore, #tpu.memory_space<semaphore_mem>>) {add = true}
      %add3A_1753 = arith.constant 3 : i32
      %add3A_1754 = arith.addi %add3A_1731, %add3A_1753 : i32
      %dma_wait3A_1755 = arith.constant 0 : i32
      %dma_wait3A_1756 = arith.constant 0 : i32
      %dma_wait3A_1757 = tpu.memref_slice %arg10[%dma_wait3A_1755, %dma_wait3A_1756] : memref<8x80xi32, #tpu.memory_space<vmem>> -> memref<1x80xi32, #tpu.memory_space<vmem>>
      %dma_wait3A_1758 = arith.constant 0 : i32
      %dma_wait3A_1759 = arith.constant 0 : i32
      %dma_wait3A_1760 = tpu.memref_slice %arg3[%add3A, %dma_wait3A_1758, %dma_wait3A_1759] : memref<32x125x80xi32, #tpu.memory_space<hbm>> -> memref<1x125x80xi32, #tpu.memory_space<hbm>>
      %dma_wait3A_1761 = tpu.memref_squeeze %dma_wait3A_1760 : memref<1x125x80xi32, #tpu.memory_space<hbm>> -> memref<125x80xi32, #tpu.memory_space<hbm>>
      %dma_wait3A_1762 = arith.constant 0 : i32
      %dma_wait3A_1763 = tpu.memref_slice %dma_wait3A_1761[%add3A_1754, %dma_wait3A_1762] : memref<125x80xi32, #tpu.memory_space<hbm>> -> memref<1x80xi32, #tpu.memory_space<hbm>>
      %dma_wait3A_1764 = arith.constant 0 : i32
      %dma_wait3A_1765 = arith.constant 0 : i32
      %dma_wait3A_1766 = tpu.memref_slice %arg10[%dma_wait3A_1764, %dma_wait3A_1765] : memref<8x80xi32, #tpu.memory_space<vmem>> -> memref<1x80xi32, #tpu.memory_space<vmem>>
      %dma_wait3A_1767 = arith.constant 0 : i32
      %dma_wait3A_1768 = arith.constant 0 : i32
      %dma_wait3A_1769 = tpu.memref_slice %arg3[%add3A, %dma_wait3A_1767, %dma_wait3A_1768] : memref<32x125x80xi32, #tpu.memory_space<hbm>> -> memref<1x125x80xi32, #tpu.memory_space<hbm>>
      %dma_wait3A_1770 = tpu.memref_squeeze %dma_wait3A_1769 : memref<1x125x80xi32, #tpu.memory_space<hbm>> -> memref<125x80xi32, #tpu.memory_space<hbm>>
      %dma_wait3A_1771 = arith.constant 0 : i32
      %dma_wait3A_1772 = tpu.memref_slice %dma_wait3A_1770[%add3A_1754, %dma_wait3A_1771] : memref<125x80xi32, #tpu.memory_space<hbm>> -> memref<1x80xi32, #tpu.memory_space<hbm>>
      tpu.wait_dma2 semaphore(%arg19 : memref<!tpu.dma_semaphore, #tpu.memory_space<semaphore_mem>>) src(%dma_wait3A_1772 : memref<1x80xi32, #tpu.memory_space<hbm>>) dst(%dma_wait3A_1766 : memref<1x80xi32, #tpu.memory_space<vmem>>)
      %dma_wait3A_1773 = arith.constant 0 : i32
      %dma_wait3A_1774 = arith.constant 0 : i32
      %dma_wait3A_1775 = tpu.memref_slice %arg11[%dma_wait3A_1773, %dma_wait3A_1774] : memref<8x80xi32, #tpu.memory_space<vmem>> -> memref<1x80xi32, #tpu.memory_space<vmem>>
      %dma_wait3A_1776 = arith.constant 0 : i32
      %dma_wait3A_1777 = arith.constant 0 : i32
      %dma_wait3A_1778 = tpu.memref_slice %arg4[%add3A, %dma_wait3A_1776, %dma_wait3A_1777] : memref<32x125x80xi32, #tpu.memory_space<hbm>> -> memref<1x125x80xi32, #tpu.memory_space<hbm>>
      %dma_wait3A_1779 = tpu.memref_squeeze %dma_wait3A_1778 : memref<1x125x80xi32, #tpu.memory_space<hbm>> -> memref<125x80xi32, #tpu.memory_space<hbm>>
      %dma_wait3A_1780 = arith.constant 0 : i32
      %dma_wait3A_1781 = tpu.memref_slice %dma_wait3A_1779[%add3A_1754, %dma_wait3A_1780] : memref<125x80xi32, #tpu.memory_space<hbm>> -> memref<1x80xi32, #tpu.memory_space<hbm>>
      %dma_wait3A_1782 = arith.constant 0 : i32
      %dma_wait3A_1783 = arith.constant 0 : i32
      %dma_wait3A_1784 = tpu.memref_slice %arg11[%dma_wait3A_1782, %dma_wait3A_1783] : memref<8x80xi32, #tpu.memory_space<vmem>> -> memref<1x80xi32, #tpu.memory_space<vmem>>
      %dma_wait3A_1785 = arith.constant 0 : i32
      %dma_wait3A_1786 = arith.constant 0 : i32
      %dma_wait3A_1787 = tpu.memref_slice %arg4[%add3A, %dma_wait3A_1785, %dma_wait3A_1786] : memref<32x125x80xi32, #tpu.memory_space<hbm>> -> memref<1x125x80xi32, #tpu.memory_space<hbm>>
      %dma_wait3A_1788 = tpu.memref_squeeze %dma_wait3A_1787 : memref<1x125x80xi32, #tpu.memory_space<hbm>> -> memref<125x80xi32, #tpu.memory_space<hbm>>
      %dma_wait3A_1789 = arith.constant 0 : i32
      %dma_wait3A_1790 = tpu.memref_slice %dma_wait3A_1788[%add3A_1754, %dma_wait3A_1789] : memref<125x80xi32, #tpu.memory_space<hbm>> -> memref<1x80xi32, #tpu.memory_space<hbm>>
      tpu.wait_dma2 semaphore(%arg19 : memref<!tpu.dma_semaphore, #tpu.memory_space<semaphore_mem>>) src(%dma_wait3A_1790 : memref<1x80xi32, #tpu.memory_space<hbm>>) dst(%dma_wait3A_1784 : memref<1x80xi32, #tpu.memory_space<vmem>>)
      %dma_start3A_1791 = arith.constant 0 : i32
      %dma_start3A_1792 = arith.constant 0 : i32
      %dma_start3A_1793 = tpu.memref_slice %arg10[%dma_start3A_1791, %dma_start3A_1792] : memref<8x80xi32, #tpu.memory_space<vmem>> -> memref<1x80xi32, #tpu.memory_space<vmem>>
      %dma_start3A_1794 = tpu.memref_squeeze %dma_start3A_1793 : memref<1x80xi32, #tpu.memory_space<vmem>> -> memref<80xi32, #tpu.memory_space<vmem>>
      %dma_start3A_1795 = arith.constant 0 : i32
      %dma_start3A_1796 = arith.constant 0 : i32
      %dma_start3A_1797 = tpu.memref_slice %arg2[%dma_start3A_1795, %dma_start3A_1796] : memref<10000x128xf32, #tpu.memory_space<hbm>> -> memref<10000x128xf32, #tpu.memory_space<hbm>>
      tpu.enqueue_indirect_dma source(%dma_start3A_1797 : memref<10000x128xf32, #tpu.memory_space<hbm>>) target(%arg6 : memref<80x128xf32, #tpu.memory_space<vmem>>) offsets(%dma_start3A_1794 : memref<80xi32, #tpu.memory_space<vmem>>) semaphore(%arg13 : memref<!tpu.dma_semaphore, #tpu.memory_space<semaphore_mem>>)
      %add3A_1798 = arith.constant 4 : i32
      %add3A_1799 = arith.addi %add3A_1731, %add3A_1798 : i32
      %dma_start3A_1800 = arith.constant 1 : i32
      %dma_start3A_1801 = arith.constant 0 : i32
      %dma_start3A_1802 = tpu.memref_slice %arg10[%dma_start3A_1800, %dma_start3A_1801] : memref<8x80xi32, #tpu.memory_space<vmem>> -> memref<1x80xi32, #tpu.memory_space<vmem>>
      %dma_start3A_1803 = arith.constant 0 : i32
      %dma_start3A_1804 = arith.constant 0 : i32
      %dma_start3A_1805 = tpu.memref_slice %arg3[%add3A, %dma_start3A_1803, %dma_start3A_1804] : memref<32x125x80xi32, #tpu.memory_space<hbm>> -> memref<1x125x80xi32, #tpu.memory_space<hbm>>
      %dma_start3A_1806 = tpu.memref_squeeze %dma_start3A_1805 : memref<1x125x80xi32, #tpu.memory_space<hbm>> -> memref<125x80xi32, #tpu.memory_space<hbm>>
      %dma_start3A_1807 = arith.constant 0 : i32
      %dma_start3A_1808 = tpu.memref_slice %dma_start3A_1806[%add3A_1799, %dma_start3A_1807] : memref<125x80xi32, #tpu.memory_space<hbm>> -> memref<1x80xi32, #tpu.memory_space<hbm>>
      %dma_start3A_1809 = arith.constant 1 : i32
      %dma_start3A_1810 = arith.constant 0 : i32
      %dma_start3A_1811 = tpu.memref_slice %arg10[%dma_start3A_1809, %dma_start3A_1810] : memref<8x80xi32, #tpu.memory_space<vmem>> -> memref<1x80xi32, #tpu.memory_space<vmem>>
      %dma_start3A_1812 = arith.constant 0 : i32
      %dma_start3A_1813 = arith.constant 0 : i32
      %dma_start3A_1814 = tpu.memref_slice %arg3[%add3A, %dma_start3A_1812, %dma_start3A_1813] : memref<32x125x80xi32, #tpu.memory_space<hbm>> -> memref<1x125x80xi32, #tpu.memory_space<hbm>>
      %dma_start3A_1815 = tpu.memref_squeeze %dma_start3A_1814 : memref<1x125x80xi32, #tpu.memory_space<hbm>> -> memref<125x80xi32, #tpu.memory_space<hbm>>
      %dma_start3A_1816 = arith.constant 0 : i32
      %dma_start3A_1817 = tpu.memref_slice %dma_start3A_1815[%add3A_1799, %dma_start3A_1816] : memref<125x80xi32, #tpu.memory_space<hbm>> -> memref<1x80xi32, #tpu.memory_space<hbm>>
      tpu.enqueue_dma source(%dma_start3A_1817 : memref<1x80xi32, #tpu.memory_space<hbm>>) target(%dma_start3A_1811 : memref<1x80xi32, #tpu.memory_space<vmem>>) target_semaphore(%arg20 : memref<!tpu.dma_semaphore, #tpu.memory_space<semaphore_mem>>)
      %dma_start3A_1818 = arith.constant 1 : i32
      %dma_start3A_1819 = arith.constant 0 : i32
      %dma_start3A_1820 = tpu.memref_slice %arg11[%dma_start3A_1818, %dma_start3A_1819] : memref<8x80xi32, #tpu.memory_space<vmem>> -> memref<1x80xi32, #tpu.memory_space<vmem>>
      %dma_start3A_1821 = arith.constant 0 : i32
      %dma_start3A_1822 = arith.constant 0 : i32
      %dma_start3A_1823 = tpu.memref_slice %arg4[%add3A, %dma_start3A_1821, %dma_start3A_1822] : memref<32x125x80xi32, #tpu.memory_space<hbm>> -> memref<1x125x80xi32, #tpu.memory_space<hbm>>
      %dma_start3A_1824 = tpu.memref_squeeze %dma_start3A_1823 : memref<1x125x80xi32, #tpu.memory_space<hbm>> -> memref<125x80xi32, #tpu.memory_space<hbm>>
      %dma_start3A_1825 = arith.constant 0 : i32
      %dma_start3A_1826 = tpu.memref_slice %dma_start3A_1824[%add3A_1799, %dma_start3A_1825] : memref<125x80xi32, #tpu.memory_space<hbm>> -> memref<1x80xi32, #tpu.memory_space<hbm>>
      %dma_start3A_1827 = arith.constant 1 : i32
      %dma_start3A_1828 = arith.constant 0 : i32
      %dma_start3A_1829 = tpu.memref_slice %arg11[%dma_start3A_1827, %dma_start3A_1828] : memref<8x80xi32, #tpu.memory_space<vmem>> -> memref<1x80xi32, #tpu.memory_space<vmem>>
      %dma_start3A_1830 = arith.constant 0 : i32
      %dma_start3A_1831 = arith.constant 0 : i32
      %dma_start3A_1832 = tpu.memref_slice %arg4[%add3A, %dma_start3A_1830, %dma_start3A_1831] : memref<32x125x80xi32, #tpu.memory_space<hbm>> -> memref<1x125x80xi32, #tpu.memory_space<hbm>>
      %dma_start3A_1833 = tpu.memref_squeeze %dma_start3A_1832 : memref<1x125x80xi32, #tpu.memory_space<hbm>> -> memref<125x80xi32, #tpu.memory_space<hbm>>
      %dma_start3A_1834 = arith.constant 0 : i32
      %dma_start3A_1835 = tpu.memref_slice %dma_start3A_1833[%add3A_1799, %dma_start3A_1834] : memref<125x80xi32, #tpu.memory_space<hbm>> -> memref<1x80xi32, #tpu.memory_space<hbm>>
      tpu.enqueue_dma source(%dma_start3A_1835 : memref<1x80xi32, #tpu.memory_space<hbm>>) target(%dma_start3A_1829 : memref<1x80xi32, #tpu.memory_space<vmem>>) target_semaphore(%arg20 : memref<!tpu.dma_semaphore, #tpu.memory_space<semaphore_mem>>)
      %mul3A_1836 = arith.constant 8 : i32
      %mul3A_1837 = arith.muli %mul3A_1836, %add3A_1187 : i32
      %add3A_1838 = arith.constant 6 : i32
      %add3A_1839 = arith.addi %mul3A_1837, %add3A_1838 : i32
      %dma_wait3A_1840 = arith.constant 6 : i32
      %dma_wait3A_1841 = arith.constant 0 : i32
      %dma_wait3A_1842 = tpu.memref_slice %arg10[%dma_wait3A_1840, %dma_wait3A_1841] : memref<8x80xi32, #tpu.memory_space<vmem>> -> memref<1x80xi32, #tpu.memory_space<vmem>>
      %dma_wait3A_1843 = tpu.memref_squeeze %dma_wait3A_1842 : memref<1x80xi32, #tpu.memory_space<vmem>> -> memref<80xi32, #tpu.memory_space<vmem>>
      %dma_wait3A_1844 = arith.constant 0 : i32
      %dma_wait3A_1845 = arith.constant 0 : i32
      %dma_wait3A_1846 = tpu.memref_slice %arg2[%dma_wait3A_1844, %dma_wait3A_1845] : memref<10000x128xf32, #tpu.memory_space<hbm>> -> memref<10000x128xf32, #tpu.memory_space<hbm>>
      tpu.wait_indirect_dma semaphore(%arg15 : memref<!tpu.dma_semaphore, #tpu.memory_space<semaphore_mem>>) src(%dma_wait3A_1846 : memref<10000x128xf32, #tpu.memory_space<hbm>>) dst(%arg8 : memref<80x128xf32, #tpu.memory_space<vmem>>)
      %dma_wait3A_1847 = arith.constant 5 : i32
      %dma_wait3A_1848 = arith.constant 0 : i32
      %dma_wait3A_1849 = tpu.memref_slice %arg11[%dma_wait3A_1847, %dma_wait3A_1848] : memref<8x80xi32, #tpu.memory_space<vmem>> -> memref<1x80xi32, #tpu.memory_space<vmem>>
      %dma_wait3A_1850 = tpu.memref_squeeze %dma_wait3A_1849 : memref<1x80xi32, #tpu.memory_space<vmem>> -> memref<80xi32, #tpu.memory_space<vmem>>
      %dma_wait3A_1851 = arith.constant 0 : i32
      %dma_wait3A_1852 = arith.constant 0 : i32
      %dma_wait3A_1853 = tpu.memref_slice %arg12[%dma_wait3A_1851, %dma_wait3A_1852] : memref<10240x128xf32, #tpu.memory_space<vmem_shared>> -> memref<10240x128xf32, #tpu.memory_space<vmem_shared>>
      tpu.wait_indirect_dma semaphore(%arg18 : memref<!tpu.dma_semaphore, #tpu.memory_space<semaphore_mem>>) src(%arg7 : memref<80x128xf32, #tpu.memory_space<vmem>>) dst(%dma_wait3A_1853 : memref<10240x128xf32, #tpu.memory_space<vmem_shared>>)
      %dma_start3A_1854 = arith.constant 6 : i32
      %dma_start3A_1855 = arith.constant 0 : i32
      %dma_start3A_1856 = tpu.memref_slice %arg11[%dma_start3A_1854, %dma_start3A_1855] : memref<8x80xi32, #tpu.memory_space<vmem>> -> memref<1x80xi32, #tpu.memory_space<vmem>>
      %dma_start3A_1857 = tpu.memref_squeeze %dma_start3A_1856 : memref<1x80xi32, #tpu.memory_space<vmem>> -> memref<80xi32, #tpu.memory_space<vmem>>
      %dma_start3A_1858 = arith.constant 0 : i32
      %dma_start3A_1859 = arith.constant 0 : i32
      %dma_start3A_1860 = tpu.memref_slice %arg12[%dma_start3A_1858, %dma_start3A_1859] : memref<10240x128xf32, #tpu.memory_space<vmem_shared>> -> memref<10240x128xf32, #tpu.memory_space<vmem_shared>>
      tpu.enqueue_indirect_dma source(%arg8 : memref<80x128xf32, #tpu.memory_space<vmem>>) target(%dma_start3A_1860 : memref<10240x128xf32, #tpu.memory_space<vmem_shared>>) offsets(%dma_start3A_1857 : memref<80xi32, #tpu.memory_space<vmem>>) semaphore(%arg17 : memref<!tpu.dma_semaphore, #tpu.memory_space<semaphore_mem>>) {add = true}
      %add3A_1861 = arith.constant 3 : i32
      %add3A_1862 = arith.addi %add3A_1839, %add3A_1861 : i32
      %dma_wait3A_1863 = arith.constant 1 : i32
      %dma_wait3A_1864 = arith.constant 0 : i32
      %dma_wait3A_1865 = tpu.memref_slice %arg10[%dma_wait3A_1863, %dma_wait3A_1864] : memref<8x80xi32, #tpu.memory_space<vmem>> -> memref<1x80xi32, #tpu.memory_space<vmem>>
      %dma_wait3A_1866 = arith.constant 0 : i32
      %dma_wait3A_1867 = arith.constant 0 : i32
      %dma_wait3A_1868 = tpu.memref_slice %arg3[%add3A, %dma_wait3A_1866, %dma_wait3A_1867] : memref<32x125x80xi32, #tpu.memory_space<hbm>> -> memref<1x125x80xi32, #tpu.memory_space<hbm>>
      %dma_wait3A_1869 = tpu.memref_squeeze %dma_wait3A_1868 : memref<1x125x80xi32, #tpu.memory_space<hbm>> -> memref<125x80xi32, #tpu.memory_space<hbm>>
      %dma_wait3A_1870 = arith.constant 0 : i32
      %dma_wait3A_1871 = tpu.memref_slice %dma_wait3A_1869[%add3A_1862, %dma_wait3A_1870] : memref<125x80xi32, #tpu.memory_space<hbm>> -> memref<1x80xi32, #tpu.memory_space<hbm>>
      %dma_wait3A_1872 = arith.constant 1 : i32
      %dma_wait3A_1873 = arith.constant 0 : i32
      %dma_wait3A_1874 = tpu.memref_slice %arg10[%dma_wait3A_1872, %dma_wait3A_1873] : memref<8x80xi32, #tpu.memory_space<vmem>> -> memref<1x80xi32, #tpu.memory_space<vmem>>
      %dma_wait3A_1875 = arith.constant 0 : i32
      %dma_wait3A_1876 = arith.constant 0 : i32
      %dma_wait3A_1877 = tpu.memref_slice %arg3[%add3A, %dma_wait3A_1875, %dma_wait3A_1876] : memref<32x125x80xi32, #tpu.memory_space<hbm>> -> memref<1x125x80xi32, #tpu.memory_space<hbm>>
      %dma_wait3A_1878 = tpu.memref_squeeze %dma_wait3A_1877 : memref<1x125x80xi32, #tpu.memory_space<hbm>> -> memref<125x80xi32, #tpu.memory_space<hbm>>
      %dma_wait3A_1879 = arith.constant 0 : i32
      %dma_wait3A_1880 = tpu.memref_slice %dma_wait3A_1878[%add3A_1862, %dma_wait3A_1879] : memref<125x80xi32, #tpu.memory_space<hbm>> -> memref<1x80xi32, #tpu.memory_space<hbm>>
      tpu.wait_dma2 semaphore(%arg20 : memref<!tpu.dma_semaphore, #tpu.memory_space<semaphore_mem>>) src(%dma_wait3A_1880 : memref<1x80xi32, #tpu.memory_space<hbm>>) dst(%dma_wait3A_1874 : memref<1x80xi32, #tpu.memory_space<vmem>>)
      %dma_wait3A_1881 = arith.constant 1 : i32
      %dma_wait3A_1882 = arith.constant 0 : i32
      %dma_wait3A_1883 = tpu.memref_slice %arg11[%dma_wait3A_1881, %dma_wait3A_1882] : memref<8x80xi32, #tpu.memory_space<vmem>> -> memref<1x80xi32, #tpu.memory_space<vmem>>
      %dma_wait3A_1884 = arith.constant 0 : i32
      %dma_wait3A_1885 = arith.constant 0 : i32
      %dma_wait3A_1886 = tpu.memref_slice %arg4[%add3A, %dma_wait3A_1884, %dma_wait3A_1885] : memref<32x125x80xi32, #tpu.memory_space<hbm>> -> memref<1x125x80xi32, #tpu.memory_space<hbm>>
      %dma_wait3A_1887 = tpu.memref_squeeze %dma_wait3A_1886 : memref<1x125x80xi32, #tpu.memory_space<hbm>> -> memref<125x80xi32, #tpu.memory_space<hbm>>
      %dma_wait3A_1888 = arith.constant 0 : i32
      %dma_wait3A_1889 = tpu.memref_slice %dma_wait3A_1887[%add3A_1862, %dma_wait3A_1888] : memref<125x80xi32, #tpu.memory_space<hbm>> -> memref<1x80xi32, #tpu.memory_space<hbm>>
      %dma_wait3A_1890 = arith.constant 1 : i32
      %dma_wait3A_1891 = arith.constant 0 : i32
      %dma_wait3A_1892 = tpu.memref_slice %arg11[%dma_wait3A_1890, %dma_wait3A_1891] : memref<8x80xi32, #tpu.memory_space<vmem>> -> memref<1x80xi32, #tpu.memory_space<vmem>>
      %dma_wait3A_1893 = arith.constant 0 : i32
      %dma_wait3A_1894 = arith.constant 0 : i32
      %dma_wait3A_1895 = tpu.memref_slice %arg4[%add3A, %dma_wait3A_1893, %dma_wait3A_1894] : memref<32x125x80xi32, #tpu.memory_space<hbm>> -> memref<1x125x80xi32, #tpu.memory_space<hbm>>
      %dma_wait3A_1896 = tpu.memref_squeeze %dma_wait3A_1895 : memref<1x125x80xi32, #tpu.memory_space<hbm>> -> memref<125x80xi32, #tpu.memory_space<hbm>>
      %dma_wait3A_1897 = arith.constant 0 : i32
      %dma_wait3A_1898 = tpu.memref_slice %dma_wait3A_1896[%add3A_1862, %dma_wait3A_1897] : memref<125x80xi32, #tpu.memory_space<hbm>> -> memref<1x80xi32, #tpu.memory_space<hbm>>
      tpu.wait_dma2 semaphore(%arg20 : memref<!tpu.dma_semaphore, #tpu.memory_space<semaphore_mem>>) src(%dma_wait3A_1898 : memref<1x80xi32, #tpu.memory_space<hbm>>) dst(%dma_wait3A_1892 : memref<1x80xi32, #tpu.memory_space<vmem>>)
      %dma_start3A_1899 = arith.constant 1 : i32
      %dma_start3A_1900 = arith.constant 0 : i32
      %dma_start3A_1901 = tpu.memref_slice %arg10[%dma_start3A_1899, %dma_start3A_1900] : memref<8x80xi32, #tpu.memory_space<vmem>> -> memref<1x80xi32, #tpu.memory_space<vmem>>
      %dma_start3A_1902 = tpu.memref_squeeze %dma_start3A_1901 : memref<1x80xi32, #tpu.memory_space<vmem>> -> memref<80xi32, #tpu.memory_space<vmem>>
      %dma_start3A_1903 = arith.constant 0 : i32
      %dma_start3A_1904 = arith.constant 0 : i32
      %dma_start3A_1905 = tpu.memref_slice %arg2[%dma_start3A_1903, %dma_start3A_1904] : memref<10000x128xf32, #tpu.memory_space<hbm>> -> memref<10000x128xf32, #tpu.memory_space<hbm>>
      tpu.enqueue_indirect_dma source(%dma_start3A_1905 : memref<10000x128xf32, #tpu.memory_space<hbm>>) target(%arg7 : memref<80x128xf32, #tpu.memory_space<vmem>>) offsets(%dma_start3A_1902 : memref<80xi32, #tpu.memory_space<vmem>>) semaphore(%arg14 : memref<!tpu.dma_semaphore, #tpu.memory_space<semaphore_mem>>)
      %add3A_1906 = arith.constant 4 : i32
      %add3A_1907 = arith.addi %add3A_1839, %add3A_1906 : i32
      %dma_start3A_1908 = arith.constant 2 : i32
      %dma_start3A_1909 = arith.constant 0 : i32
      %dma_start3A_1910 = tpu.memref_slice %arg10[%dma_start3A_1908, %dma_start3A_1909] : memref<8x80xi32, #tpu.memory_space<vmem>> -> memref<1x80xi32, #tpu.memory_space<vmem>>
      %dma_start3A_1911 = arith.constant 0 : i32
      %dma_start3A_1912 = arith.constant 0 : i32
      %dma_start3A_1913 = tpu.memref_slice %arg3[%add3A, %dma_start3A_1911, %dma_start3A_1912] : memref<32x125x80xi32, #tpu.memory_space<hbm>> -> memref<1x125x80xi32, #tpu.memory_space<hbm>>
      %dma_start3A_1914 = tpu.memref_squeeze %dma_start3A_1913 : memref<1x125x80xi32, #tpu.memory_space<hbm>> -> memref<125x80xi32, #tpu.memory_space<hbm>>
      %dma_start3A_1915 = arith.constant 0 : i32
      %dma_start3A_1916 = tpu.memref_slice %dma_start3A_1914[%add3A_1907, %dma_start3A_1915] : memref<125x80xi32, #tpu.memory_space<hbm>> -> memref<1x80xi32, #tpu.memory_space<hbm>>
      %dma_start3A_1917 = arith.constant 2 : i32
      %dma_start3A_1918 = arith.constant 0 : i32
      %dma_start3A_1919 = tpu.memref_slice %arg10[%dma_start3A_1917, %dma_start3A_1918] : memref<8x80xi32, #tpu.memory_space<vmem>> -> memref<1x80xi32, #tpu.memory_space<vmem>>
      %dma_start3A_1920 = arith.constant 0 : i32
      %dma_start3A_1921 = arith.constant 0 : i32
      %dma_start3A_1922 = tpu.memref_slice %arg3[%add3A, %dma_start3A_1920, %dma_start3A_1921] : memref<32x125x80xi32, #tpu.memory_space<hbm>> -> memref<1x125x80xi32, #tpu.memory_space<hbm>>
      %dma_start3A_1923 = tpu.memref_squeeze %dma_start3A_1922 : memref<1x125x80xi32, #tpu.memory_space<hbm>> -> memref<125x80xi32, #tpu.memory_space<hbm>>
      %dma_start3A_1924 = arith.constant 0 : i32
      %dma_start3A_1925 = tpu.memref_slice %dma_start3A_1923[%add3A_1907, %dma_start3A_1924] : memref<125x80xi32, #tpu.memory_space<hbm>> -> memref<1x80xi32, #tpu.memory_space<hbm>>
      tpu.enqueue_dma source(%dma_start3A_1925 : memref<1x80xi32, #tpu.memory_space<hbm>>) target(%dma_start3A_1919 : memref<1x80xi32, #tpu.memory_space<vmem>>) target_semaphore(%arg19 : memref<!tpu.dma_semaphore, #tpu.memory_space<semaphore_mem>>)
      %dma_start3A_1926 = arith.constant 2 : i32
      %dma_start3A_1927 = arith.constant 0 : i32
      %dma_start3A_1928 = tpu.memref_slice %arg11[%dma_start3A_1926, %dma_start3A_1927] : memref<8x80xi32, #tpu.memory_space<vmem>> -> memref<1x80xi32, #tpu.memory_space<vmem>>
      %dma_start3A_1929 = arith.constant 0 : i32
      %dma_start3A_1930 = arith.constant 0 : i32
      %dma_start3A_1931 = tpu.memref_slice %arg4[%add3A, %dma_start3A_1929, %dma_start3A_1930] : memref<32x125x80xi32, #tpu.memory_space<hbm>> -> memref<1x125x80xi32, #tpu.memory_space<hbm>>
      %dma_start3A_1932 = tpu.memref_squeeze %dma_start3A_1931 : memref<1x125x80xi32, #tpu.memory_space<hbm>> -> memref<125x80xi32, #tpu.memory_space<hbm>>
      %dma_start3A_1933 = arith.constant 0 : i32
      %dma_start3A_1934 = tpu.memref_slice %dma_start3A_1932[%add3A_1907, %dma_start3A_1933] : memref<125x80xi32, #tpu.memory_space<hbm>> -> memref<1x80xi32, #tpu.memory_space<hbm>>
      %dma_start3A_1935 = arith.constant 2 : i32
      %dma_start3A_1936 = arith.constant 0 : i32
      %dma_start3A_1937 = tpu.memref_slice %arg11[%dma_start3A_1935, %dma_start3A_1936] : memref<8x80xi32, #tpu.memory_space<vmem>> -> memref<1x80xi32, #tpu.memory_space<vmem>>
      %dma_start3A_1938 = arith.constant 0 : i32
      %dma_start3A_1939 = arith.constant 0 : i32
      %dma_start3A_1940 = tpu.memref_slice %arg4[%add3A, %dma_start3A_1938, %dma_start3A_1939] : memref<32x125x80xi32, #tpu.memory_space<hbm>> -> memref<1x125x80xi32, #tpu.memory_space<hbm>>
      %dma_start3A_1941 = tpu.memref_squeeze %dma_start3A_1940 : memref<1x125x80xi32, #tpu.memory_space<hbm>> -> memref<125x80xi32, #tpu.memory_space<hbm>>
      %dma_start3A_1942 = arith.constant 0 : i32
      %dma_start3A_1943 = tpu.memref_slice %dma_start3A_1941[%add3A_1907, %dma_start3A_1942] : memref<125x80xi32, #tpu.memory_space<hbm>> -> memref<1x80xi32, #tpu.memory_space<hbm>>
      tpu.enqueue_dma source(%dma_start3A_1943 : memref<1x80xi32, #tpu.memory_space<hbm>>) target(%dma_start3A_1937 : memref<1x80xi32, #tpu.memory_space<vmem>>) target_semaphore(%arg19 : memref<!tpu.dma_semaphore, #tpu.memory_space<semaphore_mem>>)
      %mul3A_1944 = arith.constant 8 : i32
      %mul3A_1945 = arith.muli %mul3A_1944, %add3A_1187 : i32
      %add3A_1946 = arith.constant 7 : i32
      %add3A_1947 = arith.addi %mul3A_1945, %add3A_1946 : i32
      %dma_wait3A_1948 = arith.constant 7 : i32
      %dma_wait3A_1949 = arith.constant 0 : i32
      %dma_wait3A_1950 = tpu.memref_slice %arg10[%dma_wait3A_1948, %dma_wait3A_1949] : memref<8x80xi32, #tpu.memory_space<vmem>> -> memref<1x80xi32, #tpu.memory_space<vmem>>
      %dma_wait3A_1951 = tpu.memref_squeeze %dma_wait3A_1950 : memref<1x80xi32, #tpu.memory_space<vmem>> -> memref<80xi32, #tpu.memory_space<vmem>>
      %dma_wait3A_1952 = arith.constant 0 : i32
      %dma_wait3A_1953 = arith.constant 0 : i32
      %dma_wait3A_1954 = tpu.memref_slice %arg2[%dma_wait3A_1952, %dma_wait3A_1953] : memref<10000x128xf32, #tpu.memory_space<hbm>> -> memref<10000x128xf32, #tpu.memory_space<hbm>>
      tpu.wait_indirect_dma semaphore(%arg16 : memref<!tpu.dma_semaphore, #tpu.memory_space<semaphore_mem>>) src(%dma_wait3A_1954 : memref<10000x128xf32, #tpu.memory_space<hbm>>) dst(%arg9 : memref<80x128xf32, #tpu.memory_space<vmem>>)
      %dma_wait3A_1955 = arith.constant 6 : i32
      %dma_wait3A_1956 = arith.constant 0 : i32
      %dma_wait3A_1957 = tpu.memref_slice %arg11[%dma_wait3A_1955, %dma_wait3A_1956] : memref<8x80xi32, #tpu.memory_space<vmem>> -> memref<1x80xi32, #tpu.memory_space<vmem>>
      %dma_wait3A_1958 = tpu.memref_squeeze %dma_wait3A_1957 : memref<1x80xi32, #tpu.memory_space<vmem>> -> memref<80xi32, #tpu.memory_space<vmem>>
      %dma_wait3A_1959 = arith.constant 0 : i32
      %dma_wait3A_1960 = arith.constant 0 : i32
      %dma_wait3A_1961 = tpu.memref_slice %arg12[%dma_wait3A_1959, %dma_wait3A_1960] : memref<10240x128xf32, #tpu.memory_space<vmem_shared>> -> memref<10240x128xf32, #tpu.memory_space<vmem_shared>>
      tpu.wait_indirect_dma semaphore(%arg17 : memref<!tpu.dma_semaphore, #tpu.memory_space<semaphore_mem>>) src(%arg8 : memref<80x128xf32, #tpu.memory_space<vmem>>) dst(%dma_wait3A_1961 : memref<10240x128xf32, #tpu.memory_space<vmem_shared>>)
      %dma_start3A_1962 = arith.constant 7 : i32
      %dma_start3A_1963 = arith.constant 0 : i32
      %dma_start3A_1964 = tpu.memref_slice %arg11[%dma_start3A_1962, %dma_start3A_1963] : memref<8x80xi32, #tpu.memory_space<vmem>> -> memref<1x80xi32, #tpu.memory_space<vmem>>
      %dma_start3A_1965 = tpu.memref_squeeze %dma_start3A_1964 : memref<1x80xi32, #tpu.memory_space<vmem>> -> memref<80xi32, #tpu.memory_space<vmem>>
      %dma_start3A_1966 = arith.constant 0 : i32
      %dma_start3A_1967 = arith.constant 0 : i32
      %dma_start3A_1968 = tpu.memref_slice %arg12[%dma_start3A_1966, %dma_start3A_1967] : memref<10240x128xf32, #tpu.memory_space<vmem_shared>> -> memref<10240x128xf32, #tpu.memory_space<vmem_shared>>
      tpu.enqueue_indirect_dma source(%arg9 : memref<80x128xf32, #tpu.memory_space<vmem>>) target(%dma_start3A_1968 : memref<10240x128xf32, #tpu.memory_space<vmem_shared>>) offsets(%dma_start3A_1965 : memref<80xi32, #tpu.memory_space<vmem>>) semaphore(%arg18 : memref<!tpu.dma_semaphore, #tpu.memory_space<semaphore_mem>>) {add = true}
      %add3A_1969 = arith.constant 3 : i32
      %add3A_1970 = arith.addi %add3A_1947, %add3A_1969 : i32
      %dma_wait3A_1971 = arith.constant 2 : i32
      %dma_wait3A_1972 = arith.constant 0 : i32
      %dma_wait3A_1973 = tpu.memref_slice %arg10[%dma_wait3A_1971, %dma_wait3A_1972] : memref<8x80xi32, #tpu.memory_space<vmem>> -> memref<1x80xi32, #tpu.memory_space<vmem>>
      %dma_wait3A_1974 = arith.constant 0 : i32
      %dma_wait3A_1975 = arith.constant 0 : i32
      %dma_wait3A_1976 = tpu.memref_slice %arg3[%add3A, %dma_wait3A_1974, %dma_wait3A_1975] : memref<32x125x80xi32, #tpu.memory_space<hbm>> -> memref<1x125x80xi32, #tpu.memory_space<hbm>>
      %dma_wait3A_1977 = tpu.memref_squeeze %dma_wait3A_1976 : memref<1x125x80xi32, #tpu.memory_space<hbm>> -> memref<125x80xi32, #tpu.memory_space<hbm>>
      %dma_wait3A_1978 = arith.constant 0 : i32
      %dma_wait3A_1979 = tpu.memref_slice %dma_wait3A_1977[%add3A_1970, %dma_wait3A_1978] : memref<125x80xi32, #tpu.memory_space<hbm>> -> memref<1x80xi32, #tpu.memory_space<hbm>>
      %dma_wait3A_1980 = arith.constant 2 : i32
      %dma_wait3A_1981 = arith.constant 0 : i32
      %dma_wait3A_1982 = tpu.memref_slice %arg10[%dma_wait3A_1980, %dma_wait3A_1981] : memref<8x80xi32, #tpu.memory_space<vmem>> -> memref<1x80xi32, #tpu.memory_space<vmem>>
      %dma_wait3A_1983 = arith.constant 0 : i32
      %dma_wait3A_1984 = arith.constant 0 : i32
      %dma_wait3A_1985 = tpu.memref_slice %arg3[%add3A, %dma_wait3A_1983, %dma_wait3A_1984] : memref<32x125x80xi32, #tpu.memory_space<hbm>> -> memref<1x125x80xi32, #tpu.memory_space<hbm>>
      %dma_wait3A_1986 = tpu.memref_squeeze %dma_wait3A_1985 : memref<1x125x80xi32, #tpu.memory_space<hbm>> -> memref<125x80xi32, #tpu.memory_space<hbm>>
      %dma_wait3A_1987 = arith.constant 0 : i32
      %dma_wait3A_1988 = tpu.memref_slice %dma_wait3A_1986[%add3A_1970, %dma_wait3A_1987] : memref<125x80xi32, #tpu.memory_space<hbm>> -> memref<1x80xi32, #tpu.memory_space<hbm>>
      tpu.wait_dma2 semaphore(%arg19 : memref<!tpu.dma_semaphore, #tpu.memory_space<semaphore_mem>>) src(%dma_wait3A_1988 : memref<1x80xi32, #tpu.memory_space<hbm>>) dst(%dma_wait3A_1982 : memref<1x80xi32, #tpu.memory_space<vmem>>)
      %dma_wait3A_1989 = arith.constant 2 : i32
      %dma_wait3A_1990 = arith.constant 0 : i32
      %dma_wait3A_1991 = tpu.memref_slice %arg11[%dma_wait3A_1989, %dma_wait3A_1990] : memref<8x80xi32, #tpu.memory_space<vmem>> -> memref<1x80xi32, #tpu.memory_space<vmem>>
      %dma_wait3A_1992 = arith.constant 0 : i32
      %dma_wait3A_1993 = arith.constant 0 : i32
      %dma_wait3A_1994 = tpu.memref_slice %arg4[%add3A, %dma_wait3A_1992, %dma_wait3A_1993] : memref<32x125x80xi32, #tpu.memory_space<hbm>> -> memref<1x125x80xi32, #tpu.memory_space<hbm>>
      %dma_wait3A_1995 = tpu.memref_squeeze %dma_wait3A_1994 : memref<1x125x80xi32, #tpu.memory_space<hbm>> -> memref<125x80xi32, #tpu.memory_space<hbm>>
      %dma_wait3A_1996 = arith.constant 0 : i32
      %dma_wait3A_1997 = tpu.memref_slice %dma_wait3A_1995[%add3A_1970, %dma_wait3A_1996] : memref<125x80xi32, #tpu.memory_space<hbm>> -> memref<1x80xi32, #tpu.memory_space<hbm>>
      %dma_wait3A_1998 = arith.constant 2 : i32
      %dma_wait3A_1999 = arith.constant 0 : i32
      %dma_wait3A_2000 = tpu.memref_slice %arg11[%dma_wait3A_1998, %dma_wait3A_1999] : memref<8x80xi32, #tpu.memory_space<vmem>> -> memref<1x80xi32, #tpu.memory_space<vmem>>
      %dma_wait3A_2001 = arith.constant 0 : i32
      %dma_wait3A_2002 = arith.constant 0 : i32
      %dma_wait3A_2003 = tpu.memref_slice %arg4[%add3A, %dma_wait3A_2001, %dma_wait3A_2002] : memref<32x125x80xi32, #tpu.memory_space<hbm>> -> memref<1x125x80xi32, #tpu.memory_space<hbm>>
      %dma_wait3A_2004 = tpu.memref_squeeze %dma_wait3A_2003 : memref<1x125x80xi32, #tpu.memory_space<hbm>> -> memref<125x80xi32, #tpu.memory_space<hbm>>
      %dma_wait3A_2005 = arith.constant 0 : i32
      %dma_wait3A_2006 = tpu.memref_slice %dma_wait3A_2004[%add3A_1970, %dma_wait3A_2005] : memref<125x80xi32, #tpu.memory_space<hbm>> -> memref<1x80xi32, #tpu.memory_space<hbm>>
      tpu.wait_dma2 semaphore(%arg19 : memref<!tpu.dma_semaphore, #tpu.memory_space<semaphore_mem>>) src(%dma_wait3A_2006 : memref<1x80xi32, #tpu.memory_space<hbm>>) dst(%dma_wait3A_2000 : memref<1x80xi32, #tpu.memory_space<vmem>>)
      %dma_start3A_2007 = arith.constant 2 : i32
      %dma_start3A_2008 = arith.constant 0 : i32
      %dma_start3A_2009 = tpu.memref_slice %arg10[%dma_start3A_2007, %dma_start3A_2008] : memref<8x80xi32, #tpu.memory_space<vmem>> -> memref<1x80xi32, #tpu.memory_space<vmem>>
      %dma_start3A_2010 = tpu.memref_squeeze %dma_start3A_2009 : memref<1x80xi32, #tpu.memory_space<vmem>> -> memref<80xi32, #tpu.memory_space<vmem>>
      %dma_start3A_2011 = arith.constant 0 : i32
      %dma_start3A_2012 = arith.constant 0 : i32
      %dma_start3A_2013 = tpu.memref_slice %arg2[%dma_start3A_2011, %dma_start3A_2012] : memref<10000x128xf32, #tpu.memory_space<hbm>> -> memref<10000x128xf32, #tpu.memory_space<hbm>>
      tpu.enqueue_indirect_dma source(%dma_start3A_2013 : memref<10000x128xf32, #tpu.memory_space<hbm>>) target(%arg8 : memref<80x128xf32, #tpu.memory_space<vmem>>) offsets(%dma_start3A_2010 : memref<80xi32, #tpu.memory_space<vmem>>) semaphore(%arg15 : memref<!tpu.dma_semaphore, #tpu.memory_space<semaphore_mem>>)
      %add3A_2014 = arith.constant 4 : i32
      %add3A_2015 = arith.addi %add3A_1947, %add3A_2014 : i32
      %dma_start3A_2016 = arith.constant 3 : i32
      %dma_start3A_2017 = arith.constant 0 : i32
      %dma_start3A_2018 = tpu.memref_slice %arg10[%dma_start3A_2016, %dma_start3A_2017] : memref<8x80xi32, #tpu.memory_space<vmem>> -> memref<1x80xi32, #tpu.memory_space<vmem>>
      %dma_start3A_2019 = arith.constant 0 : i32
      %dma_start3A_2020 = arith.constant 0 : i32
      %dma_start3A_2021 = tpu.memref_slice %arg3[%add3A, %dma_start3A_2019, %dma_start3A_2020] : memref<32x125x80xi32, #tpu.memory_space<hbm>> -> memref<1x125x80xi32, #tpu.memory_space<hbm>>
      %dma_start3A_2022 = tpu.memref_squeeze %dma_start3A_2021 : memref<1x125x80xi32, #tpu.memory_space<hbm>> -> memref<125x80xi32, #tpu.memory_space<hbm>>
      %dma_start3A_2023 = arith.constant 0 : i32
      %dma_start3A_2024 = tpu.memref_slice %dma_start3A_2022[%add3A_2015, %dma_start3A_2023] : memref<125x80xi32, #tpu.memory_space<hbm>> -> memref<1x80xi32, #tpu.memory_space<hbm>>
      %dma_start3A_2025 = arith.constant 3 : i32
      %dma_start3A_2026 = arith.constant 0 : i32
      %dma_start3A_2027 = tpu.memref_slice %arg10[%dma_start3A_2025, %dma_start3A_2026] : memref<8x80xi32, #tpu.memory_space<vmem>> -> memref<1x80xi32, #tpu.memory_space<vmem>>
      %dma_start3A_2028 = arith.constant 0 : i32
      %dma_start3A_2029 = arith.constant 0 : i32
      %dma_start3A_2030 = tpu.memref_slice %arg3[%add3A, %dma_start3A_2028, %dma_start3A_2029] : memref<32x125x80xi32, #tpu.memory_space<hbm>> -> memref<1x125x80xi32, #tpu.memory_space<hbm>>
      %dma_start3A_2031 = tpu.memref_squeeze %dma_start3A_2030 : memref<1x125x80xi32, #tpu.memory_space<hbm>> -> memref<125x80xi32, #tpu.memory_space<hbm>>
      %dma_start3A_2032 = arith.constant 0 : i32
      %dma_start3A_2033 = tpu.memref_slice %dma_start3A_2031[%add3A_2015, %dma_start3A_2032] : memref<125x80xi32, #tpu.memory_space<hbm>> -> memref<1x80xi32, #tpu.memory_space<hbm>>
      tpu.enqueue_dma source(%dma_start3A_2033 : memref<1x80xi32, #tpu.memory_space<hbm>>) target(%dma_start3A_2027 : memref<1x80xi32, #tpu.memory_space<vmem>>) target_semaphore(%arg20 : memref<!tpu.dma_semaphore, #tpu.memory_space<semaphore_mem>>)
      %dma_start3A_2034 = arith.constant 3 : i32
      %dma_start3A_2035 = arith.constant 0 : i32
      %dma_start3A_2036 = tpu.memref_slice %arg11[%dma_start3A_2034, %dma_start3A_2035] : memref<8x80xi32, #tpu.memory_space<vmem>> -> memref<1x80xi32, #tpu.memory_space<vmem>>
      %dma_start3A_2037 = arith.constant 0 : i32
      %dma_start3A_2038 = arith.constant 0 : i32
      %dma_start3A_2039 = tpu.memref_slice %arg4[%add3A, %dma_start3A_2037, %dma_start3A_2038] : memref<32x125x80xi32, #tpu.memory_space<hbm>> -> memref<1x125x80xi32, #tpu.memory_space<hbm>>
      %dma_start3A_2040 = tpu.memref_squeeze %dma_start3A_2039 : memref<1x125x80xi32, #tpu.memory_space<hbm>> -> memref<125x80xi32, #tpu.memory_space<hbm>>
      %dma_start3A_2041 = arith.constant 0 : i32
      %dma_start3A_2042 = tpu.memref_slice %dma_start3A_2040[%add3A_2015, %dma_start3A_2041] : memref<125x80xi32, #tpu.memory_space<hbm>> -> memref<1x80xi32, #tpu.memory_space<hbm>>
      %dma_start3A_2043 = arith.constant 3 : i32
      %dma_start3A_2044 = arith.constant 0 : i32
      %dma_start3A_2045 = tpu.memref_slice %arg11[%dma_start3A_2043, %dma_start3A_2044] : memref<8x80xi32, #tpu.memory_space<vmem>> -> memref<1x80xi32, #tpu.memory_space<vmem>>
      %dma_start3A_2046 = arith.constant 0 : i32
      %dma_start3A_2047 = arith.constant 0 : i32
      %dma_start3A_2048 = tpu.memref_slice %arg4[%add3A, %dma_start3A_2046, %dma_start3A_2047] : memref<32x125x80xi32, #tpu.memory_space<hbm>> -> memref<1x125x80xi32, #tpu.memory_space<hbm>>
      %dma_start3A_2049 = tpu.memref_squeeze %dma_start3A_2048 : memref<1x125x80xi32, #tpu.memory_space<hbm>> -> memref<125x80xi32, #tpu.memory_space<hbm>>
      %dma_start3A_2050 = arith.constant 0 : i32
      %dma_start3A_2051 = tpu.memref_slice %dma_start3A_2049[%add3A_2015, %dma_start3A_2050] : memref<125x80xi32, #tpu.memory_space<hbm>> -> memref<1x80xi32, #tpu.memory_space<hbm>>
      tpu.enqueue_dma source(%dma_start3A_2051 : memref<1x80xi32, #tpu.memory_space<hbm>>) target(%dma_start3A_2045 : memref<1x80xi32, #tpu.memory_space<vmem>>) target_semaphore(%arg20 : memref<!tpu.dma_semaphore, #tpu.memory_space<semaphore_mem>>)
    }
    %scan3A_931 = arith.constant 14 : i32
    %dma_wait3A_932 = arith.constant 0 : i32
    %dma_wait3A_933 = arith.constant 0 : i32
    %dma_wait3A_934 = tpu.memref_slice %arg10[%dma_wait3A_932, %dma_wait3A_933] : memref<8x80xi32, #tpu.memory_space<vmem>> -> memref<1x80xi32, #tpu.memory_space<vmem>>
    %dma_wait3A_935 = tpu.memref_squeeze %dma_wait3A_934 : memref<1x80xi32, #tpu.memory_space<vmem>> -> memref<80xi32, #tpu.memory_space<vmem>>
    %dma_wait3A_936 = arith.constant 0 : i32
    %dma_wait3A_937 = arith.constant 0 : i32
    %dma_wait3A_938 = tpu.memref_slice %arg2[%dma_wait3A_936, %dma_wait3A_937] : memref<10000x128xf32, #tpu.memory_space<hbm>> -> memref<10000x128xf32, #tpu.memory_space<hbm>>
    tpu.wait_indirect_dma semaphore(%arg13 : memref<!tpu.dma_semaphore, #tpu.memory_space<semaphore_mem>>) src(%dma_wait3A_938 : memref<10000x128xf32, #tpu.memory_space<hbm>>) dst(%arg6 : memref<80x128xf32, #tpu.memory_space<vmem>>)
    %dma_wait3A_939 = arith.constant 7 : i32
    %dma_wait3A_940 = arith.constant 0 : i32
    %dma_wait3A_941 = tpu.memref_slice %arg11[%dma_wait3A_939, %dma_wait3A_940] : memref<8x80xi32, #tpu.memory_space<vmem>> -> memref<1x80xi32, #tpu.memory_space<vmem>>
    %dma_wait3A_942 = tpu.memref_squeeze %dma_wait3A_941 : memref<1x80xi32, #tpu.memory_space<vmem>> -> memref<80xi32, #tpu.memory_space<vmem>>
    %dma_wait3A_943 = arith.constant 0 : i32
    %dma_wait3A_944 = arith.constant 0 : i32
    %dma_wait3A_945 = tpu.memref_slice %arg12[%dma_wait3A_943, %dma_wait3A_944] : memref<10240x128xf32, #tpu.memory_space<vmem_shared>> -> memref<10240x128xf32, #tpu.memory_space<vmem_shared>>
    tpu.wait_indirect_dma semaphore(%arg18 : memref<!tpu.dma_semaphore, #tpu.memory_space<semaphore_mem>>) src(%arg9 : memref<80x128xf32, #tpu.memory_space<vmem>>) dst(%dma_wait3A_945 : memref<10240x128xf32, #tpu.memory_space<vmem_shared>>)
    %dma_start3A_946 = arith.constant 0 : i32
    %dma_start3A_947 = arith.constant 0 : i32
    %dma_start3A_948 = tpu.memref_slice %arg11[%dma_start3A_946, %dma_start3A_947] : memref<8x80xi32, #tpu.memory_space<vmem>> -> memref<1x80xi32, #tpu.memory_space<vmem>>
    %dma_start3A_949 = tpu.memref_squeeze %dma_start3A_948 : memref<1x80xi32, #tpu.memory_space<vmem>> -> memref<80xi32, #tpu.memory_space<vmem>>
    %dma_start3A_950 = arith.constant 0 : i32
    %dma_start3A_951 = arith.constant 0 : i32
    %dma_start3A_952 = tpu.memref_slice %arg12[%dma_start3A_950, %dma_start3A_951] : memref<10240x128xf32, #tpu.memory_space<vmem_shared>> -> memref<10240x128xf32, #tpu.memory_space<vmem_shared>>
    tpu.enqueue_indirect_dma source(%arg6 : memref<80x128xf32, #tpu.memory_space<vmem>>) target(%dma_start3A_952 : memref<10240x128xf32, #tpu.memory_space<vmem_shared>>) offsets(%dma_start3A_949 : memref<80xi32, #tpu.memory_space<vmem>>) semaphore(%arg17 : memref<!tpu.dma_semaphore, #tpu.memory_space<semaphore_mem>>) {add = true}
    %dma_wait3A_953 = arith.constant 3 : i32
    %dma_wait3A_954 = arith.constant 0 : i32
    %dma_wait3A_955 = tpu.memref_slice %arg10[%dma_wait3A_953, %dma_wait3A_954] : memref<8x80xi32, #tpu.memory_space<vmem>> -> memref<1x80xi32, #tpu.memory_space<vmem>>
    %dma_wait3A_956 = arith.constant 0 : i32
    %dma_wait3A_957 = arith.constant 0 : i32
    %dma_wait3A_958 = tpu.memref_slice %arg3[%add3A, %dma_wait3A_956, %dma_wait3A_957] : memref<32x125x80xi32, #tpu.memory_space<hbm>> -> memref<1x125x80xi32, #tpu.memory_space<hbm>>
    %dma_wait3A_959 = tpu.memref_squeeze %dma_wait3A_958 : memref<1x125x80xi32, #tpu.memory_space<hbm>> -> memref<125x80xi32, #tpu.memory_space<hbm>>
    %dma_wait3A_960 = arith.constant 123 : i32
    %dma_wait3A_961 = arith.constant 0 : i32
    %dma_wait3A_962 = tpu.memref_slice %dma_wait3A_959[%dma_wait3A_960, %dma_wait3A_961] : memref<125x80xi32, #tpu.memory_space<hbm>> -> memref<1x80xi32, #tpu.memory_space<hbm>>
    %dma_wait3A_963 = arith.constant 3 : i32
    %dma_wait3A_964 = arith.constant 0 : i32
    %dma_wait3A_965 = tpu.memref_slice %arg10[%dma_wait3A_963, %dma_wait3A_964] : memref<8x80xi32, #tpu.memory_space<vmem>> -> memref<1x80xi32, #tpu.memory_space<vmem>>
    %dma_wait3A_966 = arith.constant 0 : i32
    %dma_wait3A_967 = arith.constant 0 : i32
    %dma_wait3A_968 = tpu.memref_slice %arg3[%add3A, %dma_wait3A_966, %dma_wait3A_967] : memref<32x125x80xi32, #tpu.memory_space<hbm>> -> memref<1x125x80xi32, #tpu.memory_space<hbm>>
    %dma_wait3A_969 = tpu.memref_squeeze %dma_wait3A_968 : memref<1x125x80xi32, #tpu.memory_space<hbm>> -> memref<125x80xi32, #tpu.memory_space<hbm>>
    %dma_wait3A_970 = arith.constant 123 : i32
    %dma_wait3A_971 = arith.constant 0 : i32
    %dma_wait3A_972 = tpu.memref_slice %dma_wait3A_969[%dma_wait3A_970, %dma_wait3A_971] : memref<125x80xi32, #tpu.memory_space<hbm>> -> memref<1x80xi32, #tpu.memory_space<hbm>>
    tpu.wait_dma2 semaphore(%arg20 : memref<!tpu.dma_semaphore, #tpu.memory_space<semaphore_mem>>) src(%dma_wait3A_972 : memref<1x80xi32, #tpu.memory_space<hbm>>) dst(%dma_wait3A_965 : memref<1x80xi32, #tpu.memory_space<vmem>>)
    %dma_wait3A_973 = arith.constant 3 : i32
    %dma_wait3A_974 = arith.constant 0 : i32
    %dma_wait3A_975 = tpu.memref_slice %arg11[%dma_wait3A_973, %dma_wait3A_974] : memref<8x80xi32, #tpu.memory_space<vmem>> -> memref<1x80xi32, #tpu.memory_space<vmem>>
    %dma_wait3A_976 = arith.constant 0 : i32
    %dma_wait3A_977 = arith.constant 0 : i32
    %dma_wait3A_978 = tpu.memref_slice %arg4[%add3A, %dma_wait3A_976, %dma_wait3A_977] : memref<32x125x80xi32, #tpu.memory_space<hbm>> -> memref<1x125x80xi32, #tpu.memory_space<hbm>>
    %dma_wait3A_979 = tpu.memref_squeeze %dma_wait3A_978 : memref<1x125x80xi32, #tpu.memory_space<hbm>> -> memref<125x80xi32, #tpu.memory_space<hbm>>
    %dma_wait3A_980 = arith.constant 123 : i32
    %dma_wait3A_981 = arith.constant 0 : i32
    %dma_wait3A_982 = tpu.memref_slice %dma_wait3A_979[%dma_wait3A_980, %dma_wait3A_981] : memref<125x80xi32, #tpu.memory_space<hbm>> -> memref<1x80xi32, #tpu.memory_space<hbm>>
    %dma_wait3A_983 = arith.constant 3 : i32
    %dma_wait3A_984 = arith.constant 0 : i32
    %dma_wait3A_985 = tpu.memref_slice %arg11[%dma_wait3A_983, %dma_wait3A_984] : memref<8x80xi32, #tpu.memory_space<vmem>> -> memref<1x80xi32, #tpu.memory_space<vmem>>
    %dma_wait3A_986 = arith.constant 0 : i32
    %dma_wait3A_987 = arith.constant 0 : i32
    %dma_wait3A_988 = tpu.memref_slice %arg4[%add3A, %dma_wait3A_986, %dma_wait3A_987] : memref<32x125x80xi32, #tpu.memory_space<hbm>> -> memref<1x125x80xi32, #tpu.memory_space<hbm>>
    %dma_wait3A_989 = tpu.memref_squeeze %dma_wait3A_988 : memref<1x125x80xi32, #tpu.memory_space<hbm>> -> memref<125x80xi32, #tpu.memory_space<hbm>>
    %dma_wait3A_990 = arith.constant 123 : i32
    %dma_wait3A_991 = arith.constant 0 : i32
    %dma_wait3A_992 = tpu.memref_slice %dma_wait3A_989[%dma_wait3A_990, %dma_wait3A_991] : memref<125x80xi32, #tpu.memory_space<hbm>> -> memref<1x80xi32, #tpu.memory_space<hbm>>
    tpu.wait_dma2 semaphore(%arg20 : memref<!tpu.dma_semaphore, #tpu.memory_space<semaphore_mem>>) src(%dma_wait3A_992 : memref<1x80xi32, #tpu.memory_space<hbm>>) dst(%dma_wait3A_985 : memref<1x80xi32, #tpu.memory_space<vmem>>)
    %dma_start3A_993 = arith.constant 3 : i32
    %dma_start3A_994 = arith.constant 0 : i32
    %dma_start3A_995 = tpu.memref_slice %arg10[%dma_start3A_993, %dma_start3A_994] : memref<8x80xi32, #tpu.memory_space<vmem>> -> memref<1x80xi32, #tpu.memory_space<vmem>>
    %dma_start3A_996 = tpu.memref_squeeze %dma_start3A_995 : memref<1x80xi32, #tpu.memory_space<vmem>> -> memref<80xi32, #tpu.memory_space<vmem>>
    %dma_start3A_997 = arith.constant 0 : i32
    %dma_start3A_998 = arith.constant 0 : i32
    %dma_start3A_999 = tpu.memref_slice %arg2[%dma_start3A_997, %dma_start3A_998] : memref<10000x128xf32, #tpu.memory_space<hbm>> -> memref<10000x128xf32, #tpu.memory_space<hbm>>
    tpu.enqueue_indirect_dma source(%dma_start3A_999 : memref<10000x128xf32, #tpu.memory_space<hbm>>) target(%arg9 : memref<80x128xf32, #tpu.memory_space<vmem>>) offsets(%dma_start3A_996 : memref<80xi32, #tpu.memory_space<vmem>>) semaphore(%arg16 : memref<!tpu.dma_semaphore, #tpu.memory_space<semaphore_mem>>)
    %dma_start3A_1000 = arith.constant 4 : i32
    %dma_start3A_1001 = arith.constant 0 : i32
    %dma_start3A_1002 = tpu.memref_slice %arg10[%dma_start3A_1000, %dma_start3A_1001] : memref<8x80xi32, #tpu.memory_space<vmem>> -> memref<1x80xi32, #tpu.memory_space<vmem>>
    %dma_start3A_1003 = arith.constant 0 : i32
    %dma_start3A_1004 = arith.constant 0 : i32
    %dma_start3A_1005 = tpu.memref_slice %arg3[%add3A, %dma_start3A_1003, %dma_start3A_1004] : memref<32x125x80xi32, #tpu.memory_space<hbm>> -> memref<1x125x80xi32, #tpu.memory_space<hbm>>
    %dma_start3A_1006 = tpu.memref_squeeze %dma_start3A_1005 : memref<1x125x80xi32, #tpu.memory_space<hbm>> -> memref<125x80xi32, #tpu.memory_space<hbm>>
    %dma_start3A_1007 = arith.constant 124 : i32
    %dma_start3A_1008 = arith.constant 0 : i32
    %dma_start3A_1009 = tpu.memref_slice %dma_start3A_1006[%dma_start3A_1007, %dma_start3A_1008] : memref<125x80xi32, #tpu.memory_space<hbm>> -> memref<1x80xi32, #tpu.memory_space<hbm>>
    %dma_start3A_1010 = arith.constant 4 : i32
    %dma_start3A_1011 = arith.constant 0 : i32
    %dma_start3A_1012 = tpu.memref_slice %arg10[%dma_start3A_1010, %dma_start3A_1011] : memref<8x80xi32, #tpu.memory_space<vmem>> -> memref<1x80xi32, #tpu.memory_space<vmem>>
    %dma_start3A_1013 = arith.constant 0 : i32
    %dma_start3A_1014 = arith.constant 0 : i32
    %dma_start3A_1015 = tpu.memref_slice %arg3[%add3A, %dma_start3A_1013, %dma_start3A_1014] : memref<32x125x80xi32, #tpu.memory_space<hbm>> -> memref<1x125x80xi32, #tpu.memory_space<hbm>>
    %dma_start3A_1016 = tpu.memref_squeeze %dma_start3A_1015 : memref<1x125x80xi32, #tpu.memory_space<hbm>> -> memref<125x80xi32, #tpu.memory_space<hbm>>
    %dma_start3A_1017 = arith.constant 124 : i32
    %dma_start3A_1018 = arith.constant 0 : i32
    %dma_start3A_1019 = tpu.memref_slice %dma_start3A_1016[%dma_start3A_1017, %dma_start3A_1018] : memref<125x80xi32, #tpu.memory_space<hbm>> -> memref<1x80xi32, #tpu.memory_space<hbm>>
    tpu.enqueue_dma source(%dma_start3A_1019 : memref<1x80xi32, #tpu.memory_space<hbm>>) target(%dma_start3A_1012 : memref<1x80xi32, #tpu.memory_space<vmem>>) target_semaphore(%arg19 : memref<!tpu.dma_semaphore, #tpu.memory_space<semaphore_mem>>)
    %dma_start3A_1020 = arith.constant 4 : i32
    %dma_start3A_1021 = arith.constant 0 : i32
    %dma_start3A_1022 = tpu.memref_slice %arg11[%dma_start3A_1020, %dma_start3A_1021] : memref<8x80xi32, #tpu.memory_space<vmem>> -> memref<1x80xi32, #tpu.memory_space<vmem>>
    %dma_start3A_1023 = arith.constant 0 : i32
    %dma_start3A_1024 = arith.constant 0 : i32
    %dma_start3A_1025 = tpu.memref_slice %arg4[%add3A, %dma_start3A_1023, %dma_start3A_1024] : memref<32x125x80xi32, #tpu.memory_space<hbm>> -> memref<1x125x80xi32, #tpu.memory_space<hbm>>
    %dma_start3A_1026 = tpu.memref_squeeze %dma_start3A_1025 : memref<1x125x80xi32, #tpu.memory_space<hbm>> -> memref<125x80xi32, #tpu.memory_space<hbm>>
    %dma_start3A_1027 = arith.constant 124 : i32
    %dma_start3A_1028 = arith.constant 0 : i32
    %dma_start3A_1029 = tpu.memref_slice %dma_start3A_1026[%dma_start3A_1027, %dma_start3A_1028] : memref<125x80xi32, #tpu.memory_space<hbm>> -> memref<1x80xi32, #tpu.memory_space<hbm>>
    %dma_start3A_1030 = arith.constant 4 : i32
    %dma_start3A_1031 = arith.constant 0 : i32
    %dma_start3A_1032 = tpu.memref_slice %arg11[%dma_start3A_1030, %dma_start3A_1031] : memref<8x80xi32, #tpu.memory_space<vmem>> -> memref<1x80xi32, #tpu.memory_space<vmem>>
    %dma_start3A_1033 = arith.constant 0 : i32
    %dma_start3A_1034 = arith.constant 0 : i32
    %dma_start3A_1035 = tpu.memref_slice %arg4[%add3A, %dma_start3A_1033, %dma_start3A_1034] : memref<32x125x80xi32, #tpu.memory_space<hbm>> -> memref<1x125x80xi32, #tpu.memory_space<hbm>>
    %dma_start3A_1036 = tpu.memref_squeeze %dma_start3A_1035 : memref<1x125x80xi32, #tpu.memory_space<hbm>> -> memref<125x80xi32, #tpu.memory_space<hbm>>
    %dma_start3A_1037 = arith.constant 124 : i32
    %dma_start3A_1038 = arith.constant 0 : i32
    %dma_start3A_1039 = tpu.memref_slice %dma_start3A_1036[%dma_start3A_1037, %dma_start3A_1038] : memref<125x80xi32, #tpu.memory_space<hbm>> -> memref<1x80xi32, #tpu.memory_space<hbm>>
    tpu.enqueue_dma source(%dma_start3A_1039 : memref<1x80xi32, #tpu.memory_space<hbm>>) target(%dma_start3A_1032 : memref<1x80xi32, #tpu.memory_space<vmem>>) target_semaphore(%arg19 : memref<!tpu.dma_semaphore, #tpu.memory_space<semaphore_mem>>)
    %dma_wait3A_1040 = arith.constant 1 : i32
    %dma_wait3A_1041 = arith.constant 0 : i32
    %dma_wait3A_1042 = tpu.memref_slice %arg10[%dma_wait3A_1040, %dma_wait3A_1041] : memref<8x80xi32, #tpu.memory_space<vmem>> -> memref<1x80xi32, #tpu.memory_space<vmem>>
    %dma_wait3A_1043 = tpu.memref_squeeze %dma_wait3A_1042 : memref<1x80xi32, #tpu.memory_space<vmem>> -> memref<80xi32, #tpu.memory_space<vmem>>
    %dma_wait3A_1044 = arith.constant 0 : i32
    %dma_wait3A_1045 = arith.constant 0 : i32
    %dma_wait3A_1046 = tpu.memref_slice %arg2[%dma_wait3A_1044, %dma_wait3A_1045] : memref<10000x128xf32, #tpu.memory_space<hbm>> -> memref<10000x128xf32, #tpu.memory_space<hbm>>
    tpu.wait_indirect_dma semaphore(%arg14 : memref<!tpu.dma_semaphore, #tpu.memory_space<semaphore_mem>>) src(%dma_wait3A_1046 : memref<10000x128xf32, #tpu.memory_space<hbm>>) dst(%arg7 : memref<80x128xf32, #tpu.memory_space<vmem>>)
    %dma_wait3A_1047 = arith.constant 0 : i32
    %dma_wait3A_1048 = arith.constant 0 : i32
    %dma_wait3A_1049 = tpu.memref_slice %arg11[%dma_wait3A_1047, %dma_wait3A_1048] : memref<8x80xi32, #tpu.memory_space<vmem>> -> memref<1x80xi32, #tpu.memory_space<vmem>>
    %dma_wait3A_1050 = tpu.memref_squeeze %dma_wait3A_1049 : memref<1x80xi32, #tpu.memory_space<vmem>> -> memref<80xi32, #tpu.memory_space<vmem>>
    %dma_wait3A_1051 = arith.constant 0 : i32
    %dma_wait3A_1052 = arith.constant 0 : i32
    %dma_wait3A_1053 = tpu.memref_slice %arg12[%dma_wait3A_1051, %dma_wait3A_1052] : memref<10240x128xf32, #tpu.memory_space<vmem_shared>> -> memref<10240x128xf32, #tpu.memory_space<vmem_shared>>
    tpu.wait_indirect_dma semaphore(%arg17 : memref<!tpu.dma_semaphore, #tpu.memory_space<semaphore_mem>>) src(%arg6 : memref<80x128xf32, #tpu.memory_space<vmem>>) dst(%dma_wait3A_1053 : memref<10240x128xf32, #tpu.memory_space<vmem_shared>>)
    %dma_start3A_1054 = arith.constant 1 : i32
    %dma_start3A_1055 = arith.constant 0 : i32
    %dma_start3A_1056 = tpu.memref_slice %arg11[%dma_start3A_1054, %dma_start3A_1055] : memref<8x80xi32, #tpu.memory_space<vmem>> -> memref<1x80xi32, #tpu.memory_space<vmem>>
    %dma_start3A_1057 = tpu.memref_squeeze %dma_start3A_1056 : memref<1x80xi32, #tpu.memory_space<vmem>> -> memref<80xi32, #tpu.memory_space<vmem>>
    %dma_start3A_1058 = arith.constant 0 : i32
    %dma_start3A_1059 = arith.constant 0 : i32
    %dma_start3A_1060 = tpu.memref_slice %arg12[%dma_start3A_1058, %dma_start3A_1059] : memref<10240x128xf32, #tpu.memory_space<vmem_shared>> -> memref<10240x128xf32, #tpu.memory_space<vmem_shared>>
    tpu.enqueue_indirect_dma source(%arg7 : memref<80x128xf32, #tpu.memory_space<vmem>>) target(%dma_start3A_1060 : memref<10240x128xf32, #tpu.memory_space<vmem_shared>>) offsets(%dma_start3A_1057 : memref<80xi32, #tpu.memory_space<vmem>>) semaphore(%arg18 : memref<!tpu.dma_semaphore, #tpu.memory_space<semaphore_mem>>) {add = true}
    %dma_wait3A_1061 = arith.constant 4 : i32
    %dma_wait3A_1062 = arith.constant 0 : i32
    %dma_wait3A_1063 = tpu.memref_slice %arg10[%dma_wait3A_1061, %dma_wait3A_1062] : memref<8x80xi32, #tpu.memory_space<vmem>> -> memref<1x80xi32, #tpu.memory_space<vmem>>
    %dma_wait3A_1064 = arith.constant 0 : i32
    %dma_wait3A_1065 = arith.constant 0 : i32
    %dma_wait3A_1066 = tpu.memref_slice %arg3[%add3A, %dma_wait3A_1064, %dma_wait3A_1065] : memref<32x125x80xi32, #tpu.memory_space<hbm>> -> memref<1x125x80xi32, #tpu.memory_space<hbm>>
    %dma_wait3A_1067 = tpu.memref_squeeze %dma_wait3A_1066 : memref<1x125x80xi32, #tpu.memory_space<hbm>> -> memref<125x80xi32, #tpu.memory_space<hbm>>
    %dma_wait3A_1068 = arith.constant 124 : i32
    %dma_wait3A_1069 = arith.constant 0 : i32
    %dma_wait3A_1070 = tpu.memref_slice %dma_wait3A_1067[%dma_wait3A_1068, %dma_wait3A_1069] : memref<125x80xi32, #tpu.memory_space<hbm>> -> memref<1x80xi32, #tpu.memory_space<hbm>>
    %dma_wait3A_1071 = arith.constant 4 : i32
    %dma_wait3A_1072 = arith.constant 0 : i32
    %dma_wait3A_1073 = tpu.memref_slice %arg10[%dma_wait3A_1071, %dma_wait3A_1072] : memref<8x80xi32, #tpu.memory_space<vmem>> -> memref<1x80xi32, #tpu.memory_space<vmem>>
    %dma_wait3A_1074 = arith.constant 0 : i32
    %dma_wait3A_1075 = arith.constant 0 : i32
    %dma_wait3A_1076 = tpu.memref_slice %arg3[%add3A, %dma_wait3A_1074, %dma_wait3A_1075] : memref<32x125x80xi32, #tpu.memory_space<hbm>> -> memref<1x125x80xi32, #tpu.memory_space<hbm>>
    %dma_wait3A_1077 = tpu.memref_squeeze %dma_wait3A_1076 : memref<1x125x80xi32, #tpu.memory_space<hbm>> -> memref<125x80xi32, #tpu.memory_space<hbm>>
    %dma_wait3A_1078 = arith.constant 124 : i32
    %dma_wait3A_1079 = arith.constant 0 : i32
    %dma_wait3A_1080 = tpu.memref_slice %dma_wait3A_1077[%dma_wait3A_1078, %dma_wait3A_1079] : memref<125x80xi32, #tpu.memory_space<hbm>> -> memref<1x80xi32, #tpu.memory_space<hbm>>
    tpu.wait_dma2 semaphore(%arg19 : memref<!tpu.dma_semaphore, #tpu.memory_space<semaphore_mem>>) src(%dma_wait3A_1080 : memref<1x80xi32, #tpu.memory_space<hbm>>) dst(%dma_wait3A_1073 : memref<1x80xi32, #tpu.memory_space<vmem>>)
    %dma_wait3A_1081 = arith.constant 4 : i32
    %dma_wait3A_1082 = arith.constant 0 : i32
    %dma_wait3A_1083 = tpu.memref_slice %arg11[%dma_wait3A_1081, %dma_wait3A_1082] : memref<8x80xi32, #tpu.memory_space<vmem>> -> memref<1x80xi32, #tpu.memory_space<vmem>>
    %dma_wait3A_1084 = arith.constant 0 : i32
    %dma_wait3A_1085 = arith.constant 0 : i32
    %dma_wait3A_1086 = tpu.memref_slice %arg4[%add3A, %dma_wait3A_1084, %dma_wait3A_1085] : memref<32x125x80xi32, #tpu.memory_space<hbm>> -> memref<1x125x80xi32, #tpu.memory_space<hbm>>
    %dma_wait3A_1087 = tpu.memref_squeeze %dma_wait3A_1086 : memref<1x125x80xi32, #tpu.memory_space<hbm>> -> memref<125x80xi32, #tpu.memory_space<hbm>>
    %dma_wait3A_1088 = arith.constant 124 : i32
    %dma_wait3A_1089 = arith.constant 0 : i32
    %dma_wait3A_1090 = tpu.memref_slice %dma_wait3A_1087[%dma_wait3A_1088, %dma_wait3A_1089] : memref<125x80xi32, #tpu.memory_space<hbm>> -> memref<1x80xi32, #tpu.memory_space<hbm>>
    %dma_wait3A_1091 = arith.constant 4 : i32
    %dma_wait3A_1092 = arith.constant 0 : i32
    %dma_wait3A_1093 = tpu.memref_slice %arg11[%dma_wait3A_1091, %dma_wait3A_1092] : memref<8x80xi32, #tpu.memory_space<vmem>> -> memref<1x80xi32, #tpu.memory_space<vmem>>
    %dma_wait3A_1094 = arith.constant 0 : i32
    %dma_wait3A_1095 = arith.constant 0 : i32
    %dma_wait3A_1096 = tpu.memref_slice %arg4[%add3A, %dma_wait3A_1094, %dma_wait3A_1095] : memref<32x125x80xi32, #tpu.memory_space<hbm>> -> memref<1x125x80xi32, #tpu.memory_space<hbm>>
    %dma_wait3A_1097 = tpu.memref_squeeze %dma_wait3A_1096 : memref<1x125x80xi32, #tpu.memory_space<hbm>> -> memref<125x80xi32, #tpu.memory_space<hbm>>
    %dma_wait3A_1098 = arith.constant 124 : i32
    %dma_wait3A_1099 = arith.constant 0 : i32
    %dma_wait3A_1100 = tpu.memref_slice %dma_wait3A_1097[%dma_wait3A_1098, %dma_wait3A_1099] : memref<125x80xi32, #tpu.memory_space<hbm>> -> memref<1x80xi32, #tpu.memory_space<hbm>>
    tpu.wait_dma2 semaphore(%arg19 : memref<!tpu.dma_semaphore, #tpu.memory_space<semaphore_mem>>) src(%dma_wait3A_1100 : memref<1x80xi32, #tpu.memory_space<hbm>>) dst(%dma_wait3A_1093 : memref<1x80xi32, #tpu.memory_space<vmem>>)
    %dma_start3A_1101 = arith.constant 4 : i32
    %dma_start3A_1102 = arith.constant 0 : i32
    %dma_start3A_1103 = tpu.memref_slice %arg10[%dma_start3A_1101, %dma_start3A_1102] : memref<8x80xi32, #tpu.memory_space<vmem>> -> memref<1x80xi32, #tpu.memory_space<vmem>>
    %dma_start3A_1104 = tpu.memref_squeeze %dma_start3A_1103 : memref<1x80xi32, #tpu.memory_space<vmem>> -> memref<80xi32, #tpu.memory_space<vmem>>
    %dma_start3A_1105 = arith.constant 0 : i32
    %dma_start3A_1106 = arith.constant 0 : i32
    %dma_start3A_1107 = tpu.memref_slice %arg2[%dma_start3A_1105, %dma_start3A_1106] : memref<10000x128xf32, #tpu.memory_space<hbm>> -> memref<10000x128xf32, #tpu.memory_space<hbm>>
    tpu.enqueue_indirect_dma source(%dma_start3A_1107 : memref<10000x128xf32, #tpu.memory_space<hbm>>) target(%arg6 : memref<80x128xf32, #tpu.memory_space<vmem>>) offsets(%dma_start3A_1104 : memref<80xi32, #tpu.memory_space<vmem>>) semaphore(%arg13 : memref<!tpu.dma_semaphore, #tpu.memory_space<semaphore_mem>>)
    %dma_wait3A_1108 = arith.constant 2 : i32
    %dma_wait3A_1109 = arith.constant 0 : i32
    %dma_wait3A_1110 = tpu.memref_slice %arg10[%dma_wait3A_1108, %dma_wait3A_1109] : memref<8x80xi32, #tpu.memory_space<vmem>> -> memref<1x80xi32, #tpu.memory_space<vmem>>
    %dma_wait3A_1111 = tpu.memref_squeeze %dma_wait3A_1110 : memref<1x80xi32, #tpu.memory_space<vmem>> -> memref<80xi32, #tpu.memory_space<vmem>>
    %dma_wait3A_1112 = arith.constant 0 : i32
    %dma_wait3A_1113 = arith.constant 0 : i32
    %dma_wait3A_1114 = tpu.memref_slice %arg2[%dma_wait3A_1112, %dma_wait3A_1113] : memref<10000x128xf32, #tpu.memory_space<hbm>> -> memref<10000x128xf32, #tpu.memory_space<hbm>>
    tpu.wait_indirect_dma semaphore(%arg15 : memref<!tpu.dma_semaphore, #tpu.memory_space<semaphore_mem>>) src(%dma_wait3A_1114 : memref<10000x128xf32, #tpu.memory_space<hbm>>) dst(%arg8 : memref<80x128xf32, #tpu.memory_space<vmem>>)
    %dma_wait3A_1115 = arith.constant 1 : i32
    %dma_wait3A_1116 = arith.constant 0 : i32
    %dma_wait3A_1117 = tpu.memref_slice %arg11[%dma_wait3A_1115, %dma_wait3A_1116] : memref<8x80xi32, #tpu.memory_space<vmem>> -> memref<1x80xi32, #tpu.memory_space<vmem>>
    %dma_wait3A_1118 = tpu.memref_squeeze %dma_wait3A_1117 : memref<1x80xi32, #tpu.memory_space<vmem>> -> memref<80xi32, #tpu.memory_space<vmem>>
    %dma_wait3A_1119 = arith.constant 0 : i32
    %dma_wait3A_1120 = arith.constant 0 : i32
    %dma_wait3A_1121 = tpu.memref_slice %arg12[%dma_wait3A_1119, %dma_wait3A_1120] : memref<10240x128xf32, #tpu.memory_space<vmem_shared>> -> memref<10240x128xf32, #tpu.memory_space<vmem_shared>>
    tpu.wait_indirect_dma semaphore(%arg18 : memref<!tpu.dma_semaphore, #tpu.memory_space<semaphore_mem>>) src(%arg7 : memref<80x128xf32, #tpu.memory_space<vmem>>) dst(%dma_wait3A_1121 : memref<10240x128xf32, #tpu.memory_space<vmem_shared>>)
    %dma_start3A_1122 = arith.constant 2 : i32
    %dma_start3A_1123 = arith.constant 0 : i32
    %dma_start3A_1124 = tpu.memref_slice %arg11[%dma_start3A_1122, %dma_start3A_1123] : memref<8x80xi32, #tpu.memory_space<vmem>> -> memref<1x80xi32, #tpu.memory_space<vmem>>
    %dma_start3A_1125 = tpu.memref_squeeze %dma_start3A_1124 : memref<1x80xi32, #tpu.memory_space<vmem>> -> memref<80xi32, #tpu.memory_space<vmem>>
    %dma_start3A_1126 = arith.constant 0 : i32
    %dma_start3A_1127 = arith.constant 0 : i32
    %dma_start3A_1128 = tpu.memref_slice %arg12[%dma_start3A_1126, %dma_start3A_1127] : memref<10240x128xf32, #tpu.memory_space<vmem_shared>> -> memref<10240x128xf32, #tpu.memory_space<vmem_shared>>
    tpu.enqueue_indirect_dma source(%arg8 : memref<80x128xf32, #tpu.memory_space<vmem>>) target(%dma_start3A_1128 : memref<10240x128xf32, #tpu.memory_space<vmem_shared>>) offsets(%dma_start3A_1125 : memref<80xi32, #tpu.memory_space<vmem>>) semaphore(%arg17 : memref<!tpu.dma_semaphore, #tpu.memory_space<semaphore_mem>>) {add = true}
    %dma_wait3A_1129 = arith.constant 3 : i32
    %dma_wait3A_1130 = arith.constant 0 : i32
    %dma_wait3A_1131 = tpu.memref_slice %arg10[%dma_wait3A_1129, %dma_wait3A_1130] : memref<8x80xi32, #tpu.memory_space<vmem>> -> memref<1x80xi32, #tpu.memory_space<vmem>>
    %dma_wait3A_1132 = tpu.memref_squeeze %dma_wait3A_1131 : memref<1x80xi32, #tpu.memory_space<vmem>> -> memref<80xi32, #tpu.memory_space<vmem>>
    %dma_wait3A_1133 = arith.constant 0 : i32
    %dma_wait3A_1134 = arith.constant 0 : i32
    %dma_wait3A_1135 = tpu.memref_slice %arg2[%dma_wait3A_1133, %dma_wait3A_1134] : memref<10000x128xf32, #tpu.memory_space<hbm>> -> memref<10000x128xf32, #tpu.memory_space<hbm>>
    tpu.wait_indirect_dma semaphore(%arg16 : memref<!tpu.dma_semaphore, #tpu.memory_space<semaphore_mem>>) src(%dma_wait3A_1135 : memref<10000x128xf32, #tpu.memory_space<hbm>>) dst(%arg9 : memref<80x128xf32, #tpu.memory_space<vmem>>)
    %dma_wait3A_1136 = arith.constant 2 : i32
    %dma_wait3A_1137 = arith.constant 0 : i32
    %dma_wait3A_1138 = tpu.memref_slice %arg11[%dma_wait3A_1136, %dma_wait3A_1137] : memref<8x80xi32, #tpu.memory_space<vmem>> -> memref<1x80xi32, #tpu.memory_space<vmem>>
    %dma_wait3A_1139 = tpu.memref_squeeze %dma_wait3A_1138 : memref<1x80xi32, #tpu.memory_space<vmem>> -> memref<80xi32, #tpu.memory_space<vmem>>
    %dma_wait3A_1140 = arith.constant 0 : i32
    %dma_wait3A_1141 = arith.constant 0 : i32
    %dma_wait3A_1142 = tpu.memref_slice %arg12[%dma_wait3A_1140, %dma_wait3A_1141] : memref<10240x128xf32, #tpu.memory_space<vmem_shared>> -> memref<10240x128xf32, #tpu.memory_space<vmem_shared>>
    tpu.wait_indirect_dma semaphore(%arg17 : memref<!tpu.dma_semaphore, #tpu.memory_space<semaphore_mem>>) src(%arg8 : memref<80x128xf32, #tpu.memory_space<vmem>>) dst(%dma_wait3A_1142 : memref<10240x128xf32, #tpu.memory_space<vmem_shared>>)
    %dma_start3A_1143 = arith.constant 3 : i32
    %dma_start3A_1144 = arith.constant 0 : i32
    %dma_start3A_1145 = tpu.memref_slice %arg11[%dma_start3A_1143, %dma_start3A_1144] : memref<8x80xi32, #tpu.memory_space<vmem>> -> memref<1x80xi32, #tpu.memory_space<vmem>>
    %dma_start3A_1146 = tpu.memref_squeeze %dma_start3A_1145 : memref<1x80xi32, #tpu.memory_space<vmem>> -> memref<80xi32, #tpu.memory_space<vmem>>
    %dma_start3A_1147 = arith.constant 0 : i32
    %dma_start3A_1148 = arith.constant 0 : i32
    %dma_start3A_1149 = tpu.memref_slice %arg12[%dma_start3A_1147, %dma_start3A_1148] : memref<10240x128xf32, #tpu.memory_space<vmem_shared>> -> memref<10240x128xf32, #tpu.memory_space<vmem_shared>>
    tpu.enqueue_indirect_dma source(%arg9 : memref<80x128xf32, #tpu.memory_space<vmem>>) target(%dma_start3A_1149 : memref<10240x128xf32, #tpu.memory_space<vmem_shared>>) offsets(%dma_start3A_1146 : memref<80xi32, #tpu.memory_space<vmem>>) semaphore(%arg18 : memref<!tpu.dma_semaphore, #tpu.memory_space<semaphore_mem>>) {add = true}
    %dma_wait3A_1150 = arith.constant 4 : i32
    %dma_wait3A_1151 = arith.constant 0 : i32
    %dma_wait3A_1152 = tpu.memref_slice %arg10[%dma_wait3A_1150, %dma_wait3A_1151] : memref<8x80xi32, #tpu.memory_space<vmem>> -> memref<1x80xi32, #tpu.memory_space<vmem>>
    %dma_wait3A_1153 = tpu.memref_squeeze %dma_wait3A_1152 : memref<1x80xi32, #tpu.memory_space<vmem>> -> memref<80xi32, #tpu.memory_space<vmem>>
    %dma_wait3A_1154 = arith.constant 0 : i32
    %dma_wait3A_1155 = arith.constant 0 : i32
    %dma_wait3A_1156 = tpu.memref_slice %arg2[%dma_wait3A_1154, %dma_wait3A_1155] : memref<10000x128xf32, #tpu.memory_space<hbm>> -> memref<10000x128xf32, #tpu.memory_space<hbm>>
    tpu.wait_indirect_dma semaphore(%arg13 : memref<!tpu.dma_semaphore, #tpu.memory_space<semaphore_mem>>) src(%dma_wait3A_1156 : memref<10000x128xf32, #tpu.memory_space<hbm>>) dst(%arg6 : memref<80x128xf32, #tpu.memory_space<vmem>>)
    %dma_wait3A_1157 = arith.constant 3 : i32
    %dma_wait3A_1158 = arith.constant 0 : i32
    %dma_wait3A_1159 = tpu.memref_slice %arg11[%dma_wait3A_1157, %dma_wait3A_1158] : memref<8x80xi32, #tpu.memory_space<vmem>> -> memref<1x80xi32, #tpu.memory_space<vmem>>
    %dma_wait3A_1160 = tpu.memref_squeeze %dma_wait3A_1159 : memref<1x80xi32, #tpu.memory_space<vmem>> -> memref<80xi32, #tpu.memory_space<vmem>>
    %dma_wait3A_1161 = arith.constant 0 : i32
    %dma_wait3A_1162 = arith.constant 0 : i32
    %dma_wait3A_1163 = tpu.memref_slice %arg12[%dma_wait3A_1161, %dma_wait3A_1162] : memref<10240x128xf32, #tpu.memory_space<vmem_shared>> -> memref<10240x128xf32, #tpu.memory_space<vmem_shared>>
    tpu.wait_indirect_dma semaphore(%arg18 : memref<!tpu.dma_semaphore, #tpu.memory_space<semaphore_mem>>) src(%arg9 : memref<80x128xf32, #tpu.memory_space<vmem>>) dst(%dma_wait3A_1163 : memref<10240x128xf32, #tpu.memory_space<vmem_shared>>)
    %dma_start3A_1164 = arith.constant 4 : i32
    %dma_start3A_1165 = arith.constant 0 : i32
    %dma_start3A_1166 = tpu.memref_slice %arg11[%dma_start3A_1164, %dma_start3A_1165] : memref<8x80xi32, #tpu.memory_space<vmem>> -> memref<1x80xi32, #tpu.memory_space<vmem>>
    %dma_start3A_1167 = tpu.memref_squeeze %dma_start3A_1166 : memref<1x80xi32, #tpu.memory_space<vmem>> -> memref<80xi32, #tpu.memory_space<vmem>>
    %dma_start3A_1168 = arith.constant 0 : i32
    %dma_start3A_1169 = arith.constant 0 : i32
    %dma_start3A_1170 = tpu.memref_slice %arg12[%dma_start3A_1168, %dma_start3A_1169] : memref<10240x128xf32, #tpu.memory_space<vmem_shared>> -> memref<10240x128xf32, #tpu.memory_space<vmem_shared>>
    tpu.enqueue_indirect_dma source(%arg6 : memref<80x128xf32, #tpu.memory_space<vmem>>) target(%dma_start3A_1170 : memref<10240x128xf32, #tpu.memory_space<vmem_shared>>) offsets(%dma_start3A_1167 : memref<80xi32, #tpu.memory_space<vmem>>) semaphore(%arg17 : memref<!tpu.dma_semaphore, #tpu.memory_space<semaphore_mem>>) {add = true}
    %dma_wait3A_1171 = arith.constant 4 : i32
    %dma_wait3A_1172 = arith.constant 0 : i32
    %dma_wait3A_1173 = tpu.memref_slice %arg11[%dma_wait3A_1171, %dma_wait3A_1172] : memref<8x80xi32, #tpu.memory_space<vmem>> -> memref<1x80xi32, #tpu.memory_space<vmem>>
    %dma_wait3A_1174 = tpu.memref_squeeze %dma_wait3A_1173 : memref<1x80xi32, #tpu.memory_space<vmem>> -> memref<80xi32, #tpu.memory_space<vmem>>
    %dma_wait3A_1175 = arith.constant 0 : i32
    %dma_wait3A_1176 = arith.constant 0 : i32
    %dma_wait3A_1177 = tpu.memref_slice %arg12[%dma_wait3A_1175, %dma_wait3A_1176] : memref<10240x128xf32, #tpu.memory_space<vmem_shared>> -> memref<10240x128xf32, #tpu.memory_space<vmem_shared>>
    tpu.wait_indirect_dma semaphore(%arg17 : memref<!tpu.dma_semaphore, #tpu.memory_space<semaphore_mem>>) src(%arg6 : memref<80x128xf32, #tpu.memory_space<vmem>>) dst(%dma_wait3A_1177 : memref<10240x128xf32, #tpu.memory_space<vmem_shared>>)
    %barrier3A_1178 = arith.constant 0 : index
    tpu.barrier barrier_id(%barrier3A_1178)
    %mul3A_1179 = arith.constant 640 : i32
    %mul3A_1180 = arith.muli %arg1, %mul3A_1179 : i32
    %mul3A_1181 = arith.constant 640 : i32
    %mul3A_1182 = arith.muli %arg1, %mul3A_1181 : i32
    "tpu.region"() ({
      %run_scoped3A = tpu.sem_alloc : memref<!tpu.dma_semaphore, #tpu.memory_space<semaphore_mem>>
      %dma_start3A_1183 = arith.constant 0 : i32
      %dma_start3A_1184 = arith.constant 0 : i32
      %dma_start3A_1185 = tpu.memref_slice %arg5[%arg0, %dma_start3A_1183, %dma_start3A_1184] : memref<2x10240x128xf32, #tpu.memory_space<hbm>> -> memref<1x10240x128xf32, #tpu.memory_space<hbm>>
      %dma_start3A_1186 = tpu.memref_squeeze %dma_start3A_1185 : memref<1x10240x128xf32, #tpu.memory_space<hbm>> -> memref<10240x128xf32, #tpu.memory_space<hbm>>
      %dma_start3A_1187 = arith.constant 0 : i32
      %dma_start3A_1188 = tpu.memref_slice %dma_start3A_1186[%mul3A_1182, %dma_start3A_1187] : memref<10240x128xf32, #tpu.memory_space<hbm>> -> memref<640x128xf32, #tpu.memory_space<hbm>>
      %dma_start3A_1189 = arith.constant 0 : i32
      %dma_start3A_1190 = tpu.memref_slice %arg12[%mul3A_1180, %dma_start3A_1189] : memref<10240x128xf32, #tpu.memory_space<vmem_shared>> -> memref<640x128xf32, #tpu.memory_space<vmem_shared>>
      tpu.enqueue_dma source(%dma_start3A_1190 : memref<640x128xf32, #tpu.memory_space<vmem_shared>>) target(%dma_start3A_1188 : memref<640x128xf32, #tpu.memory_space<hbm>>) target_semaphore(%run_scoped3A : memref<!tpu.dma_semaphore, #tpu.memory_space<semaphore_mem>>)
      %dma_wait3A_1191 = arith.constant 0 : i32
      %dma_wait3A_1192 = arith.constant 0 : i32
      %dma_wait3A_1193 = tpu.memref_slice %arg5[%arg0, %dma_wait3A_1191, %dma_wait3A_1192] : memref<2x10240x128xf32, #tpu.memory_space<hbm>> -> memref<1x10240x128xf32, #tpu.memory_space<hbm>>
      %dma_wait3A_1194 = tpu.memref_squeeze %dma_wait3A_1193 : memref<1x10240x128xf32, #tpu.memory_space<hbm>> -> memref<10240x128xf32, #tpu.memory_space<hbm>>
      %dma_wait3A_1195 = arith.constant 0 : i32
      %dma_wait3A_1196 = tpu.memref_slice %dma_wait3A_1194[%mul3A_1182, %dma_wait3A_1195] : memref<10240x128xf32, #tpu.memory_space<hbm>> -> memref<640x128xf32, #tpu.memory_space<hbm>>
      %dma_wait3A_1197 = arith.constant 0 : i32
      %dma_wait3A_1198 = tpu.memref_slice %arg12[%mul3A_1180, %dma_wait3A_1197] : memref<10240x128xf32, #tpu.memory_space<vmem_shared>> -> memref<640x128xf32, #tpu.memory_space<vmem_shared>>
      tpu.wait_dma2 semaphore(%run_scoped3A : memref<!tpu.dma_semaphore, #tpu.memory_space<semaphore_mem>>) src(%dma_wait3A_1198 : memref<640x128xf32, #tpu.memory_space<vmem_shared>>) dst(%dma_wait3A_1196 : memref<640x128xf32, #tpu.memory_space<hbm>>)
      tpu.yield
    }) : () -> ()
    return
  }
}

module attributes {stable_mosaic.version = 14 : i64} {
  func.func @_mlp_body(%arg0: memref<10000x128xf32, #tpu.memory_space<vmem>>, %arg1: memref<2x10240x128xf32, #tpu.memory_space<vmem>>, %arg2: memref<128x128xf32, #tpu.memory_space<vmem>>, %arg3: memref<1x128xf32, #tpu.memory_space<vmem>>, %arg4: memref<1x128xf32, #tpu.memory_space<vmem>>, %arg5: memref<128x128xf32, #tpu.memory_space<vmem>>, %arg6: memref<1x128xf32, #tpu.memory_space<vmem>>, %arg7: memref<1x128xf32, #tpu.memory_space<vmem>>, %arg8: memref<1x1xf32, #tpu.memory_space<vmem>>, %arg9: memref<10000x128xf32, #tpu.memory_space<vmem>>) attributes {dimension_semantics = [], scalar_prefetch = 0 : i64, scratch_operands = 0 : i64, tpu.core_type = #tpu.core_type<tc>} {
    %broadcast_in_dim3A = arith.constant 1.000000e+00 : f32
    %broadcast_in_dim3A_0 = vector.broadcast %broadcast_in_dim3A : f32 to vector<1x10000xf32>
    %get3A = arith.constant 0 : index
    %get3A_1 = arith.constant 0 : index
    %get3A_2 = vector.load %arg8[%get3A, %get3A_1] : memref<1x1xf32, #tpu.memory_space<vmem>>, vector<1x1xf32>
    %get3A_3 = vector.extract %get3A_2[0, 0] : f32 from vector<1x1xf32>
    %add3A = arith.constant 1.000000e+00 : f32
    %add3A_4 = arith.addf %add3A, %get3A_3 : f32
    %get3A_5 = arith.constant 0 : index
    %get3A_6 = arith.constant 0 : index
    %get3A_7 = vector.load %arg0[%get3A_5, %get3A_6] : memref<10000x128xf32, #tpu.memory_space<vmem>>, vector<10000x128xf32>
    %mul3A = vector.broadcast %add3A_4 : f32 to vector<10000x128xf32>
    %mul3A_8 = arith.mulf %mul3A, %get3A_7 : vector<10000x128xf32>
    %get3A_9 = arith.constant 0 : index
    %get3A_10 = arith.constant 0 : index
    %get3A_11 = arith.constant 0 : index
    %get3A_12 = vector.load %arg1[%get3A_9, %get3A_10, %get3A_11] : memref<2x10240x128xf32, #tpu.memory_space<vmem>>, vector<1x10000x128xf32>
    %get3A_13 = vector.shape_cast %get3A_12 : vector<1x10000x128xf32> to vector<10000x128xf32>
    %add3A_14 = arith.addf %mul3A_8, %get3A_13 : vector<10000x128xf32>
    %get3A_15 = arith.constant 1 : index
    %get3A_16 = arith.constant 0 : index
    %get3A_17 = arith.constant 0 : index
    %get3A_18 = vector.load %arg1[%get3A_15, %get3A_16, %get3A_17] : memref<2x10240x128xf32, #tpu.memory_space<vmem>>, vector<1x10000x128xf32>
    %get3A_19 = vector.shape_cast %get3A_18 : vector<1x10000x128xf32> to vector<10000x128xf32>
    %add3A_20 = arith.addf %add3A_14, %get3A_19 : vector<10000x128xf32>
    %get3A_21 = arith.constant 0 : index
    %get3A_22 = arith.constant 0 : index
    %get3A_23 = vector.load %arg2[%get3A_21, %get3A_22] : memref<128x128xf32, #tpu.memory_space<vmem>>, vector<128x128xf32>
    %dot_general3A = arith.constant dense<0.000000e+00> : vector<10000x128xf32>
    %dot_general3A_24 = tpu.matmul %add3A_20, %get3A_23, %dot_general3A {dimension_numbers = #tpu.dot_dimension_numbers<[1], [1], [0], [0], [0, 0, 1, 0], [], []>, transpose_lhs_hint = false} : vector<10000x128xf32>, vector<128x128xf32>, vector<10000x128xf32> -> vector<10000x128xf32>
    %dot_general3A_25 = arith.constant dense<0.000000e+00> : vector<1x128xf32>
    %dot_general3A_26 = tpu.matmul %broadcast_in_dim3A_0, %dot_general3A_24, %dot_general3A_25 {dimension_numbers = #tpu.dot_dimension_numbers<[1], [0], [0], [1], [0, 0, 1, 1], [], []>, transpose_lhs_hint = false} : vector<1x10000xf32>, vector<10000x128xf32>, vector<1x128xf32> -> vector<1x128xf32>
    %mul3A_27 = arith.mulf %dot_general3A_24, %dot_general3A_24 : vector<10000x128xf32>
    %dot_general3A_28 = arith.constant dense<0.000000e+00> : vector<1x128xf32>
    %dot_general3A_29 = tpu.matmul %broadcast_in_dim3A_0, %mul3A_27, %dot_general3A_28 {dimension_numbers = #tpu.dot_dimension_numbers<[1], [0], [0], [1], [0, 0, 1, 1], [], []>, transpose_lhs_hint = false} : vector<1x10000xf32>, vector<10000x128xf32>, vector<1x128xf32> -> vector<1x128xf32>
    %mul3A_30 = arith.constant 9.99999974E-5 : f32
    %mul3A_31 = vector.broadcast %mul3A_30 : f32 to vector<1x128xf32>
    %mul3A_32 = arith.mulf %dot_general3A_26, %mul3A_31 : vector<1x128xf32>
    %mul3A_33 = arith.constant 9.99999974E-5 : f32
    %mul3A_34 = vector.broadcast %mul3A_33 : f32 to vector<1x128xf32>
    %mul3A_35 = arith.mulf %dot_general3A_29, %mul3A_34 : vector<1x128xf32>
    %mul3A_36 = arith.mulf %mul3A_32, %mul3A_32 : vector<1x128xf32>
    %sub3A = arith.subf %mul3A_35, %mul3A_36 : vector<1x128xf32>
    %get3A_37 = arith.constant 0 : index
    %get3A_38 = arith.constant 0 : index
    %get3A_39 = vector.load %arg3[%get3A_37, %get3A_38] : memref<1x128xf32, #tpu.memory_space<vmem>>, vector<1x128xf32>
    %add3A_40 = arith.constant 9.99999974E-6 : f32
    %add3A_41 = vector.broadcast %add3A_40 : f32 to vector<1x128xf32>
    %add3A_42 = arith.addf %sub3A, %add3A_41 : vector<1x128xf32>
    %rsqrt3A = math.rsqrt %add3A_42 : vector<1x128xf32>
    %mul3A_43 = arith.mulf %get3A_39, %rsqrt3A : vector<1x128xf32>
    %sub3A_44 = vector.broadcast %mul3A_32 : vector<1x128xf32> to vector<10000x128xf32>
    %sub3A_45 = arith.subf %dot_general3A_24, %sub3A_44 : vector<10000x128xf32>
    %mul3A_46 = vector.broadcast %mul3A_43 : vector<1x128xf32> to vector<10000x128xf32>
    %mul3A_47 = arith.mulf %mul3A_46, %sub3A_45 : vector<10000x128xf32>
    %get3A_48 = arith.constant 0 : index
    %get3A_49 = arith.constant 0 : index
    %get3A_50 = vector.load %arg4[%get3A_48, %get3A_49] : memref<1x128xf32, #tpu.memory_space<vmem>>, vector<1x128xf32>
    %add3A_51 = vector.broadcast %get3A_50 : vector<1x128xf32> to vector<10000x128xf32>
    %add3A_52 = arith.addf %mul3A_47, %add3A_51 : vector<10000x128xf32>
    %max3A = arith.constant 0.000000e+00 : f32
    %max3A_53 = vector.broadcast %max3A : f32 to vector<10000x128xf32>
    %max3A_54 = arith.maximumf %add3A_52, %max3A_53 : vector<10000x128xf32>
    %get3A_55 = arith.constant 0 : index
    %get3A_56 = arith.constant 0 : index
    %get3A_57 = vector.load %arg5[%get3A_55, %get3A_56] : memref<128x128xf32, #tpu.memory_space<vmem>>, vector<128x128xf32>
    %dot_general3A_58 = arith.constant dense<0.000000e+00> : vector<10000x128xf32>
    %dot_general3A_59 = tpu.matmul %max3A_54, %get3A_57, %dot_general3A_58 {dimension_numbers = #tpu.dot_dimension_numbers<[1], [1], [0], [0], [0, 0, 1, 0], [], []>, transpose_lhs_hint = false} : vector<10000x128xf32>, vector<128x128xf32>, vector<10000x128xf32> -> vector<10000x128xf32>
    %dot_general3A_60 = arith.constant dense<0.000000e+00> : vector<1x128xf32>
    %dot_general3A_61 = tpu.matmul %broadcast_in_dim3A_0, %dot_general3A_59, %dot_general3A_60 {dimension_numbers = #tpu.dot_dimension_numbers<[1], [0], [0], [1], [0, 0, 1, 1], [], []>, transpose_lhs_hint = false} : vector<1x10000xf32>, vector<10000x128xf32>, vector<1x128xf32> -> vector<1x128xf32>
    %mul3A_62 = arith.mulf %dot_general3A_59, %dot_general3A_59 : vector<10000x128xf32>
    %dot_general3A_63 = arith.constant dense<0.000000e+00> : vector<1x128xf32>
    %dot_general3A_64 = tpu.matmul %broadcast_in_dim3A_0, %mul3A_62, %dot_general3A_63 {dimension_numbers = #tpu.dot_dimension_numbers<[1], [0], [0], [1], [0, 0, 1, 1], [], []>, transpose_lhs_hint = false} : vector<1x10000xf32>, vector<10000x128xf32>, vector<1x128xf32> -> vector<1x128xf32>
    %mul3A_65 = arith.constant 9.99999974E-5 : f32
    %mul3A_66 = vector.broadcast %mul3A_65 : f32 to vector<1x128xf32>
    %mul3A_67 = arith.mulf %dot_general3A_61, %mul3A_66 : vector<1x128xf32>
    %mul3A_68 = arith.constant 9.99999974E-5 : f32
    %mul3A_69 = vector.broadcast %mul3A_68 : f32 to vector<1x128xf32>
    %mul3A_70 = arith.mulf %dot_general3A_64, %mul3A_69 : vector<1x128xf32>
    %mul3A_71 = arith.mulf %mul3A_67, %mul3A_67 : vector<1x128xf32>
    %sub3A_72 = arith.subf %mul3A_70, %mul3A_71 : vector<1x128xf32>
    %get3A_73 = arith.constant 0 : index
    %get3A_74 = arith.constant 0 : index
    %get3A_75 = vector.load %arg6[%get3A_73, %get3A_74] : memref<1x128xf32, #tpu.memory_space<vmem>>, vector<1x128xf32>
    %add3A_76 = arith.constant 9.99999974E-6 : f32
    %add3A_77 = vector.broadcast %add3A_76 : f32 to vector<1x128xf32>
    %add3A_78 = arith.addf %sub3A_72, %add3A_77 : vector<1x128xf32>
    %rsqrt3A_79 = math.rsqrt %add3A_78 : vector<1x128xf32>
    %mul3A_80 = arith.mulf %get3A_75, %rsqrt3A_79 : vector<1x128xf32>
    %sub3A_81 = vector.broadcast %mul3A_67 : vector<1x128xf32> to vector<10000x128xf32>
    %sub3A_82 = arith.subf %dot_general3A_59, %sub3A_81 : vector<10000x128xf32>
    %mul3A_83 = vector.broadcast %mul3A_80 : vector<1x128xf32> to vector<10000x128xf32>
    %mul3A_84 = arith.mulf %mul3A_83, %sub3A_82 : vector<10000x128xf32>
    %get3A_85 = arith.constant 0 : index
    %get3A_86 = arith.constant 0 : index
    %get3A_87 = vector.load %arg7[%get3A_85, %get3A_86] : memref<1x128xf32, #tpu.memory_space<vmem>>, vector<1x128xf32>
    %add3A_88 = vector.broadcast %get3A_87 : vector<1x128xf32> to vector<10000x128xf32>
    %add3A_89 = arith.addf %mul3A_84, %add3A_88 : vector<10000x128xf32>
    %max3A_90 = arith.constant 0.000000e+00 : f32
    %max3A_91 = vector.broadcast %max3A_90 : f32 to vector<10000x128xf32>
    %max3A_92 = arith.maximumf %add3A_89, %max3A_91 : vector<10000x128xf32>
    %swap3A = arith.constant 0 : index
    %swap3A_93 = arith.constant 0 : index
    %swap3A_94 = vector.load %arg9[%swap3A, %swap3A_93] : memref<10000x128xf32, #tpu.memory_space<vmem>>, vector<10000x128xf32>
    tpu.vector_store %arg9[%swap3A, %swap3A_93], %max3A_92 {strides = array<i32>} : memref<10000x128xf32, #tpu.memory_space<vmem>>, vector<10000x128xf32>,
    return
  }
}

</mosaic_0001>

<sc_bundles>
// kernel: kernel.4.cloned.1.call-start
scs
__scs_entry_jumppad:
0x0: {  	(pc) =	sbr.rel $0x88, $3  }
0x1: {  	(tag) =	ssettag $0x0;
	lr =	simm.s32 $0x1  }
0x2: {  	[smem:$0x3F98] =	sst lr;
	_ =	strace $0xD0000000  }
0x3: {  	_ = 	snop  }
0x4: {  	_ = 	snop  }
0x5: {  	_ = 	snop  }
0x6: {  	_ = 	snop  }
0x7: {  	_ = 	snop  }
__scs_overlays_trampoline_lowered:
0x8: {  	[smem:$0x3FA7] =	sst s0  }
0x9: {  	[smem:$0x3FA8] =	sst s1  }
0xa: {  	[smem:$0x3FA9] =	sst s2  }
0xb: {  	[smem:$0x3FAA] =	sst s3  }
0xc: {  	[smem:$0x3FAB] =	sst s4  }
0xd: {  	[smem:$0x3FAC] =	sst s5  }
0xe: {  	[smem:$0x3FAD] =	sst s6  }
0xf: {  	[smem:$0x3FAE] =	sst s7  }
0x10: {  	[smem:$0x3FAF] =	sst s8  }
0x11: {  	[smem:$0x3FB0] =	sst s9;
	s0 =	simm.s32 @!p0 $0x0  }
0x12: {  	s1 =	sld [smem:$0x3F96];
	s0 =	simm.s32 @p0 $0x1  }
0x13: {  	[smem:$0x3FB1] =	sst s0;
	s0 =	simm.s32 @!p1 $0x0  }
0x14: {  	s2 =	sld [smem:$0x3F95];
	s0 =	simm.s32 @p1 $0x1  }
0x15: {  	[smem:$0x3FB2] =	sst s0;
	s0 =	simm.s32 @!p2 $0x0  }
0x16: {  	s3 =	sld [smem:$0x3FDB];
	s0 =	simm.s32 @p2 $0x1  }
0x17: {  	s4 =	simm.s32 $0x1BF5;
	[smem:$0x3FB4] =	sst s0  }
0x18: {  	s0 =	sld [smem:$0x3F97];
	_ =	swait.ge [sflag:s4], $0x0  }
0x19: {  	s7 =	sld [smem:$0x3F98]  }
0x1a: {  	s8 =	sadd.s32 $0xFFFFE003, lr  }
0x1b: {  	s9 =	sadd.s32 $0xFFFFFEF7, lr;
	s5 =	simm.s32 $0xFFFFFFFF;
	p2 =	slt.u32 s8, $0xFFFFF086  }
0x1c: {  	p1 =	slt.u32 s9, $0xF7A;
	s5 =	simm.s32 @!p2 $0x0  }
0x1d: {  	s5 =	simm.s32 @p1 $0x1;
	p0 =	seq.s32 s7, s2  }
0x1e: {  	s7 =	smul.u32 @!p0 $0xF7A, s2;
	p2 =	seq.s32 @!p0 s5, $0x0  }
0x1f: {  	s9 =	smul.u32 $0xF7A, s1;
	s8 =	simm.s32 @!p0 $0x1BF5;
	p2 =	por !p2, p0  }
0x20: {  	[sflag:s8] =	ssyncset.s32 @!p0 $0xFFFFF086;
	s6 =	sadd.s32 @!p0 s3, s7;
	s7 =	simm.s32 @!p0 $0x108  }
0x21: {  	s3 =	sadd.s32 s3, s9;
	s6 =	sadd.s32 @!p0 $0x88, s6;
	s7 =	simm.s32 @p2 $0x1082  }
0x22: {  	[simem:s7], [sflag:s8] =	dma.local @!p0 [hbm:s6], $0xF7A  }
0x23: {  	s9 =	sor.u32 $0xD0000000, s2;
	s6 =	simm.s32 $0x108;
	_ =	swait.ge @!p0 [sflag:s8], $0x0  }
0x24: {  	s3 =	sadd.s32 $0x88, s3;
	s6 =	simm.s32 @!p1 $0x1082;
	[sflag:s4] =	ssyncset.s32 $0xFFFFF086  }
0x25: {  	[simem:s6], [sflag:s4] =	dma.local [hbm:s3], $0xF7A  }
0x26: {  	[smem:$0x3F98] =	sst s1;
	(tag) =	ssettag s2;
	_ =	strace s9  }
0x27: {  	s1 =	sld [smem:$0x3FA8]  }
0x28: {  	s2 =	sld [smem:$0x3FA9]  }
0x29: {  	s4 =	sld [smem:$0x3FAB]  }
0x2a: {  	p0 =	seq.s32 s5, $0x0;
	s5 =	sld [smem:$0x3FAC]  }
0x2b: {  	s6 =	sld [smem:$0x3FAD]  }
0x2c: {  	s7 =	sld [smem:$0x3FAE]  }
0x2d: {  	s3 =	simm.s32 $0x108;
	s8 =	sld [smem:$0x3FAF]  }
0x2e: {  	s3 =	simm.s32 @!p0 $0x1082;
	s9 =	sld [smem:$0x3FB0]  }
0x2f: {  	lr =	sadd.s32 s0, s3;
	s0 =	sld [smem:$0x3FA7]  }
0x30: {  	s3 =	sld [smem:$0x3FAA]  }
0x31: {  	[smem:$0x3FB3] =	sst s10  }
0x32: {  	s10 =	sld [smem:$0x3FB1];
	_ =	sdelay $0x3  }
0x33: {  	p0 =	seq.s32 s10, $0x1;
	s10 =	sld [smem:$0x3FB3];
	_ =	sdelay $0x3  }
0x34: {  	[smem:$0x3FB3] =	sst s10  }
0x35: {  	s10 =	sld [smem:$0x3FB2];
	_ =	sdelay $0x3  }
0x36: {  	p1 =	seq.s32 s10, $0x1;
	s10 =	sld [smem:$0x3FB3];
	_ =	sdelay $0x3  }
0x37: {  	[smem:$0x3FB3] =	sst s10  }
0x38: {  	s10 =	sld [smem:$0x3FB4]  }
0x39: {  	_ = 	snop;
	(pc) =	sbr.ind lr, $3  }
0x3a: {  	_ = 	snop  }
0x3b: {  	_ = 	snop  }
0x3c: {  	p2 =	seq.s32 s10, $0x1;
	s10 =	sld [smem:$0x3FB3]  }
0x3d: {  	_ =	shalt  }
0x3e: {  	_ =	shalt  }
0x3f: {  	_ =	shalt  }
0x40: {  	_ =	shalt  }
0x41: {  	_ =	shalt  }
0x42: {  	_ =	shalt  }
0x43: {  	_ =	shalt  }
0x44: {  	_ =	shalt  }
0x45: {  	_ =	shalt  }
0x46: {  	_ =	shalt  }
0x47: {  	_ =	shalt  }
0x48: {  	_ =	shalt  }
0x49: {  	_ =	shalt  }
0x4a: {  	_ =	shalt  }
0x4b: {  	_ =	shalt  }
0x4c: {  	_ =	shalt  }
0x4d: {  	_ =	shalt  }
0x4e: {  	_ =	shalt  }
0x4f: {  	_ =	shalt  }
0x50: {  	_ =	shalt  }
0x51: {  	_ =	shalt  }
0x52: {  	_ =	shalt  }
0x53: {  	_ =	shalt  }
0x54: {  	_ =	shalt  }
0x55: {  	_ =	shalt  }
0x56: {  	_ =	shalt  }
0x57: {  	_ =	shalt  }
0x58: {  	_ =	shalt  }
0x59: {  	_ =	shalt  }
0x5a: {  	_ =	shalt  }
0x5b: {  	_ =	shalt  }
0x5c: {  	_ =	shalt  }
0x5d: {  	_ =	shalt  }
0x5e: {  	_ =	shalt  }
0x5f: {  	_ =	shalt  }
0x60: {  	_ =	shalt  }
0x61: {  	_ =	shalt  }
0x62: {  	_ =	shalt  }
0x63: {  	_ =	shalt  }
0x64: {  	_ =	shalt  }
0x65: {  	_ =	shalt  }
0x66: {  	_ =	shalt  }
0x67: {  	_ =	shalt  }
0x68: {  	_ =	shalt  }
0x69: {  	_ =	shalt  }
0x6a: {  	_ =	shalt  }
0x6b: {  	_ =	shalt  }
0x6c: {  	_ =	shalt  }
0x6d: {  	_ =	shalt  }
0x6e: {  	_ =	shalt  }
0x6f: {  	_ =	shalt  }
0x70: {  	_ =	shalt  }
0x71: {  	_ =	shalt  }
0x72: {  	_ =	shalt  }
0x73: {  	_ =	shalt  }
0x74: {  	_ =	shalt  }
0x75: {  	_ =	shalt  }
0x76: {  	_ =	shalt  }
0x77: {  	_ =	shalt  }
0x78: {  	_ =	shalt  }
0x79: {  	_ =	shalt  }
0x7a: {  	_ =	shalt  }
0x7b: {  	_ =	shalt  }
0x7c: {  	_ =	shalt  }
0x7d: {  	_ =	shalt  }
0x7e: {  	_ =	shalt  }
0x7f: {  	_ =	shalt  }
0x80: {  	_ =	shalt  }
0x81: {  	_ =	shalt  }
0x82: {  	_ =	shalt  }
0x83: {  	_ =	shalt  }
0x84: {  	_ =	shalt  }
0x85: {  	_ =	shalt  }
0x86: {  	_ =	shalt  }
0x87: {  	_ =	shalt  }
.Lfunc_end0:
.L_simem_size_0:
called_computation_lowered:
.L_overlay_start_0:
0x88: {  	s2 =	sld [smem:$0x3FD9]  }
0x89: {  	s3 =	sld [smem:$0x3FFE];
	_ =	sdelay $0x1  }
0x8a: {  	s1 =	srdreg.scid  }
0x8b: {  	s0 =	sand.u32 $0x1, s1  }
0x8c: {  	s17 =	sshll.u32 s0, $0xA;
	s2 =	sadd.s32 s3, s2  }
0x8d: {  	s2 =	sadd.s32 s2, s17  }
0x8e: {  	[smem:$0x3FBF] =	sst s2  }
0x8f: {  	_ = 	snop  }
0x90: {  	s2 =	sld [smem:$0x3FC9]  }
0x91: {  	s18 =	sld [smem:$0x3FD0];
	(tm) =	ssettm $0x1  }
0x92: {  	s4 =	sld [smem:$0x3FFB];
	_ =	sdelay $0x3  }
0x93: {  	_ =	strace s4  }
0x94: {  	s4 =	sld [smem:$0x3FFC];
	_ =	sdelay $0x3  }
0x95: {  	_ =	strace s4  }
0x96: {  	s4 =	sld [smem:$0x3FFD];
	_ =	sdelay $0x3  }
0x97: {  	_ =	strace s4  }
0x98: {  	_ =	strace $0x8FFFFFFF  }
0x99: {  	s19 =	sld [smem:$0x3FDB];
	_ =	sdelay $0x1  }
0x9a: {  	s5 =	simm.s32 $_scs_section_size  }
0x9b: {  	s6 =	simm.s32 $_size__tile_overlayer_lowered;
	s7 =	simm.s32 $_tile_overlayer_lowered  }
0x9c: {  	s22 =	simm.s32 $0x1BFF;
	s21 =	sshll.u32 s7, $0x1;
	s4 =	sadd.s32 s5, s19  }
0x9d: {  	s8 =	simm.s32 $0x0;
	s20 =	sshll.u32 s6, $0x1;
	s6 =	sadd.s32 s21, s4  }
0x9e: {  	[timem:s8], [sflag:s22] =	dma.local [hbm:s6], s20  }
0x9f: {  	_ =	swait.ge [sflag:s22], s20  }
0xa0: {  	s5 =	ssub.s32 $0x0, s20;
	[sflag:s22] =	ssyncset.done $0x0  }
0xa1: {  	[sflag:s22] =	ssyncadd.s32 s5;
	_ =	sdelay $0x1  }
0xa2: {  	s23 =	simm.s32 $0x1B8B  }
0xa3: {  	_ =	swait.ge [sflag:s23], $0x1  }
0xa4: {  	[sflag:s23] =	ssyncset.done $0x0  }
0xa5: {  	s25 =	simm.s32 $0x1B8E;
	s24 =	sld [smem:$0x3FFE];
	[sflag:s23] =	ssyncadd.s32 $0xFFFFFFFF  }
0xa6: {  	s26 =	simm.s32 $execute0_lowered;
	[smem:$0x3FD2] =	sst s25  }
0xa7: {  	s6 =	sshll.u32 s26, $0x1;
	_ =	strace $0x80000046;
	[dreg:$0x1] =	wrdreg $0xFFFFFFFF  }
0xa8: {  	s28 =	simm.s32 $_size_execute0_lowered;
	s4 =	sadd.s32 s4, s6;
	[dreg:$0x0] =	wrdreg $0x0  }
0xa9: {  	s6 =	sshll.u32 s28, $0x1;
	[dreg:$0x2] =	wrdreg s4  }
0xaa: {  	[dreg:$0x3] =	wrdreg s6  }
0xab: {  	[dreg:$0x4] =	wrdreg $0xC0  }
0xac: {  	_ =	task [dreg:s8], $0x5FFFF  }
0xad: {  	[dreg:$0x1] =	wrdreg $0xFFFFFFFF  }
0xae: {  	[dreg:$0x0] =	wrdreg $0x60  }
0xaf: {  	[dreg:$0x2] =	wrdreg s2  }
0xb0: {  	[dreg:$0x3] =	wrdreg s18  }
0xb1: {  	[dreg:$0x4] =	wrdreg s24  }
0xb2: {  	[dreg:$0x5] =	wrdreg $0xA8000  }
0xb3: {  	[dreg:$0x6] =	wrdreg $0x9  }
0xb4: {  	_ =	task.clear_ibuf [dreg:s8], $0x7FFFF;
	_ =	strace $0x90000046  }
0xb5: {  	s29 =	simm.s32 $0x9;
	_ =	strace $0x80000048  }
0xb6: {  	_ =	swait.ge [sflag:s29], $0x1  }
0xb7: {  	[sflag:s29] =	ssyncadd.s32 $0xFFFFFFFF  }
0xb8: {  	_ =	strace $0x90000048  }
0xb9: {  	_ =	sfence  }
0xba: {  	s30 =	sld [smem:$0x0];
	_ =	sdelay $0x2  }
0xbb: {  	s31 =	sshll.u32 s1, $0xD;
	s1 =	sshrl.u32 s1, $0x2  }
0xbc: {  	s3 =	sand.u32 $0x4000, s31;
	s1 =	sadd.s32 s1, s30  }
0xbd: {  	s0 =	sor.u32 s3, s0;
	s1 =	sshll.u32 s1, $0x11  }
0xbe: {  	s0 =	sor.u32 s1, s0  }
0xbf: {  	s0 =	sadd.s32 $0x8F2B, s0  }
0xc0: {  	[sflag:s0] =	ssyncadd.remote.s32 $0x1  }
0xc1: {  	_ =	sfence.sel $0xFFFF  }
0xc2: {  	[dreg:$0x0] =	wrdreg $0xFFFFFFFF;
	(pc) =	sbr.abs _section_cstart, $3  }
0xc3: {  	[dreg:$0x1] =	wrdreg $0xFFFFFFFF  }
0xc4: {  	_ =	task.clear_ibuf [dreg:s8], $0x2FFFF;
	_ =	strace $0x9FFFFFFF  }
0xc5: {  	(tm) =	ssettm $0x7FFFFFFF  }
tec
execute0_lowered:
.L_overlay_start_1:
0x0: {  	(tag) =	ssettag $0x1  }
0x1: {  	s1 =	rddreg [dreg:$0x0]  }
0x2: {  	s0 =	rddreg [dreg:$0x1]  }
0x3: {  	s3 =	rddreg [dreg:$0x2]  }
0x4: {  	s2 =	rddreg [dreg:$0x3]  }
0x5: {  	s4 =	simm.s32 $0x0;
	s5 =	srdreg.scid;
	s11 =	stileid.u32  }
0x6: {  	s29 =	simm.s32 $0xA400;
	s30 =	simm.s32 $0xA080;
	s13 =	simm.s32 $0xA500  }
0x7: {  	s28 =	simm.s32 $0x5000;
	s31 =	simm.s32 $0x1;
	[smem:$0x7FF] =	sst s4  }
0x8: {  	s5 =	sand.u32 $0x1, s5;
	s7 =	sshll.u32 s11, $0xB;
	s10 =	smul.u32 $0x50000, s11  }
0x9: {  	s15 =	smul.u32 $0x2800, s11;
	s11 =	simm.s32 $0x5;
	_ =	strace $0x80000047  }
0xa: {  	s6 =	sshll.u32 s5, $0xF;
	s26 =	smul.u32 $0x28000, s5;
	s5 =	ssub.s32 $0x2, s5  }
0xb: {  	s6 =	sor.u32 s7, s6;
	s9 =	sshrl.u32 s5, $0x1;
	s14 =	sshrl.u32 s10, $0x2  }
0xc: {  	s10 =	simm.s32 $0x2;
	s5 =	ssub.s32 s5, s9;
	s20 =	sadd.s32 s14, s2  }
0xd: {  	s8 =	sadd.s32 s6, s3;
	s5 =	smax.u32 s5, $0x1;
	[dreg:$0x6] =	wrdreg s20  }
0xe: {  	s3 =	sadd.s32 s26, s3;
	s16 =	sadd.s32 $0x2800, s20;
	[dreg:$0x7] =	wrdreg s5  }
0xf: {  	s21 =	sadd.s32 s0, s6;
	s17 =	sadd.s32 $0x5000, s20;
	[dreg:$0x8] =	wrdreg s16  }
0x10: {  	s9 =	simm.s32 $0xA100;
	s18 =	sadd.s32 $0x7800, s20;
	[dreg:$0x9] =	wrdreg s17  }
0x11: {  	s22 =	sadd.s32 $0x1200, s8;
	s19 =	sadd.s32 $0xA000, s20;
	[dreg:$0xa] =	wrdreg s18  }
0x12: {  	s12 =	sadd.s32 $0x11200, s3;
	s23 =	sadd.s32 $0xC800, s20;
	[dreg:$0xb] =	wrdreg s19  }
0x13: {  	s24 =	sadd.s32 $0xF000, s20;
	s25 =	sadd.s32 $0x11800, s20;
	[dreg:$0xc] =	wrdreg s23  }
0x14: {  	s26 =	sadd.s32 $0x10, s21;
	s8 =	simm.s32 $0xA480;
	[dreg:$0xd] =	wrdreg s24  }
0x15: {  	s3 =	simm.s32 $0x7800;
	[dreg:$0xe] =	wrdreg s25;
	s23 =	simm.s32 $0xA000  }
0x16: {  	[dreg:$0xf] =	wrdreg s26;
	s0 =	sadd.s32 s15, s12;
	s25 =	simm.s32 $0x50  }
0x17: {  	s26 =	simm.s32 $0x2800;
	s12 =	simm.s32 $0x7;
	s15 =	simm.s32 $0x3  }
0x18: {  	s19 =	simm.s32 $0x6;
	s16 =	simm.s32 $0x4;
	[dreg:$0x5] =	wrdreg s22  }
0x19: {  	v0 =	vimm.f32 $0.0e+00;
	s5 =	simm.s32 $0x0;
	[dreg:$0x10] =	wrdreg s0;
	s0 =	simm.s32 $0x8  }
.LBB2_1:
0x1a: {  	[dreg:$0x11] =	wrdreg s5;
	s17 =	simm.s32 $0x70;
	s18 =	simm.s32 $0x3C0  }
.LBB2_2:
0x1b: {  	p0 =	sne.s32 s18, $0x9FC0;
	[tilespmem:s17+$0x0] =	vst v0  }
0x1c: {  	[tilespmem:s17+$0xFFFFFF90] =	vst v0  }
0x1d: {  	[tilespmem:s17+$0xFFFFFFA0] =	vst v0  }
.Ltmp0:
0x1e: {  	[tilespmem:s17+$0xFFFFFFB0] =	vst v0;
	(pc) =	sbr.rel @p0 .LBB2_2-.Ltmp0, $4  }
0x1f: {  	[tilespmem:s17+$0xFFFFFFC0] =	vst v0  }
0x20: {  	[tilespmem:s17+$0xFFFFFFD0] =	vst v0  }
0x21: {  	[tilespmem:s17+$0xFFFFFFE0] =	vst v0  }
0x22: {  	[tilespmem:s17+$0xFFFFFFF0] =	vst v0;
	s17 =	sshra.s32 s18, $0x2;
	s18 =	sadd.s32 $0x200, s18  }
0x23: {  	[tilespmem:s17+$0x0] =	vst v0  }
0x24: {  	[tilespmem:s17+$0xFFFFFF90] =	vst v0  }
0x25: {  	[tilespmem:s17+$0xFFFFFFA0] =	vst v0  }
0x26: {  	[tilespmem:s17+$0xFFFFFFB0] =	vst v0  }
0x27: {  	[tilespmem:s17+$0xFFFFFFC0] =	vst v0  }
0x28: {  	[tilespmem:s17+$0xFFFFFFD0] =	vst v0  }
0x29: {  	[tilespmem:s17+$0xFFFFFFE0] =	vst v0  }
0x2a: {  	[tilespmem:s17+$0xFFFFFFF0] =	vst v0;
	s17 =	simm.s32 $0x0  }
0x2b: {  	[spmem:s20] =	stream.linear.scatter [tilespmem:s17], [sflag:$0x9], $0x2800, $0x38;
	[tilespmem:$0x1E800] =	vst v63  }
0x2c: {  	s20 =	simm.s32 $0x9  }
0x2d: {  	_ =	swait.ge [sflag:s20], $0x2800  }
0x2e: {  	[sflag:s20] =	ssyncset.done $0x0  }
0x2f: {  	s18 =	rddreg [dreg:$0x8];
	[sflag:s20] =	ssyncadd.s32 $0xFFFFD800  }
0x30: {  	[spmem:s18] =	stream.linear.scatter [tilespmem:s17], [sflag:$0x9], $0x2800, $0x38;
	[tilespmem:$0x1E800] =	vst v63  }
0x31: {  	_ =	swait.ge [sflag:s20], $0x2800  }
0x32: {  	[sflag:s20] =	ssyncset.done $0x0  }
0x33: {  	s7 =	rddreg [dreg:$0x9];
	[sflag:s20] =	ssyncadd.s32 $0xFFFFD800  }
0x34: {  	[spmem:s7] =	stream.linear.scatter [tilespmem:s17], [sflag:$0x9], $0x2800, $0x38;
	[tilespmem:$0x1E800] =	vst v63  }
0x35: {  	_ =	swait.ge [sflag:s20], $0x2800  }
0x36: {  	[sflag:s20] =	ssyncset.done $0x0  }
0x37: {  	s14 =	rddreg [dreg:$0xa];
	[sflag:s20] =	ssyncadd.s32 $0xFFFFD800  }
0x38: {  	[spmem:s14] =	stream.linear.scatter [tilespmem:s17], [sflag:$0x9], $0x2800, $0x38;
	[tilespmem:$0x1E800] =	vst v63  }
0x39: {  	_ =	swait.ge [sflag:s20], $0x2800  }
0x3a: {  	[sflag:s20] =	ssyncset.done $0x0  }
0x3b: {  	s24 =	rddreg [dreg:$0xb];
	[sflag:s20] =	ssyncadd.s32 $0xFFFFD800  }
0x3c: {  	[spmem:s24] =	stream.linear.scatter [tilespmem:s17], [sflag:$0x9], $0x2800, $0x38;
	[tilespmem:$0x1E800] =	vst v63  }
0x3d: {  	_ =	swait.ge [sflag:s20], $0x2800  }
0x3e: {  	[sflag:s20] =	ssyncset.done $0x0  }
0x3f: {  	s5 =	rddreg [dreg:$0xc];
	[sflag:s20] =	ssyncadd.s32 $0xFFFFD800  }
0x40: {  	[spmem:s5] =	stream.linear.scatter [tilespmem:s17], [sflag:$0x9], $0x2800, $0x38;
	[tilespmem:$0x1E800] =	vst v63  }
0x41: {  	_ =	swait.ge [sflag:s20], $0x2800  }
0x42: {  	[sflag:s20] =	ssyncset.done $0x0  }
0x43: {  	s6 =	rddreg [dreg:$0xd];
	[sflag:s20] =	ssyncadd.s32 $0xFFFFD800  }
0x44: {  	[spmem:s6] =	stream.linear.scatter [tilespmem:s17], [sflag:$0x9], $0x2800, $0x38;
	[tilespmem:$0x1E800] =	vst v63  }
0x45: {  	_ =	swait.ge [sflag:s20], $0x2800  }
0x46: {  	[sflag:s20] =	ssyncset.done $0x0  }
0x47: {  	s7 =	rddreg [dreg:$0xe];
	[sflag:s20] =	ssyncadd.s32 $0xFFFFD800  }
0x48: {  	[spmem:s7] =	stream.linear.scatter [tilespmem:s17], [sflag:$0x9], $0x2800, $0x38;
	[tilespmem:$0x1E800] =	vst v63  }
0x49: {  	_ =	swait.ge [sflag:s20], $0x2800  }
0x4a: {  	[sflag:s20] =	ssyncset.done $0x0  }
0x4b: {  	[sflag:s20] =	ssyncadd.s32 $0xFFFFD800  }
0x4c: {  	[bflag:$0x0] =	sbarrier.arrive $0xFFFF  }
0x4d: {  	[tilespmem:s23], [sflag:$0x9] =	stream.linear.gather [hbm4b:s21+s17], $0x80, $0x38;
	[tilespmem:$0x1E800] =	vst v63  }
0x4e: {  	_ =	swait.ge [sflag:s20], $0x80  }
0x4f: {  	[sflag:s20] =	ssyncset.done $0x0  }
0x50: {  	[sflag:s20] =	ssyncadd.s32 $0xFFFFFF80  }
0x51: {  	[tilespmem:s29], [sflag:$0x9] =	stream.linear.gather [hbm4b:s22+s17], $0x80, $0x38;
	[tilespmem:$0x1E800] =	vst v63  }
0x52: {  	_ =	swait.ge [sflag:s20], $0x80  }
0x53: {  	[sflag:s20] =	ssyncset.done $0x0  }
0x54: {  	s14 =	rddreg [dreg:$0xf];
	[sflag:s20] =	ssyncadd.s32 $0xFFFFFF80  }
0x55: {  	[tilespmem:s30], [sflag:$0x9] =	stream.linear.gather [hbm4b:s14+s17], $0x80, $0x38;
	[tilespmem:$0x1E800] =	vst v63  }
0x56: {  	_ =	swait.ge [sflag:s20], $0x80  }
0x57: {  	[sflag:s20] =	ssyncset.done $0x0  }
0x58: {  	s24 =	sadd.s32 $0x10, s22;
	[sflag:s20] =	ssyncadd.s32 $0xFFFFFF80  }
0x59: {  	[tilespmem:s8], [sflag:$0x9] =	stream.linear.gather [hbm4b:s24+s17], $0x80, $0x38;
	[tilespmem:$0x1E800] =	vst v63  }
0x5a: {  	_ =	swait.ge [sflag:s20], $0x80  }
0x5b: {  	[sflag:s20] =	ssyncset.done $0x0  }
0x5c: {  	s5 =	sadd.s32 $0x20, s21;
	[sflag:s20] =	ssyncadd.s32 $0xFFFFFF80  }
0x5d: {  	[tilespmem:s9], [sflag:$0x9] =	stream.linear.gather [hbm4b:s5+s17], $0x80, $0x38;
	[tilespmem:$0x1E800] =	vst v63  }
0x5e: {  	_ =	swait.ge [sflag:s20], $0x80  }
0x5f: {  	[sflag:s20] =	ssyncset.done $0x0  }
0x60: {  	s6 =	sadd.s32 $0x20, s22;
	[sflag:s20] =	ssyncadd.s32 $0xFFFFFF80  }
0x61: {  	[tilespmem:s13], [sflag:$0x9] =	stream.linear.gather [hbm4b:s6+s17], $0x80, $0x38;
	[tilespmem:$0x1E800] =	vst v63  }
0x62: {  	_ =	swait.ge [sflag:s20], $0x80  }
0x63: {  	[sflag:s20] =	ssyncset.done $0x0  }
0x64: {  	[sflag:s20] =	ssyncadd.s32 $0xFFFFFF80  }
0x65: {  	[tilespmem:s17], [sflag:$0x1] =	stream.indirect.gather [hbm4b:s1+s25], $0x80, s23, s25, $0xb8;
	[tilespmem:$0x1E800] =	vst v63  }
0x66: {  	_ = 	snop  }
0x67: {  	[tilespmem:s26], [sflag:$0x2] =	stream.indirect.gather [hbm4b:s1+s25], $0x80, s30, s25, $0xb8;
	[tilespmem:$0x1E800] =	vst v63  }
0x68: {  	_ = 	snop  }
0x69: {  	[tilespmem:s28], [sflag:$0x3] =	stream.indirect.gather [hbm4b:s1+s25], $0x80, s9, s25, $0xb8;
	[tilespmem:$0x1E800] =	vst v63  }
0x6a: {  	s7 =	sadd.s32 $0x30, s21;
	s5 =	simm.s32 $0xA180  }
0x6b: {  	[tilespmem:s5], [sflag:$0x8] =	stream.linear.gather [hbm4b:s7+s17], $0x80, $0x38;
	[tilespmem:$0x1E800] =	vst v63  }
0x6c: {  	s24 =	sadd.s32 $0x30, s22;
	s6 =	simm.s32 $0xA580  }
0x6d: {  	[tilespmem:s6], [sflag:$0x8] =	stream.linear.gather [hbm4b:s24+s17], $0x80, $0x38;
	[tilespmem:$0x1E800] =	vst v63  }
0x6e: {  	_ =	swait.ge [sflag:s31], $0x2800  }
0x6f: {  	[sflag:s31] =	ssyncset.done $0x0  }
0x70: {  	[sflag:s31] =	ssyncadd.s32 $0xFFFFD800  }
0x71: {  	[spmem:s2] =	stream.indirect.scatter.add.f32 [tilespmem:s17], [sflag:$0x5], $0x80, s29, s25, $0xb8;
	[tilespmem:$0x1E800] =	vst v63  }
0x72: {  	_ =	swait.ge [sflag:s0], $0x80  }
0x73: {  	[sflag:s0] =	ssyncset.done $0x0  }
0x74: {  	[sflag:s0] =	ssyncadd.s32 $0xFFFFFF80  }
0x75: {  	_ =	swait.ge [sflag:s0], $0x80  }
0x76: {  	[sflag:s0] =	ssyncset.done $0x0  }
0x77: {  	s14 =	simm.s32 $0xA180;
	[sflag:s0] =	ssyncadd.s32 $0xFFFFFF80  }
0x78: {  	[tilespmem:s3], [sflag:$0x4] =	stream.indirect.gather [hbm4b:s1+s25], $0x80, s14, s25, $0xb8;
	[tilespmem:$0x1E800] =	vst v63  }
0x79: {  	s5 =	sadd.s32 $0x40, s21;
	s7 =	simm.s32 $0xA200  }
0x7a: {  	[tilespmem:s7], [sflag:$0x7] =	stream.linear.gather [hbm4b:s5+s17], $0x80, $0x38;
	[tilespmem:$0x1E800] =	vst v63  }
0x7b: {  	s6 =	sadd.s32 $0x40, s22;
	s14 =	simm.s32 $0xA600  }
0x7c: {  	[tilespmem:s14], [sflag:$0x7] =	stream.linear.gather [hbm4b:s6+s17], $0x80, $0x38;
	[tilespmem:$0x1E800] =	vst v63  }
0x7d: {  	_ =	swait.ge [sflag:s10], $0x2800  }
0x7e: {  	[sflag:s10] =	ssyncset.done $0x0  }
0x7f: {  	[sflag:s10] =	ssyncadd.s32 $0xFFFFD800  }
0x80: {  	_ =	swait.ge [sflag:s11], $0x2800  }
0x81: {  	[sflag:s11] =	ssyncset.done $0x0  }
0x82: {  	[sflag:s11] =	ssyncadd.s32 $0xFFFFD800  }
0x83: {  	[spmem:s2] =	stream.indirect.scatter.add.f32 [tilespmem:s26], [sflag:$0x6], $0x80, s8, s25, $0xb8;
	[tilespmem:$0x1E800] =	vst v63  }
0x84: {  	_ =	swait.ge [sflag:s12], $0x80  }
0x85: {  	[sflag:s12] =	ssyncset.done $0x0  }
0x86: {  	[sflag:s12] =	ssyncadd.s32 $0xFFFFFF80  }
0x87: {  	_ =	swait.ge [sflag:s12], $0x80  }
0x88: {  	[sflag:s12] =	ssyncset.done $0x0  }
0x89: {  	[sflag:s12] =	ssyncadd.s32 $0xFFFFFF80  }
0x8a: {  	[tilespmem:s17], [sflag:$0x1] =	stream.indirect.gather [hbm4b:s1+s25], $0x80, s7, s25, $0xb8;
	[tilespmem:$0x1E800] =	vst v63  }
0x8b: {  	s24 =	sadd.s32 $0x50, s21;
	s6 =	simm.s32 $0xA280  }
0x8c: {  	[tilespmem:s6], [sflag:$0x8] =	stream.linear.gather [hbm4b:s24+s17], $0x80, $0x38;
	[tilespmem:$0x1E800] =	vst v63  }
0x8d: {  	s5 =	sadd.s32 $0x50, s22;
	s24 =	simm.s32 $0xA680  }
0x8e: {  	[tilespmem:s24], [sflag:$0x8] =	stream.linear.gather [hbm4b:s5+s17], $0x80, $0x38;
	[tilespmem:$0x1E800] =	vst v63  }
0x8f: {  	_ =	swait.ge [sflag:s15], $0x2800  }
0x90: {  	[sflag:s15] =	ssyncset.done $0x0  }
0x91: {  	[sflag:s15] =	ssyncadd.s32 $0xFFFFD800  }
0x92: {  	_ =	swait.ge [sflag:s19], $0x2800  }
0x93: {  	[sflag:s19] =	ssyncset.done $0x0  }
0x94: {  	[sflag:s19] =	ssyncadd.s32 $0xFFFFD800  }
0x95: {  	[spmem:s2] =	stream.indirect.scatter.add.f32 [tilespmem:s28], [sflag:$0x5], $0x80, s13, s25, $0xb8;
	[tilespmem:$0x1E800] =	vst v63  }
0x96: {  	_ =	swait.ge [sflag:s0], $0x80  }
0x97: {  	[sflag:s0] =	ssyncset.done $0x0  }
0x98: {  	[sflag:s0] =	ssyncadd.s32 $0xFFFFFF80  }
0x99: {  	_ =	swait.ge [sflag:s0], $0x80  }
0x9a: {  	[sflag:s0] =	ssyncset.done $0x0  }
0x9b: {  	[sflag:s0] =	ssyncadd.s32 $0xFFFFFF80  }
0x9c: {  	[tilespmem:s26], [sflag:$0x2] =	stream.indirect.gather [hbm4b:s1+s25], $0x80, s6, s25, $0xb8;
	[tilespmem:$0x1E800] =	vst v63  }
0x9d: {  	s5 =	sadd.s32 $0x60, s21;
	s24 =	simm.s32 $0xA300  }
0x9e: {  	[tilespmem:s24], [sflag:$0x7] =	stream.linear.gather [hbm4b:s5+s17], $0x80, $0x38;
	[tilespmem:$0x1E800] =	vst v63  }
0x9f: {  	s18 =	sadd.s32 $0x60, s22;
	s5 =	simm.s32 $0xA700  }
0xa0: {  	[tilespmem:s5], [sflag:$0x7] =	stream.linear.gather [hbm4b:s18+s17], $0x80, $0x38;
	[tilespmem:$0x1E800] =	vst v63  }
0xa1: {  	_ =	swait.ge [sflag:s16], $0x2800  }
0xa2: {  	[sflag:s16] =	ssyncset.done $0x0  }
0xa3: {  	[sflag:s16] =	ssyncadd.s32 $0xFFFFD800  }
0xa4: {  	_ =	swait.ge [sflag:s11], $0x2800  }
0xa5: {  	[sflag:s11] =	ssyncset.done $0x0  }
0xa6: {  	s20 =	simm.s32 $0xA580;
	[sflag:s11] =	ssyncadd.s32 $0xFFFFD800  }
0xa7: {  	[spmem:s2] =	stream.indirect.scatter.add.f32 [tilespmem:s3], [sflag:$0x6], $0x80, s20, s25, $0xb8;
	[tilespmem:$0x1E800] =	vst v63  }
0xa8: {  	_ =	swait.ge [sflag:s12], $0x80  }
0xa9: {  	[sflag:s12] =	ssyncset.done $0x0  }
0xaa: {  	[sflag:s12] =	ssyncadd.s32 $0xFFFFFF80  }
0xab: {  	_ =	swait.ge [sflag:s12], $0x80  }
0xac: {  	[sflag:s12] =	ssyncset.done $0x0  }
0xad: {  	[sflag:s12] =	ssyncadd.s32 $0xFFFFFF80  }
0xae: {  	[tilespmem:s28], [sflag:$0x3] =	stream.indirect.gather [hbm4b:s1+s25], $0x80, s24, s25, $0xb8;
	[tilespmem:$0x1E800] =	vst v63  }
0xaf: {  	s5 =	simm.s32 $0xA380;
	s20 =	sadd.s32 $0x70, s21  }
0xb0: {  	[tilespmem:s5], [sflag:$0x8] =	stream.linear.gather [hbm4b:s20+s17], $0x80, $0x38;
	[tilespmem:$0x1E800] =	vst v63  }
0xb1: {  	s18 =	sadd.s32 $0x70, s22;
	s20 =	simm.s32 $0xA780  }
0xb2: {  	[tilespmem:s20], [sflag:$0x8] =	stream.linear.gather [hbm4b:s18+s17], $0x80, $0x38;
	[tilespmem:$0x1E800] =	vst v63  }
0xb3: {  	_ =	swait.ge [sflag:s31], $0x2800  }
0xb4: {  	[sflag:s31] =	ssyncset.done $0x0  }
0xb5: {  	[sflag:s31] =	ssyncadd.s32 $0xFFFFD800  }
0xb6: {  	_ =	swait.ge [sflag:s19], $0x2800  }
0xb7: {  	[sflag:s19] =	ssyncset.done $0x0  }
0xb8: {  	s14 =	simm.s32 $0xA600;
	[sflag:s19] =	ssyncadd.s32 $0xFFFFD800  }
0xb9: {  	[spmem:s2] =	stream.indirect.scatter.add.f32 [tilespmem:s17], [sflag:$0x5], $0x80, s14, s25, $0xb8;
	[tilespmem:$0x1E800] =	vst v63  }
0xba: {  	_ =	swait.ge [sflag:s0], $0x80  }
0xbb: {  	[sflag:s0] =	ssyncset.done $0x0  }
0xbc: {  	[sflag:s0] =	ssyncadd.s32 $0xFFFFFF80  }
0xbd: {  	_ =	swait.ge [sflag:s0], $0x80  }
0xbe: {  	[sflag:s0] =	ssyncset.done $0x0  }
0xbf: {  	[sflag:s0] =	ssyncadd.s32 $0xFFFFFF80  }
0xc0: {  	[tilespmem:s3], [sflag:$0x4] =	stream.indirect.gather [hbm4b:s1+s25], $0x80, s5, s25, $0xb8;
	[tilespmem:$0x1E800] =	vst v63  }
0xc1: {  	s14 =	sadd.s32 $0x80, s21  }
0xc2: {  	[tilespmem:s23], [sflag:$0x7] =	stream.linear.gather [hbm4b:s14+s17], $0x80, $0x38;
	[tilespmem:$0x1E800] =	vst v63  }
0xc3: {  	s14 =	sadd.s32 $0x80, s22  }
0xc4: {  	[tilespmem:s29], [sflag:$0x7] =	stream.linear.gather [hbm4b:s14+s17], $0x80, $0x38;
	[tilespmem:$0x1E800] =	vst v63  }
0xc5: {  	_ =	swait.ge [sflag:s10], $0x2800  }
0xc6: {  	[sflag:s10] =	ssyncset.done $0x0  }
0xc7: {  	[sflag:s10] =	ssyncadd.s32 $0xFFFFD800  }
0xc8: {  	_ =	swait.ge [sflag:s11], $0x2800  }
0xc9: {  	[sflag:s11] =	ssyncset.done $0x0  }
0xca: {  	s18 =	simm.s32 $0xA680;
	[sflag:s11] =	ssyncadd.s32 $0xFFFFD800  }
0xcb: {  	[spmem:s2] =	stream.indirect.scatter.add.f32 [tilespmem:s26], [sflag:$0x6], $0x80, s18, s25, $0xb8;
	[tilespmem:$0x1E800] =	vst v63  }
0xcc: {  	_ =	swait.ge [sflag:s12], $0x80  }
0xcd: {  	[sflag:s12] =	ssyncset.done $0x0  }
0xce: {  	[sflag:s12] =	ssyncadd.s32 $0xFFFFFF80  }
0xcf: {  	_ =	swait.ge [sflag:s12], $0x80  }
0xd0: {  	[sflag:s12] =	ssyncset.done $0x0  }
0xd1: {  	[sflag:s12] =	ssyncadd.s32 $0xFFFFFF80  }
0xd2: {  	[tilespmem:s17], [sflag:$0x1] =	stream.indirect.gather [hbm4b:s1+s25], $0x80, s23, s25, $0xb8;
	[tilespmem:$0x1E800] =	vst v63  }
0xd3: {  	s14 =	sadd.s32 $0x90, s21  }
0xd4: {  	[tilespmem:s30], [sflag:$0x8] =	stream.linear.gather [hbm4b:s14+s17], $0x80, $0x38;
	[tilespmem:$0x1E800] =	vst v63  }
0xd5: {  	s14 =	sadd.s32 $0x90, s22  }
0xd6: {  	[tilespmem:s8], [sflag:$0x8] =	stream.linear.gather [hbm4b:s14+s17], $0x80, $0x38;
	[tilespmem:$0x1E800] =	vst v63  }
0xd7: {  	_ =	swait.ge [sflag:s15], $0x2800  }
0xd8: {  	[sflag:s15] =	ssyncset.done $0x0  }
0xd9: {  	[sflag:s15] =	ssyncadd.s32 $0xFFFFD800  }
0xda: {  	_ =	swait.ge [sflag:s19], $0x2800  }
0xdb: {  	[sflag:s19] =	ssyncset.done $0x0  }
0xdc: {  	s18 =	simm.s32 $0xA700;
	[sflag:s19] =	ssyncadd.s32 $0xFFFFD800  }
0xdd: {  	[spmem:s2] =	stream.indirect.scatter.add.f32 [tilespmem:s28], [sflag:$0x5], $0x80, s18, s25, $0xb8;
	[tilespmem:$0x1E800] =	vst v63  }
0xde: {  	_ =	swait.ge [sflag:s0], $0x80  }
0xdf: {  	[sflag:s0] =	ssyncset.done $0x0  }
0xe0: {  	[sflag:s0] =	ssyncadd.s32 $0xFFFFFF80  }
0xe1: {  	_ =	swait.ge [sflag:s0], $0x80  }
0xe2: {  	[sflag:s0] =	ssyncset.done $0x0  }
0xe3: {  	[sflag:s0] =	ssyncadd.s32 $0xFFFFFF80  }
0xe4: {  	[tilespmem:s26], [sflag:$0x2] =	stream.indirect.gather [hbm4b:s1+s25], $0x80, s30, s25, $0xb8;
	[tilespmem:$0x1E800] =	vst v63  }
0xe5: {  	s14 =	sadd.s32 $0xA0, s21  }
0xe6: {  	[tilespmem:s9], [sflag:$0x7] =	stream.linear.gather [hbm4b:s14+s17], $0x80, $0x38;
	[tilespmem:$0x1E800] =	vst v63  }
0xe7: {  	s14 =	sadd.s32 $0xA0, s22  }
0xe8: {  	[tilespmem:s13], [sflag:$0x7] =	stream.linear.gather [hbm4b:s14+s17], $0x80, $0x38;
	[tilespmem:$0x1E800] =	vst v63  }
0xe9: {  	_ =	swait.ge [sflag:s16], $0x2800  }
0xea: {  	[sflag:s16] =	ssyncset.done $0x0  }
0xeb: {  	[sflag:s16] =	ssyncadd.s32 $0xFFFFD800  }
0xec: {  	_ =	swait.ge [sflag:s11], $0x2800  }
0xed: {  	[sflag:s11] =	ssyncset.done $0x0  }
0xee: {  	s20 =	simm.s32 $0xA780;
	[sflag:s11] =	ssyncadd.s32 $0xFFFFD800  }
0xef: {  	[spmem:s2] =	stream.indirect.scatter.add.f32 [tilespmem:s3], [sflag:$0x6], $0x80, s20, s25, $0xb8;
	[tilespmem:$0x1E800] =	vst v63  }
0xf0: {  	_ =	swait.ge [sflag:s12], $0x80  }
0xf1: {  	[sflag:s12] =	ssyncset.done $0x0  }
0xf2: {  	[sflag:s12] =	ssyncadd.s32 $0xFFFFFF80  }
0xf3: {  	_ =	swait.ge [sflag:s12], $0x80  }
0xf4: {  	[sflag:s12] =	ssyncset.done $0x0  }
0xf5: {  	[sflag:s12] =	ssyncadd.s32 $0xFFFFFF80  }
0xf6: {  	[tilespmem:s28], [sflag:$0x3] =	stream.indirect.gather [hbm4b:s1+s25], $0x80, s9, s25, $0xb8;
	[tilespmem:$0x1E800] =	vst v63  }
0xf7: {  	s14 =	sadd.s32 $0xB0, s21;
	s20 =	simm.s32 $0xA180  }
0xf8: {  	[tilespmem:s20], [sflag:$0x8] =	stream.linear.gather [hbm4b:s14+s17], $0x80, $0x38;
	[tilespmem:$0x1E800] =	vst v63  }
0xf9: {  	s18 =	sadd.s32 $0xB0, s22;
	s14 =	simm.s32 $0xA580  }
0xfa: {  	[tilespmem:s14], [sflag:$0x8] =	stream.linear.gather [hbm4b:s18+s17], $0x80, $0x38;
	[tilespmem:$0x1E800] =	vst v63  }
0xfb: {  	_ =	swait.ge [sflag:s31], $0x2800  }
0xfc: {  	[sflag:s31] =	ssyncset.done $0x0  }
0xfd: {  	[sflag:s31] =	ssyncadd.s32 $0xFFFFD800  }
0xfe: {  	_ =	swait.ge [sflag:s19], $0x2800  }
0xff: {  	[sflag:s19] =	ssyncset.done $0x0  }
0x100: {  	[sflag:s19] =	ssyncadd.s32 $0xFFFFD800  }
0x101: {  	[spmem:s2] =	stream.indirect.scatter.add.f32 [tilespmem:s4], [sflag:$0x5], $0x80, s29, s25, $0xb8;
	[tilespmem:$0x1E800] =	vst v63  }
0x102: {  	_ =	swait.ge [sflag:s0], $0x80  }
0x103: {  	[sflag:s0] =	ssyncset.done $0x0  }
0x104: {  	[sflag:s0] =	ssyncadd.s32 $0xFFFFFF80  }
0x105: {  	_ =	swait.ge [sflag:s0], $0x80  }
0x106: {  	[sflag:s0] =	ssyncset.done $0x0  }
0x107: {  	s17 =	sadd.s32 $0x0, s21;
	[sflag:s0] =	ssyncadd.s32 $0xFFFFFF80  }
0x108: {  	[tilespmem:s3], [sflag:$0x4] =	stream.indirect.gather [hbm4b:s1+s25], $0x80, s20, s25, $0xb8;
	[tilespmem:$0x1E800] =	vst v63  }
0x109: {  	s18 =	sadd.s32 $0x0, s22;
	s14 =	sadd.s32 $0xC0, s17  }
0x10a: {  	[tilespmem:s7], [sflag:$0x7] =	stream.linear.gather [hbm4b:s14+s4], $0x80, $0x38;
	[tilespmem:$0x1E800] =	vst v63  }
0x10b: {  	s22 =	simm.s32 $0xA600;
	s14 =	sadd.s32 $0xC0, s18  }
0x10c: {  	[tilespmem:s22], [sflag:$0x7] =	stream.linear.gather [hbm4b:s14+s4], $0x80, $0x38;
	[tilespmem:$0x1E800] =	vst v63  }
0x10d: {  	_ =	swait.ge [sflag:s10], $0x2800  }
0x10e: {  	[sflag:s10] =	ssyncset.done $0x0  }
0x10f: {  	[sflag:s10] =	ssyncadd.s32 $0xFFFFD800  }
0x110: {  	_ =	swait.ge [sflag:s11], $0x2800  }
0x111: {  	[sflag:s11] =	ssyncset.done $0x0  }
0x112: {  	[sflag:s11] =	ssyncadd.s32 $0xFFFFD800  }
0x113: {  	[spmem:s2] =	stream.indirect.scatter.add.f32 [tilespmem:s26], [sflag:$0x6], $0x80, s8, s25, $0xb8;
	[tilespmem:$0x1E800] =	vst v63  }
0x114: {  	_ =	swait.ge [sflag:s12], $0x80  }
0x115: {  	[sflag:s12] =	ssyncset.done $0x0  }
0x116: {  	[sflag:s12] =	ssyncadd.s32 $0xFFFFFF80  }
0x117: {  	_ =	swait.ge [sflag:s12], $0x80  }
0x118: {  	[sflag:s12] =	ssyncset.done $0x0  }
0x119: {  	[sflag:s12] =	ssyncadd.s32 $0xFFFFFF80  }
0x11a: {  	[tilespmem:s4], [sflag:$0x1] =	stream.indirect.gather [hbm4b:s1+s25], $0x80, s7, s25, $0xb8;
	[tilespmem:$0x1E800] =	vst v63  }
0x11b: {  	s22 =	sadd.s32 $0xD0, s17  }
0x11c: {  	[tilespmem:s6], [sflag:$0x8] =	stream.linear.gather [hbm4b:s22+s4], $0x80, $0x38;
	[tilespmem:$0x1E800] =	vst v63  }
0x11d: {  	s7 =	sadd.s32 $0xD0, s18;
	s22 =	simm.s32 $0xA680  }
0x11e: {  	[tilespmem:s22], [sflag:$0x8] =	stream.linear.gather [hbm4b:s7+s4], $0x80, $0x38;
	[tilespmem:$0x1E800] =	vst v63  }
0x11f: {  	_ =	swait.ge [sflag:s15], $0x2800  }
0x120: {  	[sflag:s15] =	ssyncset.done $0x0  }
0x121: {  	[sflag:s15] =	ssyncadd.s32 $0xFFFFD800  }
0x122: {  	_ =	swait.ge [sflag:s19], $0x2800  }
0x123: {  	[sflag:s19] =	ssyncset.done $0x0  }
0x124: {  	[sflag:s19] =	ssyncadd.s32 $0xFFFFD800  }
0x125: {  	[spmem:s2] =	stream.indirect.scatter.add.f32 [tilespmem:s28], [sflag:$0x5], $0x80, s13, s25, $0xb8;
	[tilespmem:$0x1E800] =	vst v63  }
0x126: {  	_ =	swait.ge [sflag:s0], $0x80  }
0x127: {  	[sflag:s0] =	ssyncset.done $0x0  }
0x128: {  	[sflag:s0] =	ssyncadd.s32 $0xFFFFFF80  }
0x129: {  	_ =	swait.ge [sflag:s0], $0x80  }
0x12a: {  	[sflag:s0] =	ssyncset.done $0x0  }
0x12b: {  	[sflag:s0] =	ssyncadd.s32 $0xFFFFFF80  }
0x12c: {  	[tilespmem:s26], [sflag:$0x2] =	stream.indirect.gather [hbm4b:s1+s25], $0x80, s6, s25, $0xb8;
	[tilespmem:$0x1E800] =	vst v63  }
0x12d: {  	s6 =	sadd.s32 $0xE0, s17  }
0x12e: {  	[tilespmem:s24], [sflag:$0x7] =	stream.linear.gather [hbm4b:s6+s4], $0x80, $0x38;
	[tilespmem:$0x1E800] =	vst v63  }
0x12f: {  	s22 =	sadd.s32 $0xE0, s18;
	s6 =	simm.s32 $0xA700  }
0x130: {  	[tilespmem:s6], [sflag:$0x7] =	stream.linear.gather [hbm4b:s22+s4], $0x80, $0x38;
	[tilespmem:$0x1E800] =	vst v63  }
0x131: {  	_ =	swait.ge [sflag:s16], $0x2800  }
0x132: {  	[sflag:s16] =	ssyncset.done $0x0  }
0x133: {  	[sflag:s16] =	ssyncadd.s32 $0xFFFFD800  }
0x134: {  	_ =	swait.ge [sflag:s11], $0x2800  }
0x135: {  	[sflag:s11] =	ssyncset.done $0x0  }
0x136: {  	s22 =	simm.s32 $0xA580;
	[sflag:s11] =	ssyncadd.s32 $0xFFFFD800  }
0x137: {  	[spmem:s2] =	stream.indirect.scatter.add.f32 [tilespmem:s3], [sflag:$0x6], $0x80, s22, s25, $0xb8;
	[tilespmem:$0x1E800] =	vst v63  }
0x138: {  	_ =	swait.ge [sflag:s12], $0x80  }
0x139: {  	[sflag:s12] =	ssyncset.done $0x0  }
0x13a: {  	[sflag:s12] =	ssyncadd.s32 $0xFFFFFF80  }
0x13b: {  	_ =	swait.ge [sflag:s12], $0x80  }
0x13c: {  	[sflag:s12] =	ssyncset.done $0x0  }
0x13d: {  	[sflag:s12] =	ssyncadd.s32 $0xFFFFFF80  }
0x13e: {  	[tilespmem:s28], [sflag:$0x3] =	stream.indirect.gather [hbm4b:s1+s25], $0x80, s24, s25, $0xb8;
	[tilespmem:$0x1E800] =	vst v63  }
0x13f: {  	s24 =	sadd.s32 $0xF0, s17  }
0x140: {  	[tilespmem:s5], [sflag:$0x8] =	stream.linear.gather [hbm4b:s24+s4], $0x80, $0x38;
	[tilespmem:$0x1E800] =	vst v63  }
0x141: {  	s22 =	sadd.s32 $0xF0, s18;
	s24 =	simm.s32 $0xA780  }
0x142: {  	[tilespmem:s24], [sflag:$0x8] =	stream.linear.gather [hbm4b:s22+s4], $0x80, $0x38;
	[tilespmem:$0x1E800] =	vst v63  }
0x143: {  	_ =	swait.ge [sflag:s31], $0x2800  }
0x144: {  	[sflag:s31] =	ssyncset.done $0x0  }
0x145: {  	[sflag:s31] =	ssyncadd.s32 $0xFFFFD800  }
0x146: {  	_ =	swait.ge [sflag:s19], $0x2800  }
0x147: {  	[sflag:s19] =	ssyncset.done $0x0  }
0x148: {  	s14 =	simm.s32 $0xA600;
	[sflag:s19] =	ssyncadd.s32 $0xFFFFD800  }
0x149: {  	[spmem:s2] =	stream.indirect.scatter.add.f32 [tilespmem:s4], [sflag:$0x5], $0x80, s14, s25, $0xb8;
	[tilespmem:$0x1E800] =	vst v63  }
0x14a: {  	_ =	swait.ge [sflag:s0], $0x80  }
0x14b: {  	[sflag:s0] =	ssyncset.done $0x0  }
0x14c: {  	[sflag:s0] =	ssyncadd.s32 $0xFFFFFF80  }
0x14d: {  	_ =	swait.ge [sflag:s0], $0x80  }
0x14e: {  	[sflag:s0] =	ssyncset.done $0x0  }
0x14f: {  	[sflag:s0] =	ssyncadd.s32 $0xFFFFFF80  }
0x150: {  	[tilespmem:s3], [sflag:$0x4] =	stream.indirect.gather [hbm4b:s1+s25], $0x80, s5, s25, $0xb8;
	[tilespmem:$0x1E800] =	vst v63  }
0x151: {  	s22 =	sadd.s32 $0x100, s17  }
0x152: {  	[tilespmem:s23], [sflag:$0x7] =	stream.linear.gather [hbm4b:s22+s4], $0x80, $0x38;
	[tilespmem:$0x1E800] =	vst v63  }
0x153: {  	s5 =	sadd.s32 $0x100, s18  }
0x154: {  	[tilespmem:s29], [sflag:$0x7] =	stream.linear.gather [hbm4b:s5+s4], $0x80, $0x38;
	[tilespmem:$0x1E800] =	vst v63  }
0x155: {  	_ =	swait.ge [sflag:s10], $0x2800  }
0x156: {  	[sflag:s10] =	ssyncset.done $0x0  }
0x157: {  	[sflag:s10] =	ssyncadd.s32 $0xFFFFD800  }
0x158: {  	_ =	swait.ge [sflag:s11], $0x2800  }
0x159: {  	[sflag:s11] =	ssyncset.done $0x0  }
0x15a: {  	s7 =	simm.s32 $0xA680;
	[sflag:s11] =	ssyncadd.s32 $0xFFFFD800  }
0x15b: {  	[spmem:s2] =	stream.indirect.scatter.add.f32 [tilespmem:s26], [sflag:$0x6], $0x80, s7, s25, $0xb8;
	[tilespmem:$0x1E800] =	vst v63  }
0x15c: {  	_ =	swait.ge [sflag:s12], $0x80  }
0x15d: {  	[sflag:s12] =	ssyncset.done $0x0  }
0x15e: {  	[sflag:s12] =	ssyncadd.s32 $0xFFFFFF80  }
0x15f: {  	_ =	swait.ge [sflag:s12], $0x80  }
0x160: {  	[sflag:s12] =	ssyncset.done $0x0  }
0x161: {  	[sflag:s12] =	ssyncadd.s32 $0xFFFFFF80  }
0x162: {  	[tilespmem:s4], [sflag:$0x1] =	stream.indirect.gather [hbm4b:s1+s25], $0x80, s23, s25, $0xb8;
	[tilespmem:$0x1E800] =	vst v63  }
0x163: {  	s7 =	sadd.s32 $0x110, s17  }
0x164: {  	[tilespmem:s30], [sflag:$0x8] =	stream.linear.gather [hbm4b:s7+s4], $0x80, $0x38;
	[tilespmem:$0x1E800] =	vst v63  }
0x165: {  	s14 =	sadd.s32 $0x110, s18  }
0x166: {  	[tilespmem:s8], [sflag:$0x8] =	stream.linear.gather [hbm4b:s14+s4], $0x80, $0x38;
	[tilespmem:$0x1E800] =	vst v63  }
0x167: {  	_ =	swait.ge [sflag:s15], $0x2800  }
0x168: {  	[sflag:s15] =	ssyncset.done $0x0  }
0x169: {  	[sflag:s15] =	ssyncadd.s32 $0xFFFFD800  }
0x16a: {  	_ =	swait.ge [sflag:s19], $0x2800  }
0x16b: {  	[sflag:s19] =	ssyncset.done $0x0  }
0x16c: {  	[sflag:s19] =	ssyncadd.s32 $0xFFFFD800  }
0x16d: {  	[spmem:s2] =	stream.indirect.scatter.add.f32 [tilespmem:s28], [sflag:$0x5], $0x80, s6, s25, $0xb8;
	[tilespmem:$0x1E800] =	vst v63  }
0x16e: {  	_ =	swait.ge [sflag:s0], $0x80  }
0x16f: {  	[sflag:s0] =	ssyncset.done $0x0  }
0x170: {  	[sflag:s0] =	ssyncadd.s32 $0xFFFFFF80  }
0x171: {  	_ =	swait.ge [sflag:s0], $0x80  }
0x172: {  	[sflag:s0] =	ssyncset.done $0x0  }
0x173: {  	[sflag:s0] =	ssyncadd.s32 $0xFFFFFF80  }
0x174: {  	[tilespmem:s26], [sflag:$0x2] =	stream.indirect.gather [hbm4b:s1+s25], $0x80, s30, s25, $0xb8;
	[tilespmem:$0x1E800] =	vst v63  }
0x175: {  	s22 =	sadd.s32 $0x120, s17  }
0x176: {  	[tilespmem:s9], [sflag:$0x7] =	stream.linear.gather [hbm4b:s22+s4], $0x80, $0x38;
	[tilespmem:$0x1E800] =	vst v63  }
0x177: {  	s23 =	sadd.s32 $0x120, s18  }
0x178: {  	[tilespmem:s13], [sflag:$0x7] =	stream.linear.gather [hbm4b:s23+s4], $0x80, $0x38;
	[tilespmem:$0x1E800] =	vst v63  }
0x179: {  	_ =	swait.ge [sflag:s16], $0x2800  }
0x17a: {  	[sflag:s16] =	ssyncset.done $0x0  }
0x17b: {  	[sflag:s16] =	ssyncadd.s32 $0xFFFFD800  }
0x17c: {  	_ =	swait.ge [sflag:s11], $0x2800  }
0x17d: {  	[sflag:s11] =	ssyncset.done $0x0  }
0x17e: {  	[sflag:s11] =	ssyncadd.s32 $0xFFFFD800  }
0x17f: {  	[spmem:s2] =	stream.indirect.scatter.add.f32 [tilespmem:s3], [sflag:$0x6], $0x80, s24, s25, $0xb8;
	[tilespmem:$0x1E800] =	vst v63  }
0x180: {  	_ =	swait.ge [sflag:s12], $0x80  }
0x181: {  	[sflag:s12] =	ssyncset.done $0x0  }
0x182: {  	[sflag:s12] =	ssyncadd.s32 $0xFFFFFF80  }
0x183: {  	_ =	swait.ge [sflag:s12], $0x80  }
0x184: {  	s29 =	simm.s32 $0xA000;
	[sflag:s12] =	ssyncset.done $0x0  }
0x185: {  	s17 =	sadd.s32 $0x130, s17;
	s18 =	sadd.s32 $0x130, s18;
	[sflag:s12] =	ssyncadd.s32 $0xFFFFFF80  }
0x186: {  	[tilespmem:s28], [sflag:$0x3] =	stream.indirect.gather [hbm4b:s1+s25], $0x80, s9, s25, $0xb8;
	[tilespmem:$0x1E800] =	vst v63  }
0x187: {  	s8 =	simm.s32 $0xA080;
	s30 =	simm.s32 $0xA400;
	s24 =	simm.s32 $0xA180  }
0x188: {  	[tilespmem:s24], [sflag:$0x8] =	stream.linear.gather [hbm4b:s17+s4], $0x80, $0x38;
	[tilespmem:$0x1E800] =	vst v63  }
0x189: {  	s22 =	simm.s32 $0xA180;
	s13 =	simm.s32 $0xA100;
	s17 =	simm.s32 $0x80  }
.LBB2_4:
0x18a: {  	s5 =	simm.s32 $0xA580  }
0x18b: {  	[tilespmem:s5], [sflag:$0x8] =	stream.linear.gather [hbm4b:s18+s4], $0x80, $0x38;
	[tilespmem:$0x1E800] =	vst v63  }
0x18c: {  	_ =	swait.ge [sflag:s31], $0x2800  }
0x18d: {  	[sflag:s31] =	ssyncset.done $0x0  }
0x18e: {  	[sflag:s31] =	ssyncadd.s32 $0xFFFFD800  }
0x18f: {  	_ =	swait.ge [sflag:s19], $0x2800  }
0x190: {  	[sflag:s19] =	ssyncset.done $0x0  }
0x191: {  	[sflag:s19] =	ssyncadd.s32 $0xFFFFD800  }
0x192: {  	[spmem:s2] =	stream.indirect.scatter.add.f32 [tilespmem:s4], [sflag:$0x5], $0x80, s30, s25, $0xb8;
	[tilespmem:$0x1E800] =	vst v63  }
0x193: {  	_ =	swait.ge [sflag:s0], $0x80  }
0x194: {  	[sflag:s0] =	ssyncset.done $0x0  }
0x195: {  	[sflag:s0] =	ssyncadd.s32 $0xFFFFFF80  }
0x196: {  	_ =	swait.ge [sflag:s0], $0x80  }
0x197: {  	s20 =	smov.u32 s17;
	[sflag:s0] =	ssyncset.done $0x0  }
0x198: {  	s18 =	sadd.s32 s20, s21;
	s14 =	rddreg [dreg:$0x5];
	[sflag:s0] =	ssyncadd.s32 $0xFFFFFF80  }
0x199: {  	[tilespmem:s3], [sflag:$0x4] =	stream.indirect.gather [hbm4b:s1+s25], $0x80, s22, s25, $0xb8;
	[tilespmem:$0x1E800] =	vst v63  }
0x19a: {  	s6 =	simm.s32 $0xA200;
	s9 =	sadd.s32 $0xC0, s18;
	s20 =	sadd.s32 s20, s14  }
0x19b: {  	[tilespmem:s6], [sflag:$0x7] =	stream.linear.gather [hbm4b:s9+s4], $0x80, $0x38;
	[tilespmem:$0x1E800] =	vst v63  }
0x19c: {  	s7 =	simm.s32 $0xA600;
	s23 =	sadd.s32 $0xC0, s20  }
0x19d: {  	[tilespmem:s7], [sflag:$0x7] =	stream.linear.gather [hbm4b:s23+s4], $0x80, $0x38;
	[tilespmem:$0x1E800] =	vst v63  }
0x19e: {  	_ =	swait.ge [sflag:s10], $0x2800  }
0x19f: {  	[sflag:s10] =	ssyncset.done $0x0  }
0x1a0: {  	[sflag:s10] =	ssyncadd.s32 $0xFFFFD800  }
0x1a1: {  	_ =	swait.ge [sflag:s11], $0x2800  }
0x1a2: {  	[sflag:s11] =	ssyncset.done $0x0  }
0x1a3: {  	s14 =	simm.s32 $0xA480;
	[sflag:s11] =	ssyncadd.s32 $0xFFFFD800  }
0x1a4: {  	[spmem:s2] =	stream.indirect.scatter.add.f32 [tilespmem:s26], [sflag:$0x6], $0x80, s14, s25, $0xb8;
	[tilespmem:$0x1E800] =	vst v63  }
0x1a5: {  	_ =	swait.ge [sflag:s12], $0x80  }
0x1a6: {  	[sflag:s12] =	ssyncset.done $0x0  }
0x1a7: {  	[sflag:s12] =	ssyncadd.s32 $0xFFFFFF80  }
0x1a8: {  	_ =	swait.ge [sflag:s12], $0x80  }
0x1a9: {  	[sflag:s12] =	ssyncset.done $0x0  }
0x1aa: {  	[sflag:s12] =	ssyncadd.s32 $0xFFFFFF80  }
0x1ab: {  	[tilespmem:s4], [sflag:$0x1] =	stream.indirect.gather [hbm4b:s1+s25], $0x80, s6, s25, $0xb8;
	[tilespmem:$0x1E800] =	vst v63  }
0x1ac: {  	s24 =	sadd.s32 $0xD0, s18;
	s3 =	simm.s32 $0xA280  }
0x1ad: {  	[tilespmem:s3], [sflag:$0x8] =	stream.linear.gather [hbm4b:s24+s4], $0x80, $0x38;
	[tilespmem:$0x1E800] =	vst v63  }
0x1ae: {  	s23 =	sadd.s32 $0xD0, s20;
	s24 =	simm.s32 $0xA680  }
0x1af: {  	[tilespmem:s24], [sflag:$0x8] =	stream.linear.gather [hbm4b:s23+s4], $0x80, $0x38;
	[tilespmem:$0x1E800] =	vst v63  }
0x1b0: {  	_ =	swait.ge [sflag:s15], $0x2800  }
0x1b1: {  	[sflag:s15] =	ssyncset.done $0x0  }
0x1b2: {  	[sflag:s15] =	ssyncadd.s32 $0xFFFFD800  }
0x1b3: {  	_ =	swait.ge [sflag:s19], $0x2800  }
0x1b4: {  	[sflag:s19] =	ssyncset.done $0x0  }
0x1b5: {  	s9 =	simm.s32 $0xA500;
	[sflag:s19] =	ssyncadd.s32 $0xFFFFD800  }
0x1b6: {  	[spmem:s2] =	stream.indirect.scatter.add.f32 [tilespmem:s28], [sflag:$0x5], $0x80, s9, s25, $0xb8;
	[tilespmem:$0x1E800] =	vst v63  }
0x1b7: {  	_ =	swait.ge [sflag:s0], $0x80  }
0x1b8: {  	[sflag:s0] =	ssyncset.done $0x0  }
0x1b9: {  	[sflag:s0] =	ssyncadd.s32 $0xFFFFFF80  }
0x1ba: {  	_ =	swait.ge [sflag:s0], $0x80  }
0x1bb: {  	[sflag:s0] =	ssyncset.done $0x0  }
0x1bc: {  	[sflag:s0] =	ssyncadd.s32 $0xFFFFFF80  }
0x1bd: {  	[tilespmem:s26], [sflag:$0x2] =	stream.indirect.gather [hbm4b:s1+s25], $0x80, s3, s25, $0xb8;
	[tilespmem:$0x1E800] =	vst v63  }
0x1be: {  	s6 =	simm.s32 $0xA300;
	s3 =	sadd.s32 $0xE0, s18  }
0x1bf: {  	[tilespmem:s6], [sflag:$0x7] =	stream.linear.gather [hbm4b:s3+s4], $0x80, $0x38;
	[tilespmem:$0x1E800] =	vst v63  }
0x1c0: {  	s22 =	smov.u32 s21;
	s21 =	sadd.s32 $0xE0, s20;
	s26 =	simm.s32 $0xA700  }
0x1c1: {  	[tilespmem:s26], [sflag:$0x7] =	stream.linear.gather [hbm4b:s21+s4], $0x80, $0x38;
	[tilespmem:$0x1E800] =	vst v63  }
0x1c2: {  	_ =	swait.ge [sflag:s16], $0x2800  }
0x1c3: {  	[sflag:s16] =	ssyncset.done $0x0  }
0x1c4: {  	[sflag:s16] =	ssyncadd.s32 $0xFFFFD800  }
0x1c5: {  	_ =	swait.ge [sflag:s11], $0x2800  }
0x1c6: {  	[sflag:s11] =	ssyncset.done $0x0  }
0x1c7: {  	s23 =	simm.s32 $0x7800;
	[sflag:s11] =	ssyncadd.s32 $0xFFFFD800  }
0x1c8: {  	[spmem:s2] =	stream.indirect.scatter.add.f32 [tilespmem:s23], [sflag:$0x6], $0x80, s5, s25, $0xb8;
	[tilespmem:$0x1E800] =	vst v63  }
0x1c9: {  	_ =	swait.ge [sflag:s12], $0x80  }
0x1ca: {  	[sflag:s12] =	ssyncset.done $0x0  }
0x1cb: {  	[sflag:s12] =	ssyncadd.s32 $0xFFFFFF80  }
0x1cc: {  	_ =	swait.ge [sflag:s12], $0x80  }
0x1cd: {  	[sflag:s12] =	ssyncset.done $0x0  }
0x1ce: {  	s3 =	simm.s32 $0x5000;
	[sflag:s12] =	ssyncadd.s32 $0xFFFFFF80  }
0x1cf: {  	[tilespmem:s3], [sflag:$0x3] =	stream.indirect.gather [hbm4b:s1+s25], $0x80, s6, s25, $0xb8;
	[tilespmem:$0x1E800] =	vst v63  }
0x1d0: {  	s5 =	simm.s32 $0xA380;
	s6 =	sadd.s32 $0xF0, s18  }
0x1d1: {  	[tilespmem:s5], [sflag:$0x8] =	stream.linear.gather [hbm4b:s6+s4], $0x80, $0x38;
	[tilespmem:$0x1E800] =	vst v63  }
0x1d2: {  	s23 =	sadd.s32 $0xF0, s20;
	s6 =	simm.s32 $0xA780  }
0x1d3: {  	[tilespmem:s6], [sflag:$0x8] =	stream.linear.gather [hbm4b:s23+s4], $0x80, $0x38;
	[tilespmem:$0x1E800] =	vst v63  }
0x1d4: {  	_ =	swait.ge [sflag:s31], $0x2800  }
0x1d5: {  	[sflag:s31] =	ssyncset.done $0x0  }
0x1d6: {  	[sflag:s31] =	ssyncadd.s32 $0xFFFFD800  }
0x1d7: {  	_ =	swait.ge [sflag:s19], $0x2800  }
0x1d8: {  	[sflag:s19] =	ssyncset.done $0x0  }
0x1d9: {  	[sflag:s19] =	ssyncadd.s32 $0xFFFFD800  }
0x1da: {  	[spmem:s2] =	stream.indirect.scatter.add.f32 [tilespmem:s4], [sflag:$0x5], $0x80, s7, s25, $0xb8;
	[tilespmem:$0x1E800] =	vst v63  }
0x1db: {  	_ =	swait.ge [sflag:s0], $0x80  }
0x1dc: {  	[sflag:s0] =	ssyncset.done $0x0  }
0x1dd: {  	[sflag:s0] =	ssyncadd.s32 $0xFFFFFF80  }
0x1de: {  	_ =	swait.ge [sflag:s0], $0x80  }
0x1df: {  	[sflag:s0] =	ssyncset.done $0x0  }
0x1e0: {  	s3 =	simm.s32 $0x7800;
	[sflag:s0] =	ssyncadd.s32 $0xFFFFFF80  }
0x1e1: {  	[tilespmem:s3], [sflag:$0x4] =	stream.indirect.gather [hbm4b:s1+s25], $0x80, s5, s25, $0xb8;
	[tilespmem:$0x1E800] =	vst v63  }
0x1e2: {  	s7 =	sadd.s32 $0x100, s18  }
0x1e3: {  	[tilespmem:s29], [sflag:$0x7] =	stream.linear.gather [hbm4b:s7+s4], $0x80, $0x38;
	[tilespmem:$0x1E800] =	vst v63  }
0x1e4: {  	s23 =	sadd.s32 $0x100, s20  }
0x1e5: {  	[tilespmem:s30], [sflag:$0x7] =	stream.linear.gather [hbm4b:s23+s4], $0x80, $0x38;
	[tilespmem:$0x1E800] =	vst v63  }
0x1e6: {  	_ =	swait.ge [sflag:s10], $0x2800  }
0x1e7: {  	[sflag:s10] =	ssyncset.done $0x0  }
0x1e8: {  	[sflag:s10] =	ssyncadd.s32 $0xFFFFD800  }
0x1e9: {  	_ =	swait.ge [sflag:s11], $0x2800  }
0x1ea: {  	[sflag:s11] =	ssyncset.done $0x0  }
0x1eb: {  	s28 =	simm.s32 $0x2800;
	[sflag:s11] =	ssyncadd.s32 $0xFFFFD800  }
0x1ec: {  	[spmem:s2] =	stream.indirect.scatter.add.f32 [tilespmem:s28], [sflag:$0x6], $0x80, s24, s25, $0xb8;
	[tilespmem:$0x1E800] =	vst v63  }
0x1ed: {  	_ =	swait.ge [sflag:s12], $0x80  }
0x1ee: {  	[sflag:s12] =	ssyncset.done $0x0  }
0x1ef: {  	[sflag:s12] =	ssyncadd.s32 $0xFFFFFF80  }
0x1f0: {  	_ =	swait.ge [sflag:s12], $0x80  }
0x1f1: {  	[sflag:s12] =	ssyncset.done $0x0  }
0x1f2: {  	[sflag:s12] =	ssyncadd.s32 $0xFFFFFF80  }
0x1f3: {  	[tilespmem:s4], [sflag:$0x1] =	stream.indirect.gather [hbm4b:s1+s25], $0x80, s29, s25, $0xb8;
	[tilespmem:$0x1E800] =	vst v63  }
0x1f4: {  	s24 =	sadd.s32 $0x110, s18  }
0x1f5: {  	[tilespmem:s8], [sflag:$0x8] =	stream.linear.gather [hbm4b:s24+s4], $0x80, $0x38;
	[tilespmem:$0x1E800] =	vst v63  }
0x1f6: {  	s5 =	sadd.s32 $0x110, s20  }
0x1f7: {  	[tilespmem:s14], [sflag:$0x8] =	stream.linear.gather [hbm4b:s5+s4], $0x80, $0x38;
	[tilespmem:$0x1E800] =	vst v63  }
0x1f8: {  	_ =	swait.ge [sflag:s15], $0x2800  }
0x1f9: {  	[sflag:s15] =	ssyncset.done $0x0  }
0x1fa: {  	[sflag:s15] =	ssyncadd.s32 $0xFFFFD800  }
0x1fb: {  	_ =	swait.ge [sflag:s19], $0x2800  }
0x1fc: {  	[sflag:s19] =	ssyncset.done $0x0  }
0x1fd: {  	s28 =	simm.s32 $0x5000;
	[sflag:s19] =	ssyncadd.s32 $0xFFFFD800  }
0x1fe: {  	[spmem:s2] =	stream.indirect.scatter.add.f32 [tilespmem:s28], [sflag:$0x5], $0x80, s26, s25, $0xb8;
	[tilespmem:$0x1E800] =	vst v63  }
0x1ff: {  	_ =	swait.ge [sflag:s0], $0x80  }
0x200: {  	[sflag:s0] =	ssyncset.done $0x0  }
0x201: {  	[sflag:s0] =	ssyncadd.s32 $0xFFFFFF80  }
0x202: {  	_ =	swait.ge [sflag:s0], $0x80  }
0x203: {  	[sflag:s0] =	ssyncset.done $0x0  }
0x204: {  	s26 =	simm.s32 $0x2800;
	[sflag:s0] =	ssyncadd.s32 $0xFFFFFF80  }
0x205: {  	[tilespmem:s26], [sflag:$0x2] =	stream.indirect.gather [hbm4b:s1+s25], $0x80, s8, s25, $0xb8;
	[tilespmem:$0x1E800] =	vst v63  }
0x206: {  	s7 =	sadd.s32 $0x120, s18  }
0x207: {  	[tilespmem:s13], [sflag:$0x7] =	stream.linear.gather [hbm4b:s7+s4], $0x80, $0x38;
	[tilespmem:$0x1E800] =	vst v63  }
0x208: {  	s14 =	sadd.s32 $0x120, s20  }
0x209: {  	[tilespmem:s9], [sflag:$0x7] =	stream.linear.gather [hbm4b:s14+s4], $0x80, $0x38;
	[tilespmem:$0x1E800] =	vst v63  }
0x20a: {  	_ =	swait.ge [sflag:s16], $0x2800  }
0x20b: {  	[sflag:s16] =	ssyncset.done $0x0  }
0x20c: {  	[sflag:s16] =	ssyncadd.s32 $0xFFFFD800  }
0x20d: {  	_ =	swait.ge [sflag:s11], $0x2800  }
0x20e: {  	[sflag:s11] =	ssyncset.done $0x0  }
0x20f: {  	[sflag:s11] =	ssyncadd.s32 $0xFFFFD800  }
0x210: {  	[spmem:s2] =	stream.indirect.scatter.add.f32 [tilespmem:s3], [sflag:$0x6], $0x80, s6, s25, $0xb8;
	[tilespmem:$0x1E800] =	vst v63  }
0x211: {  	_ =	swait.ge [sflag:s12], $0x80  }
0x212: {  	[sflag:s12] =	ssyncset.done $0x0  }
0x213: {  	[sflag:s12] =	ssyncadd.s32 $0xFFFFFF80  }
0x214: {  	_ =	swait.ge [sflag:s12], $0x80  }
0x215: {  	p0 =	sne.s32 s17, $0x680;
	[sflag:s12] =	ssyncset.done $0x0  }
.Ltmp1:
0x216: {  	s17 =	sadd.s32 $0x80, s17;
	[sflag:s12] =	ssyncadd.s32 $0xFFFFFF80;
	(pc) =	sbr.rel @p0 .LBB2_4-.Ltmp1, $4  }
0x217: {  	[tilespmem:s28], [sflag:$0x3] =	stream.indirect.gather [hbm4b:s1+s25], $0x80, s13, s25, $0xb8;
	[tilespmem:$0x1E800] =	vst v63  }
0x218: {  	s21 =	smov.u32 s22;
	s22 =	simm.s32 $0xA180;
	s18 =	sadd.s32 $0x130, s18  }
0x219: {  	[tilespmem:s22], [sflag:$0x8] =	stream.linear.gather [hbm4b:s18+s4], $0x80, $0x38;
	[tilespmem:$0x1E800] =	vst v63  }
0x21a: {  	s23 =	simm.s32 $0xA500;
	s24 =	simm.s32 $0xA480;
	s18 =	sadd.s32 $0x130, s20  }
0x21b: {  	s5 =	simm.s32 $0xA580  }
0x21c: {  	[tilespmem:s5], [sflag:$0x8] =	stream.linear.gather [hbm4b:s18+s4], $0x80, $0x38;
	[tilespmem:$0x1E800] =	vst v63  }
0x21d: {  	_ =	swait.ge [sflag:s31], $0x2800  }
0x21e: {  	[sflag:s31] =	ssyncset.done $0x0  }
0x21f: {  	[sflag:s31] =	ssyncadd.s32 $0xFFFFD800  }
0x220: {  	_ =	swait.ge [sflag:s19], $0x2800  }
0x221: {  	[sflag:s19] =	ssyncset.done $0x0  }
0x222: {  	[sflag:s19] =	ssyncadd.s32 $0xFFFFD800  }
0x223: {  	[spmem:s2] =	stream.indirect.scatter.add.f32 [tilespmem:s4], [sflag:$0x5], $0x80, s30, s25, $0xb8;
	[tilespmem:$0x1E800] =	vst v63  }
0x224: {  	_ =	swait.ge [sflag:s0], $0x80  }
0x225: {  	[sflag:s0] =	ssyncset.done $0x0  }
0x226: {  	[sflag:s0] =	ssyncadd.s32 $0xFFFFFF80  }
0x227: {  	_ =	swait.ge [sflag:s0], $0x80  }
0x228: {  	[sflag:s0] =	ssyncset.done $0x0  }
0x229: {  	[sflag:s0] =	ssyncadd.s32 $0xFFFFFF80  }
0x22a: {  	[tilespmem:s3], [sflag:$0x4] =	stream.indirect.gather [hbm4b:s1+s25], $0x80, s22, s25, $0xb8;
	[tilespmem:$0x1E800] =	vst v63  }
0x22b: {  	s17 =	sadd.s32 $0x7C0, s21;
	s7 =	simm.s32 $0xA200;
	s22 =	rddreg [dreg:$0x5]  }
0x22c: {  	[tilespmem:s7], [sflag:$0x7] =	stream.linear.gather [hbm4b:s17+s4], $0x80, $0x38;
	[tilespmem:$0x1E800] =	vst v63  }
0x22d: {  	s6 =	simm.s32 $0xA600;
	s8 =	sadd.s32 $0x7C0, s22  }
0x22e: {  	[tilespmem:s6], [sflag:$0x7] =	stream.linear.gather [hbm4b:s8+s4], $0x80, $0x38;
	[tilespmem:$0x1E800] =	vst v63  }
0x22f: {  	_ =	swait.ge [sflag:s10], $0x2800  }
0x230: {  	[sflag:s10] =	ssyncset.done $0x0  }
0x231: {  	[sflag:s10] =	ssyncadd.s32 $0xFFFFD800  }
0x232: {  	_ =	swait.ge [sflag:s11], $0x2800  }
0x233: {  	[sflag:s11] =	ssyncset.done $0x0  }
0x234: {  	[sflag:s11] =	ssyncadd.s32 $0xFFFFD800  }
0x235: {  	[spmem:s2] =	stream.indirect.scatter.add.f32 [tilespmem:s26], [sflag:$0x6], $0x80, s24, s25, $0xb8;
	[tilespmem:$0x1E800] =	vst v63  }
0x236: {  	_ =	swait.ge [sflag:s12], $0x80  }
0x237: {  	[sflag:s12] =	ssyncset.done $0x0  }
0x238: {  	[sflag:s12] =	ssyncadd.s32 $0xFFFFFF80  }
0x239: {  	_ =	swait.ge [sflag:s12], $0x80  }
0x23a: {  	[sflag:s12] =	ssyncset.done $0x0  }
0x23b: {  	[sflag:s12] =	ssyncadd.s32 $0xFFFFFF80  }
0x23c: {  	[tilespmem:s4], [sflag:$0x1] =	stream.indirect.gather [hbm4b:s1+s25], $0x80, s7, s25, $0xb8;
	[tilespmem:$0x1E800] =	vst v63  }
0x23d: {  	_ =	swait.ge [sflag:s15], $0x2800  }
0x23e: {  	[sflag:s15] =	ssyncset.done $0x0  }
0x23f: {  	[sflag:s15] =	ssyncadd.s32 $0xFFFFD800  }
0x240: {  	_ =	swait.ge [sflag:s19], $0x2800  }
0x241: {  	[sflag:s19] =	ssyncset.done $0x0  }
0x242: {  	[sflag:s19] =	ssyncadd.s32 $0xFFFFD800  }
0x243: {  	[spmem:s2] =	stream.indirect.scatter.add.f32 [tilespmem:s28], [sflag:$0x5], $0x80, s23, s25, $0xb8;
	[tilespmem:$0x1E800] =	vst v63  }
0x244: {  	_ =	swait.ge [sflag:s16], $0x2800  }
0x245: {  	[sflag:s16] =	ssyncset.done $0x0  }
0x246: {  	[sflag:s16] =	ssyncadd.s32 $0xFFFFD800  }
0x247: {  	_ =	swait.ge [sflag:s11], $0x2800  }
0x248: {  	[sflag:s11] =	ssyncset.done $0x0  }
0x249: {  	[sflag:s11] =	ssyncadd.s32 $0xFFFFD800  }
0x24a: {  	[spmem:s2] =	stream.indirect.scatter.add.f32 [tilespmem:s3], [sflag:$0x6], $0x80, s5, s25, $0xb8;
	[tilespmem:$0x1E800] =	vst v63  }
0x24b: {  	_ =	swait.ge [sflag:s31], $0x2800  }
0x24c: {  	[sflag:s31] =	ssyncset.done $0x0  }
0x24d: {  	[sflag:s31] =	ssyncadd.s32 $0xFFFFD800  }
0x24e: {  	_ =	swait.ge [sflag:s19], $0x2800  }
0x24f: {  	[sflag:s19] =	ssyncset.done $0x0  }
0x250: {  	[sflag:s19] =	ssyncadd.s32 $0xFFFFD800  }
0x251: {  	[spmem:s2] =	stream.indirect.scatter.add.f32 [tilespmem:s4], [sflag:$0x5], $0x80, s6, s25, $0xb8;
	[tilespmem:$0x1E800] =	vst v63  }
0x252: {  	_ =	swait.ge [sflag:s11], $0x2800  }
0x253: {  	[sflag:s11] =	ssyncset.done $0x0  }
0x254: {  	[sflag:s11] =	ssyncadd.s32 $0xFFFFD800  }
0x255: {  	s9 =	stileid.u32;
	[bflag:$0x0] =	sbarrier.arrive $0xFFFF  }
0x256: {  	s14 =	simm.s32 $0x9;
	s17 =	sshll.u32 s9, $0x6;
	s20 =	rddreg [dreg:$0x6]  }
0x257: {  	s17 =	sor.u32 $0x1C09, s17;
	s8 =	rddreg [dreg:$0x10];
	s13 =	sshrl.u32 s20, $0x3  }
0x258: {  	[hbm:s8], [sflag:s17] =	dma.local [spmem:s13], $0x2800  }
0x259: {  	_ =	swait.ge [sflag:s14], $0x2800  }
0x25a: {  	s23 =	rddreg [dreg:$0x11]  }
0x25b: {  	s24 =	rddreg [dreg:$0x7];
	s5 =	sadd.s32 $0x1, s23  }
0x25c: {  	p0 =	sne.s32 s5, s24  }
.Ltmp2:
0x25d: {  	_ = 	snop;
	(pc) =	sbr.rel @p0 .LBB2_1-.Ltmp2, $4  }
0x25e: {  	_ = 	snop  }
0x25f: {  	s29 =	simm.s32 $0xA400;
	s30 =	simm.s32 $0xA080  }
0x260: {  	s9 =	simm.s32 $0xA100;
	s8 =	simm.s32 $0xA480;
	[sflag:s14] =	ssyncset.done $0x0  }
0x261: {  	s13 =	simm.s32 $0xA500;
	[sflag:s14] =	ssyncadd.s32 $0xFFFFD800;
	s23 =	simm.s32 $0xA000  }
0x262: {  	_ =	sfence.sel $0x180000  }
0x263: {  	[bflag:$0x0] =	sbarrier.arrive $0xFFFF  }
0x264: {  	_ =	strace $0x90000047  }
0x265: {  	s0 =	stileid.u32;
	[bflag:$0x2] =	sbarrier.arrive $0xFFFF  }
0x266: {  	p0 =	sne.s32 s0, $0x0;
	s0 =	rddreg [dreg:$0x4]  }
0x267: {  	s0 =	sadd.s32 @!p0 $0x100000, s0  }
0x268: {  	[sflag:s0] =	ssyncadd.tile.s32 @!p0 $0x1;
	_ =	shalt  }
.Lfunc_end2:
_tile_overlayer_lowered:
.L_overlay_start_2:
0x269: {  	(tag) =	ssettag $0x2  }
0x26a: {  	s0 =	rddreg [dreg:$0x0];
	s2 =	stileid.u32  }
0x26b: {  	s1 =	rddreg [dreg:$0x1];
	p0 =	sne.s32 s2, $0x0  }
0x26c: {  	s3 =	rddreg [dreg:$0x2];
	[bflag:$0x3] =	sbarrier.arrive $0xFFFF;
	s2 =	simm.s32 @!p0 $0x1C09  }
0x26d: {  	[timem:s3], [sflag:s2] =	dma.local @!p0 [hbm:s0], s1  }
0x26e: {  	s0 =	simm.s32 @!p0 $0x9  }
0x26f: {  	_ =	swait.ge @!p0 [sflag:s0], s1  }
0x270: {  	s1 =	ssub.s32 @!p0 $0x0, s1;
	[sflag:s0] =	ssyncset.done @!p0 $0x0  }
0x271: {  	[sflag:s0] =	ssyncadd.s32 @!p0 s1  }
0x272: {  	[bflag:$0x3] =	sbarrier.arrive $0xFFFF  }
0x273: {  	_ =	shalt  }

</sc_bundles>
